<compile_context>
chip_gen: v7x
topology: tpu7x:2x2x1
jax: 0.10.2.dev20260603
libtpu: 0.0.44.dev20260713+nightly
codegen_flags: <defaults>
</compile_context>

<pallas_src>
import dataclasses
import functools

import jax
import jax.numpy as jnp
from jax import lax
from jax.experimental import pallas as pl
from jax.experimental.pallas import tpu as pltpu
from jax.experimental.pallas import tpu_sc as plsc

_B, _T, _D = 4096, 50, 128
_N = _B * _T
_NWORKERS = 32
_TPW = _N // _NWORKERS
_W = 128
_NWIN = _TPW // _W

_DOSE_BOUNDS = (0.0, 0.1, 0.5, 1.0, 2.0, 5.0, 10.0, 20.0, 50.0, 100.0,
                200.0, 500.0, 1000.0)


def _build_du_table(dose_table, unit_table):
  nq, nu = dose_table.shape[0], unit_table.shape[0]

  def body(q_ref, u_ref, o_ref):
    o_ref[...] = (q_ref[...][:, None, :]
                  + u_ref[...][None, :, :]).astype(jnp.bfloat16)

  out = pl.pallas_call(
      body,
      out_shape=jax.ShapeDtypeStruct((nq, nu, _D), jnp.bfloat16),
  )(dose_table, unit_table)
  return out.reshape(nq * nu, _D)


def _pack_bf16(table):
  return jax.lax.bitcast_convert_type(
      jnp.stack([table[:, :_D // 2], table[:, _D // 2:]], axis=-1), jnp.int32)


def _composite_embedding(data_i, dose_f, total_i, unit_i,
                         data_table, du_table, total_table):
  mesh = plsc.VectorSubcoreMesh(core_axis_name="core",
                                subcore_axis_name="subcore")

  cparams = pltpu.CompilerParams()
  if "needs_layout_passes" in pltpu.CompilerParams.__dataclass_fields__:
    cparams = dataclasses.replace(cparams, needs_layout_passes=False)
  if "use_tc_tiling_on_sc" in pltpu.CompilerParams.__dataclass_fields__:
    cparams = dataclasses.replace(cparams, use_tc_tiling_on_sc=False)

  @functools.partial(
      pl.kernel,
      out_type=jax.ShapeDtypeStruct((_N, _D), jnp.float32),
      mesh=mesh,
      compiler_params=cparams,
      scratch_types=[
          pltpu.VMEM((_TPW,), jnp.int32),
          pltpu.VMEM((_TPW,), jnp.float32),
          pltpu.VMEM((_TPW,), jnp.int32),
          pltpu.VMEM((_TPW,), jnp.int32),
          pltpu.VMEM((2, _W), jnp.int32),
          pltpu.VMEM((2, _W, _D // 2), jnp.int32),
          pltpu.VMEM((2, _W, _D // 2), jnp.int32),
          pltpu.VMEM((2, _W, _D), jnp.float32),
          pltpu.SemaphoreType.DMA((2,)),
          pltpu.SemaphoreType.DMA((2,)),
      ],
  )
  def k(data_hbm, dose_hbm, total_hbm, unit_hbm,
        dtab_hbm, dutab_hbm, ttab_hbm,
        out_hbm, di, dof, ti, ui, ci, bdu, bt, ob, sem_g, sem_o):
    wid = lax.axis_index("subcore") * 2 + lax.axis_index("core")
    base = wid * _TPW
    cp1 = pltpu.async_copy(data_hbm.at[pl.ds(base, _TPW)], di, sem_o.at[0])
    cp2 = pltpu.async_copy(dose_hbm.at[pl.ds(base, _TPW)], dof, sem_o.at[0])
    cp3 = pltpu.async_copy(total_hbm.at[pl.ds(base, _TPW)], ti, sem_o.at[0])
    cp4 = pltpu.async_copy(unit_hbm.at[pl.ds(base, _TPW)], ui, sem_o.at[0])
    cp1.wait()
    cp2.wait()
    cp3.wait()
    cp4.wait()

    def fire(w, s):
      t0 = w * _W
      pltpu.make_async_copy(
          dtab_hbm.at[di.at[pl.ds(t0, _W)]], ob.at[s], sem_g.at[s]).start()
      pltpu.make_async_copy(
          ttab_hbm.at[ti.at[pl.ds(t0, _W)]], bt.at[s], sem_g.at[s]).start()
      for g in range(_W // 16):
        src = t0 + g * 16
        d = dof[pl.ds(src, 16)]
        acc = jnp.zeros((16,), jnp.int32)
        for bound in _DOSE_BOUNDS:
          acc = acc + jnp.where(d > bound, 1, 0).astype(jnp.int32)
        ci[s, pl.ds(g * 16, 16)] = acc * 64 + ui[pl.ds(src, 16)]
      pltpu.make_async_copy(
          dutab_hbm.at[ci.at[s]], bdu.at[s], sem_g.at[s]).start()

    def wait_gathers(s):
      pltpu.make_async_copy(
          dtab_hbm.at[di.at[pl.ds(0, _W)]], ob.at[s], sem_g.at[s]).wait()
      pltpu.make_async_copy(
          ttab_hbm.at[ti.at[pl.ds(0, _W)]], bt.at[s], sem_g.at[s]).wait()
      pltpu.make_async_copy(
          dutab_hbm.at[ci.at[s]], bdu.at[s], sem_g.at[s]).wait()

    def drain_out(s):
      pltpu.make_async_copy(
          ob.at[s], out_hbm.at[pl.ds(base, _W)], sem_o.at[s]).wait()

    fire(0, 0)

    @pl.loop(0, _NWIN // 2)
    def _(p):
      for s in (0, 1):
        w = 2 * p + s
        nxt = 1 - s

        @pl.when(w + 1 < _NWIN)
        def _():
          @pl.when(w >= 1)
          def _():
            drain_out(nxt)
          fire(w + 1, nxt)

        wait_gathers(s)

        @pl.loop(0, _W)
        def _(r):
          for c in range(0, _D // 2, 16):
            slc = (s, r, pl.ds(c, 16))
            vdu = plsc.bitcast(bdu[slc], jnp.bfloat16)
            vt = plsc.bitcast(bt[slc], jnp.bfloat16)
            lo, hi = plsc.unpack(vdu + vt,
                                 format=plsc.PackFormat.INTERLEAVED)
            ob[slc] = ob[slc] + lo
            hslc = (s, r, pl.ds(_D // 2 + c, 16))
            ob[hslc] = ob[hslc] + hi

        pltpu.make_async_copy(
            ob.at[s], out_hbm.at[pl.ds(base + 2 * p * _W + s * _W, _W)],
            sem_o.at[s]).start()

    drain_out(0)
    drain_out(1)

  return k(data_i, dose_f, total_i, unit_i,
           data_table, du_table, total_table)


def kernel(data, dose, total, unit, data_table, dose_table, total_table,
           unit_table):
  du_table = _build_du_table(dose_table, unit_table)
  out = _composite_embedding(
      data.reshape(_N), dose.reshape(_N), total.reshape(_N), unit.reshape(_N),
      data_table, _pack_bf16(du_table),
      _pack_bf16(total_table.astype(jnp.bfloat16)))
  return out.reshape(_B, _T, _D)

# --- scband reference (transcript-rebuilt; emitter-appended) ---
"""Pipeline reference for scband-composite-embedding-55044300866201 (READ-ONLY COPY).

The authoritative reference and input builder live on the scoring server;
editing this copy changes nothing except your own understanding.
"""

import jax, jax.numpy as jnp
import numpy as np

B, T, D = 4096, 50, 128
DATA_V, DOSE_V, TOTAL_V, UNIT_V = 100000, 14, 512, 64

DOSE_BUCKETS = jnp.array([0.0, 0.1, 0.5, 1.0, 2.0, 5.0, 10.0, 20.0, 50.0, 100.0, 200.0, 500.0, 1000.0], dtype=jnp.float32)


def setup_inputs(seed: int = 0) -> dict:
    key = jax.random.key(seed)
    ks = jax.random.split(key, 8)
    data = jax.random.randint(ks[0], (B, T), 0, DATA_V, dtype=jnp.int32)
    dose = jax.random.uniform(ks[1], (B, T), dtype=jnp.float32) * 1000.0
    total = jax.random.randint(ks[2], (B, T), 0, TOTAL_V, dtype=jnp.int32)
    unit = jax.random.randint(ks[3], (B, T), 0, UNIT_V, dtype=jnp.int32)
    data_table = jax.random.normal(ks[4], (DATA_V, D), dtype=jnp.float32) * 0.02
    dose_table = jax.random.normal(ks[5], (DOSE_V, D), dtype=jnp.float32) * 0.02
    total_table = jax.random.normal(ks[6], (TOTAL_V, D), dtype=jnp.float32) * 0.02
    unit_table = jax.random.normal(ks[7], (UNIT_V, D), dtype=jnp.float32) * 0.02
    return {"data": data, "dose": dose, "total": total, "unit": unit,
            "data_table": data_table, "dose_table": dose_table,
            "total_table": total_table, "unit_table": unit_table}


def discretize_dose(dose):
    # count of buckets strictly below the dose value -> bucket index in [0, 13]
    bucket_idx = (dose[..., None] > DOSE_BUCKETS).sum(-1)
    return bucket_idx.astype(jnp.int32)


def reference(data, dose, total, unit, data_table, dose_table, total_table, unit_table):
    data_emb = jnp.take(data_table, data, axis=0)
    # dose arrives as float32 -> discretize, matching the torch dtype branch
    dose_idx = discretize_dose(dose)
    dose_emb = jnp.take(dose_table, dose_idx, axis=0)
    total_emb = jnp.take(total_table, total, axis=0)
    unit_emb = jnp.take(unit_table, unit, axis=0)
    combined = data_emb + dose_emb + total_emb + unit_emb
    return combined

if __name__ == "__main__":
    import jax
    _d = setup_inputs()
    print(jax.jit(kernel)(*tuple(_d.values())))

</pallas_src>

<mosaic_0001>
#map = affine_map<(d0, d1) -> (0)>
#map1 = affine_map<(d0, d1) -> (0, 0)>
module attributes {stable_mosaic.version = 14 : i64} {
  func.func @k(%arg0: i32, %arg1: i32, %arg2: memref<204800xi32, #tpu.memory_space<hbm>>, %arg3: memref<204800xf32, #tpu.memory_space<hbm>>, %arg4: memref<204800xi32, #tpu.memory_space<hbm>>, %arg5: memref<204800xi32, #tpu.memory_space<hbm>>, %arg6: memref<100000x128xf32, #tpu.memory_space<hbm>>, %arg7: memref<896x64xi32, #tpu.memory_space<hbm>>, %arg8: memref<512x64xi32, #tpu.memory_space<hbm>>, %arg9: memref<204800x128xf32, #tpu.memory_space<hbm>>, %arg10: memref<6400xi32, #tpu.memory_space<vmem>>, %arg11: memref<6400xf32, #tpu.memory_space<vmem>>, %arg12: memref<6400xi32, #tpu.memory_space<vmem>>, %arg13: memref<6400xi32, #tpu.memory_space<vmem>>, %arg14: memref<2x128xi32, #tpu.memory_space<vmem>>, %arg15: memref<2x128x64xi32, #tpu.memory_space<vmem>>, %arg16: memref<2x128x64xi32, #tpu.memory_space<vmem>>, %arg17: memref<2x128x128xf32, #tpu.memory_space<vmem>>, %arg18: memref<2x!tpu.dma_semaphore, #tpu.memory_space<semaphore_mem>>, %arg19: memref<2x!tpu.dma_semaphore, #tpu.memory_space<semaphore_mem>>) attributes {dimension_semantics = [#tpu.dimension_semantics<core_parallel>, #tpu.dimension_semantics<subcore_parallel>], iteration_bounds = array<i64: 2, 16>, scalar_prefetch = 0 : i64, scratch_operands = 10 : i64, tpu.core_type = #tpu.core_type<sc_vector_subcore>, window_params = [{transform_indices = #map}, {transform_indices = #map}, {transform_indices = #map}, {transform_indices = #map}, {transform_indices = #map1}, {transform_indices = #map1}, {transform_indices = #map1}, {transform_indices = #map1}]} {
    %mul3A = arith.constant 2 : i32
    %mul3A_0 = arith.muli %arg1, %mul3A : i32
    %add3A = arith.addi %mul3A_0, %arg0 : i32
    %mul3A_1 = arith.constant 6400 : i32
    %mul3A_2 = arith.muli %add3A, %mul3A_1 : i32
    %dma_start3A = arith.constant 0 : i32
    %dma_start3A_3 = tpu.memref_slice %arg2[%mul3A_2] : memref<204800xi32, #tpu.memory_space<hbm>> -> memref<6400xi32, #tpu.memory_space<hbm>>
    %dma_start3A_4 = tpu.memref_slice %arg19[%dma_start3A] : memref<2x!tpu.dma_semaphore, #tpu.memory_space<semaphore_mem>> -> memref<1x!tpu.dma_semaphore, #tpu.memory_space<semaphore_mem>>
    %dma_start3A_5 = tpu.memref_squeeze %dma_start3A_4 : memref<1x!tpu.dma_semaphore, #tpu.memory_space<semaphore_mem>> -> memref<!tpu.dma_semaphore, #tpu.memory_space<semaphore_mem>>
    %dma_start3A_6 = tpu.memref_slice %arg2[%mul3A_2] : memref<204800xi32, #tpu.memory_space<hbm>> -> memref<6400xi32, #tpu.memory_space<hbm>>
    tpu.enqueue_dma source(%dma_start3A_6 : memref<6400xi32, #tpu.memory_space<hbm>>) target(%arg10 : memref<6400xi32, #tpu.memory_space<vmem>>) target_semaphore(%dma_start3A_5 : memref<!tpu.dma_semaphore, #tpu.memory_space<semaphore_mem>>)
    %dma_start3A_7 = arith.constant 0 : i32
    %dma_start3A_8 = tpu.memref_slice %arg3[%mul3A_2] : memref<204800xf32, #tpu.memory_space<hbm>> -> memref<6400xf32, #tpu.memory_space<hbm>>
    %dma_start3A_9 = tpu.memref_slice %arg19[%dma_start3A_7] : memref<2x!tpu.dma_semaphore, #tpu.memory_space<semaphore_mem>> -> memref<1x!tpu.dma_semaphore, #tpu.memory_space<semaphore_mem>>
    %dma_start3A_10 = tpu.memref_squeeze %dma_start3A_9 : memref<1x!tpu.dma_semaphore, #tpu.memory_space<semaphore_mem>> -> memref<!tpu.dma_semaphore, #tpu.memory_space<semaphore_mem>>
    %dma_start3A_11 = tpu.memref_slice %arg3[%mul3A_2] : memref<204800xf32, #tpu.memory_space<hbm>> -> memref<6400xf32, #tpu.memory_space<hbm>>
    tpu.enqueue_dma source(%dma_start3A_11 : memref<6400xf32, #tpu.memory_space<hbm>>) target(%arg11 : memref<6400xf32, #tpu.memory_space<vmem>>) target_semaphore(%dma_start3A_10 : memref<!tpu.dma_semaphore, #tpu.memory_space<semaphore_mem>>)
    %dma_start3A_12 = arith.constant 0 : i32
    %dma_start3A_13 = tpu.memref_slice %arg4[%mul3A_2] : memref<204800xi32, #tpu.memory_space<hbm>> -> memref<6400xi32, #tpu.memory_space<hbm>>
    %dma_start3A_14 = tpu.memref_slice %arg19[%dma_start3A_12] : memref<2x!tpu.dma_semaphore, #tpu.memory_space<semaphore_mem>> -> memref<1x!tpu.dma_semaphore, #tpu.memory_space<semaphore_mem>>
    %dma_start3A_15 = tpu.memref_squeeze %dma_start3A_14 : memref<1x!tpu.dma_semaphore, #tpu.memory_space<semaphore_mem>> -> memref<!tpu.dma_semaphore, #tpu.memory_space<semaphore_mem>>
    %dma_start3A_16 = tpu.memref_slice %arg4[%mul3A_2] : memref<204800xi32, #tpu.memory_space<hbm>> -> memref<6400xi32, #tpu.memory_space<hbm>>
    tpu.enqueue_dma source(%dma_start3A_16 : memref<6400xi32, #tpu.memory_space<hbm>>) target(%arg12 : memref<6400xi32, #tpu.memory_space<vmem>>) target_semaphore(%dma_start3A_15 : memref<!tpu.dma_semaphore, #tpu.memory_space<semaphore_mem>>)
    %dma_start3A_17 = arith.constant 0 : i32
    %dma_start3A_18 = tpu.memref_slice %arg5[%mul3A_2] : memref<204800xi32, #tpu.memory_space<hbm>> -> memref<6400xi32, #tpu.memory_space<hbm>>
    %dma_start3A_19 = tpu.memref_slice %arg19[%dma_start3A_17] : memref<2x!tpu.dma_semaphore, #tpu.memory_space<semaphore_mem>> -> memref<1x!tpu.dma_semaphore, #tpu.memory_space<semaphore_mem>>
    %dma_start3A_20 = tpu.memref_squeeze %dma_start3A_19 : memref<1x!tpu.dma_semaphore, #tpu.memory_space<semaphore_mem>> -> memref<!tpu.dma_semaphore, #tpu.memory_space<semaphore_mem>>
    %dma_start3A_21 = tpu.memref_slice %arg5[%mul3A_2] : memref<204800xi32, #tpu.memory_space<hbm>> -> memref<6400xi32, #tpu.memory_space<hbm>>
    tpu.enqueue_dma source(%dma_start3A_21 : memref<6400xi32, #tpu.memory_space<hbm>>) target(%arg13 : memref<6400xi32, #tpu.memory_space<vmem>>) target_semaphore(%dma_start3A_20 : memref<!tpu.dma_semaphore, #tpu.memory_space<semaphore_mem>>)
    %dma_wait3A = arith.constant 0 : i32
    %dma_wait3A_22 = tpu.memref_slice %arg2[%mul3A_2] : memref<204800xi32, #tpu.memory_space<hbm>> -> memref<6400xi32, #tpu.memory_space<hbm>>
    %dma_wait3A_23 = tpu.memref_slice %arg19[%dma_wait3A] : memref<2x!tpu.dma_semaphore, #tpu.memory_space<semaphore_mem>> -> memref<1x!tpu.dma_semaphore, #tpu.memory_space<semaphore_mem>>
    %dma_wait3A_24 = tpu.memref_squeeze %dma_wait3A_23 : memref<1x!tpu.dma_semaphore, #tpu.memory_space<semaphore_mem>> -> memref<!tpu.dma_semaphore, #tpu.memory_space<semaphore_mem>>
    %dma_wait3A_25 = tpu.memref_slice %arg2[%mul3A_2] : memref<204800xi32, #tpu.memory_space<hbm>> -> memref<6400xi32, #tpu.memory_space<hbm>>
    tpu.wait_dma2 semaphore(%dma_wait3A_24 : memref<!tpu.dma_semaphore, #tpu.memory_space<semaphore_mem>>) src(%dma_wait3A_25 : memref<6400xi32, #tpu.memory_space<hbm>>) dst(%arg10 : memref<6400xi32, #tpu.memory_space<vmem>>)
    %dma_wait3A_26 = arith.constant 0 : i32
    %dma_wait3A_27 = tpu.memref_slice %arg3[%mul3A_2] : memref<204800xf32, #tpu.memory_space<hbm>> -> memref<6400xf32, #tpu.memory_space<hbm>>
    %dma_wait3A_28 = tpu.memref_slice %arg19[%dma_wait3A_26] : memref<2x!tpu.dma_semaphore, #tpu.memory_space<semaphore_mem>> -> memref<1x!tpu.dma_semaphore, #tpu.memory_space<semaphore_mem>>
    %dma_wait3A_29 = tpu.memref_squeeze %dma_wait3A_28 : memref<1x!tpu.dma_semaphore, #tpu.memory_space<semaphore_mem>> -> memref<!tpu.dma_semaphore, #tpu.memory_space<semaphore_mem>>
    %dma_wait3A_30 = tpu.memref_slice %arg3[%mul3A_2] : memref<204800xf32, #tpu.memory_space<hbm>> -> memref<6400xf32, #tpu.memory_space<hbm>>
    tpu.wait_dma2 semaphore(%dma_wait3A_29 : memref<!tpu.dma_semaphore, #tpu.memory_space<semaphore_mem>>) src(%dma_wait3A_30 : memref<6400xf32, #tpu.memory_space<hbm>>) dst(%arg11 : memref<6400xf32, #tpu.memory_space<vmem>>)
    %dma_wait3A_31 = arith.constant 0 : i32
    %dma_wait3A_32 = tpu.memref_slice %arg4[%mul3A_2] : memref<204800xi32, #tpu.memory_space<hbm>> -> memref<6400xi32, #tpu.memory_space<hbm>>
    %dma_wait3A_33 = tpu.memref_slice %arg19[%dma_wait3A_31] : memref<2x!tpu.dma_semaphore, #tpu.memory_space<semaphore_mem>> -> memref<1x!tpu.dma_semaphore, #tpu.memory_space<semaphore_mem>>
    %dma_wait3A_34 = tpu.memref_squeeze %dma_wait3A_33 : memref<1x!tpu.dma_semaphore, #tpu.memory_space<semaphore_mem>> -> memref<!tpu.dma_semaphore, #tpu.memory_space<semaphore_mem>>
    %dma_wait3A_35 = tpu.memref_slice %arg4[%mul3A_2] : memref<204800xi32, #tpu.memory_space<hbm>> -> memref<6400xi32, #tpu.memory_space<hbm>>
    tpu.wait_dma2 semaphore(%dma_wait3A_34 : memref<!tpu.dma_semaphore, #tpu.memory_space<semaphore_mem>>) src(%dma_wait3A_35 : memref<6400xi32, #tpu.memory_space<hbm>>) dst(%arg12 : memref<6400xi32, #tpu.memory_space<vmem>>)
    %dma_wait3A_36 = arith.constant 0 : i32
    %dma_wait3A_37 = tpu.memref_slice %arg5[%mul3A_2] : memref<204800xi32, #tpu.memory_space<hbm>> -> memref<6400xi32, #tpu.memory_space<hbm>>
    %dma_wait3A_38 = tpu.memref_slice %arg19[%dma_wait3A_36] : memref<2x!tpu.dma_semaphore, #tpu.memory_space<semaphore_mem>> -> memref<1x!tpu.dma_semaphore, #tpu.memory_space<semaphore_mem>>
    %dma_wait3A_39 = tpu.memref_squeeze %dma_wait3A_38 : memref<1x!tpu.dma_semaphore, #tpu.memory_space<semaphore_mem>> -> memref<!tpu.dma_semaphore, #tpu.memory_space<semaphore_mem>>
    %dma_wait3A_40 = tpu.memref_slice %arg5[%mul3A_2] : memref<204800xi32, #tpu.memory_space<hbm>> -> memref<6400xi32, #tpu.memory_space<hbm>>
    tpu.wait_dma2 semaphore(%dma_wait3A_39 : memref<!tpu.dma_semaphore, #tpu.memory_space<semaphore_mem>>) src(%dma_wait3A_40 : memref<6400xi32, #tpu.memory_space<hbm>>) dst(%arg13 : memref<6400xi32, #tpu.memory_space<vmem>>)
    %dma_start3A_41 = arith.constant 0 : i32
    %dma_start3A_42 = arith.constant 0 : i32
    %dma_start3A_43 = arith.constant 0 : i32
    %dma_start3A_44 = arith.constant 0 : i32
    %dma_start3A_45 = tpu.memref_slice %arg17[%dma_start3A_41, %dma_start3A_43, %dma_start3A_44] : memref<2x128x128xf32, #tpu.memory_space<vmem>> -> memref<1x128x128xf32, #tpu.memory_space<vmem>>
    %dma_start3A_46 = tpu.memref_squeeze %dma_start3A_45 : memref<1x128x128xf32, #tpu.memory_space<vmem>> -> memref<128x128xf32, #tpu.memory_space<vmem>>
    %dma_start3A_47 = arith.constant 0 : i32
    %dma_start3A_48 = tpu.memref_slice %arg10[%dma_start3A_47] : memref<6400xi32, #tpu.memory_space<vmem>> -> memref<128xi32, #tpu.memory_space<vmem>>
    %dma_start3A_49 = arith.constant 0 : i32
    %dma_start3A_50 = arith.constant 0 : i32
    %dma_start3A_51 = tpu.memref_slice %arg6[%dma_start3A_49, %dma_start3A_50] : memref<100000x128xf32, #tpu.memory_space<hbm>> -> memref<100000x128xf32, #tpu.memory_space<hbm>>
    %dma_start3A_52 = tpu.memref_slice %arg18[%dma_start3A_42] : memref<2x!tpu.dma_semaphore, #tpu.memory_space<semaphore_mem>> -> memref<1x!tpu.dma_semaphore, #tpu.memory_space<semaphore_mem>>
    %dma_start3A_53 = tpu.memref_squeeze %dma_start3A_52 : memref<1x!tpu.dma_semaphore, #tpu.memory_space<semaphore_mem>> -> memref<!tpu.dma_semaphore, #tpu.memory_space<semaphore_mem>>
    tpu.enqueue_indirect_dma source(%dma_start3A_51 : memref<100000x128xf32, #tpu.memory_space<hbm>>) target(%dma_start3A_46 : memref<128x128xf32, #tpu.memory_space<vmem>>) offsets(%dma_start3A_48 : memref<128xi32, #tpu.memory_space<vmem>>) semaphore(%dma_start3A_53 : memref<!tpu.dma_semaphore, #tpu.memory_space<semaphore_mem>>)
    %dma_start3A_54 = arith.constant 0 : i32
    %dma_start3A_55 = arith.constant 0 : i32
    %dma_start3A_56 = arith.constant 0 : i32
    %dma_start3A_57 = arith.constant 0 : i32
    %dma_start3A_58 = tpu.memref_slice %arg16[%dma_start3A_54, %dma_start3A_56, %dma_start3A_57] : memref<2x128x64xi32, #tpu.memory_space<vmem>> -> memref<1x128x64xi32, #tpu.memory_space<vmem>>
    %dma_start3A_59 = tpu.memref_squeeze %dma_start3A_58 : memref<1x128x64xi32, #tpu.memory_space<vmem>> -> memref<128x64xi32, #tpu.memory_space<vmem>>
    %dma_start3A_60 = arith.constant 0 : i32
    %dma_start3A_61 = tpu.memref_slice %arg12[%dma_start3A_60] : memref<6400xi32, #tpu.memory_space<vmem>> -> memref<128xi32, #tpu.memory_space<vmem>>
    %dma_start3A_62 = arith.constant 0 : i32
    %dma_start3A_63 = arith.constant 0 : i32
    %dma_start3A_64 = tpu.memref_slice %arg8[%dma_start3A_62, %dma_start3A_63] : memref<512x64xi32, #tpu.memory_space<hbm>> -> memref<512x64xi32, #tpu.memory_space<hbm>>
    %dma_start3A_65 = tpu.memref_slice %arg18[%dma_start3A_55] : memref<2x!tpu.dma_semaphore, #tpu.memory_space<semaphore_mem>> -> memref<1x!tpu.dma_semaphore, #tpu.memory_space<semaphore_mem>>
    %dma_start3A_66 = tpu.memref_squeeze %dma_start3A_65 : memref<1x!tpu.dma_semaphore, #tpu.memory_space<semaphore_mem>> -> memref<!tpu.dma_semaphore, #tpu.memory_space<semaphore_mem>>
    tpu.enqueue_indirect_dma source(%dma_start3A_64 : memref<512x64xi32, #tpu.memory_space<hbm>>) target(%dma_start3A_59 : memref<128x64xi32, #tpu.memory_space<vmem>>) offsets(%dma_start3A_61 : memref<128xi32, #tpu.memory_space<vmem>>) semaphore(%dma_start3A_66 : memref<!tpu.dma_semaphore, #tpu.memory_space<semaphore_mem>>)
    %get3A = arith.constant 0 : index
    %get3A_67 = tpu.vector_load %arg11[%get3A] {strides = array<i32>} : memref<6400xf32, #tpu.memory_space<vmem>>, vector<16xf32>,
    %broadcast_in_dim3A = arith.constant 0 : i32
    %broadcast_in_dim3A_68 = vector.broadcast %broadcast_in_dim3A : i32 to vector<16xi32>
    %gt3A = arith.constant 0.000000e+00 : f32
    %gt3A_69 = vector.broadcast %gt3A : f32 to vector<16xf32>
    %gt3A_70 = arith.cmpf ogt, %get3A_67, %gt3A_69 : vector<16xf32>
    %jit3A = arith.constant 1 : i32
    %jit3A_71 = arith.constant 0 : i32
    %broadcast_in_dim3A_72 = vector.broadcast %jit3A : i32 to vector<16xi32>
    %broadcast_in_dim3A_73 = vector.broadcast %jit3A_71 : i32 to vector<16xi32>
    %select_n3A = arith.select %gt3A_70, %broadcast_in_dim3A_72, %broadcast_in_dim3A_73 : vector<16xi1>, vector<16xi32>
    %add3A_74 = arith.addi %broadcast_in_dim3A_68, %select_n3A : vector<16xi32>
    %gt3A_75 = arith.constant 1.000000e-01 : f32
    %gt3A_76 = vector.broadcast %gt3A_75 : f32 to vector<16xf32>
    %gt3A_77 = arith.cmpf ogt, %get3A_67, %gt3A_76 : vector<16xf32>
    %jit3A_78 = arith.constant 1 : i32
    %jit3A_79 = arith.constant 0 : i32
    %broadcast_in_dim3A_80 = vector.broadcast %jit3A_78 : i32 to vector<16xi32>
    %broadcast_in_dim3A_81 = vector.broadcast %jit3A_79 : i32 to vector<16xi32>
    %select_n3A_82 = arith.select %gt3A_77, %broadcast_in_dim3A_80, %broadcast_in_dim3A_81 : vector<16xi1>, vector<16xi32>
    %add3A_83 = arith.addi %add3A_74, %select_n3A_82 : vector<16xi32>
    %gt3A_84 = arith.constant 5.000000e-01 : f32
    %gt3A_85 = vector.broadcast %gt3A_84 : f32 to vector<16xf32>
    %gt3A_86 = arith.cmpf ogt, %get3A_67, %gt3A_85 : vector<16xf32>
    %jit3A_87 = arith.constant 1 : i32
    %jit3A_88 = arith.constant 0 : i32
    %broadcast_in_dim3A_89 = vector.broadcast %jit3A_87 : i32 to vector<16xi32>
    %broadcast_in_dim3A_90 = vector.broadcast %jit3A_88 : i32 to vector<16xi32>
    %select_n3A_91 = arith.select %gt3A_86, %broadcast_in_dim3A_89, %broadcast_in_dim3A_90 : vector<16xi1>, vector<16xi32>
    %add3A_92 = arith.addi %add3A_83, %select_n3A_91 : vector<16xi32>
    %gt3A_93 = arith.constant 1.000000e+00 : f32
    %gt3A_94 = vector.broadcast %gt3A_93 : f32 to vector<16xf32>
    %gt3A_95 = arith.cmpf ogt, %get3A_67, %gt3A_94 : vector<16xf32>
    %jit3A_96 = arith.constant 1 : i32
    %jit3A_97 = arith.constant 0 : i32
    %broadcast_in_dim3A_98 = vector.broadcast %jit3A_96 : i32 to vector<16xi32>
    %broadcast_in_dim3A_99 = vector.broadcast %jit3A_97 : i32 to vector<16xi32>
    %select_n3A_100 = arith.select %gt3A_95, %broadcast_in_dim3A_98, %broadcast_in_dim3A_99 : vector<16xi1>, vector<16xi32>
    %add3A_101 = arith.addi %add3A_92, %select_n3A_100 : vector<16xi32>
    %gt3A_102 = arith.constant 2.000000e+00 : f32
    %gt3A_103 = vector.broadcast %gt3A_102 : f32 to vector<16xf32>
    %gt3A_104 = arith.cmpf ogt, %get3A_67, %gt3A_103 : vector<16xf32>
    %jit3A_105 = arith.constant 1 : i32
    %jit3A_106 = arith.constant 0 : i32
    %broadcast_in_dim3A_107 = vector.broadcast %jit3A_105 : i32 to vector<16xi32>
    %broadcast_in_dim3A_108 = vector.broadcast %jit3A_106 : i32 to vector<16xi32>
    %select_n3A_109 = arith.select %gt3A_104, %broadcast_in_dim3A_107, %broadcast_in_dim3A_108 : vector<16xi1>, vector<16xi32>
    %add3A_110 = arith.addi %add3A_101, %select_n3A_109 : vector<16xi32>
    %gt3A_111 = arith.constant 5.000000e+00 : f32
    %gt3A_112 = vector.broadcast %gt3A_111 : f32 to vector<16xf32>
    %gt3A_113 = arith.cmpf ogt, %get3A_67, %gt3A_112 : vector<16xf32>
    %jit3A_114 = arith.constant 1 : i32
    %jit3A_115 = arith.constant 0 : i32
    %broadcast_in_dim3A_116 = vector.broadcast %jit3A_114 : i32 to vector<16xi32>
    %broadcast_in_dim3A_117 = vector.broadcast %jit3A_115 : i32 to vector<16xi32>
    %select_n3A_118 = arith.select %gt3A_113, %broadcast_in_dim3A_116, %broadcast_in_dim3A_117 : vector<16xi1>, vector<16xi32>
    %add3A_119 = arith.addi %add3A_110, %select_n3A_118 : vector<16xi32>
    %gt3A_120 = arith.constant 1.000000e+01 : f32
    %gt3A_121 = vector.broadcast %gt3A_120 : f32 to vector<16xf32>
    %gt3A_122 = arith.cmpf ogt, %get3A_67, %gt3A_121 : vector<16xf32>
    %jit3A_123 = arith.constant 1 : i32
    %jit3A_124 = arith.constant 0 : i32
    %broadcast_in_dim3A_125 = vector.broadcast %jit3A_123 : i32 to vector<16xi32>
    %broadcast_in_dim3A_126 = vector.broadcast %jit3A_124 : i32 to vector<16xi32>
    %select_n3A_127 = arith.select %gt3A_122, %broadcast_in_dim3A_125, %broadcast_in_dim3A_126 : vector<16xi1>, vector<16xi32>
    %add3A_128 = arith.addi %add3A_119, %select_n3A_127 : vector<16xi32>
    %gt3A_129 = arith.constant 2.000000e+01 : f32
    %gt3A_130 = vector.broadcast %gt3A_129 : f32 to vector<16xf32>
    %gt3A_131 = arith.cmpf ogt, %get3A_67, %gt3A_130 : vector<16xf32>
    %jit3A_132 = arith.constant 1 : i32
    %jit3A_133 = arith.constant 0 : i32
    %broadcast_in_dim3A_134 = vector.broadcast %jit3A_132 : i32 to vector<16xi32>
    %broadcast_in_dim3A_135 = vector.broadcast %jit3A_133 : i32 to vector<16xi32>
    %select_n3A_136 = arith.select %gt3A_131, %broadcast_in_dim3A_134, %broadcast_in_dim3A_135 : vector<16xi1>, vector<16xi32>
    %add3A_137 = arith.addi %add3A_128, %select_n3A_136 : vector<16xi32>
    %gt3A_138 = arith.constant 5.000000e+01 : f32
    %gt3A_139 = vector.broadcast %gt3A_138 : f32 to vector<16xf32>
    %gt3A_140 = arith.cmpf ogt, %get3A_67, %gt3A_139 : vector<16xf32>
    %jit3A_141 = arith.constant 1 : i32
    %jit3A_142 = arith.constant 0 : i32
    %broadcast_in_dim3A_143 = vector.broadcast %jit3A_141 : i32 to vector<16xi32>
    %broadcast_in_dim3A_144 = vector.broadcast %jit3A_142 : i32 to vector<16xi32>
    %select_n3A_145 = arith.select %gt3A_140, %broadcast_in_dim3A_143, %broadcast_in_dim3A_144 : vector<16xi1>, vector<16xi32>
    %add3A_146 = arith.addi %add3A_137, %select_n3A_145 : vector<16xi32>
    %gt3A_147 = arith.constant 1.000000e+02 : f32
    %gt3A_148 = vector.broadcast %gt3A_147 : f32 to vector<16xf32>
    %gt3A_149 = arith.cmpf ogt, %get3A_67, %gt3A_148 : vector<16xf32>
    %jit3A_150 = arith.constant 1 : i32
    %jit3A_151 = arith.constant 0 : i32
    %broadcast_in_dim3A_152 = vector.broadcast %jit3A_150 : i32 to vector<16xi32>
    %broadcast_in_dim3A_153 = vector.broadcast %jit3A_151 : i32 to vector<16xi32>
    %select_n3A_154 = arith.select %gt3A_149, %broadcast_in_dim3A_152, %broadcast_in_dim3A_153 : vector<16xi1>, vector<16xi32>
    %add3A_155 = arith.addi %add3A_146, %select_n3A_154 : vector<16xi32>
    %gt3A_156 = arith.constant 2.000000e+02 : f32
    %gt3A_157 = vector.broadcast %gt3A_156 : f32 to vector<16xf32>
    %gt3A_158 = arith.cmpf ogt, %get3A_67, %gt3A_157 : vector<16xf32>
    %jit3A_159 = arith.constant 1 : i32
    %jit3A_160 = arith.constant 0 : i32
    %broadcast_in_dim3A_161 = vector.broadcast %jit3A_159 : i32 to vector<16xi32>
    %broadcast_in_dim3A_162 = vector.broadcast %jit3A_160 : i32 to vector<16xi32>
    %select_n3A_163 = arith.select %gt3A_158, %broadcast_in_dim3A_161, %broadcast_in_dim3A_162 : vector<16xi1>, vector<16xi32>
    %add3A_164 = arith.addi %add3A_155, %select_n3A_163 : vector<16xi32>
    %gt3A_165 = arith.constant 5.000000e+02 : f32
    %gt3A_166 = vector.broadcast %gt3A_165 : f32 to vector<16xf32>
    %gt3A_167 = arith.cmpf ogt, %get3A_67, %gt3A_166 : vector<16xf32>
    %jit3A_168 = arith.constant 1 : i32
    %jit3A_169 = arith.constant 0 : i32
    %broadcast_in_dim3A_170 = vector.broadcast %jit3A_168 : i32 to vector<16xi32>
    %broadcast_in_dim3A_171 = vector.broadcast %jit3A_169 : i32 to vector<16xi32>
    %select_n3A_172 = arith.select %gt3A_167, %broadcast_in_dim3A_170, %broadcast_in_dim3A_171 : vector<16xi1>, vector<16xi32>
    %add3A_173 = arith.addi %add3A_164, %select_n3A_172 : vector<16xi32>
    %gt3A_174 = arith.constant 1.000000e+03 : f32
    %gt3A_175 = vector.broadcast %gt3A_174 : f32 to vector<16xf32>
    %gt3A_176 = arith.cmpf ogt, %get3A_67, %gt3A_175 : vector<16xf32>
    %jit3A_177 = arith.constant 1 : i32
    %jit3A_178 = arith.constant 0 : i32
    %broadcast_in_dim3A_179 = vector.broadcast %jit3A_177 : i32 to vector<16xi32>
    %broadcast_in_dim3A_180 = vector.broadcast %jit3A_178 : i32 to vector<16xi32>
    %select_n3A_181 = arith.select %gt3A_176, %broadcast_in_dim3A_179, %broadcast_in_dim3A_180 : vector<16xi1>, vector<16xi32>
    %add3A_182 = arith.addi %add3A_173, %select_n3A_181 : vector<16xi32>
    %mul3A_183 = arith.constant 64 : i32
    %mul3A_184 = vector.broadcast %mul3A_183 : i32 to vector<16xi32>
    %mul3A_185 = arith.muli %add3A_182, %mul3A_184 : vector<16xi32>
    %get3A_186 = arith.constant 0 : index
    %get3A_187 = tpu.vector_load %arg13[%get3A_186] {strides = array<i32>} : memref<6400xi32, #tpu.memory_space<vmem>>, vector<16xi32>,
    %add3A_188 = arith.addi %mul3A_185, %get3A_187 : vector<16xi32>
    %swap3A = arith.constant 0 : i32
    %swap3A_189 = arith.index_cast %swap3A : i32 to index
    %swap3A_190 = arith.constant 0 : index
    %swap3A_191 = tpu.vector_load %arg14[%swap3A_189, %swap3A_190] {strides = array<i32>} : memref<2x128xi32, #tpu.memory_space<vmem>>, vector<16xi32>,
    tpu.vector_store %arg14[%swap3A_189, %swap3A_190], %add3A_188 {strides = array<i32>} : memref<2x128xi32, #tpu.memory_space<vmem>>, vector<16xi32>,
    %get3A_192 = arith.constant 16 : index
    %get3A_193 = tpu.vector_load %arg11[%get3A_192] {strides = array<i32>} : memref<6400xf32, #tpu.memory_space<vmem>>, vector<16xf32>,
    %broadcast_in_dim3A_194 = arith.constant 0 : i32
    %broadcast_in_dim3A_195 = vector.broadcast %broadcast_in_dim3A_194 : i32 to vector<16xi32>
    %gt3A_196 = arith.constant 0.000000e+00 : f32
    %gt3A_197 = vector.broadcast %gt3A_196 : f32 to vector<16xf32>
    %gt3A_198 = arith.cmpf ogt, %get3A_193, %gt3A_197 : vector<16xf32>
    %jit3A_199 = arith.constant 1 : i32
    %jit3A_200 = arith.constant 0 : i32
    %broadcast_in_dim3A_201 = vector.broadcast %jit3A_199 : i32 to vector<16xi32>
    %broadcast_in_dim3A_202 = vector.broadcast %jit3A_200 : i32 to vector<16xi32>
    %select_n3A_203 = arith.select %gt3A_198, %broadcast_in_dim3A_201, %broadcast_in_dim3A_202 : vector<16xi1>, vector<16xi32>
    %add3A_204 = arith.addi %broadcast_in_dim3A_195, %select_n3A_203 : vector<16xi32>
    %gt3A_205 = arith.constant 1.000000e-01 : f32
    %gt3A_206 = vector.broadcast %gt3A_205 : f32 to vector<16xf32>
    %gt3A_207 = arith.cmpf ogt, %get3A_193, %gt3A_206 : vector<16xf32>
    %jit3A_208 = arith.constant 1 : i32
    %jit3A_209 = arith.constant 0 : i32
    %broadcast_in_dim3A_210 = vector.broadcast %jit3A_208 : i32 to vector<16xi32>
    %broadcast_in_dim3A_211 = vector.broadcast %jit3A_209 : i32 to vector<16xi32>
    %select_n3A_212 = arith.select %gt3A_207, %broadcast_in_dim3A_210, %broadcast_in_dim3A_211 : vector<16xi1>, vector<16xi32>
    %add3A_213 = arith.addi %add3A_204, %select_n3A_212 : vector<16xi32>
    %gt3A_214 = arith.constant 5.000000e-01 : f32
    %gt3A_215 = vector.broadcast %gt3A_214 : f32 to vector<16xf32>
    %gt3A_216 = arith.cmpf ogt, %get3A_193, %gt3A_215 : vector<16xf32>
    %jit3A_217 = arith.constant 1 : i32
    %jit3A_218 = arith.constant 0 : i32
    %broadcast_in_dim3A_219 = vector.broadcast %jit3A_217 : i32 to vector<16xi32>
    %broadcast_in_dim3A_220 = vector.broadcast %jit3A_218 : i32 to vector<16xi32>
    %select_n3A_221 = arith.select %gt3A_216, %broadcast_in_dim3A_219, %broadcast_in_dim3A_220 : vector<16xi1>, vector<16xi32>
    %add3A_222 = arith.addi %add3A_213, %select_n3A_221 : vector<16xi32>
    %gt3A_223 = arith.constant 1.000000e+00 : f32
    %gt3A_224 = vector.broadcast %gt3A_223 : f32 to vector<16xf32>
    %gt3A_225 = arith.cmpf ogt, %get3A_193, %gt3A_224 : vector<16xf32>
    %jit3A_226 = arith.constant 1 : i32
    %jit3A_227 = arith.constant 0 : i32
    %broadcast_in_dim3A_228 = vector.broadcast %jit3A_226 : i32 to vector<16xi32>
    %broadcast_in_dim3A_229 = vector.broadcast %jit3A_227 : i32 to vector<16xi32>
    %select_n3A_230 = arith.select %gt3A_225, %broadcast_in_dim3A_228, %broadcast_in_dim3A_229 : vector<16xi1>, vector<16xi32>
    %add3A_231 = arith.addi %add3A_222, %select_n3A_230 : vector<16xi32>
    %gt3A_232 = arith.constant 2.000000e+00 : f32
    %gt3A_233 = vector.broadcast %gt3A_232 : f32 to vector<16xf32>
    %gt3A_234 = arith.cmpf ogt, %get3A_193, %gt3A_233 : vector<16xf32>
    %jit3A_235 = arith.constant 1 : i32
    %jit3A_236 = arith.constant 0 : i32
    %broadcast_in_dim3A_237 = vector.broadcast %jit3A_235 : i32 to vector<16xi32>
    %broadcast_in_dim3A_238 = vector.broadcast %jit3A_236 : i32 to vector<16xi32>
    %select_n3A_239 = arith.select %gt3A_234, %broadcast_in_dim3A_237, %broadcast_in_dim3A_238 : vector<16xi1>, vector<16xi32>
    %add3A_240 = arith.addi %add3A_231, %select_n3A_239 : vector<16xi32>
    %gt3A_241 = arith.constant 5.000000e+00 : f32
    %gt3A_242 = vector.broadcast %gt3A_241 : f32 to vector<16xf32>
    %gt3A_243 = arith.cmpf ogt, %get3A_193, %gt3A_242 : vector<16xf32>
    %jit3A_244 = arith.constant 1 : i32
    %jit3A_245 = arith.constant 0 : i32
    %broadcast_in_dim3A_246 = vector.broadcast %jit3A_244 : i32 to vector<16xi32>
    %broadcast_in_dim3A_247 = vector.broadcast %jit3A_245 : i32 to vector<16xi32>
    %select_n3A_248 = arith.select %gt3A_243, %broadcast_in_dim3A_246, %broadcast_in_dim3A_247 : vector<16xi1>, vector<16xi32>
    %add3A_249 = arith.addi %add3A_240, %select_n3A_248 : vector<16xi32>
    %gt3A_250 = arith.constant 1.000000e+01 : f32
    %gt3A_251 = vector.broadcast %gt3A_250 : f32 to vector<16xf32>
    %gt3A_252 = arith.cmpf ogt, %get3A_193, %gt3A_251 : vector<16xf32>
    %jit3A_253 = arith.constant 1 : i32
    %jit3A_254 = arith.constant 0 : i32
    %broadcast_in_dim3A_255 = vector.broadcast %jit3A_253 : i32 to vector<16xi32>
    %broadcast_in_dim3A_256 = vector.broadcast %jit3A_254 : i32 to vector<16xi32>
    %select_n3A_257 = arith.select %gt3A_252, %broadcast_in_dim3A_255, %broadcast_in_dim3A_256 : vector<16xi1>, vector<16xi32>
    %add3A_258 = arith.addi %add3A_249, %select_n3A_257 : vector<16xi32>
    %gt3A_259 = arith.constant 2.000000e+01 : f32
    %gt3A_260 = vector.broadcast %gt3A_259 : f32 to vector<16xf32>
    %gt3A_261 = arith.cmpf ogt, %get3A_193, %gt3A_260 : vector<16xf32>
    %jit3A_262 = arith.constant 1 : i32
    %jit3A_263 = arith.constant 0 : i32
    %broadcast_in_dim3A_264 = vector.broadcast %jit3A_262 : i32 to vector<16xi32>
    %broadcast_in_dim3A_265 = vector.broadcast %jit3A_263 : i32 to vector<16xi32>
    %select_n3A_266 = arith.select %gt3A_261, %broadcast_in_dim3A_264, %broadcast_in_dim3A_265 : vector<16xi1>, vector<16xi32>
    %add3A_267 = arith.addi %add3A_258, %select_n3A_266 : vector<16xi32>
    %gt3A_268 = arith.constant 5.000000e+01 : f32
    %gt3A_269 = vector.broadcast %gt3A_268 : f32 to vector<16xf32>
    %gt3A_270 = arith.cmpf ogt, %get3A_193, %gt3A_269 : vector<16xf32>
    %jit3A_271 = arith.constant 1 : i32
    %jit3A_272 = arith.constant 0 : i32
    %broadcast_in_dim3A_273 = vector.broadcast %jit3A_271 : i32 to vector<16xi32>
    %broadcast_in_dim3A_274 = vector.broadcast %jit3A_272 : i32 to vector<16xi32>
    %select_n3A_275 = arith.select %gt3A_270, %broadcast_in_dim3A_273, %broadcast_in_dim3A_274 : vector<16xi1>, vector<16xi32>
    %add3A_276 = arith.addi %add3A_267, %select_n3A_275 : vector<16xi32>
    %gt3A_277 = arith.constant 1.000000e+02 : f32
    %gt3A_278 = vector.broadcast %gt3A_277 : f32 to vector<16xf32>
    %gt3A_279 = arith.cmpf ogt, %get3A_193, %gt3A_278 : vector<16xf32>
    %jit3A_280 = arith.constant 1 : i32
    %jit3A_281 = arith.constant 0 : i32
    %broadcast_in_dim3A_282 = vector.broadcast %jit3A_280 : i32 to vector<16xi32>
    %broadcast_in_dim3A_283 = vector.broadcast %jit3A_281 : i32 to vector<16xi32>
    %select_n3A_284 = arith.select %gt3A_279, %broadcast_in_dim3A_282, %broadcast_in_dim3A_283 : vector<16xi1>, vector<16xi32>
    %add3A_285 = arith.addi %add3A_276, %select_n3A_284 : vector<16xi32>
    %gt3A_286 = arith.constant 2.000000e+02 : f32
    %gt3A_287 = vector.broadcast %gt3A_286 : f32 to vector<16xf32>
    %gt3A_288 = arith.cmpf ogt, %get3A_193, %gt3A_287 : vector<16xf32>
    %jit3A_289 = arith.constant 1 : i32
    %jit3A_290 = arith.constant 0 : i32
    %broadcast_in_dim3A_291 = vector.broadcast %jit3A_289 : i32 to vector<16xi32>
    %broadcast_in_dim3A_292 = vector.broadcast %jit3A_290 : i32 to vector<16xi32>
    %select_n3A_293 = arith.select %gt3A_288, %broadcast_in_dim3A_291, %broadcast_in_dim3A_292 : vector<16xi1>, vector<16xi32>
    %add3A_294 = arith.addi %add3A_285, %select_n3A_293 : vector<16xi32>
    %gt3A_295 = arith.constant 5.000000e+02 : f32
    %gt3A_296 = vector.broadcast %gt3A_295 : f32 to vector<16xf32>
    %gt3A_297 = arith.cmpf ogt, %get3A_193, %gt3A_296 : vector<16xf32>
    %jit3A_298 = arith.constant 1 : i32
    %jit3A_299 = arith.constant 0 : i32
    %broadcast_in_dim3A_300 = vector.broadcast %jit3A_298 : i32 to vector<16xi32>
    %broadcast_in_dim3A_301 = vector.broadcast %jit3A_299 : i32 to vector<16xi32>
    %select_n3A_302 = arith.select %gt3A_297, %broadcast_in_dim3A_300, %broadcast_in_dim3A_301 : vector<16xi1>, vector<16xi32>
    %add3A_303 = arith.addi %add3A_294, %select_n3A_302 : vector<16xi32>
    %gt3A_304 = arith.constant 1.000000e+03 : f32
    %gt3A_305 = vector.broadcast %gt3A_304 : f32 to vector<16xf32>
    %gt3A_306 = arith.cmpf ogt, %get3A_193, %gt3A_305 : vector<16xf32>
    %jit3A_307 = arith.constant 1 : i32
    %jit3A_308 = arith.constant 0 : i32
    %broadcast_in_dim3A_309 = vector.broadcast %jit3A_307 : i32 to vector<16xi32>
    %broadcast_in_dim3A_310 = vector.broadcast %jit3A_308 : i32 to vector<16xi32>
    %select_n3A_311 = arith.select %gt3A_306, %broadcast_in_dim3A_309, %broadcast_in_dim3A_310 : vector<16xi1>, vector<16xi32>
    %add3A_312 = arith.addi %add3A_303, %select_n3A_311 : vector<16xi32>
    %mul3A_313 = arith.constant 64 : i32
    %mul3A_314 = vector.broadcast %mul3A_313 : i32 to vector<16xi32>
    %mul3A_315 = arith.muli %add3A_312, %mul3A_314 : vector<16xi32>
    %get3A_316 = arith.constant 16 : index
    %get3A_317 = tpu.vector_load %arg13[%get3A_316] {strides = array<i32>} : memref<6400xi32, #tpu.memory_space<vmem>>, vector<16xi32>,
    %add3A_318 = arith.addi %mul3A_315, %get3A_317 : vector<16xi32>
    %swap3A_319 = arith.constant 0 : i32
    %swap3A_320 = arith.index_cast %swap3A_319 : i32 to index
    %swap3A_321 = arith.constant 16 : index
    %swap3A_322 = tpu.vector_load %arg14[%swap3A_320, %swap3A_321] {strides = array<i32>} : memref<2x128xi32, #tpu.memory_space<vmem>>, vector<16xi32>,
    tpu.vector_store %arg14[%swap3A_320, %swap3A_321], %add3A_318 {strides = array<i32>} : memref<2x128xi32, #tpu.memory_space<vmem>>, vector<16xi32>,
    %get3A_323 = arith.constant 32 : index
    %get3A_324 = tpu.vector_load %arg11[%get3A_323] {strides = array<i32>} : memref<6400xf32, #tpu.memory_space<vmem>>, vector<16xf32>,
    %broadcast_in_dim3A_325 = arith.constant 0 : i32
    %broadcast_in_dim3A_326 = vector.broadcast %broadcast_in_dim3A_325 : i32 to vector<16xi32>
    %gt3A_327 = arith.constant 0.000000e+00 : f32
    %gt3A_328 = vector.broadcast %gt3A_327 : f32 to vector<16xf32>
    %gt3A_329 = arith.cmpf ogt, %get3A_324, %gt3A_328 : vector<16xf32>
    %jit3A_330 = arith.constant 1 : i32
    %jit3A_331 = arith.constant 0 : i32
    %broadcast_in_dim3A_332 = vector.broadcast %jit3A_330 : i32 to vector<16xi32>
    %broadcast_in_dim3A_333 = vector.broadcast %jit3A_331 : i32 to vector<16xi32>
    %select_n3A_334 = arith.select %gt3A_329, %broadcast_in_dim3A_332, %broadcast_in_dim3A_333 : vector<16xi1>, vector<16xi32>
    %add3A_335 = arith.addi %broadcast_in_dim3A_326, %select_n3A_334 : vector<16xi32>
    %gt3A_336 = arith.constant 1.000000e-01 : f32
    %gt3A_337 = vector.broadcast %gt3A_336 : f32 to vector<16xf32>
    %gt3A_338 = arith.cmpf ogt, %get3A_324, %gt3A_337 : vector<16xf32>
    %jit3A_339 = arith.constant 1 : i32
    %jit3A_340 = arith.constant 0 : i32
    %broadcast_in_dim3A_341 = vector.broadcast %jit3A_339 : i32 to vector<16xi32>
    %broadcast_in_dim3A_342 = vector.broadcast %jit3A_340 : i32 to vector<16xi32>
    %select_n3A_343 = arith.select %gt3A_338, %broadcast_in_dim3A_341, %broadcast_in_dim3A_342 : vector<16xi1>, vector<16xi32>
    %add3A_344 = arith.addi %add3A_335, %select_n3A_343 : vector<16xi32>
    %gt3A_345 = arith.constant 5.000000e-01 : f32
    %gt3A_346 = vector.broadcast %gt3A_345 : f32 to vector<16xf32>
    %gt3A_347 = arith.cmpf ogt, %get3A_324, %gt3A_346 : vector<16xf32>
    %jit3A_348 = arith.constant 1 : i32
    %jit3A_349 = arith.constant 0 : i32
    %broadcast_in_dim3A_350 = vector.broadcast %jit3A_348 : i32 to vector<16xi32>
    %broadcast_in_dim3A_351 = vector.broadcast %jit3A_349 : i32 to vector<16xi32>
    %select_n3A_352 = arith.select %gt3A_347, %broadcast_in_dim3A_350, %broadcast_in_dim3A_351 : vector<16xi1>, vector<16xi32>
    %add3A_353 = arith.addi %add3A_344, %select_n3A_352 : vector<16xi32>
    %gt3A_354 = arith.constant 1.000000e+00 : f32
    %gt3A_355 = vector.broadcast %gt3A_354 : f32 to vector<16xf32>
    %gt3A_356 = arith.cmpf ogt, %get3A_324, %gt3A_355 : vector<16xf32>
    %jit3A_357 = arith.constant 1 : i32
    %jit3A_358 = arith.constant 0 : i32
    %broadcast_in_dim3A_359 = vector.broadcast %jit3A_357 : i32 to vector<16xi32>
    %broadcast_in_dim3A_360 = vector.broadcast %jit3A_358 : i32 to vector<16xi32>
    %select_n3A_361 = arith.select %gt3A_356, %broadcast_in_dim3A_359, %broadcast_in_dim3A_360 : vector<16xi1>, vector<16xi32>
    %add3A_362 = arith.addi %add3A_353, %select_n3A_361 : vector<16xi32>
    %gt3A_363 = arith.constant 2.000000e+00 : f32
    %gt3A_364 = vector.broadcast %gt3A_363 : f32 to vector<16xf32>
    %gt3A_365 = arith.cmpf ogt, %get3A_324, %gt3A_364 : vector<16xf32>
    %jit3A_366 = arith.constant 1 : i32
    %jit3A_367 = arith.constant 0 : i32
    %broadcast_in_dim3A_368 = vector.broadcast %jit3A_366 : i32 to vector<16xi32>
    %broadcast_in_dim3A_369 = vector.broadcast %jit3A_367 : i32 to vector<16xi32>
    %select_n3A_370 = arith.select %gt3A_365, %broadcast_in_dim3A_368, %broadcast_in_dim3A_369 : vector<16xi1>, vector<16xi32>
    %add3A_371 = arith.addi %add3A_362, %select_n3A_370 : vector<16xi32>
    %gt3A_372 = arith.constant 5.000000e+00 : f32
    %gt3A_373 = vector.broadcast %gt3A_372 : f32 to vector<16xf32>
    %gt3A_374 = arith.cmpf ogt, %get3A_324, %gt3A_373 : vector<16xf32>
    %jit3A_375 = arith.constant 1 : i32
    %jit3A_376 = arith.constant 0 : i32
    %broadcast_in_dim3A_377 = vector.broadcast %jit3A_375 : i32 to vector<16xi32>
    %broadcast_in_dim3A_378 = vector.broadcast %jit3A_376 : i32 to vector<16xi32>
    %select_n3A_379 = arith.select %gt3A_374, %broadcast_in_dim3A_377, %broadcast_in_dim3A_378 : vector<16xi1>, vector<16xi32>
    %add3A_380 = arith.addi %add3A_371, %select_n3A_379 : vector<16xi32>
    %gt3A_381 = arith.constant 1.000000e+01 : f32
    %gt3A_382 = vector.broadcast %gt3A_381 : f32 to vector<16xf32>
    %gt3A_383 = arith.cmpf ogt, %get3A_324, %gt3A_382 : vector<16xf32>
    %jit3A_384 = arith.constant 1 : i32
    %jit3A_385 = arith.constant 0 : i32
    %broadcast_in_dim3A_386 = vector.broadcast %jit3A_384 : i32 to vector<16xi32>
    %broadcast_in_dim3A_387 = vector.broadcast %jit3A_385 : i32 to vector<16xi32>
    %select_n3A_388 = arith.select %gt3A_383, %broadcast_in_dim3A_386, %broadcast_in_dim3A_387 : vector<16xi1>, vector<16xi32>
    %add3A_389 = arith.addi %add3A_380, %select_n3A_388 : vector<16xi32>
    %gt3A_390 = arith.constant 2.000000e+01 : f32
    %gt3A_391 = vector.broadcast %gt3A_390 : f32 to vector<16xf32>
    %gt3A_392 = arith.cmpf ogt, %get3A_324, %gt3A_391 : vector<16xf32>
    %jit3A_393 = arith.constant 1 : i32
    %jit3A_394 = arith.constant 0 : i32
    %broadcast_in_dim3A_395 = vector.broadcast %jit3A_393 : i32 to vector<16xi32>
    %broadcast_in_dim3A_396 = vector.broadcast %jit3A_394 : i32 to vector<16xi32>
    %select_n3A_397 = arith.select %gt3A_392, %broadcast_in_dim3A_395, %broadcast_in_dim3A_396 : vector<16xi1>, vector<16xi32>
    %add3A_398 = arith.addi %add3A_389, %select_n3A_397 : vector<16xi32>
    %gt3A_399 = arith.constant 5.000000e+01 : f32
    %gt3A_400 = vector.broadcast %gt3A_399 : f32 to vector<16xf32>
    %gt3A_401 = arith.cmpf ogt, %get3A_324, %gt3A_400 : vector<16xf32>
    %jit3A_402 = arith.constant 1 : i32
    %jit3A_403 = arith.constant 0 : i32
    %broadcast_in_dim3A_404 = vector.broadcast %jit3A_402 : i32 to vector<16xi32>
    %broadcast_in_dim3A_405 = vector.broadcast %jit3A_403 : i32 to vector<16xi32>
    %select_n3A_406 = arith.select %gt3A_401, %broadcast_in_dim3A_404, %broadcast_in_dim3A_405 : vector<16xi1>, vector<16xi32>
    %add3A_407 = arith.addi %add3A_398, %select_n3A_406 : vector<16xi32>
    %gt3A_408 = arith.constant 1.000000e+02 : f32
    %gt3A_409 = vector.broadcast %gt3A_408 : f32 to vector<16xf32>
    %gt3A_410 = arith.cmpf ogt, %get3A_324, %gt3A_409 : vector<16xf32>
    %jit3A_411 = arith.constant 1 : i32
    %jit3A_412 = arith.constant 0 : i32
    %broadcast_in_dim3A_413 = vector.broadcast %jit3A_411 : i32 to vector<16xi32>
    %broadcast_in_dim3A_414 = vector.broadcast %jit3A_412 : i32 to vector<16xi32>
    %select_n3A_415 = arith.select %gt3A_410, %broadcast_in_dim3A_413, %broadcast_in_dim3A_414 : vector<16xi1>, vector<16xi32>
    %add3A_416 = arith.addi %add3A_407, %select_n3A_415 : vector<16xi32>
    %gt3A_417 = arith.constant 2.000000e+02 : f32
    %gt3A_418 = vector.broadcast %gt3A_417 : f32 to vector<16xf32>
    %gt3A_419 = arith.cmpf ogt, %get3A_324, %gt3A_418 : vector<16xf32>
    %jit3A_420 = arith.constant 1 : i32
    %jit3A_421 = arith.constant 0 : i32
    %broadcast_in_dim3A_422 = vector.broadcast %jit3A_420 : i32 to vector<16xi32>
    %broadcast_in_dim3A_423 = vector.broadcast %jit3A_421 : i32 to vector<16xi32>
    %select_n3A_424 = arith.select %gt3A_419, %broadcast_in_dim3A_422, %broadcast_in_dim3A_423 : vector<16xi1>, vector<16xi32>
    %add3A_425 = arith.addi %add3A_416, %select_n3A_424 : vector<16xi32>
    %gt3A_426 = arith.constant 5.000000e+02 : f32
    %gt3A_427 = vector.broadcast %gt3A_426 : f32 to vector<16xf32>
    %gt3A_428 = arith.cmpf ogt, %get3A_324, %gt3A_427 : vector<16xf32>
    %jit3A_429 = arith.constant 1 : i32
    %jit3A_430 = arith.constant 0 : i32
    %broadcast_in_dim3A_431 = vector.broadcast %jit3A_429 : i32 to vector<16xi32>
    %broadcast_in_dim3A_432 = vector.broadcast %jit3A_430 : i32 to vector<16xi32>
    %select_n3A_433 = arith.select %gt3A_428, %broadcast_in_dim3A_431, %broadcast_in_dim3A_432 : vector<16xi1>, vector<16xi32>
    %add3A_434 = arith.addi %add3A_425, %select_n3A_433 : vector<16xi32>
    %gt3A_435 = arith.constant 1.000000e+03 : f32
    %gt3A_436 = vector.broadcast %gt3A_435 : f32 to vector<16xf32>
    %gt3A_437 = arith.cmpf ogt, %get3A_324, %gt3A_436 : vector<16xf32>
    %jit3A_438 = arith.constant 1 : i32
    %jit3A_439 = arith.constant 0 : i32
    %broadcast_in_dim3A_440 = vector.broadcast %jit3A_438 : i32 to vector<16xi32>
    %broadcast_in_dim3A_441 = vector.broadcast %jit3A_439 : i32 to vector<16xi32>
    %select_n3A_442 = arith.select %gt3A_437, %broadcast_in_dim3A_440, %broadcast_in_dim3A_441 : vector<16xi1>, vector<16xi32>
    %add3A_443 = arith.addi %add3A_434, %select_n3A_442 : vector<16xi32>
    %mul3A_444 = arith.constant 64 : i32
    %mul3A_445 = vector.broadcast %mul3A_444 : i32 to vector<16xi32>
    %mul3A_446 = arith.muli %add3A_443, %mul3A_445 : vector<16xi32>
    %get3A_447 = arith.constant 32 : index
    %get3A_448 = tpu.vector_load %arg13[%get3A_447] {strides = array<i32>} : memref<6400xi32, #tpu.memory_space<vmem>>, vector<16xi32>,
    %add3A_449 = arith.addi %mul3A_446, %get3A_448 : vector<16xi32>
    %swap3A_450 = arith.constant 0 : i32
    %swap3A_451 = arith.index_cast %swap3A_450 : i32 to index
    %swap3A_452 = arith.constant 32 : index
    %swap3A_453 = tpu.vector_load %arg14[%swap3A_451, %swap3A_452] {strides = array<i32>} : memref<2x128xi32, #tpu.memory_space<vmem>>, vector<16xi32>,
    tpu.vector_store %arg14[%swap3A_451, %swap3A_452], %add3A_449 {strides = array<i32>} : memref<2x128xi32, #tpu.memory_space<vmem>>, vector<16xi32>,
    %get3A_454 = arith.constant 48 : index
    %get3A_455 = tpu.vector_load %arg11[%get3A_454] {strides = array<i32>} : memref<6400xf32, #tpu.memory_space<vmem>>, vector<16xf32>,
    %broadcast_in_dim3A_456 = arith.constant 0 : i32
    %broadcast_in_dim3A_457 = vector.broadcast %broadcast_in_dim3A_456 : i32 to vector<16xi32>
    %gt3A_458 = arith.constant 0.000000e+00 : f32
    %gt3A_459 = vector.broadcast %gt3A_458 : f32 to vector<16xf32>
    %gt3A_460 = arith.cmpf ogt, %get3A_455, %gt3A_459 : vector<16xf32>
    %jit3A_461 = arith.constant 1 : i32
    %jit3A_462 = arith.constant 0 : i32
    %broadcast_in_dim3A_463 = vector.broadcast %jit3A_461 : i32 to vector<16xi32>
    %broadcast_in_dim3A_464 = vector.broadcast %jit3A_462 : i32 to vector<16xi32>
    %select_n3A_465 = arith.select %gt3A_460, %broadcast_in_dim3A_463, %broadcast_in_dim3A_464 : vector<16xi1>, vector<16xi32>
    %add3A_466 = arith.addi %broadcast_in_dim3A_457, %select_n3A_465 : vector<16xi32>
    %gt3A_467 = arith.constant 1.000000e-01 : f32
    %gt3A_468 = vector.broadcast %gt3A_467 : f32 to vector<16xf32>
    %gt3A_469 = arith.cmpf ogt, %get3A_455, %gt3A_468 : vector<16xf32>
    %jit3A_470 = arith.constant 1 : i32
    %jit3A_471 = arith.constant 0 : i32
    %broadcast_in_dim3A_472 = vector.broadcast %jit3A_470 : i32 to vector<16xi32>
    %broadcast_in_dim3A_473 = vector.broadcast %jit3A_471 : i32 to vector<16xi32>
    %select_n3A_474 = arith.select %gt3A_469, %broadcast_in_dim3A_472, %broadcast_in_dim3A_473 : vector<16xi1>, vector<16xi32>
    %add3A_475 = arith.addi %add3A_466, %select_n3A_474 : vector<16xi32>
    %gt3A_476 = arith.constant 5.000000e-01 : f32
    %gt3A_477 = vector.broadcast %gt3A_476 : f32 to vector<16xf32>
    %gt3A_478 = arith.cmpf ogt, %get3A_455, %gt3A_477 : vector<16xf32>
    %jit3A_479 = arith.constant 1 : i32
    %jit3A_480 = arith.constant 0 : i32
    %broadcast_in_dim3A_481 = vector.broadcast %jit3A_479 : i32 to vector<16xi32>
    %broadcast_in_dim3A_482 = vector.broadcast %jit3A_480 : i32 to vector<16xi32>
    %select_n3A_483 = arith.select %gt3A_478, %broadcast_in_dim3A_481, %broadcast_in_dim3A_482 : vector<16xi1>, vector<16xi32>
    %add3A_484 = arith.addi %add3A_475, %select_n3A_483 : vector<16xi32>
    %gt3A_485 = arith.constant 1.000000e+00 : f32
    %gt3A_486 = vector.broadcast %gt3A_485 : f32 to vector<16xf32>
    %gt3A_487 = arith.cmpf ogt, %get3A_455, %gt3A_486 : vector<16xf32>
    %jit3A_488 = arith.constant 1 : i32
    %jit3A_489 = arith.constant 0 : i32
    %broadcast_in_dim3A_490 = vector.broadcast %jit3A_488 : i32 to vector<16xi32>
    %broadcast_in_dim3A_491 = vector.broadcast %jit3A_489 : i32 to vector<16xi32>
    %select_n3A_492 = arith.select %gt3A_487, %broadcast_in_dim3A_490, %broadcast_in_dim3A_491 : vector<16xi1>, vector<16xi32>
    %add3A_493 = arith.addi %add3A_484, %select_n3A_492 : vector<16xi32>
    %gt3A_494 = arith.constant 2.000000e+00 : f32
    %gt3A_495 = vector.broadcast %gt3A_494 : f32 to vector<16xf32>
    %gt3A_496 = arith.cmpf ogt, %get3A_455, %gt3A_495 : vector<16xf32>
    %jit3A_497 = arith.constant 1 : i32
    %jit3A_498 = arith.constant 0 : i32
    %broadcast_in_dim3A_499 = vector.broadcast %jit3A_497 : i32 to vector<16xi32>
    %broadcast_in_dim3A_500 = vector.broadcast %jit3A_498 : i32 to vector<16xi32>
    %select_n3A_501 = arith.select %gt3A_496, %broadcast_in_dim3A_499, %broadcast_in_dim3A_500 : vector<16xi1>, vector<16xi32>
    %add3A_502 = arith.addi %add3A_493, %select_n3A_501 : vector<16xi32>
    %gt3A_503 = arith.constant 5.000000e+00 : f32
    %gt3A_504 = vector.broadcast %gt3A_503 : f32 to vector<16xf32>
    %gt3A_505 = arith.cmpf ogt, %get3A_455, %gt3A_504 : vector<16xf32>
    %jit3A_506 = arith.constant 1 : i32
    %jit3A_507 = arith.constant 0 : i32
    %broadcast_in_dim3A_508 = vector.broadcast %jit3A_506 : i32 to vector<16xi32>
    %broadcast_in_dim3A_509 = vector.broadcast %jit3A_507 : i32 to vector<16xi32>
    %select_n3A_510 = arith.select %gt3A_505, %broadcast_in_dim3A_508, %broadcast_in_dim3A_509 : vector<16xi1>, vector<16xi32>
    %add3A_511 = arith.addi %add3A_502, %select_n3A_510 : vector<16xi32>
    %gt3A_512 = arith.constant 1.000000e+01 : f32
    %gt3A_513 = vector.broadcast %gt3A_512 : f32 to vector<16xf32>
    %gt3A_514 = arith.cmpf ogt, %get3A_455, %gt3A_513 : vector<16xf32>
    %jit3A_515 = arith.constant 1 : i32
    %jit3A_516 = arith.constant 0 : i32
    %broadcast_in_dim3A_517 = vector.broadcast %jit3A_515 : i32 to vector<16xi32>
    %broadcast_in_dim3A_518 = vector.broadcast %jit3A_516 : i32 to vector<16xi32>
    %select_n3A_519 = arith.select %gt3A_514, %broadcast_in_dim3A_517, %broadcast_in_dim3A_518 : vector<16xi1>, vector<16xi32>
    %add3A_520 = arith.addi %add3A_511, %select_n3A_519 : vector<16xi32>
    %gt3A_521 = arith.constant 2.000000e+01 : f32
    %gt3A_522 = vector.broadcast %gt3A_521 : f32 to vector<16xf32>
    %gt3A_523 = arith.cmpf ogt, %get3A_455, %gt3A_522 : vector<16xf32>
    %jit3A_524 = arith.constant 1 : i32
    %jit3A_525 = arith.constant 0 : i32
    %broadcast_in_dim3A_526 = vector.broadcast %jit3A_524 : i32 to vector<16xi32>
    %broadcast_in_dim3A_527 = vector.broadcast %jit3A_525 : i32 to vector<16xi32>
    %select_n3A_528 = arith.select %gt3A_523, %broadcast_in_dim3A_526, %broadcast_in_dim3A_527 : vector<16xi1>, vector<16xi32>
    %add3A_529 = arith.addi %add3A_520, %select_n3A_528 : vector<16xi32>
    %gt3A_530 = arith.constant 5.000000e+01 : f32
    %gt3A_531 = vector.broadcast %gt3A_530 : f32 to vector<16xf32>
    %gt3A_532 = arith.cmpf ogt, %get3A_455, %gt3A_531 : vector<16xf32>
    %jit3A_533 = arith.constant 1 : i32
    %jit3A_534 = arith.constant 0 : i32
    %broadcast_in_dim3A_535 = vector.broadcast %jit3A_533 : i32 to vector<16xi32>
    %broadcast_in_dim3A_536 = vector.broadcast %jit3A_534 : i32 to vector<16xi32>
    %select_n3A_537 = arith.select %gt3A_532, %broadcast_in_dim3A_535, %broadcast_in_dim3A_536 : vector<16xi1>, vector<16xi32>
    %add3A_538 = arith.addi %add3A_529, %select_n3A_537 : vector<16xi32>
    %gt3A_539 = arith.constant 1.000000e+02 : f32
    %gt3A_540 = vector.broadcast %gt3A_539 : f32 to vector<16xf32>
    %gt3A_541 = arith.cmpf ogt, %get3A_455, %gt3A_540 : vector<16xf32>
    %jit3A_542 = arith.constant 1 : i32
    %jit3A_543 = arith.constant 0 : i32
    %broadcast_in_dim3A_544 = vector.broadcast %jit3A_542 : i32 to vector<16xi32>
    %broadcast_in_dim3A_545 = vector.broadcast %jit3A_543 : i32 to vector<16xi32>
    %select_n3A_546 = arith.select %gt3A_541, %broadcast_in_dim3A_544, %broadcast_in_dim3A_545 : vector<16xi1>, vector<16xi32>
    %add3A_547 = arith.addi %add3A_538, %select_n3A_546 : vector<16xi32>
    %gt3A_548 = arith.constant 2.000000e+02 : f32
    %gt3A_549 = vector.broadcast %gt3A_548 : f32 to vector<16xf32>
    %gt3A_550 = arith.cmpf ogt, %get3A_455, %gt3A_549 : vector<16xf32>
    %jit3A_551 = arith.constant 1 : i32
    %jit3A_552 = arith.constant 0 : i32
    %broadcast_in_dim3A_553 = vector.broadcast %jit3A_551 : i32 to vector<16xi32>
    %broadcast_in_dim3A_554 = vector.broadcast %jit3A_552 : i32 to vector<16xi32>
    %select_n3A_555 = arith.select %gt3A_550, %broadcast_in_dim3A_553, %broadcast_in_dim3A_554 : vector<16xi1>, vector<16xi32>
    %add3A_556 = arith.addi %add3A_547, %select_n3A_555 : vector<16xi32>
    %gt3A_557 = arith.constant 5.000000e+02 : f32
    %gt3A_558 = vector.broadcast %gt3A_557 : f32 to vector<16xf32>
    %gt3A_559 = arith.cmpf ogt, %get3A_455, %gt3A_558 : vector<16xf32>
    %jit3A_560 = arith.constant 1 : i32
    %jit3A_561 = arith.constant 0 : i32
    %broadcast_in_dim3A_562 = vector.broadcast %jit3A_560 : i32 to vector<16xi32>
    %broadcast_in_dim3A_563 = vector.broadcast %jit3A_561 : i32 to vector<16xi32>
    %select_n3A_564 = arith.select %gt3A_559, %broadcast_in_dim3A_562, %broadcast_in_dim3A_563 : vector<16xi1>, vector<16xi32>
    %add3A_565 = arith.addi %add3A_556, %select_n3A_564 : vector<16xi32>
    %gt3A_566 = arith.constant 1.000000e+03 : f32
    %gt3A_567 = vector.broadcast %gt3A_566 : f32 to vector<16xf32>
    %gt3A_568 = arith.cmpf ogt, %get3A_455, %gt3A_567 : vector<16xf32>
    %jit3A_569 = arith.constant 1 : i32
    %jit3A_570 = arith.constant 0 : i32
    %broadcast_in_dim3A_571 = vector.broadcast %jit3A_569 : i32 to vector<16xi32>
    %broadcast_in_dim3A_572 = vector.broadcast %jit3A_570 : i32 to vector<16xi32>
    %select_n3A_573 = arith.select %gt3A_568, %broadcast_in_dim3A_571, %broadcast_in_dim3A_572 : vector<16xi1>, vector<16xi32>
    %add3A_574 = arith.addi %add3A_565, %select_n3A_573 : vector<16xi32>
    %mul3A_575 = arith.constant 64 : i32
    %mul3A_576 = vector.broadcast %mul3A_575 : i32 to vector<16xi32>
    %mul3A_577 = arith.muli %add3A_574, %mul3A_576 : vector<16xi32>
    %get3A_578 = arith.constant 48 : index
    %get3A_579 = tpu.vector_load %arg13[%get3A_578] {strides = array<i32>} : memref<6400xi32, #tpu.memory_space<vmem>>, vector<16xi32>,
    %add3A_580 = arith.addi %mul3A_577, %get3A_579 : vector<16xi32>
    %swap3A_581 = arith.constant 0 : i32
    %swap3A_582 = arith.index_cast %swap3A_581 : i32 to index
    %swap3A_583 = arith.constant 48 : index
    %swap3A_584 = tpu.vector_load %arg14[%swap3A_582, %swap3A_583] {strides = array<i32>} : memref<2x128xi32, #tpu.memory_space<vmem>>, vector<16xi32>,
    tpu.vector_store %arg14[%swap3A_582, %swap3A_583], %add3A_580 {strides = array<i32>} : memref<2x128xi32, #tpu.memory_space<vmem>>, vector<16xi32>,
    %get3A_585 = arith.constant 64 : index
    %get3A_586 = tpu.vector_load %arg11[%get3A_585] {strides = array<i32>} : memref<6400xf32, #tpu.memory_space<vmem>>, vector<16xf32>,
    %broadcast_in_dim3A_587 = arith.constant 0 : i32
    %broadcast_in_dim3A_588 = vector.broadcast %broadcast_in_dim3A_587 : i32 to vector<16xi32>
    %gt3A_589 = arith.constant 0.000000e+00 : f32
    %gt3A_590 = vector.broadcast %gt3A_589 : f32 to vector<16xf32>
    %gt3A_591 = arith.cmpf ogt, %get3A_586, %gt3A_590 : vector<16xf32>
    %jit3A_592 = arith.constant 1 : i32
    %jit3A_593 = arith.constant 0 : i32
    %broadcast_in_dim3A_594 = vector.broadcast %jit3A_592 : i32 to vector<16xi32>
    %broadcast_in_dim3A_595 = vector.broadcast %jit3A_593 : i32 to vector<16xi32>
    %select_n3A_596 = arith.select %gt3A_591, %broadcast_in_dim3A_594, %broadcast_in_dim3A_595 : vector<16xi1>, vector<16xi32>
    %add3A_597 = arith.addi %broadcast_in_dim3A_588, %select_n3A_596 : vector<16xi32>
    %gt3A_598 = arith.constant 1.000000e-01 : f32
    %gt3A_599 = vector.broadcast %gt3A_598 : f32 to vector<16xf32>
    %gt3A_600 = arith.cmpf ogt, %get3A_586, %gt3A_599 : vector<16xf32>
    %jit3A_601 = arith.constant 1 : i32
    %jit3A_602 = arith.constant 0 : i32
    %broadcast_in_dim3A_603 = vector.broadcast %jit3A_601 : i32 to vector<16xi32>
    %broadcast_in_dim3A_604 = vector.broadcast %jit3A_602 : i32 to vector<16xi32>
    %select_n3A_605 = arith.select %gt3A_600, %broadcast_in_dim3A_603, %broadcast_in_dim3A_604 : vector<16xi1>, vector<16xi32>
    %add3A_606 = arith.addi %add3A_597, %select_n3A_605 : vector<16xi32>
    %gt3A_607 = arith.constant 5.000000e-01 : f32
    %gt3A_608 = vector.broadcast %gt3A_607 : f32 to vector<16xf32>
    %gt3A_609 = arith.cmpf ogt, %get3A_586, %gt3A_608 : vector<16xf32>
    %jit3A_610 = arith.constant 1 : i32
    %jit3A_611 = arith.constant 0 : i32
    %broadcast_in_dim3A_612 = vector.broadcast %jit3A_610 : i32 to vector<16xi32>
    %broadcast_in_dim3A_613 = vector.broadcast %jit3A_611 : i32 to vector<16xi32>
    %select_n3A_614 = arith.select %gt3A_609, %broadcast_in_dim3A_612, %broadcast_in_dim3A_613 : vector<16xi1>, vector<16xi32>
    %add3A_615 = arith.addi %add3A_606, %select_n3A_614 : vector<16xi32>
    %gt3A_616 = arith.constant 1.000000e+00 : f32
    %gt3A_617 = vector.broadcast %gt3A_616 : f32 to vector<16xf32>
    %gt3A_618 = arith.cmpf ogt, %get3A_586, %gt3A_617 : vector<16xf32>
    %jit3A_619 = arith.constant 1 : i32
    %jit3A_620 = arith.constant 0 : i32
    %broadcast_in_dim3A_621 = vector.broadcast %jit3A_619 : i32 to vector<16xi32>
    %broadcast_in_dim3A_622 = vector.broadcast %jit3A_620 : i32 to vector<16xi32>
    %select_n3A_623 = arith.select %gt3A_618, %broadcast_in_dim3A_621, %broadcast_in_dim3A_622 : vector<16xi1>, vector<16xi32>
    %add3A_624 = arith.addi %add3A_615, %select_n3A_623 : vector<16xi32>
    %gt3A_625 = arith.constant 2.000000e+00 : f32
    %gt3A_626 = vector.broadcast %gt3A_625 : f32 to vector<16xf32>
    %gt3A_627 = arith.cmpf ogt, %get3A_586, %gt3A_626 : vector<16xf32>
    %jit3A_628 = arith.constant 1 : i32
    %jit3A_629 = arith.constant 0 : i32
    %broadcast_in_dim3A_630 = vector.broadcast %jit3A_628 : i32 to vector<16xi32>
    %broadcast_in_dim3A_631 = vector.broadcast %jit3A_629 : i32 to vector<16xi32>
    %select_n3A_632 = arith.select %gt3A_627, %broadcast_in_dim3A_630, %broadcast_in_dim3A_631 : vector<16xi1>, vector<16xi32>
    %add3A_633 = arith.addi %add3A_624, %select_n3A_632 : vector<16xi32>
    %gt3A_634 = arith.constant 5.000000e+00 : f32
    %gt3A_635 = vector.broadcast %gt3A_634 : f32 to vector<16xf32>
    %gt3A_636 = arith.cmpf ogt, %get3A_586, %gt3A_635 : vector<16xf32>
    %jit3A_637 = arith.constant 1 : i32
    %jit3A_638 = arith.constant 0 : i32
    %broadcast_in_dim3A_639 = vector.broadcast %jit3A_637 : i32 to vector<16xi32>
    %broadcast_in_dim3A_640 = vector.broadcast %jit3A_638 : i32 to vector<16xi32>
    %select_n3A_641 = arith.select %gt3A_636, %broadcast_in_dim3A_639, %broadcast_in_dim3A_640 : vector<16xi1>, vector<16xi32>
    %add3A_642 = arith.addi %add3A_633, %select_n3A_641 : vector<16xi32>
    %gt3A_643 = arith.constant 1.000000e+01 : f32
    %gt3A_644 = vector.broadcast %gt3A_643 : f32 to vector<16xf32>
    %gt3A_645 = arith.cmpf ogt, %get3A_586, %gt3A_644 : vector<16xf32>
    %jit3A_646 = arith.constant 1 : i32
    %jit3A_647 = arith.constant 0 : i32
    %broadcast_in_dim3A_648 = vector.broadcast %jit3A_646 : i32 to vector<16xi32>
    %broadcast_in_dim3A_649 = vector.broadcast %jit3A_647 : i32 to vector<16xi32>
    %select_n3A_650 = arith.select %gt3A_645, %broadcast_in_dim3A_648, %broadcast_in_dim3A_649 : vector<16xi1>, vector<16xi32>
    %add3A_651 = arith.addi %add3A_642, %select_n3A_650 : vector<16xi32>
    %gt3A_652 = arith.constant 2.000000e+01 : f32
    %gt3A_653 = vector.broadcast %gt3A_652 : f32 to vector<16xf32>
    %gt3A_654 = arith.cmpf ogt, %get3A_586, %gt3A_653 : vector<16xf32>
    %jit3A_655 = arith.constant 1 : i32
    %jit3A_656 = arith.constant 0 : i32
    %broadcast_in_dim3A_657 = vector.broadcast %jit3A_655 : i32 to vector<16xi32>
    %broadcast_in_dim3A_658 = vector.broadcast %jit3A_656 : i32 to vector<16xi32>
    %select_n3A_659 = arith.select %gt3A_654, %broadcast_in_dim3A_657, %broadcast_in_dim3A_658 : vector<16xi1>, vector<16xi32>
    %add3A_660 = arith.addi %add3A_651, %select_n3A_659 : vector<16xi32>
    %gt3A_661 = arith.constant 5.000000e+01 : f32
    %gt3A_662 = vector.broadcast %gt3A_661 : f32 to vector<16xf32>
    %gt3A_663 = arith.cmpf ogt, %get3A_586, %gt3A_662 : vector<16xf32>
    %jit3A_664 = arith.constant 1 : i32
    %jit3A_665 = arith.constant 0 : i32
    %broadcast_in_dim3A_666 = vector.broadcast %jit3A_664 : i32 to vector<16xi32>
    %broadcast_in_dim3A_667 = vector.broadcast %jit3A_665 : i32 to vector<16xi32>
    %select_n3A_668 = arith.select %gt3A_663, %broadcast_in_dim3A_666, %broadcast_in_dim3A_667 : vector<16xi1>, vector<16xi32>
    %add3A_669 = arith.addi %add3A_660, %select_n3A_668 : vector<16xi32>
    %gt3A_670 = arith.constant 1.000000e+02 : f32
    %gt3A_671 = vector.broadcast %gt3A_670 : f32 to vector<16xf32>
    %gt3A_672 = arith.cmpf ogt, %get3A_586, %gt3A_671 : vector<16xf32>
    %jit3A_673 = arith.constant 1 : i32
    %jit3A_674 = arith.constant 0 : i32
    %broadcast_in_dim3A_675 = vector.broadcast %jit3A_673 : i32 to vector<16xi32>
    %broadcast_in_dim3A_676 = vector.broadcast %jit3A_674 : i32 to vector<16xi32>
    %select_n3A_677 = arith.select %gt3A_672, %broadcast_in_dim3A_675, %broadcast_in_dim3A_676 : vector<16xi1>, vector<16xi32>
    %add3A_678 = arith.addi %add3A_669, %select_n3A_677 : vector<16xi32>
    %gt3A_679 = arith.constant 2.000000e+02 : f32
    %gt3A_680 = vector.broadcast %gt3A_679 : f32 to vector<16xf32>
    %gt3A_681 = arith.cmpf ogt, %get3A_586, %gt3A_680 : vector<16xf32>
    %jit3A_682 = arith.constant 1 : i32
    %jit3A_683 = arith.constant 0 : i32
    %broadcast_in_dim3A_684 = vector.broadcast %jit3A_682 : i32 to vector<16xi32>
    %broadcast_in_dim3A_685 = vector.broadcast %jit3A_683 : i32 to vector<16xi32>
    %select_n3A_686 = arith.select %gt3A_681, %broadcast_in_dim3A_684, %broadcast_in_dim3A_685 : vector<16xi1>, vector<16xi32>
    %add3A_687 = arith.addi %add3A_678, %select_n3A_686 : vector<16xi32>
    %gt3A_688 = arith.constant 5.000000e+02 : f32
    %gt3A_689 = vector.broadcast %gt3A_688 : f32 to vector<16xf32>
    %gt3A_690 = arith.cmpf ogt, %get3A_586, %gt3A_689 : vector<16xf32>
    %jit3A_691 = arith.constant 1 : i32
    %jit3A_692 = arith.constant 0 : i32
    %broadcast_in_dim3A_693 = vector.broadcast %jit3A_691 : i32 to vector<16xi32>
    %broadcast_in_dim3A_694 = vector.broadcast %jit3A_692 : i32 to vector<16xi32>
    %select_n3A_695 = arith.select %gt3A_690, %broadcast_in_dim3A_693, %broadcast_in_dim3A_694 : vector<16xi1>, vector<16xi32>
    %add3A_696 = arith.addi %add3A_687, %select_n3A_695 : vector<16xi32>
    %gt3A_697 = arith.constant 1.000000e+03 : f32
    %gt3A_698 = vector.broadcast %gt3A_697 : f32 to vector<16xf32>
    %gt3A_699 = arith.cmpf ogt, %get3A_586, %gt3A_698 : vector<16xf32>
    %jit3A_700 = arith.constant 1 : i32
    %jit3A_701 = arith.constant 0 : i32
    %broadcast_in_dim3A_702 = vector.broadcast %jit3A_700 : i32 to vector<16xi32>
    %broadcast_in_dim3A_703 = vector.broadcast %jit3A_701 : i32 to vector<16xi32>
    %select_n3A_704 = arith.select %gt3A_699, %broadcast_in_dim3A_702, %broadcast_in_dim3A_703 : vector<16xi1>, vector<16xi32>
    %add3A_705 = arith.addi %add3A_696, %select_n3A_704 : vector<16xi32>
    %mul3A_706 = arith.constant 64 : i32
    %mul3A_707 = vector.broadcast %mul3A_706 : i32 to vector<16xi32>
    %mul3A_708 = arith.muli %add3A_705, %mul3A_707 : vector<16xi32>
    %get3A_709 = arith.constant 64 : index
    %get3A_710 = tpu.vector_load %arg13[%get3A_709] {strides = array<i32>} : memref<6400xi32, #tpu.memory_space<vmem>>, vector<16xi32>,
    %add3A_711 = arith.addi %mul3A_708, %get3A_710 : vector<16xi32>
    %swap3A_712 = arith.constant 0 : i32
    %swap3A_713 = arith.index_cast %swap3A_712 : i32 to index
    %swap3A_714 = arith.constant 64 : index
    %swap3A_715 = tpu.vector_load %arg14[%swap3A_713, %swap3A_714] {strides = array<i32>} : memref<2x128xi32, #tpu.memory_space<vmem>>, vector<16xi32>,
    tpu.vector_store %arg14[%swap3A_713, %swap3A_714], %add3A_711 {strides = array<i32>} : memref<2x128xi32, #tpu.memory_space<vmem>>, vector<16xi32>,
    %get3A_716 = arith.constant 80 : index
    %get3A_717 = tpu.vector_load %arg11[%get3A_716] {strides = array<i32>} : memref<6400xf32, #tpu.memory_space<vmem>>, vector<16xf32>,
    %broadcast_in_dim3A_718 = arith.constant 0 : i32
    %broadcast_in_dim3A_719 = vector.broadcast %broadcast_in_dim3A_718 : i32 to vector<16xi32>
    %gt3A_720 = arith.constant 0.000000e+00 : f32
    %gt3A_721 = vector.broadcast %gt3A_720 : f32 to vector<16xf32>
    %gt3A_722 = arith.cmpf ogt, %get3A_717, %gt3A_721 : vector<16xf32>
    %jit3A_723 = arith.constant 1 : i32
    %jit3A_724 = arith.constant 0 : i32
    %broadcast_in_dim3A_725 = vector.broadcast %jit3A_723 : i32 to vector<16xi32>
    %broadcast_in_dim3A_726 = vector.broadcast %jit3A_724 : i32 to vector<16xi32>
    %select_n3A_727 = arith.select %gt3A_722, %broadcast_in_dim3A_725, %broadcast_in_dim3A_726 : vector<16xi1>, vector<16xi32>
    %add3A_728 = arith.addi %broadcast_in_dim3A_719, %select_n3A_727 : vector<16xi32>
    %gt3A_729 = arith.constant 1.000000e-01 : f32
    %gt3A_730 = vector.broadcast %gt3A_729 : f32 to vector<16xf32>
    %gt3A_731 = arith.cmpf ogt, %get3A_717, %gt3A_730 : vector<16xf32>
    %jit3A_732 = arith.constant 1 : i32
    %jit3A_733 = arith.constant 0 : i32
    %broadcast_in_dim3A_734 = vector.broadcast %jit3A_732 : i32 to vector<16xi32>
    %broadcast_in_dim3A_735 = vector.broadcast %jit3A_733 : i32 to vector<16xi32>
    %select_n3A_736 = arith.select %gt3A_731, %broadcast_in_dim3A_734, %broadcast_in_dim3A_735 : vector<16xi1>, vector<16xi32>
    %add3A_737 = arith.addi %add3A_728, %select_n3A_736 : vector<16xi32>
    %gt3A_738 = arith.constant 5.000000e-01 : f32
    %gt3A_739 = vector.broadcast %gt3A_738 : f32 to vector<16xf32>
    %gt3A_740 = arith.cmpf ogt, %get3A_717, %gt3A_739 : vector<16xf32>
    %jit3A_741 = arith.constant 1 : i32
    %jit3A_742 = arith.constant 0 : i32
    %broadcast_in_dim3A_743 = vector.broadcast %jit3A_741 : i32 to vector<16xi32>
    %broadcast_in_dim3A_744 = vector.broadcast %jit3A_742 : i32 to vector<16xi32>
    %select_n3A_745 = arith.select %gt3A_740, %broadcast_in_dim3A_743, %broadcast_in_dim3A_744 : vector<16xi1>, vector<16xi32>
    %add3A_746 = arith.addi %add3A_737, %select_n3A_745 : vector<16xi32>
    %gt3A_747 = arith.constant 1.000000e+00 : f32
    %gt3A_748 = vector.broadcast %gt3A_747 : f32 to vector<16xf32>
    %gt3A_749 = arith.cmpf ogt, %get3A_717, %gt3A_748 : vector<16xf32>
    %jit3A_750 = arith.constant 1 : i32
    %jit3A_751 = arith.constant 0 : i32
    %broadcast_in_dim3A_752 = vector.broadcast %jit3A_750 : i32 to vector<16xi32>
    %broadcast_in_dim3A_753 = vector.broadcast %jit3A_751 : i32 to vector<16xi32>
    %select_n3A_754 = arith.select %gt3A_749, %broadcast_in_dim3A_752, %broadcast_in_dim3A_753 : vector<16xi1>, vector<16xi32>
    %add3A_755 = arith.addi %add3A_746, %select_n3A_754 : vector<16xi32>
    %gt3A_756 = arith.constant 2.000000e+00 : f32
    %gt3A_757 = vector.broadcast %gt3A_756 : f32 to vector<16xf32>
    %gt3A_758 = arith.cmpf ogt, %get3A_717, %gt3A_757 : vector<16xf32>
    %jit3A_759 = arith.constant 1 : i32
    %jit3A_760 = arith.constant 0 : i32
    %broadcast_in_dim3A_761 = vector.broadcast %jit3A_759 : i32 to vector<16xi32>
    %broadcast_in_dim3A_762 = vector.broadcast %jit3A_760 : i32 to vector<16xi32>
    %select_n3A_763 = arith.select %gt3A_758, %broadcast_in_dim3A_761, %broadcast_in_dim3A_762 : vector<16xi1>, vector<16xi32>
    %add3A_764 = arith.addi %add3A_755, %select_n3A_763 : vector<16xi32>
    %gt3A_765 = arith.constant 5.000000e+00 : f32
    %gt3A_766 = vector.broadcast %gt3A_765 : f32 to vector<16xf32>
    %gt3A_767 = arith.cmpf ogt, %get3A_717, %gt3A_766 : vector<16xf32>
    %jit3A_768 = arith.constant 1 : i32
    %jit3A_769 = arith.constant 0 : i32
    %broadcast_in_dim3A_770 = vector.broadcast %jit3A_768 : i32 to vector<16xi32>
    %broadcast_in_dim3A_771 = vector.broadcast %jit3A_769 : i32 to vector<16xi32>
    %select_n3A_772 = arith.select %gt3A_767, %broadcast_in_dim3A_770, %broadcast_in_dim3A_771 : vector<16xi1>, vector<16xi32>
    %add3A_773 = arith.addi %add3A_764, %select_n3A_772 : vector<16xi32>
    %gt3A_774 = arith.constant 1.000000e+01 : f32
    %gt3A_775 = vector.broadcast %gt3A_774 : f32 to vector<16xf32>
    %gt3A_776 = arith.cmpf ogt, %get3A_717, %gt3A_775 : vector<16xf32>
    %jit3A_777 = arith.constant 1 : i32
    %jit3A_778 = arith.constant 0 : i32
    %broadcast_in_dim3A_779 = vector.broadcast %jit3A_777 : i32 to vector<16xi32>
    %broadcast_in_dim3A_780 = vector.broadcast %jit3A_778 : i32 to vector<16xi32>
    %select_n3A_781 = arith.select %gt3A_776, %broadcast_in_dim3A_779, %broadcast_in_dim3A_780 : vector<16xi1>, vector<16xi32>
    %add3A_782 = arith.addi %add3A_773, %select_n3A_781 : vector<16xi32>
    %gt3A_783 = arith.constant 2.000000e+01 : f32
    %gt3A_784 = vector.broadcast %gt3A_783 : f32 to vector<16xf32>
    %gt3A_785 = arith.cmpf ogt, %get3A_717, %gt3A_784 : vector<16xf32>
    %jit3A_786 = arith.constant 1 : i32
    %jit3A_787 = arith.constant 0 : i32
    %broadcast_in_dim3A_788 = vector.broadcast %jit3A_786 : i32 to vector<16xi32>
    %broadcast_in_dim3A_789 = vector.broadcast %jit3A_787 : i32 to vector<16xi32>
    %select_n3A_790 = arith.select %gt3A_785, %broadcast_in_dim3A_788, %broadcast_in_dim3A_789 : vector<16xi1>, vector<16xi32>
    %add3A_791 = arith.addi %add3A_782, %select_n3A_790 : vector<16xi32>
    %gt3A_792 = arith.constant 5.000000e+01 : f32
    %gt3A_793 = vector.broadcast %gt3A_792 : f32 to vector<16xf32>
    %gt3A_794 = arith.cmpf ogt, %get3A_717, %gt3A_793 : vector<16xf32>
    %jit3A_795 = arith.constant 1 : i32
    %jit3A_796 = arith.constant 0 : i32
    %broadcast_in_dim3A_797 = vector.broadcast %jit3A_795 : i32 to vector<16xi32>
    %broadcast_in_dim3A_798 = vector.broadcast %jit3A_796 : i32 to vector<16xi32>
    %select_n3A_799 = arith.select %gt3A_794, %broadcast_in_dim3A_797, %broadcast_in_dim3A_798 : vector<16xi1>, vector<16xi32>
    %add3A_800 = arith.addi %add3A_791, %select_n3A_799 : vector<16xi32>
    %gt3A_801 = arith.constant 1.000000e+02 : f32
    %gt3A_802 = vector.broadcast %gt3A_801 : f32 to vector<16xf32>
    %gt3A_803 = arith.cmpf ogt, %get3A_717, %gt3A_802 : vector<16xf32>
    %jit3A_804 = arith.constant 1 : i32
    %jit3A_805 = arith.constant 0 : i32
    %broadcast_in_dim3A_806 = vector.broadcast %jit3A_804 : i32 to vector<16xi32>
    %broadcast_in_dim3A_807 = vector.broadcast %jit3A_805 : i32 to vector<16xi32>
    %select_n3A_808 = arith.select %gt3A_803, %broadcast_in_dim3A_806, %broadcast_in_dim3A_807 : vector<16xi1>, vector<16xi32>
    %add3A_809 = arith.addi %add3A_800, %select_n3A_808 : vector<16xi32>
    %gt3A_810 = arith.constant 2.000000e+02 : f32
    %gt3A_811 = vector.broadcast %gt3A_810 : f32 to vector<16xf32>
    %gt3A_812 = arith.cmpf ogt, %get3A_717, %gt3A_811 : vector<16xf32>
    %jit3A_813 = arith.constant 1 : i32
    %jit3A_814 = arith.constant 0 : i32
    %broadcast_in_dim3A_815 = vector.broadcast %jit3A_813 : i32 to vector<16xi32>
    %broadcast_in_dim3A_816 = vector.broadcast %jit3A_814 : i32 to vector<16xi32>
    %select_n3A_817 = arith.select %gt3A_812, %broadcast_in_dim3A_815, %broadcast_in_dim3A_816 : vector<16xi1>, vector<16xi32>
    %add3A_818 = arith.addi %add3A_809, %select_n3A_817 : vector<16xi32>
    %gt3A_819 = arith.constant 5.000000e+02 : f32
    %gt3A_820 = vector.broadcast %gt3A_819 : f32 to vector<16xf32>
    %gt3A_821 = arith.cmpf ogt, %get3A_717, %gt3A_820 : vector<16xf32>
    %jit3A_822 = arith.constant 1 : i32
    %jit3A_823 = arith.constant 0 : i32
    %broadcast_in_dim3A_824 = vector.broadcast %jit3A_822 : i32 to vector<16xi32>
    %broadcast_in_dim3A_825 = vector.broadcast %jit3A_823 : i32 to vector<16xi32>
    %select_n3A_826 = arith.select %gt3A_821, %broadcast_in_dim3A_824, %broadcast_in_dim3A_825 : vector<16xi1>, vector<16xi32>
    %add3A_827 = arith.addi %add3A_818, %select_n3A_826 : vector<16xi32>
    %gt3A_828 = arith.constant 1.000000e+03 : f32
    %gt3A_829 = vector.broadcast %gt3A_828 : f32 to vector<16xf32>
    %gt3A_830 = arith.cmpf ogt, %get3A_717, %gt3A_829 : vector<16xf32>
    %jit3A_831 = arith.constant 1 : i32
    %jit3A_832 = arith.constant 0 : i32
    %broadcast_in_dim3A_833 = vector.broadcast %jit3A_831 : i32 to vector<16xi32>
    %broadcast_in_dim3A_834 = vector.broadcast %jit3A_832 : i32 to vector<16xi32>
    %select_n3A_835 = arith.select %gt3A_830, %broadcast_in_dim3A_833, %broadcast_in_dim3A_834 : vector<16xi1>, vector<16xi32>
    %add3A_836 = arith.addi %add3A_827, %select_n3A_835 : vector<16xi32>
    %mul3A_837 = arith.constant 64 : i32
    %mul3A_838 = vector.broadcast %mul3A_837 : i32 to vector<16xi32>
    %mul3A_839 = arith.muli %add3A_836, %mul3A_838 : vector<16xi32>
    %get3A_840 = arith.constant 80 : index
    %get3A_841 = tpu.vector_load %arg13[%get3A_840] {strides = array<i32>} : memref<6400xi32, #tpu.memory_space<vmem>>, vector<16xi32>,
    %add3A_842 = arith.addi %mul3A_839, %get3A_841 : vector<16xi32>
    %swap3A_843 = arith.constant 0 : i32
    %swap3A_844 = arith.index_cast %swap3A_843 : i32 to index
    %swap3A_845 = arith.constant 80 : index
    %swap3A_846 = tpu.vector_load %arg14[%swap3A_844, %swap3A_845] {strides = array<i32>} : memref<2x128xi32, #tpu.memory_space<vmem>>, vector<16xi32>,
    tpu.vector_store %arg14[%swap3A_844, %swap3A_845], %add3A_842 {strides = array<i32>} : memref<2x128xi32, #tpu.memory_space<vmem>>, vector<16xi32>,
    %get3A_847 = arith.constant 96 : index
    %get3A_848 = tpu.vector_load %arg11[%get3A_847] {strides = array<i32>} : memref<6400xf32, #tpu.memory_space<vmem>>, vector<16xf32>,
    %broadcast_in_dim3A_849 = arith.constant 0 : i32
    %broadcast_in_dim3A_850 = vector.broadcast %broadcast_in_dim3A_849 : i32 to vector<16xi32>
    %gt3A_851 = arith.constant 0.000000e+00 : f32
    %gt3A_852 = vector.broadcast %gt3A_851 : f32 to vector<16xf32>
    %gt3A_853 = arith.cmpf ogt, %get3A_848, %gt3A_852 : vector<16xf32>
    %jit3A_854 = arith.constant 1 : i32
    %jit3A_855 = arith.constant 0 : i32
    %broadcast_in_dim3A_856 = vector.broadcast %jit3A_854 : i32 to vector<16xi32>
    %broadcast_in_dim3A_857 = vector.broadcast %jit3A_855 : i32 to vector<16xi32>
    %select_n3A_858 = arith.select %gt3A_853, %broadcast_in_dim3A_856, %broadcast_in_dim3A_857 : vector<16xi1>, vector<16xi32>
    %add3A_859 = arith.addi %broadcast_in_dim3A_850, %select_n3A_858 : vector<16xi32>
    %gt3A_860 = arith.constant 1.000000e-01 : f32
    %gt3A_861 = vector.broadcast %gt3A_860 : f32 to vector<16xf32>
    %gt3A_862 = arith.cmpf ogt, %get3A_848, %gt3A_861 : vector<16xf32>
    %jit3A_863 = arith.constant 1 : i32
    %jit3A_864 = arith.constant 0 : i32
    %broadcast_in_dim3A_865 = vector.broadcast %jit3A_863 : i32 to vector<16xi32>
    %broadcast_in_dim3A_866 = vector.broadcast %jit3A_864 : i32 to vector<16xi32>
    %select_n3A_867 = arith.select %gt3A_862, %broadcast_in_dim3A_865, %broadcast_in_dim3A_866 : vector<16xi1>, vector<16xi32>
    %add3A_868 = arith.addi %add3A_859, %select_n3A_867 : vector<16xi32>
    %gt3A_869 = arith.constant 5.000000e-01 : f32
    %gt3A_870 = vector.broadcast %gt3A_869 : f32 to vector<16xf32>
    %gt3A_871 = arith.cmpf ogt, %get3A_848, %gt3A_870 : vector<16xf32>
    %jit3A_872 = arith.constant 1 : i32
    %jit3A_873 = arith.constant 0 : i32
    %broadcast_in_dim3A_874 = vector.broadcast %jit3A_872 : i32 to vector<16xi32>
    %broadcast_in_dim3A_875 = vector.broadcast %jit3A_873 : i32 to vector<16xi32>
    %select_n3A_876 = arith.select %gt3A_871, %broadcast_in_dim3A_874, %broadcast_in_dim3A_875 : vector<16xi1>, vector<16xi32>
    %add3A_877 = arith.addi %add3A_868, %select_n3A_876 : vector<16xi32>
    %gt3A_878 = arith.constant 1.000000e+00 : f32
    %gt3A_879 = vector.broadcast %gt3A_878 : f32 to vector<16xf32>
    %gt3A_880 = arith.cmpf ogt, %get3A_848, %gt3A_879 : vector<16xf32>
    %jit3A_881 = arith.constant 1 : i32
    %jit3A_882 = arith.constant 0 : i32
    %broadcast_in_dim3A_883 = vector.broadcast %jit3A_881 : i32 to vector<16xi32>
    %broadcast_in_dim3A_884 = vector.broadcast %jit3A_882 : i32 to vector<16xi32>
    %select_n3A_885 = arith.select %gt3A_880, %broadcast_in_dim3A_883, %broadcast_in_dim3A_884 : vector<16xi1>, vector<16xi32>
    %add3A_886 = arith.addi %add3A_877, %select_n3A_885 : vector<16xi32>
    %gt3A_887 = arith.constant 2.000000e+00 : f32
    %gt3A_888 = vector.broadcast %gt3A_887 : f32 to vector<16xf32>
    %gt3A_889 = arith.cmpf ogt, %get3A_848, %gt3A_888 : vector<16xf32>
    %jit3A_890 = arith.constant 1 : i32
    %jit3A_891 = arith.constant 0 : i32
    %broadcast_in_dim3A_892 = vector.broadcast %jit3A_890 : i32 to vector<16xi32>
    %broadcast_in_dim3A_893 = vector.broadcast %jit3A_891 : i32 to vector<16xi32>
    %select_n3A_894 = arith.select %gt3A_889, %broadcast_in_dim3A_892, %broadcast_in_dim3A_893 : vector<16xi1>, vector<16xi32>
    %add3A_895 = arith.addi %add3A_886, %select_n3A_894 : vector<16xi32>
    %gt3A_896 = arith.constant 5.000000e+00 : f32
    %gt3A_897 = vector.broadcast %gt3A_896 : f32 to vector<16xf32>
    %gt3A_898 = arith.cmpf ogt, %get3A_848, %gt3A_897 : vector<16xf32>
    %jit3A_899 = arith.constant 1 : i32
    %jit3A_900 = arith.constant 0 : i32
    %broadcast_in_dim3A_901 = vector.broadcast %jit3A_899 : i32 to vector<16xi32>
    %broadcast_in_dim3A_902 = vector.broadcast %jit3A_900 : i32 to vector<16xi32>
    %select_n3A_903 = arith.select %gt3A_898, %broadcast_in_dim3A_901, %broadcast_in_dim3A_902 : vector<16xi1>, vector<16xi32>
    %add3A_904 = arith.addi %add3A_895, %select_n3A_903 : vector<16xi32>
    %gt3A_905 = arith.constant 1.000000e+01 : f32
    %gt3A_906 = vector.broadcast %gt3A_905 : f32 to vector<16xf32>
    %gt3A_907 = arith.cmpf ogt, %get3A_848, %gt3A_906 : vector<16xf32>
    %jit3A_908 = arith.constant 1 : i32
    %jit3A_909 = arith.constant 0 : i32
    %broadcast_in_dim3A_910 = vector.broadcast %jit3A_908 : i32 to vector<16xi32>
    %broadcast_in_dim3A_911 = vector.broadcast %jit3A_909 : i32 to vector<16xi32>
    %select_n3A_912 = arith.select %gt3A_907, %broadcast_in_dim3A_910, %broadcast_in_dim3A_911 : vector<16xi1>, vector<16xi32>
    %add3A_913 = arith.addi %add3A_904, %select_n3A_912 : vector<16xi32>
    %gt3A_914 = arith.constant 2.000000e+01 : f32
    %gt3A_915 = vector.broadcast %gt3A_914 : f32 to vector<16xf32>
    %gt3A_916 = arith.cmpf ogt, %get3A_848, %gt3A_915 : vector<16xf32>
    %jit3A_917 = arith.constant 1 : i32
    %jit3A_918 = arith.constant 0 : i32
    %broadcast_in_dim3A_919 = vector.broadcast %jit3A_917 : i32 to vector<16xi32>
    %broadcast_in_dim3A_920 = vector.broadcast %jit3A_918 : i32 to vector<16xi32>
    %select_n3A_921 = arith.select %gt3A_916, %broadcast_in_dim3A_919, %broadcast_in_dim3A_920 : vector<16xi1>, vector<16xi32>
    %add3A_922 = arith.addi %add3A_913, %select_n3A_921 : vector<16xi32>
    %gt3A_923 = arith.constant 5.000000e+01 : f32
    %gt3A_924 = vector.broadcast %gt3A_923 : f32 to vector<16xf32>
    %gt3A_925 = arith.cmpf ogt, %get3A_848, %gt3A_924 : vector<16xf32>
    %jit3A_926 = arith.constant 1 : i32
    %jit3A_927 = arith.constant 0 : i32
    %broadcast_in_dim3A_928 = vector.broadcast %jit3A_926 : i32 to vector<16xi32>
    %broadcast_in_dim3A_929 = vector.broadcast %jit3A_927 : i32 to vector<16xi32>
    %select_n3A_930 = arith.select %gt3A_925, %broadcast_in_dim3A_928, %broadcast_in_dim3A_929 : vector<16xi1>, vector<16xi32>
    %add3A_931 = arith.addi %add3A_922, %select_n3A_930 : vector<16xi32>
    %gt3A_932 = arith.constant 1.000000e+02 : f32
    %gt3A_933 = vector.broadcast %gt3A_932 : f32 to vector<16xf32>
    %gt3A_934 = arith.cmpf ogt, %get3A_848, %gt3A_933 : vector<16xf32>
    %jit3A_935 = arith.constant 1 : i32
    %jit3A_936 = arith.constant 0 : i32
    %broadcast_in_dim3A_937 = vector.broadcast %jit3A_935 : i32 to vector<16xi32>
    %broadcast_in_dim3A_938 = vector.broadcast %jit3A_936 : i32 to vector<16xi32>
    %select_n3A_939 = arith.select %gt3A_934, %broadcast_in_dim3A_937, %broadcast_in_dim3A_938 : vector<16xi1>, vector<16xi32>
    %add3A_940 = arith.addi %add3A_931, %select_n3A_939 : vector<16xi32>
    %gt3A_941 = arith.constant 2.000000e+02 : f32
    %gt3A_942 = vector.broadcast %gt3A_941 : f32 to vector<16xf32>
    %gt3A_943 = arith.cmpf ogt, %get3A_848, %gt3A_942 : vector<16xf32>
    %jit3A_944 = arith.constant 1 : i32
    %jit3A_945 = arith.constant 0 : i32
    %broadcast_in_dim3A_946 = vector.broadcast %jit3A_944 : i32 to vector<16xi32>
    %broadcast_in_dim3A_947 = vector.broadcast %jit3A_945 : i32 to vector<16xi32>
    %select_n3A_948 = arith.select %gt3A_943, %broadcast_in_dim3A_946, %broadcast_in_dim3A_947 : vector<16xi1>, vector<16xi32>
    %add3A_949 = arith.addi %add3A_940, %select_n3A_948 : vector<16xi32>
    %gt3A_950 = arith.constant 5.000000e+02 : f32
    %gt3A_951 = vector.broadcast %gt3A_950 : f32 to vector<16xf32>
    %gt3A_952 = arith.cmpf ogt, %get3A_848, %gt3A_951 : vector<16xf32>
    %jit3A_953 = arith.constant 1 : i32
    %jit3A_954 = arith.constant 0 : i32
    %broadcast_in_dim3A_955 = vector.broadcast %jit3A_953 : i32 to vector<16xi32>
    %broadcast_in_dim3A_956 = vector.broadcast %jit3A_954 : i32 to vector<16xi32>
    %select_n3A_957 = arith.select %gt3A_952, %broadcast_in_dim3A_955, %broadcast_in_dim3A_956 : vector<16xi1>, vector<16xi32>
    %add3A_958 = arith.addi %add3A_949, %select_n3A_957 : vector<16xi32>
    %gt3A_959 = arith.constant 1.000000e+03 : f32
    %gt3A_960 = vector.broadcast %gt3A_959 : f32 to vector<16xf32>
    %gt3A_961 = arith.cmpf ogt, %get3A_848, %gt3A_960 : vector<16xf32>
    %jit3A_962 = arith.constant 1 : i32
    %jit3A_963 = arith.constant 0 : i32
    %broadcast_in_dim3A_964 = vector.broadcast %jit3A_962 : i32 to vector<16xi32>
    %broadcast_in_dim3A_965 = vector.broadcast %jit3A_963 : i32 to vector<16xi32>
    %select_n3A_966 = arith.select %gt3A_961, %broadcast_in_dim3A_964, %broadcast_in_dim3A_965 : vector<16xi1>, vector<16xi32>
    %add3A_967 = arith.addi %add3A_958, %select_n3A_966 : vector<16xi32>
    %mul3A_968 = arith.constant 64 : i32
    %mul3A_969 = vector.broadcast %mul3A_968 : i32 to vector<16xi32>
    %mul3A_970 = arith.muli %add3A_967, %mul3A_969 : vector<16xi32>
    %get3A_971 = arith.constant 96 : index
    %get3A_972 = tpu.vector_load %arg13[%get3A_971] {strides = array<i32>} : memref<6400xi32, #tpu.memory_space<vmem>>, vector<16xi32>,
    %add3A_973 = arith.addi %mul3A_970, %get3A_972 : vector<16xi32>
    %swap3A_974 = arith.constant 0 : i32
    %swap3A_975 = arith.index_cast %swap3A_974 : i32 to index
    %swap3A_976 = arith.constant 96 : index
    %swap3A_977 = tpu.vector_load %arg14[%swap3A_975, %swap3A_976] {strides = array<i32>} : memref<2x128xi32, #tpu.memory_space<vmem>>, vector<16xi32>,
    tpu.vector_store %arg14[%swap3A_975, %swap3A_976], %add3A_973 {strides = array<i32>} : memref<2x128xi32, #tpu.memory_space<vmem>>, vector<16xi32>,
    %get3A_978 = arith.constant 112 : index
    %get3A_979 = tpu.vector_load %arg11[%get3A_978] {strides = array<i32>} : memref<6400xf32, #tpu.memory_space<vmem>>, vector<16xf32>,
    %broadcast_in_dim3A_980 = arith.constant 0 : i32
    %broadcast_in_dim3A_981 = vector.broadcast %broadcast_in_dim3A_980 : i32 to vector<16xi32>
    %gt3A_982 = arith.constant 0.000000e+00 : f32
    %gt3A_983 = vector.broadcast %gt3A_982 : f32 to vector<16xf32>
    %gt3A_984 = arith.cmpf ogt, %get3A_979, %gt3A_983 : vector<16xf32>
    %jit3A_985 = arith.constant 1 : i32
    %jit3A_986 = arith.constant 0 : i32
    %broadcast_in_dim3A_987 = vector.broadcast %jit3A_985 : i32 to vector<16xi32>
    %broadcast_in_dim3A_988 = vector.broadcast %jit3A_986 : i32 to vector<16xi32>
    %select_n3A_989 = arith.select %gt3A_984, %broadcast_in_dim3A_987, %broadcast_in_dim3A_988 : vector<16xi1>, vector<16xi32>
    %add3A_990 = arith.addi %broadcast_in_dim3A_981, %select_n3A_989 : vector<16xi32>
    %gt3A_991 = arith.constant 1.000000e-01 : f32
    %gt3A_992 = vector.broadcast %gt3A_991 : f32 to vector<16xf32>
    %gt3A_993 = arith.cmpf ogt, %get3A_979, %gt3A_992 : vector<16xf32>
    %jit3A_994 = arith.constant 1 : i32
    %jit3A_995 = arith.constant 0 : i32
    %broadcast_in_dim3A_996 = vector.broadcast %jit3A_994 : i32 to vector<16xi32>
    %broadcast_in_dim3A_997 = vector.broadcast %jit3A_995 : i32 to vector<16xi32>
    %select_n3A_998 = arith.select %gt3A_993, %broadcast_in_dim3A_996, %broadcast_in_dim3A_997 : vector<16xi1>, vector<16xi32>
    %add3A_999 = arith.addi %add3A_990, %select_n3A_998 : vector<16xi32>
    %gt3A_1000 = arith.constant 5.000000e-01 : f32
    %gt3A_1001 = vector.broadcast %gt3A_1000 : f32 to vector<16xf32>
    %gt3A_1002 = arith.cmpf ogt, %get3A_979, %gt3A_1001 : vector<16xf32>
    %jit3A_1003 = arith.constant 1 : i32
    %jit3A_1004 = arith.constant 0 : i32
    %broadcast_in_dim3A_1005 = vector.broadcast %jit3A_1003 : i32 to vector<16xi32>
    %broadcast_in_dim3A_1006 = vector.broadcast %jit3A_1004 : i32 to vector<16xi32>
    %select_n3A_1007 = arith.select %gt3A_1002, %broadcast_in_dim3A_1005, %broadcast_in_dim3A_1006 : vector<16xi1>, vector<16xi32>
    %add3A_1008 = arith.addi %add3A_999, %select_n3A_1007 : vector<16xi32>
    %gt3A_1009 = arith.constant 1.000000e+00 : f32
    %gt3A_1010 = vector.broadcast %gt3A_1009 : f32 to vector<16xf32>
    %gt3A_1011 = arith.cmpf ogt, %get3A_979, %gt3A_1010 : vector<16xf32>
    %jit3A_1012 = arith.constant 1 : i32
    %jit3A_1013 = arith.constant 0 : i32
    %broadcast_in_dim3A_1014 = vector.broadcast %jit3A_1012 : i32 to vector<16xi32>
    %broadcast_in_dim3A_1015 = vector.broadcast %jit3A_1013 : i32 to vector<16xi32>
    %select_n3A_1016 = arith.select %gt3A_1011, %broadcast_in_dim3A_1014, %broadcast_in_dim3A_1015 : vector<16xi1>, vector<16xi32>
    %add3A_1017 = arith.addi %add3A_1008, %select_n3A_1016 : vector<16xi32>
    %gt3A_1018 = arith.constant 2.000000e+00 : f32
    %gt3A_1019 = vector.broadcast %gt3A_1018 : f32 to vector<16xf32>
    %gt3A_1020 = arith.cmpf ogt, %get3A_979, %gt3A_1019 : vector<16xf32>
    %jit3A_1021 = arith.constant 1 : i32
    %jit3A_1022 = arith.constant 0 : i32
    %broadcast_in_dim3A_1023 = vector.broadcast %jit3A_1021 : i32 to vector<16xi32>
    %broadcast_in_dim3A_1024 = vector.broadcast %jit3A_1022 : i32 to vector<16xi32>
    %select_n3A_1025 = arith.select %gt3A_1020, %broadcast_in_dim3A_1023, %broadcast_in_dim3A_1024 : vector<16xi1>, vector<16xi32>
    %add3A_1026 = arith.addi %add3A_1017, %select_n3A_1025 : vector<16xi32>
    %gt3A_1027 = arith.constant 5.000000e+00 : f32
    %gt3A_1028 = vector.broadcast %gt3A_1027 : f32 to vector<16xf32>
    %gt3A_1029 = arith.cmpf ogt, %get3A_979, %gt3A_1028 : vector<16xf32>
    %jit3A_1030 = arith.constant 1 : i32
    %jit3A_1031 = arith.constant 0 : i32
    %broadcast_in_dim3A_1032 = vector.broadcast %jit3A_1030 : i32 to vector<16xi32>
    %broadcast_in_dim3A_1033 = vector.broadcast %jit3A_1031 : i32 to vector<16xi32>
    %select_n3A_1034 = arith.select %gt3A_1029, %broadcast_in_dim3A_1032, %broadcast_in_dim3A_1033 : vector<16xi1>, vector<16xi32>
    %add3A_1035 = arith.addi %add3A_1026, %select_n3A_1034 : vector<16xi32>
    %gt3A_1036 = arith.constant 1.000000e+01 : f32
    %gt3A_1037 = vector.broadcast %gt3A_1036 : f32 to vector<16xf32>
    %gt3A_1038 = arith.cmpf ogt, %get3A_979, %gt3A_1037 : vector<16xf32>
    %jit3A_1039 = arith.constant 1 : i32
    %jit3A_1040 = arith.constant 0 : i32
    %broadcast_in_dim3A_1041 = vector.broadcast %jit3A_1039 : i32 to vector<16xi32>
    %broadcast_in_dim3A_1042 = vector.broadcast %jit3A_1040 : i32 to vector<16xi32>
    %select_n3A_1043 = arith.select %gt3A_1038, %broadcast_in_dim3A_1041, %broadcast_in_dim3A_1042 : vector<16xi1>, vector<16xi32>
    %add3A_1044 = arith.addi %add3A_1035, %select_n3A_1043 : vector<16xi32>
    %gt3A_1045 = arith.constant 2.000000e+01 : f32
    %gt3A_1046 = vector.broadcast %gt3A_1045 : f32 to vector<16xf32>
    %gt3A_1047 = arith.cmpf ogt, %get3A_979, %gt3A_1046 : vector<16xf32>
    %jit3A_1048 = arith.constant 1 : i32
    %jit3A_1049 = arith.constant 0 : i32
    %broadcast_in_dim3A_1050 = vector.broadcast %jit3A_1048 : i32 to vector<16xi32>
    %broadcast_in_dim3A_1051 = vector.broadcast %jit3A_1049 : i32 to vector<16xi32>
    %select_n3A_1052 = arith.select %gt3A_1047, %broadcast_in_dim3A_1050, %broadcast_in_dim3A_1051 : vector<16xi1>, vector<16xi32>
    %add3A_1053 = arith.addi %add3A_1044, %select_n3A_1052 : vector<16xi32>
    %gt3A_1054 = arith.constant 5.000000e+01 : f32
    %gt3A_1055 = vector.broadcast %gt3A_1054 : f32 to vector<16xf32>
    %gt3A_1056 = arith.cmpf ogt, %get3A_979, %gt3A_1055 : vector<16xf32>
    %jit3A_1057 = arith.constant 1 : i32
    %jit3A_1058 = arith.constant 0 : i32
    %broadcast_in_dim3A_1059 = vector.broadcast %jit3A_1057 : i32 to vector<16xi32>
    %broadcast_in_dim3A_1060 = vector.broadcast %jit3A_1058 : i32 to vector<16xi32>
    %select_n3A_1061 = arith.select %gt3A_1056, %broadcast_in_dim3A_1059, %broadcast_in_dim3A_1060 : vector<16xi1>, vector<16xi32>
    %add3A_1062 = arith.addi %add3A_1053, %select_n3A_1061 : vector<16xi32>
    %gt3A_1063 = arith.constant 1.000000e+02 : f32
    %gt3A_1064 = vector.broadcast %gt3A_1063 : f32 to vector<16xf32>
    %gt3A_1065 = arith.cmpf ogt, %get3A_979, %gt3A_1064 : vector<16xf32>
    %jit3A_1066 = arith.constant 1 : i32
    %jit3A_1067 = arith.constant 0 : i32
    %broadcast_in_dim3A_1068 = vector.broadcast %jit3A_1066 : i32 to vector<16xi32>
    %broadcast_in_dim3A_1069 = vector.broadcast %jit3A_1067 : i32 to vector<16xi32>
    %select_n3A_1070 = arith.select %gt3A_1065, %broadcast_in_dim3A_1068, %broadcast_in_dim3A_1069 : vector<16xi1>, vector<16xi32>
    %add3A_1071 = arith.addi %add3A_1062, %select_n3A_1070 : vector<16xi32>
    %gt3A_1072 = arith.constant 2.000000e+02 : f32
    %gt3A_1073 = vector.broadcast %gt3A_1072 : f32 to vector<16xf32>
    %gt3A_1074 = arith.cmpf ogt, %get3A_979, %gt3A_1073 : vector<16xf32>
    %jit3A_1075 = arith.constant 1 : i32
    %jit3A_1076 = arith.constant 0 : i32
    %broadcast_in_dim3A_1077 = vector.broadcast %jit3A_1075 : i32 to vector<16xi32>
    %broadcast_in_dim3A_1078 = vector.broadcast %jit3A_1076 : i32 to vector<16xi32>
    %select_n3A_1079 = arith.select %gt3A_1074, %broadcast_in_dim3A_1077, %broadcast_in_dim3A_1078 : vector<16xi1>, vector<16xi32>
    %add3A_1080 = arith.addi %add3A_1071, %select_n3A_1079 : vector<16xi32>
    %gt3A_1081 = arith.constant 5.000000e+02 : f32
    %gt3A_1082 = vector.broadcast %gt3A_1081 : f32 to vector<16xf32>
    %gt3A_1083 = arith.cmpf ogt, %get3A_979, %gt3A_1082 : vector<16xf32>
    %jit3A_1084 = arith.constant 1 : i32
    %jit3A_1085 = arith.constant 0 : i32
    %broadcast_in_dim3A_1086 = vector.broadcast %jit3A_1084 : i32 to vector<16xi32>
    %broadcast_in_dim3A_1087 = vector.broadcast %jit3A_1085 : i32 to vector<16xi32>
    %select_n3A_1088 = arith.select %gt3A_1083, %broadcast_in_dim3A_1086, %broadcast_in_dim3A_1087 : vector<16xi1>, vector<16xi32>
    %add3A_1089 = arith.addi %add3A_1080, %select_n3A_1088 : vector<16xi32>
    %gt3A_1090 = arith.constant 1.000000e+03 : f32
    %gt3A_1091 = vector.broadcast %gt3A_1090 : f32 to vector<16xf32>
    %gt3A_1092 = arith.cmpf ogt, %get3A_979, %gt3A_1091 : vector<16xf32>
    %jit3A_1093 = arith.constant 1 : i32
    %jit3A_1094 = arith.constant 0 : i32
    %broadcast_in_dim3A_1095 = vector.broadcast %jit3A_1093 : i32 to vector<16xi32>
    %broadcast_in_dim3A_1096 = vector.broadcast %jit3A_1094 : i32 to vector<16xi32>
    %select_n3A_1097 = arith.select %gt3A_1092, %broadcast_in_dim3A_1095, %broadcast_in_dim3A_1096 : vector<16xi1>, vector<16xi32>
    %add3A_1098 = arith.addi %add3A_1089, %select_n3A_1097 : vector<16xi32>
    %mul3A_1099 = arith.constant 64 : i32
    %mul3A_1100 = vector.broadcast %mul3A_1099 : i32 to vector<16xi32>
    %mul3A_1101 = arith.muli %add3A_1098, %mul3A_1100 : vector<16xi32>
    %get3A_1102 = arith.constant 112 : index
    %get3A_1103 = tpu.vector_load %arg13[%get3A_1102] {strides = array<i32>} : memref<6400xi32, #tpu.memory_space<vmem>>, vector<16xi32>,
    %add3A_1104 = arith.addi %mul3A_1101, %get3A_1103 : vector<16xi32>
    %swap3A_1105 = arith.constant 0 : i32
    %swap3A_1106 = arith.index_cast %swap3A_1105 : i32 to index
    %swap3A_1107 = arith.constant 112 : index
    %swap3A_1108 = tpu.vector_load %arg14[%swap3A_1106, %swap3A_1107] {strides = array<i32>} : memref<2x128xi32, #tpu.memory_space<vmem>>, vector<16xi32>,
    tpu.vector_store %arg14[%swap3A_1106, %swap3A_1107], %add3A_1104 {strides = array<i32>} : memref<2x128xi32, #tpu.memory_space<vmem>>, vector<16xi32>,
    %dma_start3A_1109 = arith.constant 0 : i32
    %dma_start3A_1110 = arith.constant 0 : i32
    %dma_start3A_1111 = arith.constant 0 : i32
    %dma_start3A_1112 = arith.constant 0 : i32
    %dma_start3A_1113 = arith.constant 0 : i32
    %dma_start3A_1114 = tpu.memref_slice %arg15[%dma_start3A_1110, %dma_start3A_1112, %dma_start3A_1113] : memref<2x128x64xi32, #tpu.memory_space<vmem>> -> memref<1x128x64xi32, #tpu.memory_space<vmem>>
    %dma_start3A_1115 = tpu.memref_squeeze %dma_start3A_1114 : memref<1x128x64xi32, #tpu.memory_space<vmem>> -> memref<128x64xi32, #tpu.memory_space<vmem>>
    %dma_start3A_1116 = arith.constant 0 : i32
    %dma_start3A_1117 = tpu.memref_slice %arg14[%dma_start3A_1109, %dma_start3A_1116] : memref<2x128xi32, #tpu.memory_space<vmem>> -> memref<1x128xi32, #tpu.memory_space<vmem>>
    %dma_start3A_1118 = tpu.memref_squeeze %dma_start3A_1117 : memref<1x128xi32, #tpu.memory_space<vmem>> -> memref<128xi32, #tpu.memory_space<vmem>>
    %dma_start3A_1119 = arith.constant 0 : i32
    %dma_start3A_1120 = arith.constant 0 : i32
    %dma_start3A_1121 = tpu.memref_slice %arg7[%dma_start3A_1119, %dma_start3A_1120] : memref<896x64xi32, #tpu.memory_space<hbm>> -> memref<896x64xi32, #tpu.memory_space<hbm>>
    %dma_start3A_1122 = tpu.memref_slice %arg18[%dma_start3A_1111] : memref<2x!tpu.dma_semaphore, #tpu.memory_space<semaphore_mem>> -> memref<1x!tpu.dma_semaphore, #tpu.memory_space<semaphore_mem>>
    %dma_start3A_1123 = tpu.memref_squeeze %dma_start3A_1122 : memref<1x!tpu.dma_semaphore, #tpu.memory_space<semaphore_mem>> -> memref<!tpu.dma_semaphore, #tpu.memory_space<semaphore_mem>>
    tpu.enqueue_indirect_dma source(%dma_start3A_1121 : memref<896x64xi32, #tpu.memory_space<hbm>>) target(%dma_start3A_1115 : memref<128x64xi32, #tpu.memory_space<vmem>>) offsets(%dma_start3A_1118 : memref<128xi32, #tpu.memory_space<vmem>>) semaphore(%dma_start3A_1123 : memref<!tpu.dma_semaphore, #tpu.memory_space<semaphore_mem>>)
    %scan3A = arith.constant 0 : i32
    %scan3A_1124 = arith.constant 25 : i32
    %scan3A_1125 = arith.addi %scan3A, %scan3A_1124 : i32
    %scan3A_1126 = arith.constant 1 : i32
    scf.for %scan3A_1160 = %scan3A to %scan3A_1125 step %scan3A_1126  : i32 {
      %mul3A_1161 = arith.constant 1 : i32
      %mul3A_1162 = arith.muli %scan3A_1160, %mul3A_1161 : i32
      %add3A_1163 = arith.constant 0 : i32
      %add3A_1164 = arith.addi %add3A_1163, %mul3A_1162 : i32
      %mul3A_1165 = arith.constant 2 : i32
      %mul3A_1166 = arith.muli %mul3A_1165, %add3A_1164 : i32
      %add3A_1167 = arith.constant 0 : i32
      %add3A_1168 = arith.addi %mul3A_1166, %add3A_1167 : i32
      %add3A_1169 = arith.constant 1 : i32
      %add3A_1170 = arith.addi %add3A_1168, %add3A_1169 : i32
      %lt3A = arith.constant 50 : i32
      %lt3A_1171 = arith.cmpi slt, %add3A_1170, %lt3A : i32
      %convert_element_type3A = arith.extui %lt3A_1171 : i1 to i32
      %cond3A = arith.constant 0 : i32
      %cond3A_1172 = arith.cmpi ne, %convert_element_type3A, %cond3A : i32
      scf.if %cond3A_1172 {
        %ge3A = arith.constant 1 : i32
        %ge3A_1322 = arith.cmpi sge, %add3A_1168, %ge3A : i32
        %convert_element_type3A_1323 = arith.extui %ge3A_1322 : i1 to i32
        %cond3A_1324 = arith.constant 0 : i32
        %cond3A_1325 = arith.cmpi ne, %convert_element_type3A_1323, %cond3A_1324 : i32
        scf.if %cond3A_1325 {
          %dma_wait3A_2433 = arith.constant 1 : i32
          %dma_wait3A_2434 = arith.constant 1 : i32
          %dma_wait3A_2435 = arith.constant 0 : i32
          %dma_wait3A_2436 = arith.constant 0 : i32
          %dma_wait3A_2437 = tpu.memref_slice %arg17[%dma_wait3A_2433, %dma_wait3A_2435, %dma_wait3A_2436] : memref<2x128x128xf32, #tpu.memory_space<vmem>> -> memref<1x128x128xf32, #tpu.memory_space<vmem>>
          %dma_wait3A_2438 = tpu.memref_squeeze %dma_wait3A_2437 : memref<1x128x128xf32, #tpu.memory_space<vmem>> -> memref<128x128xf32, #tpu.memory_space<vmem>>
          %dma_wait3A_2439 = arith.constant 0 : i32
          %dma_wait3A_2440 = tpu.memref_slice %arg9[%mul3A_2, %dma_wait3A_2439] : memref<204800x128xf32, #tpu.memory_space<hbm>> -> memref<128x128xf32, #tpu.memory_space<hbm>>
          %dma_wait3A_2441 = tpu.memref_slice %arg19[%dma_wait3A_2434] : memref<2x!tpu.dma_semaphore, #tpu.memory_space<semaphore_mem>> -> memref<1x!tpu.dma_semaphore, #tpu.memory_space<semaphore_mem>>
          %dma_wait3A_2442 = tpu.memref_squeeze %dma_wait3A_2441 : memref<1x!tpu.dma_semaphore, #tpu.memory_space<semaphore_mem>> -> memref<!tpu.dma_semaphore, #tpu.memory_space<semaphore_mem>>
          %dma_wait3A_2443 = arith.constant 0 : i32
          %dma_wait3A_2444 = tpu.memref_slice %arg9[%mul3A_2, %dma_wait3A_2443] : memref<204800x128xf32, #tpu.memory_space<hbm>> -> memref<128x128xf32, #tpu.memory_space<hbm>>
          %dma_wait3A_2445 = arith.constant 0 : i32
          %dma_wait3A_2446 = arith.constant 0 : i32
          %dma_wait3A_2447 = tpu.memref_slice %arg17[%dma_wait3A_2433, %dma_wait3A_2445, %dma_wait3A_2446] : memref<2x128x128xf32, #tpu.memory_space<vmem>> -> memref<1x128x128xf32, #tpu.memory_space<vmem>>
          %dma_wait3A_2448 = tpu.memref_squeeze %dma_wait3A_2447 : memref<1x128x128xf32, #tpu.memory_space<vmem>> -> memref<128x128xf32, #tpu.memory_space<vmem>>
          tpu.wait_dma2 semaphore(%dma_wait3A_2442 : memref<!tpu.dma_semaphore, #tpu.memory_space<semaphore_mem>>) src(%dma_wait3A_2448 : memref<128x128xf32, #tpu.memory_space<vmem>>) dst(%dma_wait3A_2444 : memref<128x128xf32, #tpu.memory_space<hbm>>)
        } else {
        }
        %add3A_1326 = arith.constant 1 : i32
        %add3A_1327 = arith.addi %add3A_1168, %add3A_1326 : i32
        %mul3A_1328 = arith.constant 128 : i32
        %mul3A_1329 = arith.muli %add3A_1327, %mul3A_1328 : i32
        %dma_start3A_1330 = arith.constant 1 : i32
        %dma_start3A_1331 = arith.constant 1 : i32
        %dma_start3A_1332 = arith.constant 0 : i32
        %dma_start3A_1333 = arith.constant 0 : i32
        %dma_start3A_1334 = tpu.memref_slice %arg17[%dma_start3A_1330, %dma_start3A_1332, %dma_start3A_1333] : memref<2x128x128xf32, #tpu.memory_space<vmem>> -> memref<1x128x128xf32, #tpu.memory_space<vmem>>
        %dma_start3A_1335 = tpu.memref_squeeze %dma_start3A_1334 : memref<1x128x128xf32, #tpu.memory_space<vmem>> -> memref<128x128xf32, #tpu.memory_space<vmem>>
        %dma_start3A_1336 = tpu.memref_slice %arg10[%mul3A_1329] : memref<6400xi32, #tpu.memory_space<vmem>> -> memref<128xi32, #tpu.memory_space<vmem>>
        %dma_start3A_1337 = arith.constant 0 : i32
        %dma_start3A_1338 = arith.constant 0 : i32
        %dma_start3A_1339 = tpu.memref_slice %arg6[%dma_start3A_1337, %dma_start3A_1338] : memref<100000x128xf32, #tpu.memory_space<hbm>> -> memref<100000x128xf32, #tpu.memory_space<hbm>>
        %dma_start3A_1340 = tpu.memref_slice %arg18[%dma_start3A_1331] : memref<2x!tpu.dma_semaphore, #tpu.memory_space<semaphore_mem>> -> memref<1x!tpu.dma_semaphore, #tpu.memory_space<semaphore_mem>>
        %dma_start3A_1341 = tpu.memref_squeeze %dma_start3A_1340 : memref<1x!tpu.dma_semaphore, #tpu.memory_space<semaphore_mem>> -> memref<!tpu.dma_semaphore, #tpu.memory_space<semaphore_mem>>
        tpu.enqueue_indirect_dma source(%dma_start3A_1339 : memref<100000x128xf32, #tpu.memory_space<hbm>>) target(%dma_start3A_1335 : memref<128x128xf32, #tpu.memory_space<vmem>>) offsets(%dma_start3A_1336 : memref<128xi32, #tpu.memory_space<vmem>>) semaphore(%dma_start3A_1341 : memref<!tpu.dma_semaphore, #tpu.memory_space<semaphore_mem>>)
        %dma_start3A_1342 = arith.constant 1 : i32
        %dma_start3A_1343 = arith.constant 1 : i32
        %dma_start3A_1344 = arith.constant 0 : i32
        %dma_start3A_1345 = arith.constant 0 : i32
        %dma_start3A_1346 = tpu.memref_slice %arg16[%dma_start3A_1342, %dma_start3A_1344, %dma_start3A_1345] : memref<2x128x64xi32, #tpu.memory_space<vmem>> -> memref<1x128x64xi32, #tpu.memory_space<vmem>>
        %dma_start3A_1347 = tpu.memref_squeeze %dma_start3A_1346 : memref<1x128x64xi32, #tpu.memory_space<vmem>> -> memref<128x64xi32, #tpu.memory_space<vmem>>
        %dma_start3A_1348 = tpu.memref_slice %arg12[%mul3A_1329] : memref<6400xi32, #tpu.memory_space<vmem>> -> memref<128xi32, #tpu.memory_space<vmem>>
        %dma_start3A_1349 = arith.constant 0 : i32
        %dma_start3A_1350 = arith.constant 0 : i32
        %dma_start3A_1351 = tpu.memref_slice %arg8[%dma_start3A_1349, %dma_start3A_1350] : memref<512x64xi32, #tpu.memory_space<hbm>> -> memref<512x64xi32, #tpu.memory_space<hbm>>
        %dma_start3A_1352 = tpu.memref_slice %arg18[%dma_start3A_1343] : memref<2x!tpu.dma_semaphore, #tpu.memory_space<semaphore_mem>> -> memref<1x!tpu.dma_semaphore, #tpu.memory_space<semaphore_mem>>
        %dma_start3A_1353 = tpu.memref_squeeze %dma_start3A_1352 : memref<1x!tpu.dma_semaphore, #tpu.memory_space<semaphore_mem>> -> memref<!tpu.dma_semaphore, #tpu.memory_space<semaphore_mem>>
        tpu.enqueue_indirect_dma source(%dma_start3A_1351 : memref<512x64xi32, #tpu.memory_space<hbm>>) target(%dma_start3A_1347 : memref<128x64xi32, #tpu.memory_space<vmem>>) offsets(%dma_start3A_1348 : memref<128xi32, #tpu.memory_space<vmem>>) semaphore(%dma_start3A_1353 : memref<!tpu.dma_semaphore, #tpu.memory_space<semaphore_mem>>)
        %add3A_1354 = arith.constant 0 : i32
        %add3A_1355 = arith.addi %mul3A_1329, %add3A_1354 : i32
        %get3A_1356 = arith.index_cast %add3A_1355 : i32 to index
        %get3A_1357 = tpu.vector_load %arg11[%get3A_1356] {strides = array<i32>} : memref<6400xf32, #tpu.memory_space<vmem>>, vector<16xf32>,
        %broadcast_in_dim3A_1358 = arith.constant 0 : i32
        %broadcast_in_dim3A_1359 = vector.broadcast %broadcast_in_dim3A_1358 : i32 to vector<16xi32>
        %gt3A_1360 = arith.constant 0.000000e+00 : f32
        %gt3A_1361 = vector.broadcast %gt3A_1360 : f32 to vector<16xf32>
        %gt3A_1362 = arith.cmpf ogt, %get3A_1357, %gt3A_1361 : vector<16xf32>
        %jit3A_1363 = arith.constant 1 : i32
        %jit3A_1364 = arith.constant 0 : i32
        %broadcast_in_dim3A_1365 = vector.broadcast %jit3A_1363 : i32 to vector<16xi32>
        %broadcast_in_dim3A_1366 = vector.broadcast %jit3A_1364 : i32 to vector<16xi32>
        %select_n3A_1367 = arith.select %gt3A_1362, %broadcast_in_dim3A_1365, %broadcast_in_dim3A_1366 : vector<16xi1>, vector<16xi32>
        %add3A_1368 = arith.addi %broadcast_in_dim3A_1359, %select_n3A_1367 : vector<16xi32>
        %gt3A_1369 = arith.constant 1.000000e-01 : f32
        %gt3A_1370 = vector.broadcast %gt3A_1369 : f32 to vector<16xf32>
        %gt3A_1371 = arith.cmpf ogt, %get3A_1357, %gt3A_1370 : vector<16xf32>
        %jit3A_1372 = arith.constant 1 : i32
        %jit3A_1373 = arith.constant 0 : i32
        %broadcast_in_dim3A_1374 = vector.broadcast %jit3A_1372 : i32 to vector<16xi32>
        %broadcast_in_dim3A_1375 = vector.broadcast %jit3A_1373 : i32 to vector<16xi32>
        %select_n3A_1376 = arith.select %gt3A_1371, %broadcast_in_dim3A_1374, %broadcast_in_dim3A_1375 : vector<16xi1>, vector<16xi32>
        %add3A_1377 = arith.addi %add3A_1368, %select_n3A_1376 : vector<16xi32>
        %gt3A_1378 = arith.constant 5.000000e-01 : f32
        %gt3A_1379 = vector.broadcast %gt3A_1378 : f32 to vector<16xf32>
        %gt3A_1380 = arith.cmpf ogt, %get3A_1357, %gt3A_1379 : vector<16xf32>
        %jit3A_1381 = arith.constant 1 : i32
        %jit3A_1382 = arith.constant 0 : i32
        %broadcast_in_dim3A_1383 = vector.broadcast %jit3A_1381 : i32 to vector<16xi32>
        %broadcast_in_dim3A_1384 = vector.broadcast %jit3A_1382 : i32 to vector<16xi32>
        %select_n3A_1385 = arith.select %gt3A_1380, %broadcast_in_dim3A_1383, %broadcast_in_dim3A_1384 : vector<16xi1>, vector<16xi32>
        %add3A_1386 = arith.addi %add3A_1377, %select_n3A_1385 : vector<16xi32>
        %gt3A_1387 = arith.constant 1.000000e+00 : f32
        %gt3A_1388 = vector.broadcast %gt3A_1387 : f32 to vector<16xf32>
        %gt3A_1389 = arith.cmpf ogt, %get3A_1357, %gt3A_1388 : vector<16xf32>
        %jit3A_1390 = arith.constant 1 : i32
        %jit3A_1391 = arith.constant 0 : i32
        %broadcast_in_dim3A_1392 = vector.broadcast %jit3A_1390 : i32 to vector<16xi32>
        %broadcast_in_dim3A_1393 = vector.broadcast %jit3A_1391 : i32 to vector<16xi32>
        %select_n3A_1394 = arith.select %gt3A_1389, %broadcast_in_dim3A_1392, %broadcast_in_dim3A_1393 : vector<16xi1>, vector<16xi32>
        %add3A_1395 = arith.addi %add3A_1386, %select_n3A_1394 : vector<16xi32>
        %gt3A_1396 = arith.constant 2.000000e+00 : f32
        %gt3A_1397 = vector.broadcast %gt3A_1396 : f32 to vector<16xf32>
        %gt3A_1398 = arith.cmpf ogt, %get3A_1357, %gt3A_1397 : vector<16xf32>
        %jit3A_1399 = arith.constant 1 : i32
        %jit3A_1400 = arith.constant 0 : i32
        %broadcast_in_dim3A_1401 = vector.broadcast %jit3A_1399 : i32 to vector<16xi32>
        %broadcast_in_dim3A_1402 = vector.broadcast %jit3A_1400 : i32 to vector<16xi32>
        %select_n3A_1403 = arith.select %gt3A_1398, %broadcast_in_dim3A_1401, %broadcast_in_dim3A_1402 : vector<16xi1>, vector<16xi32>
        %add3A_1404 = arith.addi %add3A_1395, %select_n3A_1403 : vector<16xi32>
        %gt3A_1405 = arith.constant 5.000000e+00 : f32
        %gt3A_1406 = vector.broadcast %gt3A_1405 : f32 to vector<16xf32>
        %gt3A_1407 = arith.cmpf ogt, %get3A_1357, %gt3A_1406 : vector<16xf32>
        %jit3A_1408 = arith.constant 1 : i32
        %jit3A_1409 = arith.constant 0 : i32
        %broadcast_in_dim3A_1410 = vector.broadcast %jit3A_1408 : i32 to vector<16xi32>
        %broadcast_in_dim3A_1411 = vector.broadcast %jit3A_1409 : i32 to vector<16xi32>
        %select_n3A_1412 = arith.select %gt3A_1407, %broadcast_in_dim3A_1410, %broadcast_in_dim3A_1411 : vector<16xi1>, vector<16xi32>
        %add3A_1413 = arith.addi %add3A_1404, %select_n3A_1412 : vector<16xi32>
        %gt3A_1414 = arith.constant 1.000000e+01 : f32
        %gt3A_1415 = vector.broadcast %gt3A_1414 : f32 to vector<16xf32>
        %gt3A_1416 = arith.cmpf ogt, %get3A_1357, %gt3A_1415 : vector<16xf32>
        %jit3A_1417 = arith.constant 1 : i32
        %jit3A_1418 = arith.constant 0 : i32
        %broadcast_in_dim3A_1419 = vector.broadcast %jit3A_1417 : i32 to vector<16xi32>
        %broadcast_in_dim3A_1420 = vector.broadcast %jit3A_1418 : i32 to vector<16xi32>
        %select_n3A_1421 = arith.select %gt3A_1416, %broadcast_in_dim3A_1419, %broadcast_in_dim3A_1420 : vector<16xi1>, vector<16xi32>
        %add3A_1422 = arith.addi %add3A_1413, %select_n3A_1421 : vector<16xi32>
        %gt3A_1423 = arith.constant 2.000000e+01 : f32
        %gt3A_1424 = vector.broadcast %gt3A_1423 : f32 to vector<16xf32>
        %gt3A_1425 = arith.cmpf ogt, %get3A_1357, %gt3A_1424 : vector<16xf32>
        %jit3A_1426 = arith.constant 1 : i32
        %jit3A_1427 = arith.constant 0 : i32
        %broadcast_in_dim3A_1428 = vector.broadcast %jit3A_1426 : i32 to vector<16xi32>
        %broadcast_in_dim3A_1429 = vector.broadcast %jit3A_1427 : i32 to vector<16xi32>
        %select_n3A_1430 = arith.select %gt3A_1425, %broadcast_in_dim3A_1428, %broadcast_in_dim3A_1429 : vector<16xi1>, vector<16xi32>
        %add3A_1431 = arith.addi %add3A_1422, %select_n3A_1430 : vector<16xi32>
        %gt3A_1432 = arith.constant 5.000000e+01 : f32
        %gt3A_1433 = vector.broadcast %gt3A_1432 : f32 to vector<16xf32>
        %gt3A_1434 = arith.cmpf ogt, %get3A_1357, %gt3A_1433 : vector<16xf32>
        %jit3A_1435 = arith.constant 1 : i32
        %jit3A_1436 = arith.constant 0 : i32
        %broadcast_in_dim3A_1437 = vector.broadcast %jit3A_1435 : i32 to vector<16xi32>
        %broadcast_in_dim3A_1438 = vector.broadcast %jit3A_1436 : i32 to vector<16xi32>
        %select_n3A_1439 = arith.select %gt3A_1434, %broadcast_in_dim3A_1437, %broadcast_in_dim3A_1438 : vector<16xi1>, vector<16xi32>
        %add3A_1440 = arith.addi %add3A_1431, %select_n3A_1439 : vector<16xi32>
        %gt3A_1441 = arith.constant 1.000000e+02 : f32
        %gt3A_1442 = vector.broadcast %gt3A_1441 : f32 to vector<16xf32>
        %gt3A_1443 = arith.cmpf ogt, %get3A_1357, %gt3A_1442 : vector<16xf32>
        %jit3A_1444 = arith.constant 1 : i32
        %jit3A_1445 = arith.constant 0 : i32
        %broadcast_in_dim3A_1446 = vector.broadcast %jit3A_1444 : i32 to vector<16xi32>
        %broadcast_in_dim3A_1447 = vector.broadcast %jit3A_1445 : i32 to vector<16xi32>
        %select_n3A_1448 = arith.select %gt3A_1443, %broadcast_in_dim3A_1446, %broadcast_in_dim3A_1447 : vector<16xi1>, vector<16xi32>
        %add3A_1449 = arith.addi %add3A_1440, %select_n3A_1448 : vector<16xi32>
        %gt3A_1450 = arith.constant 2.000000e+02 : f32
        %gt3A_1451 = vector.broadcast %gt3A_1450 : f32 to vector<16xf32>
        %gt3A_1452 = arith.cmpf ogt, %get3A_1357, %gt3A_1451 : vector<16xf32>
        %jit3A_1453 = arith.constant 1 : i32
        %jit3A_1454 = arith.constant 0 : i32
        %broadcast_in_dim3A_1455 = vector.broadcast %jit3A_1453 : i32 to vector<16xi32>
        %broadcast_in_dim3A_1456 = vector.broadcast %jit3A_1454 : i32 to vector<16xi32>
        %select_n3A_1457 = arith.select %gt3A_1452, %broadcast_in_dim3A_1455, %broadcast_in_dim3A_1456 : vector<16xi1>, vector<16xi32>
        %add3A_1458 = arith.addi %add3A_1449, %select_n3A_1457 : vector<16xi32>
        %gt3A_1459 = arith.constant 5.000000e+02 : f32
        %gt3A_1460 = vector.broadcast %gt3A_1459 : f32 to vector<16xf32>
        %gt3A_1461 = arith.cmpf ogt, %get3A_1357, %gt3A_1460 : vector<16xf32>
        %jit3A_1462 = arith.constant 1 : i32
        %jit3A_1463 = arith.constant 0 : i32
        %broadcast_in_dim3A_1464 = vector.broadcast %jit3A_1462 : i32 to vector<16xi32>
        %broadcast_in_dim3A_1465 = vector.broadcast %jit3A_1463 : i32 to vector<16xi32>
        %select_n3A_1466 = arith.select %gt3A_1461, %broadcast_in_dim3A_1464, %broadcast_in_dim3A_1465 : vector<16xi1>, vector<16xi32>
        %add3A_1467 = arith.addi %add3A_1458, %select_n3A_1466 : vector<16xi32>
        %gt3A_1468 = arith.constant 1.000000e+03 : f32
        %gt3A_1469 = vector.broadcast %gt3A_1468 : f32 to vector<16xf32>
        %gt3A_1470 = arith.cmpf ogt, %get3A_1357, %gt3A_1469 : vector<16xf32>
        %jit3A_1471 = arith.constant 1 : i32
        %jit3A_1472 = arith.constant 0 : i32
        %broadcast_in_dim3A_1473 = vector.broadcast %jit3A_1471 : i32 to vector<16xi32>
        %broadcast_in_dim3A_1474 = vector.broadcast %jit3A_1472 : i32 to vector<16xi32>
        %select_n3A_1475 = arith.select %gt3A_1470, %broadcast_in_dim3A_1473, %broadcast_in_dim3A_1474 : vector<16xi1>, vector<16xi32>
        %add3A_1476 = arith.addi %add3A_1467, %select_n3A_1475 : vector<16xi32>
        %mul3A_1477 = arith.constant 64 : i32
        %mul3A_1478 = vector.broadcast %mul3A_1477 : i32 to vector<16xi32>
        %mul3A_1479 = arith.muli %add3A_1476, %mul3A_1478 : vector<16xi32>
        %get3A_1480 = arith.index_cast %add3A_1355 : i32 to index
        %get3A_1481 = tpu.vector_load %arg13[%get3A_1480] {strides = array<i32>} : memref<6400xi32, #tpu.memory_space<vmem>>, vector<16xi32>,
        %add3A_1482 = arith.addi %mul3A_1479, %get3A_1481 : vector<16xi32>
        %swap3A_1483 = arith.constant 1 : i32
        %swap3A_1484 = arith.index_cast %swap3A_1483 : i32 to index
        %swap3A_1485 = arith.constant 0 : index
        %swap3A_1486 = tpu.vector_load %arg14[%swap3A_1484, %swap3A_1485] {strides = array<i32>} : memref<2x128xi32, #tpu.memory_space<vmem>>, vector<16xi32>,
        tpu.vector_store %arg14[%swap3A_1484, %swap3A_1485], %add3A_1482 {strides = array<i32>} : memref<2x128xi32, #tpu.memory_space<vmem>>, vector<16xi32>,
        %add3A_1487 = arith.constant 16 : i32
        %add3A_1488 = arith.addi %mul3A_1329, %add3A_1487 : i32
        %get3A_1489 = arith.index_cast %add3A_1488 : i32 to index
        %get3A_1490 = tpu.vector_load %arg11[%get3A_1489] {strides = array<i32>} : memref<6400xf32, #tpu.memory_space<vmem>>, vector<16xf32>,
        %broadcast_in_dim3A_1491 = arith.constant 0 : i32
        %broadcast_in_dim3A_1492 = vector.broadcast %broadcast_in_dim3A_1491 : i32 to vector<16xi32>
        %gt3A_1493 = arith.constant 0.000000e+00 : f32
        %gt3A_1494 = vector.broadcast %gt3A_1493 : f32 to vector<16xf32>
        %gt3A_1495 = arith.cmpf ogt, %get3A_1490, %gt3A_1494 : vector<16xf32>
        %jit3A_1496 = arith.constant 1 : i32
        %jit3A_1497 = arith.constant 0 : i32
        %broadcast_in_dim3A_1498 = vector.broadcast %jit3A_1496 : i32 to vector<16xi32>
        %broadcast_in_dim3A_1499 = vector.broadcast %jit3A_1497 : i32 to vector<16xi32>
        %select_n3A_1500 = arith.select %gt3A_1495, %broadcast_in_dim3A_1498, %broadcast_in_dim3A_1499 : vector<16xi1>, vector<16xi32>
        %add3A_1501 = arith.addi %broadcast_in_dim3A_1492, %select_n3A_1500 : vector<16xi32>
        %gt3A_1502 = arith.constant 1.000000e-01 : f32
        %gt3A_1503 = vector.broadcast %gt3A_1502 : f32 to vector<16xf32>
        %gt3A_1504 = arith.cmpf ogt, %get3A_1490, %gt3A_1503 : vector<16xf32>
        %jit3A_1505 = arith.constant 1 : i32
        %jit3A_1506 = arith.constant 0 : i32
        %broadcast_in_dim3A_1507 = vector.broadcast %jit3A_1505 : i32 to vector<16xi32>
        %broadcast_in_dim3A_1508 = vector.broadcast %jit3A_1506 : i32 to vector<16xi32>
        %select_n3A_1509 = arith.select %gt3A_1504, %broadcast_in_dim3A_1507, %broadcast_in_dim3A_1508 : vector<16xi1>, vector<16xi32>
        %add3A_1510 = arith.addi %add3A_1501, %select_n3A_1509 : vector<16xi32>
        %gt3A_1511 = arith.constant 5.000000e-01 : f32
        %gt3A_1512 = vector.broadcast %gt3A_1511 : f32 to vector<16xf32>
        %gt3A_1513 = arith.cmpf ogt, %get3A_1490, %gt3A_1512 : vector<16xf32>
        %jit3A_1514 = arith.constant 1 : i32
        %jit3A_1515 = arith.constant 0 : i32
        %broadcast_in_dim3A_1516 = vector.broadcast %jit3A_1514 : i32 to vector<16xi32>
        %broadcast_in_dim3A_1517 = vector.broadcast %jit3A_1515 : i32 to vector<16xi32>
        %select_n3A_1518 = arith.select %gt3A_1513, %broadcast_in_dim3A_1516, %broadcast_in_dim3A_1517 : vector<16xi1>, vector<16xi32>
        %add3A_1519 = arith.addi %add3A_1510, %select_n3A_1518 : vector<16xi32>
        %gt3A_1520 = arith.constant 1.000000e+00 : f32
        %gt3A_1521 = vector.broadcast %gt3A_1520 : f32 to vector<16xf32>
        %gt3A_1522 = arith.cmpf ogt, %get3A_1490, %gt3A_1521 : vector<16xf32>
        %jit3A_1523 = arith.constant 1 : i32
        %jit3A_1524 = arith.constant 0 : i32
        %broadcast_in_dim3A_1525 = vector.broadcast %jit3A_1523 : i32 to vector<16xi32>
        %broadcast_in_dim3A_1526 = vector.broadcast %jit3A_1524 : i32 to vector<16xi32>
        %select_n3A_1527 = arith.select %gt3A_1522, %broadcast_in_dim3A_1525, %broadcast_in_dim3A_1526 : vector<16xi1>, vector<16xi32>
        %add3A_1528 = arith.addi %add3A_1519, %select_n3A_1527 : vector<16xi32>
        %gt3A_1529 = arith.constant 2.000000e+00 : f32
        %gt3A_1530 = vector.broadcast %gt3A_1529 : f32 to vector<16xf32>
        %gt3A_1531 = arith.cmpf ogt, %get3A_1490, %gt3A_1530 : vector<16xf32>
        %jit3A_1532 = arith.constant 1 : i32
        %jit3A_1533 = arith.constant 0 : i32
        %broadcast_in_dim3A_1534 = vector.broadcast %jit3A_1532 : i32 to vector<16xi32>
        %broadcast_in_dim3A_1535 = vector.broadcast %jit3A_1533 : i32 to vector<16xi32>
        %select_n3A_1536 = arith.select %gt3A_1531, %broadcast_in_dim3A_1534, %broadcast_in_dim3A_1535 : vector<16xi1>, vector<16xi32>
        %add3A_1537 = arith.addi %add3A_1528, %select_n3A_1536 : vector<16xi32>
        %gt3A_1538 = arith.constant 5.000000e+00 : f32
        %gt3A_1539 = vector.broadcast %gt3A_1538 : f32 to vector<16xf32>
        %gt3A_1540 = arith.cmpf ogt, %get3A_1490, %gt3A_1539 : vector<16xf32>
        %jit3A_1541 = arith.constant 1 : i32
        %jit3A_1542 = arith.constant 0 : i32
        %broadcast_in_dim3A_1543 = vector.broadcast %jit3A_1541 : i32 to vector<16xi32>
        %broadcast_in_dim3A_1544 = vector.broadcast %jit3A_1542 : i32 to vector<16xi32>
        %select_n3A_1545 = arith.select %gt3A_1540, %broadcast_in_dim3A_1543, %broadcast_in_dim3A_1544 : vector<16xi1>, vector<16xi32>
        %add3A_1546 = arith.addi %add3A_1537, %select_n3A_1545 : vector<16xi32>
        %gt3A_1547 = arith.constant 1.000000e+01 : f32
        %gt3A_1548 = vector.broadcast %gt3A_1547 : f32 to vector<16xf32>
        %gt3A_1549 = arith.cmpf ogt, %get3A_1490, %gt3A_1548 : vector<16xf32>
        %jit3A_1550 = arith.constant 1 : i32
        %jit3A_1551 = arith.constant 0 : i32
        %broadcast_in_dim3A_1552 = vector.broadcast %jit3A_1550 : i32 to vector<16xi32>
        %broadcast_in_dim3A_1553 = vector.broadcast %jit3A_1551 : i32 to vector<16xi32>
        %select_n3A_1554 = arith.select %gt3A_1549, %broadcast_in_dim3A_1552, %broadcast_in_dim3A_1553 : vector<16xi1>, vector<16xi32>
        %add3A_1555 = arith.addi %add3A_1546, %select_n3A_1554 : vector<16xi32>
        %gt3A_1556 = arith.constant 2.000000e+01 : f32
        %gt3A_1557 = vector.broadcast %gt3A_1556 : f32 to vector<16xf32>
        %gt3A_1558 = arith.cmpf ogt, %get3A_1490, %gt3A_1557 : vector<16xf32>
        %jit3A_1559 = arith.constant 1 : i32
        %jit3A_1560 = arith.constant 0 : i32
        %broadcast_in_dim3A_1561 = vector.broadcast %jit3A_1559 : i32 to vector<16xi32>
        %broadcast_in_dim3A_1562 = vector.broadcast %jit3A_1560 : i32 to vector<16xi32>
        %select_n3A_1563 = arith.select %gt3A_1558, %broadcast_in_dim3A_1561, %broadcast_in_dim3A_1562 : vector<16xi1>, vector<16xi32>
        %add3A_1564 = arith.addi %add3A_1555, %select_n3A_1563 : vector<16xi32>
        %gt3A_1565 = arith.constant 5.000000e+01 : f32
        %gt3A_1566 = vector.broadcast %gt3A_1565 : f32 to vector<16xf32>
        %gt3A_1567 = arith.cmpf ogt, %get3A_1490, %gt3A_1566 : vector<16xf32>
        %jit3A_1568 = arith.constant 1 : i32
        %jit3A_1569 = arith.constant 0 : i32
        %broadcast_in_dim3A_1570 = vector.broadcast %jit3A_1568 : i32 to vector<16xi32>
        %broadcast_in_dim3A_1571 = vector.broadcast %jit3A_1569 : i32 to vector<16xi32>
        %select_n3A_1572 = arith.select %gt3A_1567, %broadcast_in_dim3A_1570, %broadcast_in_dim3A_1571 : vector<16xi1>, vector<16xi32>
        %add3A_1573 = arith.addi %add3A_1564, %select_n3A_1572 : vector<16xi32>
        %gt3A_1574 = arith.constant 1.000000e+02 : f32
        %gt3A_1575 = vector.broadcast %gt3A_1574 : f32 to vector<16xf32>
        %gt3A_1576 = arith.cmpf ogt, %get3A_1490, %gt3A_1575 : vector<16xf32>
        %jit3A_1577 = arith.constant 1 : i32
        %jit3A_1578 = arith.constant 0 : i32
        %broadcast_in_dim3A_1579 = vector.broadcast %jit3A_1577 : i32 to vector<16xi32>
        %broadcast_in_dim3A_1580 = vector.broadcast %jit3A_1578 : i32 to vector<16xi32>
        %select_n3A_1581 = arith.select %gt3A_1576, %broadcast_in_dim3A_1579, %broadcast_in_dim3A_1580 : vector<16xi1>, vector<16xi32>
        %add3A_1582 = arith.addi %add3A_1573, %select_n3A_1581 : vector<16xi32>
        %gt3A_1583 = arith.constant 2.000000e+02 : f32
        %gt3A_1584 = vector.broadcast %gt3A_1583 : f32 to vector<16xf32>
        %gt3A_1585 = arith.cmpf ogt, %get3A_1490, %gt3A_1584 : vector<16xf32>
        %jit3A_1586 = arith.constant 1 : i32
        %jit3A_1587 = arith.constant 0 : i32
        %broadcast_in_dim3A_1588 = vector.broadcast %jit3A_1586 : i32 to vector<16xi32>
        %broadcast_in_dim3A_1589 = vector.broadcast %jit3A_1587 : i32 to vector<16xi32>
        %select_n3A_1590 = arith.select %gt3A_1585, %broadcast_in_dim3A_1588, %broadcast_in_dim3A_1589 : vector<16xi1>, vector<16xi32>
        %add3A_1591 = arith.addi %add3A_1582, %select_n3A_1590 : vector<16xi32>
        %gt3A_1592 = arith.constant 5.000000e+02 : f32
        %gt3A_1593 = vector.broadcast %gt3A_1592 : f32 to vector<16xf32>
        %gt3A_1594 = arith.cmpf ogt, %get3A_1490, %gt3A_1593 : vector<16xf32>
        %jit3A_1595 = arith.constant 1 : i32
        %jit3A_1596 = arith.constant 0 : i32
        %broadcast_in_dim3A_1597 = vector.broadcast %jit3A_1595 : i32 to vector<16xi32>
        %broadcast_in_dim3A_1598 = vector.broadcast %jit3A_1596 : i32 to vector<16xi32>
        %select_n3A_1599 = arith.select %gt3A_1594, %broadcast_in_dim3A_1597, %broadcast_in_dim3A_1598 : vector<16xi1>, vector<16xi32>
        %add3A_1600 = arith.addi %add3A_1591, %select_n3A_1599 : vector<16xi32>
        %gt3A_1601 = arith.constant 1.000000e+03 : f32
        %gt3A_1602 = vector.broadcast %gt3A_1601 : f32 to vector<16xf32>
        %gt3A_1603 = arith.cmpf ogt, %get3A_1490, %gt3A_1602 : vector<16xf32>
        %jit3A_1604 = arith.constant 1 : i32
        %jit3A_1605 = arith.constant 0 : i32
        %broadcast_in_dim3A_1606 = vector.broadcast %jit3A_1604 : i32 to vector<16xi32>
        %broadcast_in_dim3A_1607 = vector.broadcast %jit3A_1605 : i32 to vector<16xi32>
        %select_n3A_1608 = arith.select %gt3A_1603, %broadcast_in_dim3A_1606, %broadcast_in_dim3A_1607 : vector<16xi1>, vector<16xi32>
        %add3A_1609 = arith.addi %add3A_1600, %select_n3A_1608 : vector<16xi32>
        %mul3A_1610 = arith.constant 64 : i32
        %mul3A_1611 = vector.broadcast %mul3A_1610 : i32 to vector<16xi32>
        %mul3A_1612 = arith.muli %add3A_1609, %mul3A_1611 : vector<16xi32>
        %get3A_1613 = arith.index_cast %add3A_1488 : i32 to index
        %get3A_1614 = tpu.vector_load %arg13[%get3A_1613] {strides = array<i32>} : memref<6400xi32, #tpu.memory_space<vmem>>, vector<16xi32>,
        %add3A_1615 = arith.addi %mul3A_1612, %get3A_1614 : vector<16xi32>
        %swap3A_1616 = arith.constant 1 : i32
        %swap3A_1617 = arith.index_cast %swap3A_1616 : i32 to index
        %swap3A_1618 = arith.constant 16 : index
        %swap3A_1619 = tpu.vector_load %arg14[%swap3A_1617, %swap3A_1618] {strides = array<i32>} : memref<2x128xi32, #tpu.memory_space<vmem>>, vector<16xi32>,
        tpu.vector_store %arg14[%swap3A_1617, %swap3A_1618], %add3A_1615 {strides = array<i32>} : memref<2x128xi32, #tpu.memory_space<vmem>>, vector<16xi32>,
        %add3A_1620 = arith.constant 32 : i32
        %add3A_1621 = arith.addi %mul3A_1329, %add3A_1620 : i32
        %get3A_1622 = arith.index_cast %add3A_1621 : i32 to index
        %get3A_1623 = tpu.vector_load %arg11[%get3A_1622] {strides = array<i32>} : memref<6400xf32, #tpu.memory_space<vmem>>, vector<16xf32>,
        %broadcast_in_dim3A_1624 = arith.constant 0 : i32
        %broadcast_in_dim3A_1625 = vector.broadcast %broadcast_in_dim3A_1624 : i32 to vector<16xi32>
        %gt3A_1626 = arith.constant 0.000000e+00 : f32
        %gt3A_1627 = vector.broadcast %gt3A_1626 : f32 to vector<16xf32>
        %gt3A_1628 = arith.cmpf ogt, %get3A_1623, %gt3A_1627 : vector<16xf32>
        %jit3A_1629 = arith.constant 1 : i32
        %jit3A_1630 = arith.constant 0 : i32
        %broadcast_in_dim3A_1631 = vector.broadcast %jit3A_1629 : i32 to vector<16xi32>
        %broadcast_in_dim3A_1632 = vector.broadcast %jit3A_1630 : i32 to vector<16xi32>
        %select_n3A_1633 = arith.select %gt3A_1628, %broadcast_in_dim3A_1631, %broadcast_in_dim3A_1632 : vector<16xi1>, vector<16xi32>
        %add3A_1634 = arith.addi %broadcast_in_dim3A_1625, %select_n3A_1633 : vector<16xi32>
        %gt3A_1635 = arith.constant 1.000000e-01 : f32
        %gt3A_1636 = vector.broadcast %gt3A_1635 : f32 to vector<16xf32>
        %gt3A_1637 = arith.cmpf ogt, %get3A_1623, %gt3A_1636 : vector<16xf32>
        %jit3A_1638 = arith.constant 1 : i32
        %jit3A_1639 = arith.constant 0 : i32
        %broadcast_in_dim3A_1640 = vector.broadcast %jit3A_1638 : i32 to vector<16xi32>
        %broadcast_in_dim3A_1641 = vector.broadcast %jit3A_1639 : i32 to vector<16xi32>
        %select_n3A_1642 = arith.select %gt3A_1637, %broadcast_in_dim3A_1640, %broadcast_in_dim3A_1641 : vector<16xi1>, vector<16xi32>
        %add3A_1643 = arith.addi %add3A_1634, %select_n3A_1642 : vector<16xi32>
        %gt3A_1644 = arith.constant 5.000000e-01 : f32
        %gt3A_1645 = vector.broadcast %gt3A_1644 : f32 to vector<16xf32>
        %gt3A_1646 = arith.cmpf ogt, %get3A_1623, %gt3A_1645 : vector<16xf32>
        %jit3A_1647 = arith.constant 1 : i32
        %jit3A_1648 = arith.constant 0 : i32
        %broadcast_in_dim3A_1649 = vector.broadcast %jit3A_1647 : i32 to vector<16xi32>
        %broadcast_in_dim3A_1650 = vector.broadcast %jit3A_1648 : i32 to vector<16xi32>
        %select_n3A_1651 = arith.select %gt3A_1646, %broadcast_in_dim3A_1649, %broadcast_in_dim3A_1650 : vector<16xi1>, vector<16xi32>
        %add3A_1652 = arith.addi %add3A_1643, %select_n3A_1651 : vector<16xi32>
        %gt3A_1653 = arith.constant 1.000000e+00 : f32
        %gt3A_1654 = vector.broadcast %gt3A_1653 : f32 to vector<16xf32>
        %gt3A_1655 = arith.cmpf ogt, %get3A_1623, %gt3A_1654 : vector<16xf32>
        %jit3A_1656 = arith.constant 1 : i32
        %jit3A_1657 = arith.constant 0 : i32
        %broadcast_in_dim3A_1658 = vector.broadcast %jit3A_1656 : i32 to vector<16xi32>
        %broadcast_in_dim3A_1659 = vector.broadcast %jit3A_1657 : i32 to vector<16xi32>
        %select_n3A_1660 = arith.select %gt3A_1655, %broadcast_in_dim3A_1658, %broadcast_in_dim3A_1659 : vector<16xi1>, vector<16xi32>
        %add3A_1661 = arith.addi %add3A_1652, %select_n3A_1660 : vector<16xi32>
        %gt3A_1662 = arith.constant 2.000000e+00 : f32
        %gt3A_1663 = vector.broadcast %gt3A_1662 : f32 to vector<16xf32>
        %gt3A_1664 = arith.cmpf ogt, %get3A_1623, %gt3A_1663 : vector<16xf32>
        %jit3A_1665 = arith.constant 1 : i32
        %jit3A_1666 = arith.constant 0 : i32
        %broadcast_in_dim3A_1667 = vector.broadcast %jit3A_1665 : i32 to vector<16xi32>
        %broadcast_in_dim3A_1668 = vector.broadcast %jit3A_1666 : i32 to vector<16xi32>
        %select_n3A_1669 = arith.select %gt3A_1664, %broadcast_in_dim3A_1667, %broadcast_in_dim3A_1668 : vector<16xi1>, vector<16xi32>
        %add3A_1670 = arith.addi %add3A_1661, %select_n3A_1669 : vector<16xi32>
        %gt3A_1671 = arith.constant 5.000000e+00 : f32
        %gt3A_1672 = vector.broadcast %gt3A_1671 : f32 to vector<16xf32>
        %gt3A_1673 = arith.cmpf ogt, %get3A_1623, %gt3A_1672 : vector<16xf32>
        %jit3A_1674 = arith.constant 1 : i32
        %jit3A_1675 = arith.constant 0 : i32
        %broadcast_in_dim3A_1676 = vector.broadcast %jit3A_1674 : i32 to vector<16xi32>
        %broadcast_in_dim3A_1677 = vector.broadcast %jit3A_1675 : i32 to vector<16xi32>
        %select_n3A_1678 = arith.select %gt3A_1673, %broadcast_in_dim3A_1676, %broadcast_in_dim3A_1677 : vector<16xi1>, vector<16xi32>
        %add3A_1679 = arith.addi %add3A_1670, %select_n3A_1678 : vector<16xi32>
        %gt3A_1680 = arith.constant 1.000000e+01 : f32
        %gt3A_1681 = vector.broadcast %gt3A_1680 : f32 to vector<16xf32>
        %gt3A_1682 = arith.cmpf ogt, %get3A_1623, %gt3A_1681 : vector<16xf32>
        %jit3A_1683 = arith.constant 1 : i32
        %jit3A_1684 = arith.constant 0 : i32
        %broadcast_in_dim3A_1685 = vector.broadcast %jit3A_1683 : i32 to vector<16xi32>
        %broadcast_in_dim3A_1686 = vector.broadcast %jit3A_1684 : i32 to vector<16xi32>
        %select_n3A_1687 = arith.select %gt3A_1682, %broadcast_in_dim3A_1685, %broadcast_in_dim3A_1686 : vector<16xi1>, vector<16xi32>
        %add3A_1688 = arith.addi %add3A_1679, %select_n3A_1687 : vector<16xi32>
        %gt3A_1689 = arith.constant 2.000000e+01 : f32
        %gt3A_1690 = vector.broadcast %gt3A_1689 : f32 to vector<16xf32>
        %gt3A_1691 = arith.cmpf ogt, %get3A_1623, %gt3A_1690 : vector<16xf32>
        %jit3A_1692 = arith.constant 1 : i32
        %jit3A_1693 = arith.constant 0 : i32
        %broadcast_in_dim3A_1694 = vector.broadcast %jit3A_1692 : i32 to vector<16xi32>
        %broadcast_in_dim3A_1695 = vector.broadcast %jit3A_1693 : i32 to vector<16xi32>
        %select_n3A_1696 = arith.select %gt3A_1691, %broadcast_in_dim3A_1694, %broadcast_in_dim3A_1695 : vector<16xi1>, vector<16xi32>
        %add3A_1697 = arith.addi %add3A_1688, %select_n3A_1696 : vector<16xi32>
        %gt3A_1698 = arith.constant 5.000000e+01 : f32
        %gt3A_1699 = vector.broadcast %gt3A_1698 : f32 to vector<16xf32>
        %gt3A_1700 = arith.cmpf ogt, %get3A_1623, %gt3A_1699 : vector<16xf32>
        %jit3A_1701 = arith.constant 1 : i32
        %jit3A_1702 = arith.constant 0 : i32
        %broadcast_in_dim3A_1703 = vector.broadcast %jit3A_1701 : i32 to vector<16xi32>
        %broadcast_in_dim3A_1704 = vector.broadcast %jit3A_1702 : i32 to vector<16xi32>
        %select_n3A_1705 = arith.select %gt3A_1700, %broadcast_in_dim3A_1703, %broadcast_in_dim3A_1704 : vector<16xi1>, vector<16xi32>
        %add3A_1706 = arith.addi %add3A_1697, %select_n3A_1705 : vector<16xi32>
        %gt3A_1707 = arith.constant 1.000000e+02 : f32
        %gt3A_1708 = vector.broadcast %gt3A_1707 : f32 to vector<16xf32>
        %gt3A_1709 = arith.cmpf ogt, %get3A_1623, %gt3A_1708 : vector<16xf32>
        %jit3A_1710 = arith.constant 1 : i32
        %jit3A_1711 = arith.constant 0 : i32
        %broadcast_in_dim3A_1712 = vector.broadcast %jit3A_1710 : i32 to vector<16xi32>
        %broadcast_in_dim3A_1713 = vector.broadcast %jit3A_1711 : i32 to vector<16xi32>
        %select_n3A_1714 = arith.select %gt3A_1709, %broadcast_in_dim3A_1712, %broadcast_in_dim3A_1713 : vector<16xi1>, vector<16xi32>
        %add3A_1715 = arith.addi %add3A_1706, %select_n3A_1714 : vector<16xi32>
        %gt3A_1716 = arith.constant 2.000000e+02 : f32
        %gt3A_1717 = vector.broadcast %gt3A_1716 : f32 to vector<16xf32>
        %gt3A_1718 = arith.cmpf ogt, %get3A_1623, %gt3A_1717 : vector<16xf32>
        %jit3A_1719 = arith.constant 1 : i32
        %jit3A_1720 = arith.constant 0 : i32
        %broadcast_in_dim3A_1721 = vector.broadcast %jit3A_1719 : i32 to vector<16xi32>
        %broadcast_in_dim3A_1722 = vector.broadcast %jit3A_1720 : i32 to vector<16xi32>
        %select_n3A_1723 = arith.select %gt3A_1718, %broadcast_in_dim3A_1721, %broadcast_in_dim3A_1722 : vector<16xi1>, vector<16xi32>
        %add3A_1724 = arith.addi %add3A_1715, %select_n3A_1723 : vector<16xi32>
        %gt3A_1725 = arith.constant 5.000000e+02 : f32
        %gt3A_1726 = vector.broadcast %gt3A_1725 : f32 to vector<16xf32>
        %gt3A_1727 = arith.cmpf ogt, %get3A_1623, %gt3A_1726 : vector<16xf32>
        %jit3A_1728 = arith.constant 1 : i32
        %jit3A_1729 = arith.constant 0 : i32
        %broadcast_in_dim3A_1730 = vector.broadcast %jit3A_1728 : i32 to vector<16xi32>
        %broadcast_in_dim3A_1731 = vector.broadcast %jit3A_1729 : i32 to vector<16xi32>
        %select_n3A_1732 = arith.select %gt3A_1727, %broadcast_in_dim3A_1730, %broadcast_in_dim3A_1731 : vector<16xi1>, vector<16xi32>
        %add3A_1733 = arith.addi %add3A_1724, %select_n3A_1732 : vector<16xi32>
        %gt3A_1734 = arith.constant 1.000000e+03 : f32
        %gt3A_1735 = vector.broadcast %gt3A_1734 : f32 to vector<16xf32>
        %gt3A_1736 = arith.cmpf ogt, %get3A_1623, %gt3A_1735 : vector<16xf32>
        %jit3A_1737 = arith.constant 1 : i32
        %jit3A_1738 = arith.constant 0 : i32
        %broadcast_in_dim3A_1739 = vector.broadcast %jit3A_1737 : i32 to vector<16xi32>
        %broadcast_in_dim3A_1740 = vector.broadcast %jit3A_1738 : i32 to vector<16xi32>
        %select_n3A_1741 = arith.select %gt3A_1736, %broadcast_in_dim3A_1739, %broadcast_in_dim3A_1740 : vector<16xi1>, vector<16xi32>
        %add3A_1742 = arith.addi %add3A_1733, %select_n3A_1741 : vector<16xi32>
        %mul3A_1743 = arith.constant 64 : i32
        %mul3A_1744 = vector.broadcast %mul3A_1743 : i32 to vector<16xi32>
        %mul3A_1745 = arith.muli %add3A_1742, %mul3A_1744 : vector<16xi32>
        %get3A_1746 = arith.index_cast %add3A_1621 : i32 to index
        %get3A_1747 = tpu.vector_load %arg13[%get3A_1746] {strides = array<i32>} : memref<6400xi32, #tpu.memory_space<vmem>>, vector<16xi32>,
        %add3A_1748 = arith.addi %mul3A_1745, %get3A_1747 : vector<16xi32>
        %swap3A_1749 = arith.constant 1 : i32
        %swap3A_1750 = arith.index_cast %swap3A_1749 : i32 to index
        %swap3A_1751 = arith.constant 32 : index
        %swap3A_1752 = tpu.vector_load %arg14[%swap3A_1750, %swap3A_1751] {strides = array<i32>} : memref<2x128xi32, #tpu.memory_space<vmem>>, vector<16xi32>,
        tpu.vector_store %arg14[%swap3A_1750, %swap3A_1751], %add3A_1748 {strides = array<i32>} : memref<2x128xi32, #tpu.memory_space<vmem>>, vector<16xi32>,
        %add3A_1753 = arith.constant 48 : i32
        %add3A_1754 = arith.addi %mul3A_1329, %add3A_1753 : i32
        %get3A_1755 = arith.index_cast %add3A_1754 : i32 to index
        %get3A_1756 = tpu.vector_load %arg11[%get3A_1755] {strides = array<i32>} : memref<6400xf32, #tpu.memory_space<vmem>>, vector<16xf32>,
        %broadcast_in_dim3A_1757 = arith.constant 0 : i32
        %broadcast_in_dim3A_1758 = vector.broadcast %broadcast_in_dim3A_1757 : i32 to vector<16xi32>
        %gt3A_1759 = arith.constant 0.000000e+00 : f32
        %gt3A_1760 = vector.broadcast %gt3A_1759 : f32 to vector<16xf32>
        %gt3A_1761 = arith.cmpf ogt, %get3A_1756, %gt3A_1760 : vector<16xf32>
        %jit3A_1762 = arith.constant 1 : i32
        %jit3A_1763 = arith.constant 0 : i32
        %broadcast_in_dim3A_1764 = vector.broadcast %jit3A_1762 : i32 to vector<16xi32>
        %broadcast_in_dim3A_1765 = vector.broadcast %jit3A_1763 : i32 to vector<16xi32>
        %select_n3A_1766 = arith.select %gt3A_1761, %broadcast_in_dim3A_1764, %broadcast_in_dim3A_1765 : vector<16xi1>, vector<16xi32>
        %add3A_1767 = arith.addi %broadcast_in_dim3A_1758, %select_n3A_1766 : vector<16xi32>
        %gt3A_1768 = arith.constant 1.000000e-01 : f32
        %gt3A_1769 = vector.broadcast %gt3A_1768 : f32 to vector<16xf32>
        %gt3A_1770 = arith.cmpf ogt, %get3A_1756, %gt3A_1769 : vector<16xf32>
        %jit3A_1771 = arith.constant 1 : i32
        %jit3A_1772 = arith.constant 0 : i32
        %broadcast_in_dim3A_1773 = vector.broadcast %jit3A_1771 : i32 to vector<16xi32>
        %broadcast_in_dim3A_1774 = vector.broadcast %jit3A_1772 : i32 to vector<16xi32>
        %select_n3A_1775 = arith.select %gt3A_1770, %broadcast_in_dim3A_1773, %broadcast_in_dim3A_1774 : vector<16xi1>, vector<16xi32>
        %add3A_1776 = arith.addi %add3A_1767, %select_n3A_1775 : vector<16xi32>
        %gt3A_1777 = arith.constant 5.000000e-01 : f32
        %gt3A_1778 = vector.broadcast %gt3A_1777 : f32 to vector<16xf32>
        %gt3A_1779 = arith.cmpf ogt, %get3A_1756, %gt3A_1778 : vector<16xf32>
        %jit3A_1780 = arith.constant 1 : i32
        %jit3A_1781 = arith.constant 0 : i32
        %broadcast_in_dim3A_1782 = vector.broadcast %jit3A_1780 : i32 to vector<16xi32>
        %broadcast_in_dim3A_1783 = vector.broadcast %jit3A_1781 : i32 to vector<16xi32>
        %select_n3A_1784 = arith.select %gt3A_1779, %broadcast_in_dim3A_1782, %broadcast_in_dim3A_1783 : vector<16xi1>, vector<16xi32>
        %add3A_1785 = arith.addi %add3A_1776, %select_n3A_1784 : vector<16xi32>
        %gt3A_1786 = arith.constant 1.000000e+00 : f32
        %gt3A_1787 = vector.broadcast %gt3A_1786 : f32 to vector<16xf32>
        %gt3A_1788 = arith.cmpf ogt, %get3A_1756, %gt3A_1787 : vector<16xf32>
        %jit3A_1789 = arith.constant 1 : i32
        %jit3A_1790 = arith.constant 0 : i32
        %broadcast_in_dim3A_1791 = vector.broadcast %jit3A_1789 : i32 to vector<16xi32>
        %broadcast_in_dim3A_1792 = vector.broadcast %jit3A_1790 : i32 to vector<16xi32>
        %select_n3A_1793 = arith.select %gt3A_1788, %broadcast_in_dim3A_1791, %broadcast_in_dim3A_1792 : vector<16xi1>, vector<16xi32>
        %add3A_1794 = arith.addi %add3A_1785, %select_n3A_1793 : vector<16xi32>
        %gt3A_1795 = arith.constant 2.000000e+00 : f32
        %gt3A_1796 = vector.broadcast %gt3A_1795 : f32 to vector<16xf32>
        %gt3A_1797 = arith.cmpf ogt, %get3A_1756, %gt3A_1796 : vector<16xf32>
        %jit3A_1798 = arith.constant 1 : i32
        %jit3A_1799 = arith.constant 0 : i32
        %broadcast_in_dim3A_1800 = vector.broadcast %jit3A_1798 : i32 to vector<16xi32>
        %broadcast_in_dim3A_1801 = vector.broadcast %jit3A_1799 : i32 to vector<16xi32>
        %select_n3A_1802 = arith.select %gt3A_1797, %broadcast_in_dim3A_1800, %broadcast_in_dim3A_1801 : vector<16xi1>, vector<16xi32>
        %add3A_1803 = arith.addi %add3A_1794, %select_n3A_1802 : vector<16xi32>
        %gt3A_1804 = arith.constant 5.000000e+00 : f32
        %gt3A_1805 = vector.broadcast %gt3A_1804 : f32 to vector<16xf32>
        %gt3A_1806 = arith.cmpf ogt, %get3A_1756, %gt3A_1805 : vector<16xf32>
        %jit3A_1807 = arith.constant 1 : i32
        %jit3A_1808 = arith.constant 0 : i32
        %broadcast_in_dim3A_1809 = vector.broadcast %jit3A_1807 : i32 to vector<16xi32>
        %broadcast_in_dim3A_1810 = vector.broadcast %jit3A_1808 : i32 to vector<16xi32>
        %select_n3A_1811 = arith.select %gt3A_1806, %broadcast_in_dim3A_1809, %broadcast_in_dim3A_1810 : vector<16xi1>, vector<16xi32>
        %add3A_1812 = arith.addi %add3A_1803, %select_n3A_1811 : vector<16xi32>
        %gt3A_1813 = arith.constant 1.000000e+01 : f32
        %gt3A_1814 = vector.broadcast %gt3A_1813 : f32 to vector<16xf32>
        %gt3A_1815 = arith.cmpf ogt, %get3A_1756, %gt3A_1814 : vector<16xf32>
        %jit3A_1816 = arith.constant 1 : i32
        %jit3A_1817 = arith.constant 0 : i32
        %broadcast_in_dim3A_1818 = vector.broadcast %jit3A_1816 : i32 to vector<16xi32>
        %broadcast_in_dim3A_1819 = vector.broadcast %jit3A_1817 : i32 to vector<16xi32>
        %select_n3A_1820 = arith.select %gt3A_1815, %broadcast_in_dim3A_1818, %broadcast_in_dim3A_1819 : vector<16xi1>, vector<16xi32>
        %add3A_1821 = arith.addi %add3A_1812, %select_n3A_1820 : vector<16xi32>
        %gt3A_1822 = arith.constant 2.000000e+01 : f32
        %gt3A_1823 = vector.broadcast %gt3A_1822 : f32 to vector<16xf32>
        %gt3A_1824 = arith.cmpf ogt, %get3A_1756, %gt3A_1823 : vector<16xf32>
        %jit3A_1825 = arith.constant 1 : i32
        %jit3A_1826 = arith.constant 0 : i32
        %broadcast_in_dim3A_1827 = vector.broadcast %jit3A_1825 : i32 to vector<16xi32>
        %broadcast_in_dim3A_1828 = vector.broadcast %jit3A_1826 : i32 to vector<16xi32>
        %select_n3A_1829 = arith.select %gt3A_1824, %broadcast_in_dim3A_1827, %broadcast_in_dim3A_1828 : vector<16xi1>, vector<16xi32>
        %add3A_1830 = arith.addi %add3A_1821, %select_n3A_1829 : vector<16xi32>
        %gt3A_1831 = arith.constant 5.000000e+01 : f32
        %gt3A_1832 = vector.broadcast %gt3A_1831 : f32 to vector<16xf32>
        %gt3A_1833 = arith.cmpf ogt, %get3A_1756, %gt3A_1832 : vector<16xf32>
        %jit3A_1834 = arith.constant 1 : i32
        %jit3A_1835 = arith.constant 0 : i32
        %broadcast_in_dim3A_1836 = vector.broadcast %jit3A_1834 : i32 to vector<16xi32>
        %broadcast_in_dim3A_1837 = vector.broadcast %jit3A_1835 : i32 to vector<16xi32>
        %select_n3A_1838 = arith.select %gt3A_1833, %broadcast_in_dim3A_1836, %broadcast_in_dim3A_1837 : vector<16xi1>, vector<16xi32>
        %add3A_1839 = arith.addi %add3A_1830, %select_n3A_1838 : vector<16xi32>
        %gt3A_1840 = arith.constant 1.000000e+02 : f32
        %gt3A_1841 = vector.broadcast %gt3A_1840 : f32 to vector<16xf32>
        %gt3A_1842 = arith.cmpf ogt, %get3A_1756, %gt3A_1841 : vector<16xf32>
        %jit3A_1843 = arith.constant 1 : i32
        %jit3A_1844 = arith.constant 0 : i32
        %broadcast_in_dim3A_1845 = vector.broadcast %jit3A_1843 : i32 to vector<16xi32>
        %broadcast_in_dim3A_1846 = vector.broadcast %jit3A_1844 : i32 to vector<16xi32>
        %select_n3A_1847 = arith.select %gt3A_1842, %broadcast_in_dim3A_1845, %broadcast_in_dim3A_1846 : vector<16xi1>, vector<16xi32>
        %add3A_1848 = arith.addi %add3A_1839, %select_n3A_1847 : vector<16xi32>
        %gt3A_1849 = arith.constant 2.000000e+02 : f32
        %gt3A_1850 = vector.broadcast %gt3A_1849 : f32 to vector<16xf32>
        %gt3A_1851 = arith.cmpf ogt, %get3A_1756, %gt3A_1850 : vector<16xf32>
        %jit3A_1852 = arith.constant 1 : i32
        %jit3A_1853 = arith.constant 0 : i32
        %broadcast_in_dim3A_1854 = vector.broadcast %jit3A_1852 : i32 to vector<16xi32>
        %broadcast_in_dim3A_1855 = vector.broadcast %jit3A_1853 : i32 to vector<16xi32>
        %select_n3A_1856 = arith.select %gt3A_1851, %broadcast_in_dim3A_1854, %broadcast_in_dim3A_1855 : vector<16xi1>, vector<16xi32>
        %add3A_1857 = arith.addi %add3A_1848, %select_n3A_1856 : vector<16xi32>
        %gt3A_1858 = arith.constant 5.000000e+02 : f32
        %gt3A_1859 = vector.broadcast %gt3A_1858 : f32 to vector<16xf32>
        %gt3A_1860 = arith.cmpf ogt, %get3A_1756, %gt3A_1859 : vector<16xf32>
        %jit3A_1861 = arith.constant 1 : i32
        %jit3A_1862 = arith.constant 0 : i32
        %broadcast_in_dim3A_1863 = vector.broadcast %jit3A_1861 : i32 to vector<16xi32>
        %broadcast_in_dim3A_1864 = vector.broadcast %jit3A_1862 : i32 to vector<16xi32>
        %select_n3A_1865 = arith.select %gt3A_1860, %broadcast_in_dim3A_1863, %broadcast_in_dim3A_1864 : vector<16xi1>, vector<16xi32>
        %add3A_1866 = arith.addi %add3A_1857, %select_n3A_1865 : vector<16xi32>
        %gt3A_1867 = arith.constant 1.000000e+03 : f32
        %gt3A_1868 = vector.broadcast %gt3A_1867 : f32 to vector<16xf32>
        %gt3A_1869 = arith.cmpf ogt, %get3A_1756, %gt3A_1868 : vector<16xf32>
        %jit3A_1870 = arith.constant 1 : i32
        %jit3A_1871 = arith.constant 0 : i32
        %broadcast_in_dim3A_1872 = vector.broadcast %jit3A_1870 : i32 to vector<16xi32>
        %broadcast_in_dim3A_1873 = vector.broadcast %jit3A_1871 : i32 to vector<16xi32>
        %select_n3A_1874 = arith.select %gt3A_1869, %broadcast_in_dim3A_1872, %broadcast_in_dim3A_1873 : vector<16xi1>, vector<16xi32>
        %add3A_1875 = arith.addi %add3A_1866, %select_n3A_1874 : vector<16xi32>
        %mul3A_1876 = arith.constant 64 : i32
        %mul3A_1877 = vector.broadcast %mul3A_1876 : i32 to vector<16xi32>
        %mul3A_1878 = arith.muli %add3A_1875, %mul3A_1877 : vector<16xi32>
        %get3A_1879 = arith.index_cast %add3A_1754 : i32 to index
        %get3A_1880 = tpu.vector_load %arg13[%get3A_1879] {strides = array<i32>} : memref<6400xi32, #tpu.memory_space<vmem>>, vector<16xi32>,
        %add3A_1881 = arith.addi %mul3A_1878, %get3A_1880 : vector<16xi32>
        %swap3A_1882 = arith.constant 1 : i32
        %swap3A_1883 = arith.index_cast %swap3A_1882 : i32 to index
        %swap3A_1884 = arith.constant 48 : index
        %swap3A_1885 = tpu.vector_load %arg14[%swap3A_1883, %swap3A_1884] {strides = array<i32>} : memref<2x128xi32, #tpu.memory_space<vmem>>, vector<16xi32>,
        tpu.vector_store %arg14[%swap3A_1883, %swap3A_1884], %add3A_1881 {strides = array<i32>} : memref<2x128xi32, #tpu.memory_space<vmem>>, vector<16xi32>,
        %add3A_1886 = arith.constant 64 : i32
        %add3A_1887 = arith.addi %mul3A_1329, %add3A_1886 : i32
        %get3A_1888 = arith.index_cast %add3A_1887 : i32 to index
        %get3A_1889 = tpu.vector_load %arg11[%get3A_1888] {strides = array<i32>} : memref<6400xf32, #tpu.memory_space<vmem>>, vector<16xf32>,
        %broadcast_in_dim3A_1890 = arith.constant 0 : i32
        %broadcast_in_dim3A_1891 = vector.broadcast %broadcast_in_dim3A_1890 : i32 to vector<16xi32>
        %gt3A_1892 = arith.constant 0.000000e+00 : f32
        %gt3A_1893 = vector.broadcast %gt3A_1892 : f32 to vector<16xf32>
        %gt3A_1894 = arith.cmpf ogt, %get3A_1889, %gt3A_1893 : vector<16xf32>
        %jit3A_1895 = arith.constant 1 : i32
        %jit3A_1896 = arith.constant 0 : i32
        %broadcast_in_dim3A_1897 = vector.broadcast %jit3A_1895 : i32 to vector<16xi32>
        %broadcast_in_dim3A_1898 = vector.broadcast %jit3A_1896 : i32 to vector<16xi32>
        %select_n3A_1899 = arith.select %gt3A_1894, %broadcast_in_dim3A_1897, %broadcast_in_dim3A_1898 : vector<16xi1>, vector<16xi32>
        %add3A_1900 = arith.addi %broadcast_in_dim3A_1891, %select_n3A_1899 : vector<16xi32>
        %gt3A_1901 = arith.constant 1.000000e-01 : f32
        %gt3A_1902 = vector.broadcast %gt3A_1901 : f32 to vector<16xf32>
        %gt3A_1903 = arith.cmpf ogt, %get3A_1889, %gt3A_1902 : vector<16xf32>
        %jit3A_1904 = arith.constant 1 : i32
        %jit3A_1905 = arith.constant 0 : i32
        %broadcast_in_dim3A_1906 = vector.broadcast %jit3A_1904 : i32 to vector<16xi32>
        %broadcast_in_dim3A_1907 = vector.broadcast %jit3A_1905 : i32 to vector<16xi32>
        %select_n3A_1908 = arith.select %gt3A_1903, %broadcast_in_dim3A_1906, %broadcast_in_dim3A_1907 : vector<16xi1>, vector<16xi32>
        %add3A_1909 = arith.addi %add3A_1900, %select_n3A_1908 : vector<16xi32>
        %gt3A_1910 = arith.constant 5.000000e-01 : f32
        %gt3A_1911 = vector.broadcast %gt3A_1910 : f32 to vector<16xf32>
        %gt3A_1912 = arith.cmpf ogt, %get3A_1889, %gt3A_1911 : vector<16xf32>
        %jit3A_1913 = arith.constant 1 : i32
        %jit3A_1914 = arith.constant 0 : i32
        %broadcast_in_dim3A_1915 = vector.broadcast %jit3A_1913 : i32 to vector<16xi32>
        %broadcast_in_dim3A_1916 = vector.broadcast %jit3A_1914 : i32 to vector<16xi32>
        %select_n3A_1917 = arith.select %gt3A_1912, %broadcast_in_dim3A_1915, %broadcast_in_dim3A_1916 : vector<16xi1>, vector<16xi32>
        %add3A_1918 = arith.addi %add3A_1909, %select_n3A_1917 : vector<16xi32>
        %gt3A_1919 = arith.constant 1.000000e+00 : f32
        %gt3A_1920 = vector.broadcast %gt3A_1919 : f32 to vector<16xf32>
        %gt3A_1921 = arith.cmpf ogt, %get3A_1889, %gt3A_1920 : vector<16xf32>
        %jit3A_1922 = arith.constant 1 : i32
        %jit3A_1923 = arith.constant 0 : i32
        %broadcast_in_dim3A_1924 = vector.broadcast %jit3A_1922 : i32 to vector<16xi32>
        %broadcast_in_dim3A_1925 = vector.broadcast %jit3A_1923 : i32 to vector<16xi32>
        %select_n3A_1926 = arith.select %gt3A_1921, %broadcast_in_dim3A_1924, %broadcast_in_dim3A_1925 : vector<16xi1>, vector<16xi32>
        %add3A_1927 = arith.addi %add3A_1918, %select_n3A_1926 : vector<16xi32>
        %gt3A_1928 = arith.constant 2.000000e+00 : f32
        %gt3A_1929 = vector.broadcast %gt3A_1928 : f32 to vector<16xf32>
        %gt3A_1930 = arith.cmpf ogt, %get3A_1889, %gt3A_1929 : vector<16xf32>
        %jit3A_1931 = arith.constant 1 : i32
        %jit3A_1932 = arith.constant 0 : i32
        %broadcast_in_dim3A_1933 = vector.broadcast %jit3A_1931 : i32 to vector<16xi32>
        %broadcast_in_dim3A_1934 = vector.broadcast %jit3A_1932 : i32 to vector<16xi32>
        %select_n3A_1935 = arith.select %gt3A_1930, %broadcast_in_dim3A_1933, %broadcast_in_dim3A_1934 : vector<16xi1>, vector<16xi32>
        %add3A_1936 = arith.addi %add3A_1927, %select_n3A_1935 : vector<16xi32>
        %gt3A_1937 = arith.constant 5.000000e+00 : f32
        %gt3A_1938 = vector.broadcast %gt3A_1937 : f32 to vector<16xf32>
        %gt3A_1939 = arith.cmpf ogt, %get3A_1889, %gt3A_1938 : vector<16xf32>
        %jit3A_1940 = arith.constant 1 : i32
        %jit3A_1941 = arith.constant 0 : i32
        %broadcast_in_dim3A_1942 = vector.broadcast %jit3A_1940 : i32 to vector<16xi32>
        %broadcast_in_dim3A_1943 = vector.broadcast %jit3A_1941 : i32 to vector<16xi32>
        %select_n3A_1944 = arith.select %gt3A_1939, %broadcast_in_dim3A_1942, %broadcast_in_dim3A_1943 : vector<16xi1>, vector<16xi32>
        %add3A_1945 = arith.addi %add3A_1936, %select_n3A_1944 : vector<16xi32>
        %gt3A_1946 = arith.constant 1.000000e+01 : f32
        %gt3A_1947 = vector.broadcast %gt3A_1946 : f32 to vector<16xf32>
        %gt3A_1948 = arith.cmpf ogt, %get3A_1889, %gt3A_1947 : vector<16xf32>
        %jit3A_1949 = arith.constant 1 : i32
        %jit3A_1950 = arith.constant 0 : i32
        %broadcast_in_dim3A_1951 = vector.broadcast %jit3A_1949 : i32 to vector<16xi32>
        %broadcast_in_dim3A_1952 = vector.broadcast %jit3A_1950 : i32 to vector<16xi32>
        %select_n3A_1953 = arith.select %gt3A_1948, %broadcast_in_dim3A_1951, %broadcast_in_dim3A_1952 : vector<16xi1>, vector<16xi32>
        %add3A_1954 = arith.addi %add3A_1945, %select_n3A_1953 : vector<16xi32>
        %gt3A_1955 = arith.constant 2.000000e+01 : f32
        %gt3A_1956 = vector.broadcast %gt3A_1955 : f32 to vector<16xf32>
        %gt3A_1957 = arith.cmpf ogt, %get3A_1889, %gt3A_1956 : vector<16xf32>
        %jit3A_1958 = arith.constant 1 : i32
        %jit3A_1959 = arith.constant 0 : i32
        %broadcast_in_dim3A_1960 = vector.broadcast %jit3A_1958 : i32 to vector<16xi32>
        %broadcast_in_dim3A_1961 = vector.broadcast %jit3A_1959 : i32 to vector<16xi32>
        %select_n3A_1962 = arith.select %gt3A_1957, %broadcast_in_dim3A_1960, %broadcast_in_dim3A_1961 : vector<16xi1>, vector<16xi32>
        %add3A_1963 = arith.addi %add3A_1954, %select_n3A_1962 : vector<16xi32>
        %gt3A_1964 = arith.constant 5.000000e+01 : f32
        %gt3A_1965 = vector.broadcast %gt3A_1964 : f32 to vector<16xf32>
        %gt3A_1966 = arith.cmpf ogt, %get3A_1889, %gt3A_1965 : vector<16xf32>
        %jit3A_1967 = arith.constant 1 : i32
        %jit3A_1968 = arith.constant 0 : i32
        %broadcast_in_dim3A_1969 = vector.broadcast %jit3A_1967 : i32 to vector<16xi32>
        %broadcast_in_dim3A_1970 = vector.broadcast %jit3A_1968 : i32 to vector<16xi32>
        %select_n3A_1971 = arith.select %gt3A_1966, %broadcast_in_dim3A_1969, %broadcast_in_dim3A_1970 : vector<16xi1>, vector<16xi32>
        %add3A_1972 = arith.addi %add3A_1963, %select_n3A_1971 : vector<16xi32>
        %gt3A_1973 = arith.constant 1.000000e+02 : f32
        %gt3A_1974 = vector.broadcast %gt3A_1973 : f32 to vector<16xf32>
        %gt3A_1975 = arith.cmpf ogt, %get3A_1889, %gt3A_1974 : vector<16xf32>
        %jit3A_1976 = arith.constant 1 : i32
        %jit3A_1977 = arith.constant 0 : i32
        %broadcast_in_dim3A_1978 = vector.broadcast %jit3A_1976 : i32 to vector<16xi32>
        %broadcast_in_dim3A_1979 = vector.broadcast %jit3A_1977 : i32 to vector<16xi32>
        %select_n3A_1980 = arith.select %gt3A_1975, %broadcast_in_dim3A_1978, %broadcast_in_dim3A_1979 : vector<16xi1>, vector<16xi32>
        %add3A_1981 = arith.addi %add3A_1972, %select_n3A_1980 : vector<16xi32>
        %gt3A_1982 = arith.constant 2.000000e+02 : f32
        %gt3A_1983 = vector.broadcast %gt3A_1982 : f32 to vector<16xf32>
        %gt3A_1984 = arith.cmpf ogt, %get3A_1889, %gt3A_1983 : vector<16xf32>
        %jit3A_1985 = arith.constant 1 : i32
        %jit3A_1986 = arith.constant 0 : i32
        %broadcast_in_dim3A_1987 = vector.broadcast %jit3A_1985 : i32 to vector<16xi32>
        %broadcast_in_dim3A_1988 = vector.broadcast %jit3A_1986 : i32 to vector<16xi32>
        %select_n3A_1989 = arith.select %gt3A_1984, %broadcast_in_dim3A_1987, %broadcast_in_dim3A_1988 : vector<16xi1>, vector<16xi32>
        %add3A_1990 = arith.addi %add3A_1981, %select_n3A_1989 : vector<16xi32>
        %gt3A_1991 = arith.constant 5.000000e+02 : f32
        %gt3A_1992 = vector.broadcast %gt3A_1991 : f32 to vector<16xf32>
        %gt3A_1993 = arith.cmpf ogt, %get3A_1889, %gt3A_1992 : vector<16xf32>
        %jit3A_1994 = arith.constant 1 : i32
        %jit3A_1995 = arith.constant 0 : i32
        %broadcast_in_dim3A_1996 = vector.broadcast %jit3A_1994 : i32 to vector<16xi32>
        %broadcast_in_dim3A_1997 = vector.broadcast %jit3A_1995 : i32 to vector<16xi32>
        %select_n3A_1998 = arith.select %gt3A_1993, %broadcast_in_dim3A_1996, %broadcast_in_dim3A_1997 : vector<16xi1>, vector<16xi32>
        %add3A_1999 = arith.addi %add3A_1990, %select_n3A_1998 : vector<16xi32>
        %gt3A_2000 = arith.constant 1.000000e+03 : f32
        %gt3A_2001 = vector.broadcast %gt3A_2000 : f32 to vector<16xf32>
        %gt3A_2002 = arith.cmpf ogt, %get3A_1889, %gt3A_2001 : vector<16xf32>
        %jit3A_2003 = arith.constant 1 : i32
        %jit3A_2004 = arith.constant 0 : i32
        %broadcast_in_dim3A_2005 = vector.broadcast %jit3A_2003 : i32 to vector<16xi32>
        %broadcast_in_dim3A_2006 = vector.broadcast %jit3A_2004 : i32 to vector<16xi32>
        %select_n3A_2007 = arith.select %gt3A_2002, %broadcast_in_dim3A_2005, %broadcast_in_dim3A_2006 : vector<16xi1>, vector<16xi32>
        %add3A_2008 = arith.addi %add3A_1999, %select_n3A_2007 : vector<16xi32>
        %mul3A_2009 = arith.constant 64 : i32
        %mul3A_2010 = vector.broadcast %mul3A_2009 : i32 to vector<16xi32>
        %mul3A_2011 = arith.muli %add3A_2008, %mul3A_2010 : vector<16xi32>
        %get3A_2012 = arith.index_cast %add3A_1887 : i32 to index
        %get3A_2013 = tpu.vector_load %arg13[%get3A_2012] {strides = array<i32>} : memref<6400xi32, #tpu.memory_space<vmem>>, vector<16xi32>,
        %add3A_2014 = arith.addi %mul3A_2011, %get3A_2013 : vector<16xi32>
        %swap3A_2015 = arith.constant 1 : i32
        %swap3A_2016 = arith.index_cast %swap3A_2015 : i32 to index
        %swap3A_2017 = arith.constant 64 : index
        %swap3A_2018 = tpu.vector_load %arg14[%swap3A_2016, %swap3A_2017] {strides = array<i32>} : memref<2x128xi32, #tpu.memory_space<vmem>>, vector<16xi32>,
        tpu.vector_store %arg14[%swap3A_2016, %swap3A_2017], %add3A_2014 {strides = array<i32>} : memref<2x128xi32, #tpu.memory_space<vmem>>, vector<16xi32>,
        %add3A_2019 = arith.constant 80 : i32
        %add3A_2020 = arith.addi %mul3A_1329, %add3A_2019 : i32
        %get3A_2021 = arith.index_cast %add3A_2020 : i32 to index
        %get3A_2022 = tpu.vector_load %arg11[%get3A_2021] {strides = array<i32>} : memref<6400xf32, #tpu.memory_space<vmem>>, vector<16xf32>,
        %broadcast_in_dim3A_2023 = arith.constant 0 : i32
        %broadcast_in_dim3A_2024 = vector.broadcast %broadcast_in_dim3A_2023 : i32 to vector<16xi32>
        %gt3A_2025 = arith.constant 0.000000e+00 : f32
        %gt3A_2026 = vector.broadcast %gt3A_2025 : f32 to vector<16xf32>
        %gt3A_2027 = arith.cmpf ogt, %get3A_2022, %gt3A_2026 : vector<16xf32>
        %jit3A_2028 = arith.constant 1 : i32
        %jit3A_2029 = arith.constant 0 : i32
        %broadcast_in_dim3A_2030 = vector.broadcast %jit3A_2028 : i32 to vector<16xi32>
        %broadcast_in_dim3A_2031 = vector.broadcast %jit3A_2029 : i32 to vector<16xi32>
        %select_n3A_2032 = arith.select %gt3A_2027, %broadcast_in_dim3A_2030, %broadcast_in_dim3A_2031 : vector<16xi1>, vector<16xi32>
        %add3A_2033 = arith.addi %broadcast_in_dim3A_2024, %select_n3A_2032 : vector<16xi32>
        %gt3A_2034 = arith.constant 1.000000e-01 : f32
        %gt3A_2035 = vector.broadcast %gt3A_2034 : f32 to vector<16xf32>
        %gt3A_2036 = arith.cmpf ogt, %get3A_2022, %gt3A_2035 : vector<16xf32>
        %jit3A_2037 = arith.constant 1 : i32
        %jit3A_2038 = arith.constant 0 : i32
        %broadcast_in_dim3A_2039 = vector.broadcast %jit3A_2037 : i32 to vector<16xi32>
        %broadcast_in_dim3A_2040 = vector.broadcast %jit3A_2038 : i32 to vector<16xi32>
        %select_n3A_2041 = arith.select %gt3A_2036, %broadcast_in_dim3A_2039, %broadcast_in_dim3A_2040 : vector<16xi1>, vector<16xi32>
        %add3A_2042 = arith.addi %add3A_2033, %select_n3A_2041 : vector<16xi32>
        %gt3A_2043 = arith.constant 5.000000e-01 : f32
        %gt3A_2044 = vector.broadcast %gt3A_2043 : f32 to vector<16xf32>
        %gt3A_2045 = arith.cmpf ogt, %get3A_2022, %gt3A_2044 : vector<16xf32>
        %jit3A_2046 = arith.constant 1 : i32
        %jit3A_2047 = arith.constant 0 : i32
        %broadcast_in_dim3A_2048 = vector.broadcast %jit3A_2046 : i32 to vector<16xi32>
        %broadcast_in_dim3A_2049 = vector.broadcast %jit3A_2047 : i32 to vector<16xi32>
        %select_n3A_2050 = arith.select %gt3A_2045, %broadcast_in_dim3A_2048, %broadcast_in_dim3A_2049 : vector<16xi1>, vector<16xi32>
        %add3A_2051 = arith.addi %add3A_2042, %select_n3A_2050 : vector<16xi32>
        %gt3A_2052 = arith.constant 1.000000e+00 : f32
        %gt3A_2053 = vector.broadcast %gt3A_2052 : f32 to vector<16xf32>
        %gt3A_2054 = arith.cmpf ogt, %get3A_2022, %gt3A_2053 : vector<16xf32>
        %jit3A_2055 = arith.constant 1 : i32
        %jit3A_2056 = arith.constant 0 : i32
        %broadcast_in_dim3A_2057 = vector.broadcast %jit3A_2055 : i32 to vector<16xi32>
        %broadcast_in_dim3A_2058 = vector.broadcast %jit3A_2056 : i32 to vector<16xi32>
        %select_n3A_2059 = arith.select %gt3A_2054, %broadcast_in_dim3A_2057, %broadcast_in_dim3A_2058 : vector<16xi1>, vector<16xi32>
        %add3A_2060 = arith.addi %add3A_2051, %select_n3A_2059 : vector<16xi32>
        %gt3A_2061 = arith.constant 2.000000e+00 : f32
        %gt3A_2062 = vector.broadcast %gt3A_2061 : f32 to vector<16xf32>
        %gt3A_2063 = arith.cmpf ogt, %get3A_2022, %gt3A_2062 : vector<16xf32>
        %jit3A_2064 = arith.constant 1 : i32
        %jit3A_2065 = arith.constant 0 : i32
        %broadcast_in_dim3A_2066 = vector.broadcast %jit3A_2064 : i32 to vector<16xi32>
        %broadcast_in_dim3A_2067 = vector.broadcast %jit3A_2065 : i32 to vector<16xi32>
        %select_n3A_2068 = arith.select %gt3A_2063, %broadcast_in_dim3A_2066, %broadcast_in_dim3A_2067 : vector<16xi1>, vector<16xi32>
        %add3A_2069 = arith.addi %add3A_2060, %select_n3A_2068 : vector<16xi32>
        %gt3A_2070 = arith.constant 5.000000e+00 : f32
        %gt3A_2071 = vector.broadcast %gt3A_2070 : f32 to vector<16xf32>
        %gt3A_2072 = arith.cmpf ogt, %get3A_2022, %gt3A_2071 : vector<16xf32>
        %jit3A_2073 = arith.constant 1 : i32
        %jit3A_2074 = arith.constant 0 : i32
        %broadcast_in_dim3A_2075 = vector.broadcast %jit3A_2073 : i32 to vector<16xi32>
        %broadcast_in_dim3A_2076 = vector.broadcast %jit3A_2074 : i32 to vector<16xi32>
        %select_n3A_2077 = arith.select %gt3A_2072, %broadcast_in_dim3A_2075, %broadcast_in_dim3A_2076 : vector<16xi1>, vector<16xi32>
        %add3A_2078 = arith.addi %add3A_2069, %select_n3A_2077 : vector<16xi32>
        %gt3A_2079 = arith.constant 1.000000e+01 : f32
        %gt3A_2080 = vector.broadcast %gt3A_2079 : f32 to vector<16xf32>
        %gt3A_2081 = arith.cmpf ogt, %get3A_2022, %gt3A_2080 : vector<16xf32>
        %jit3A_2082 = arith.constant 1 : i32
        %jit3A_2083 = arith.constant 0 : i32
        %broadcast_in_dim3A_2084 = vector.broadcast %jit3A_2082 : i32 to vector<16xi32>
        %broadcast_in_dim3A_2085 = vector.broadcast %jit3A_2083 : i32 to vector<16xi32>
        %select_n3A_2086 = arith.select %gt3A_2081, %broadcast_in_dim3A_2084, %broadcast_in_dim3A_2085 : vector<16xi1>, vector<16xi32>
        %add3A_2087 = arith.addi %add3A_2078, %select_n3A_2086 : vector<16xi32>
        %gt3A_2088 = arith.constant 2.000000e+01 : f32
        %gt3A_2089 = vector.broadcast %gt3A_2088 : f32 to vector<16xf32>
        %gt3A_2090 = arith.cmpf ogt, %get3A_2022, %gt3A_2089 : vector<16xf32>
        %jit3A_2091 = arith.constant 1 : i32
        %jit3A_2092 = arith.constant 0 : i32
        %broadcast_in_dim3A_2093 = vector.broadcast %jit3A_2091 : i32 to vector<16xi32>
        %broadcast_in_dim3A_2094 = vector.broadcast %jit3A_2092 : i32 to vector<16xi32>
        %select_n3A_2095 = arith.select %gt3A_2090, %broadcast_in_dim3A_2093, %broadcast_in_dim3A_2094 : vector<16xi1>, vector<16xi32>
        %add3A_2096 = arith.addi %add3A_2087, %select_n3A_2095 : vector<16xi32>
        %gt3A_2097 = arith.constant 5.000000e+01 : f32
        %gt3A_2098 = vector.broadcast %gt3A_2097 : f32 to vector<16xf32>
        %gt3A_2099 = arith.cmpf ogt, %get3A_2022, %gt3A_2098 : vector<16xf32>
        %jit3A_2100 = arith.constant 1 : i32
        %jit3A_2101 = arith.constant 0 : i32
        %broadcast_in_dim3A_2102 = vector.broadcast %jit3A_2100 : i32 to vector<16xi32>
        %broadcast_in_dim3A_2103 = vector.broadcast %jit3A_2101 : i32 to vector<16xi32>
        %select_n3A_2104 = arith.select %gt3A_2099, %broadcast_in_dim3A_2102, %broadcast_in_dim3A_2103 : vector<16xi1>, vector<16xi32>
        %add3A_2105 = arith.addi %add3A_2096, %select_n3A_2104 : vector<16xi32>
        %gt3A_2106 = arith.constant 1.000000e+02 : f32
        %gt3A_2107 = vector.broadcast %gt3A_2106 : f32 to vector<16xf32>
        %gt3A_2108 = arith.cmpf ogt, %get3A_2022, %gt3A_2107 : vector<16xf32>
        %jit3A_2109 = arith.constant 1 : i32
        %jit3A_2110 = arith.constant 0 : i32
        %broadcast_in_dim3A_2111 = vector.broadcast %jit3A_2109 : i32 to vector<16xi32>
        %broadcast_in_dim3A_2112 = vector.broadcast %jit3A_2110 : i32 to vector<16xi32>
        %select_n3A_2113 = arith.select %gt3A_2108, %broadcast_in_dim3A_2111, %broadcast_in_dim3A_2112 : vector<16xi1>, vector<16xi32>
        %add3A_2114 = arith.addi %add3A_2105, %select_n3A_2113 : vector<16xi32>
        %gt3A_2115 = arith.constant 2.000000e+02 : f32
        %gt3A_2116 = vector.broadcast %gt3A_2115 : f32 to vector<16xf32>
        %gt3A_2117 = arith.cmpf ogt, %get3A_2022, %gt3A_2116 : vector<16xf32>
        %jit3A_2118 = arith.constant 1 : i32
        %jit3A_2119 = arith.constant 0 : i32
        %broadcast_in_dim3A_2120 = vector.broadcast %jit3A_2118 : i32 to vector<16xi32>
        %broadcast_in_dim3A_2121 = vector.broadcast %jit3A_2119 : i32 to vector<16xi32>
        %select_n3A_2122 = arith.select %gt3A_2117, %broadcast_in_dim3A_2120, %broadcast_in_dim3A_2121 : vector<16xi1>, vector<16xi32>
        %add3A_2123 = arith.addi %add3A_2114, %select_n3A_2122 : vector<16xi32>
        %gt3A_2124 = arith.constant 5.000000e+02 : f32
        %gt3A_2125 = vector.broadcast %gt3A_2124 : f32 to vector<16xf32>
        %gt3A_2126 = arith.cmpf ogt, %get3A_2022, %gt3A_2125 : vector<16xf32>
        %jit3A_2127 = arith.constant 1 : i32
        %jit3A_2128 = arith.constant 0 : i32
        %broadcast_in_dim3A_2129 = vector.broadcast %jit3A_2127 : i32 to vector<16xi32>
        %broadcast_in_dim3A_2130 = vector.broadcast %jit3A_2128 : i32 to vector<16xi32>
        %select_n3A_2131 = arith.select %gt3A_2126, %broadcast_in_dim3A_2129, %broadcast_in_dim3A_2130 : vector<16xi1>, vector<16xi32>
        %add3A_2132 = arith.addi %add3A_2123, %select_n3A_2131 : vector<16xi32>
        %gt3A_2133 = arith.constant 1.000000e+03 : f32
        %gt3A_2134 = vector.broadcast %gt3A_2133 : f32 to vector<16xf32>
        %gt3A_2135 = arith.cmpf ogt, %get3A_2022, %gt3A_2134 : vector<16xf32>
        %jit3A_2136 = arith.constant 1 : i32
        %jit3A_2137 = arith.constant 0 : i32
        %broadcast_in_dim3A_2138 = vector.broadcast %jit3A_2136 : i32 to vector<16xi32>
        %broadcast_in_dim3A_2139 = vector.broadcast %jit3A_2137 : i32 to vector<16xi32>
        %select_n3A_2140 = arith.select %gt3A_2135, %broadcast_in_dim3A_2138, %broadcast_in_dim3A_2139 : vector<16xi1>, vector<16xi32>
        %add3A_2141 = arith.addi %add3A_2132, %select_n3A_2140 : vector<16xi32>
        %mul3A_2142 = arith.constant 64 : i32
        %mul3A_2143 = vector.broadcast %mul3A_2142 : i32 to vector<16xi32>
        %mul3A_2144 = arith.muli %add3A_2141, %mul3A_2143 : vector<16xi32>
        %get3A_2145 = arith.index_cast %add3A_2020 : i32 to index
        %get3A_2146 = tpu.vector_load %arg13[%get3A_2145] {strides = array<i32>} : memref<6400xi32, #tpu.memory_space<vmem>>, vector<16xi32>,
        %add3A_2147 = arith.addi %mul3A_2144, %get3A_2146 : vector<16xi32>
        %swap3A_2148 = arith.constant 1 : i32
        %swap3A_2149 = arith.index_cast %swap3A_2148 : i32 to index
        %swap3A_2150 = arith.constant 80 : index
        %swap3A_2151 = tpu.vector_load %arg14[%swap3A_2149, %swap3A_2150] {strides = array<i32>} : memref<2x128xi32, #tpu.memory_space<vmem>>, vector<16xi32>,
        tpu.vector_store %arg14[%swap3A_2149, %swap3A_2150], %add3A_2147 {strides = array<i32>} : memref<2x128xi32, #tpu.memory_space<vmem>>, vector<16xi32>,
        %add3A_2152 = arith.constant 96 : i32
        %add3A_2153 = arith.addi %mul3A_1329, %add3A_2152 : i32
        %get3A_2154 = arith.index_cast %add3A_2153 : i32 to index
        %get3A_2155 = tpu.vector_load %arg11[%get3A_2154] {strides = array<i32>} : memref<6400xf32, #tpu.memory_space<vmem>>, vector<16xf32>,
        %broadcast_in_dim3A_2156 = arith.constant 0 : i32
        %broadcast_in_dim3A_2157 = vector.broadcast %broadcast_in_dim3A_2156 : i32 to vector<16xi32>
        %gt3A_2158 = arith.constant 0.000000e+00 : f32
        %gt3A_2159 = vector.broadcast %gt3A_2158 : f32 to vector<16xf32>
        %gt3A_2160 = arith.cmpf ogt, %get3A_2155, %gt3A_2159 : vector<16xf32>
        %jit3A_2161 = arith.constant 1 : i32
        %jit3A_2162 = arith.constant 0 : i32
        %broadcast_in_dim3A_2163 = vector.broadcast %jit3A_2161 : i32 to vector<16xi32>
        %broadcast_in_dim3A_2164 = vector.broadcast %jit3A_2162 : i32 to vector<16xi32>
        %select_n3A_2165 = arith.select %gt3A_2160, %broadcast_in_dim3A_2163, %broadcast_in_dim3A_2164 : vector<16xi1>, vector<16xi32>
        %add3A_2166 = arith.addi %broadcast_in_dim3A_2157, %select_n3A_2165 : vector<16xi32>
        %gt3A_2167 = arith.constant 1.000000e-01 : f32
        %gt3A_2168 = vector.broadcast %gt3A_2167 : f32 to vector<16xf32>
        %gt3A_2169 = arith.cmpf ogt, %get3A_2155, %gt3A_2168 : vector<16xf32>
        %jit3A_2170 = arith.constant 1 : i32
        %jit3A_2171 = arith.constant 0 : i32
        %broadcast_in_dim3A_2172 = vector.broadcast %jit3A_2170 : i32 to vector<16xi32>
        %broadcast_in_dim3A_2173 = vector.broadcast %jit3A_2171 : i32 to vector<16xi32>
        %select_n3A_2174 = arith.select %gt3A_2169, %broadcast_in_dim3A_2172, %broadcast_in_dim3A_2173 : vector<16xi1>, vector<16xi32>
        %add3A_2175 = arith.addi %add3A_2166, %select_n3A_2174 : vector<16xi32>
        %gt3A_2176 = arith.constant 5.000000e-01 : f32
        %gt3A_2177 = vector.broadcast %gt3A_2176 : f32 to vector<16xf32>
        %gt3A_2178 = arith.cmpf ogt, %get3A_2155, %gt3A_2177 : vector<16xf32>
        %jit3A_2179 = arith.constant 1 : i32
        %jit3A_2180 = arith.constant 0 : i32
        %broadcast_in_dim3A_2181 = vector.broadcast %jit3A_2179 : i32 to vector<16xi32>
        %broadcast_in_dim3A_2182 = vector.broadcast %jit3A_2180 : i32 to vector<16xi32>
        %select_n3A_2183 = arith.select %gt3A_2178, %broadcast_in_dim3A_2181, %broadcast_in_dim3A_2182 : vector<16xi1>, vector<16xi32>
        %add3A_2184 = arith.addi %add3A_2175, %select_n3A_2183 : vector<16xi32>
        %gt3A_2185 = arith.constant 1.000000e+00 : f32
        %gt3A_2186 = vector.broadcast %gt3A_2185 : f32 to vector<16xf32>
        %gt3A_2187 = arith.cmpf ogt, %get3A_2155, %gt3A_2186 : vector<16xf32>
        %jit3A_2188 = arith.constant 1 : i32
        %jit3A_2189 = arith.constant 0 : i32
        %broadcast_in_dim3A_2190 = vector.broadcast %jit3A_2188 : i32 to vector<16xi32>
        %broadcast_in_dim3A_2191 = vector.broadcast %jit3A_2189 : i32 to vector<16xi32>
        %select_n3A_2192 = arith.select %gt3A_2187, %broadcast_in_dim3A_2190, %broadcast_in_dim3A_2191 : vector<16xi1>, vector<16xi32>
        %add3A_2193 = arith.addi %add3A_2184, %select_n3A_2192 : vector<16xi32>
        %gt3A_2194 = arith.constant 2.000000e+00 : f32
        %gt3A_2195 = vector.broadcast %gt3A_2194 : f32 to vector<16xf32>
        %gt3A_2196 = arith.cmpf ogt, %get3A_2155, %gt3A_2195 : vector<16xf32>
        %jit3A_2197 = arith.constant 1 : i32
        %jit3A_2198 = arith.constant 0 : i32
        %broadcast_in_dim3A_2199 = vector.broadcast %jit3A_2197 : i32 to vector<16xi32>
        %broadcast_in_dim3A_2200 = vector.broadcast %jit3A_2198 : i32 to vector<16xi32>
        %select_n3A_2201 = arith.select %gt3A_2196, %broadcast_in_dim3A_2199, %broadcast_in_dim3A_2200 : vector<16xi1>, vector<16xi32>
        %add3A_2202 = arith.addi %add3A_2193, %select_n3A_2201 : vector<16xi32>
        %gt3A_2203 = arith.constant 5.000000e+00 : f32
        %gt3A_2204 = vector.broadcast %gt3A_2203 : f32 to vector<16xf32>
        %gt3A_2205 = arith.cmpf ogt, %get3A_2155, %gt3A_2204 : vector<16xf32>
        %jit3A_2206 = arith.constant 1 : i32
        %jit3A_2207 = arith.constant 0 : i32
        %broadcast_in_dim3A_2208 = vector.broadcast %jit3A_2206 : i32 to vector<16xi32>
        %broadcast_in_dim3A_2209 = vector.broadcast %jit3A_2207 : i32 to vector<16xi32>
        %select_n3A_2210 = arith.select %gt3A_2205, %broadcast_in_dim3A_2208, %broadcast_in_dim3A_2209 : vector<16xi1>, vector<16xi32>
        %add3A_2211 = arith.addi %add3A_2202, %select_n3A_2210 : vector<16xi32>
        %gt3A_2212 = arith.constant 1.000000e+01 : f32
        %gt3A_2213 = vector.broadcast %gt3A_2212 : f32 to vector<16xf32>
        %gt3A_2214 = arith.cmpf ogt, %get3A_2155, %gt3A_2213 : vector<16xf32>
        %jit3A_2215 = arith.constant 1 : i32
        %jit3A_2216 = arith.constant 0 : i32
        %broadcast_in_dim3A_2217 = vector.broadcast %jit3A_2215 : i32 to vector<16xi32>
        %broadcast_in_dim3A_2218 = vector.broadcast %jit3A_2216 : i32 to vector<16xi32>
        %select_n3A_2219 = arith.select %gt3A_2214, %broadcast_in_dim3A_2217, %broadcast_in_dim3A_2218 : vector<16xi1>, vector<16xi32>
        %add3A_2220 = arith.addi %add3A_2211, %select_n3A_2219 : vector<16xi32>
        %gt3A_2221 = arith.constant 2.000000e+01 : f32
        %gt3A_2222 = vector.broadcast %gt3A_2221 : f32 to vector<16xf32>
        %gt3A_2223 = arith.cmpf ogt, %get3A_2155, %gt3A_2222 : vector<16xf32>
        %jit3A_2224 = arith.constant 1 : i32
        %jit3A_2225 = arith.constant 0 : i32
        %broadcast_in_dim3A_2226 = vector.broadcast %jit3A_2224 : i32 to vector<16xi32>
        %broadcast_in_dim3A_2227 = vector.broadcast %jit3A_2225 : i32 to vector<16xi32>
        %select_n3A_2228 = arith.select %gt3A_2223, %broadcast_in_dim3A_2226, %broadcast_in_dim3A_2227 : vector<16xi1>, vector<16xi32>
        %add3A_2229 = arith.addi %add3A_2220, %select_n3A_2228 : vector<16xi32>
        %gt3A_2230 = arith.constant 5.000000e+01 : f32
        %gt3A_2231 = vector.broadcast %gt3A_2230 : f32 to vector<16xf32>
        %gt3A_2232 = arith.cmpf ogt, %get3A_2155, %gt3A_2231 : vector<16xf32>
        %jit3A_2233 = arith.constant 1 : i32
        %jit3A_2234 = arith.constant 0 : i32
        %broadcast_in_dim3A_2235 = vector.broadcast %jit3A_2233 : i32 to vector<16xi32>
        %broadcast_in_dim3A_2236 = vector.broadcast %jit3A_2234 : i32 to vector<16xi32>
        %select_n3A_2237 = arith.select %gt3A_2232, %broadcast_in_dim3A_2235, %broadcast_in_dim3A_2236 : vector<16xi1>, vector<16xi32>
        %add3A_2238 = arith.addi %add3A_2229, %select_n3A_2237 : vector<16xi32>
        %gt3A_2239 = arith.constant 1.000000e+02 : f32
        %gt3A_2240 = vector.broadcast %gt3A_2239 : f32 to vector<16xf32>
        %gt3A_2241 = arith.cmpf ogt, %get3A_2155, %gt3A_2240 : vector<16xf32>
        %jit3A_2242 = arith.constant 1 : i32
        %jit3A_2243 = arith.constant 0 : i32
        %broadcast_in_dim3A_2244 = vector.broadcast %jit3A_2242 : i32 to vector<16xi32>
        %broadcast_in_dim3A_2245 = vector.broadcast %jit3A_2243 : i32 to vector<16xi32>
        %select_n3A_2246 = arith.select %gt3A_2241, %broadcast_in_dim3A_2244, %broadcast_in_dim3A_2245 : vector<16xi1>, vector<16xi32>
        %add3A_2247 = arith.addi %add3A_2238, %select_n3A_2246 : vector<16xi32>
        %gt3A_2248 = arith.constant 2.000000e+02 : f32
        %gt3A_2249 = vector.broadcast %gt3A_2248 : f32 to vector<16xf32>
        %gt3A_2250 = arith.cmpf ogt, %get3A_2155, %gt3A_2249 : vector<16xf32>
        %jit3A_2251 = arith.constant 1 : i32
        %jit3A_2252 = arith.constant 0 : i32
        %broadcast_in_dim3A_2253 = vector.broadcast %jit3A_2251 : i32 to vector<16xi32>
        %broadcast_in_dim3A_2254 = vector.broadcast %jit3A_2252 : i32 to vector<16xi32>
        %select_n3A_2255 = arith.select %gt3A_2250, %broadcast_in_dim3A_2253, %broadcast_in_dim3A_2254 : vector<16xi1>, vector<16xi32>
        %add3A_2256 = arith.addi %add3A_2247, %select_n3A_2255 : vector<16xi32>
        %gt3A_2257 = arith.constant 5.000000e+02 : f32
        %gt3A_2258 = vector.broadcast %gt3A_2257 : f32 to vector<16xf32>
        %gt3A_2259 = arith.cmpf ogt, %get3A_2155, %gt3A_2258 : vector<16xf32>
        %jit3A_2260 = arith.constant 1 : i32
        %jit3A_2261 = arith.constant 0 : i32
        %broadcast_in_dim3A_2262 = vector.broadcast %jit3A_2260 : i32 to vector<16xi32>
        %broadcast_in_dim3A_2263 = vector.broadcast %jit3A_2261 : i32 to vector<16xi32>
        %select_n3A_2264 = arith.select %gt3A_2259, %broadcast_in_dim3A_2262, %broadcast_in_dim3A_2263 : vector<16xi1>, vector<16xi32>
        %add3A_2265 = arith.addi %add3A_2256, %select_n3A_2264 : vector<16xi32>
        %gt3A_2266 = arith.constant 1.000000e+03 : f32
        %gt3A_2267 = vector.broadcast %gt3A_2266 : f32 to vector<16xf32>
        %gt3A_2268 = arith.cmpf ogt, %get3A_2155, %gt3A_2267 : vector<16xf32>
        %jit3A_2269 = arith.constant 1 : i32
        %jit3A_2270 = arith.constant 0 : i32
        %broadcast_in_dim3A_2271 = vector.broadcast %jit3A_2269 : i32 to vector<16xi32>
        %broadcast_in_dim3A_2272 = vector.broadcast %jit3A_2270 : i32 to vector<16xi32>
        %select_n3A_2273 = arith.select %gt3A_2268, %broadcast_in_dim3A_2271, %broadcast_in_dim3A_2272 : vector<16xi1>, vector<16xi32>
        %add3A_2274 = arith.addi %add3A_2265, %select_n3A_2273 : vector<16xi32>
        %mul3A_2275 = arith.constant 64 : i32
        %mul3A_2276 = vector.broadcast %mul3A_2275 : i32 to vector<16xi32>
        %mul3A_2277 = arith.muli %add3A_2274, %mul3A_2276 : vector<16xi32>
        %get3A_2278 = arith.index_cast %add3A_2153 : i32 to index
        %get3A_2279 = tpu.vector_load %arg13[%get3A_2278] {strides = array<i32>} : memref<6400xi32, #tpu.memory_space<vmem>>, vector<16xi32>,
        %add3A_2280 = arith.addi %mul3A_2277, %get3A_2279 : vector<16xi32>
        %swap3A_2281 = arith.constant 1 : i32
        %swap3A_2282 = arith.index_cast %swap3A_2281 : i32 to index
        %swap3A_2283 = arith.constant 96 : index
        %swap3A_2284 = tpu.vector_load %arg14[%swap3A_2282, %swap3A_2283] {strides = array<i32>} : memref<2x128xi32, #tpu.memory_space<vmem>>, vector<16xi32>,
        tpu.vector_store %arg14[%swap3A_2282, %swap3A_2283], %add3A_2280 {strides = array<i32>} : memref<2x128xi32, #tpu.memory_space<vmem>>, vector<16xi32>,
        %add3A_2285 = arith.constant 112 : i32
        %add3A_2286 = arith.addi %mul3A_1329, %add3A_2285 : i32
        %get3A_2287 = arith.index_cast %add3A_2286 : i32 to index
        %get3A_2288 = tpu.vector_load %arg11[%get3A_2287] {strides = array<i32>} : memref<6400xf32, #tpu.memory_space<vmem>>, vector<16xf32>,
        %broadcast_in_dim3A_2289 = arith.constant 0 : i32
        %broadcast_in_dim3A_2290 = vector.broadcast %broadcast_in_dim3A_2289 : i32 to vector<16xi32>
        %gt3A_2291 = arith.constant 0.000000e+00 : f32
        %gt3A_2292 = vector.broadcast %gt3A_2291 : f32 to vector<16xf32>
        %gt3A_2293 = arith.cmpf ogt, %get3A_2288, %gt3A_2292 : vector<16xf32>
        %jit3A_2294 = arith.constant 1 : i32
        %jit3A_2295 = arith.constant 0 : i32
        %broadcast_in_dim3A_2296 = vector.broadcast %jit3A_2294 : i32 to vector<16xi32>
        %broadcast_in_dim3A_2297 = vector.broadcast %jit3A_2295 : i32 to vector<16xi32>
        %select_n3A_2298 = arith.select %gt3A_2293, %broadcast_in_dim3A_2296, %broadcast_in_dim3A_2297 : vector<16xi1>, vector<16xi32>
        %add3A_2299 = arith.addi %broadcast_in_dim3A_2290, %select_n3A_2298 : vector<16xi32>
        %gt3A_2300 = arith.constant 1.000000e-01 : f32
        %gt3A_2301 = vector.broadcast %gt3A_2300 : f32 to vector<16xf32>
        %gt3A_2302 = arith.cmpf ogt, %get3A_2288, %gt3A_2301 : vector<16xf32>
        %jit3A_2303 = arith.constant 1 : i32
        %jit3A_2304 = arith.constant 0 : i32
        %broadcast_in_dim3A_2305 = vector.broadcast %jit3A_2303 : i32 to vector<16xi32>
        %broadcast_in_dim3A_2306 = vector.broadcast %jit3A_2304 : i32 to vector<16xi32>
        %select_n3A_2307 = arith.select %gt3A_2302, %broadcast_in_dim3A_2305, %broadcast_in_dim3A_2306 : vector<16xi1>, vector<16xi32>
        %add3A_2308 = arith.addi %add3A_2299, %select_n3A_2307 : vector<16xi32>
        %gt3A_2309 = arith.constant 5.000000e-01 : f32
        %gt3A_2310 = vector.broadcast %gt3A_2309 : f32 to vector<16xf32>
        %gt3A_2311 = arith.cmpf ogt, %get3A_2288, %gt3A_2310 : vector<16xf32>
        %jit3A_2312 = arith.constant 1 : i32
        %jit3A_2313 = arith.constant 0 : i32
        %broadcast_in_dim3A_2314 = vector.broadcast %jit3A_2312 : i32 to vector<16xi32>
        %broadcast_in_dim3A_2315 = vector.broadcast %jit3A_2313 : i32 to vector<16xi32>
        %select_n3A_2316 = arith.select %gt3A_2311, %broadcast_in_dim3A_2314, %broadcast_in_dim3A_2315 : vector<16xi1>, vector<16xi32>
        %add3A_2317 = arith.addi %add3A_2308, %select_n3A_2316 : vector<16xi32>
        %gt3A_2318 = arith.constant 1.000000e+00 : f32
        %gt3A_2319 = vector.broadcast %gt3A_2318 : f32 to vector<16xf32>
        %gt3A_2320 = arith.cmpf ogt, %get3A_2288, %gt3A_2319 : vector<16xf32>
        %jit3A_2321 = arith.constant 1 : i32
        %jit3A_2322 = arith.constant 0 : i32
        %broadcast_in_dim3A_2323 = vector.broadcast %jit3A_2321 : i32 to vector<16xi32>
        %broadcast_in_dim3A_2324 = vector.broadcast %jit3A_2322 : i32 to vector<16xi32>
        %select_n3A_2325 = arith.select %gt3A_2320, %broadcast_in_dim3A_2323, %broadcast_in_dim3A_2324 : vector<16xi1>, vector<16xi32>
        %add3A_2326 = arith.addi %add3A_2317, %select_n3A_2325 : vector<16xi32>
        %gt3A_2327 = arith.constant 2.000000e+00 : f32
        %gt3A_2328 = vector.broadcast %gt3A_2327 : f32 to vector<16xf32>
        %gt3A_2329 = arith.cmpf ogt, %get3A_2288, %gt3A_2328 : vector<16xf32>
        %jit3A_2330 = arith.constant 1 : i32
        %jit3A_2331 = arith.constant 0 : i32
        %broadcast_in_dim3A_2332 = vector.broadcast %jit3A_2330 : i32 to vector<16xi32>
        %broadcast_in_dim3A_2333 = vector.broadcast %jit3A_2331 : i32 to vector<16xi32>
        %select_n3A_2334 = arith.select %gt3A_2329, %broadcast_in_dim3A_2332, %broadcast_in_dim3A_2333 : vector<16xi1>, vector<16xi32>
        %add3A_2335 = arith.addi %add3A_2326, %select_n3A_2334 : vector<16xi32>
        %gt3A_2336 = arith.constant 5.000000e+00 : f32
        %gt3A_2337 = vector.broadcast %gt3A_2336 : f32 to vector<16xf32>
        %gt3A_2338 = arith.cmpf ogt, %get3A_2288, %gt3A_2337 : vector<16xf32>
        %jit3A_2339 = arith.constant 1 : i32
        %jit3A_2340 = arith.constant 0 : i32
        %broadcast_in_dim3A_2341 = vector.broadcast %jit3A_2339 : i32 to vector<16xi32>
        %broadcast_in_dim3A_2342 = vector.broadcast %jit3A_2340 : i32 to vector<16xi32>
        %select_n3A_2343 = arith.select %gt3A_2338, %broadcast_in_dim3A_2341, %broadcast_in_dim3A_2342 : vector<16xi1>, vector<16xi32>
        %add3A_2344 = arith.addi %add3A_2335, %select_n3A_2343 : vector<16xi32>
        %gt3A_2345 = arith.constant 1.000000e+01 : f32
        %gt3A_2346 = vector.broadcast %gt3A_2345 : f32 to vector<16xf32>
        %gt3A_2347 = arith.cmpf ogt, %get3A_2288, %gt3A_2346 : vector<16xf32>
        %jit3A_2348 = arith.constant 1 : i32
        %jit3A_2349 = arith.constant 0 : i32
        %broadcast_in_dim3A_2350 = vector.broadcast %jit3A_2348 : i32 to vector<16xi32>
        %broadcast_in_dim3A_2351 = vector.broadcast %jit3A_2349 : i32 to vector<16xi32>
        %select_n3A_2352 = arith.select %gt3A_2347, %broadcast_in_dim3A_2350, %broadcast_in_dim3A_2351 : vector<16xi1>, vector<16xi32>
        %add3A_2353 = arith.addi %add3A_2344, %select_n3A_2352 : vector<16xi32>
        %gt3A_2354 = arith.constant 2.000000e+01 : f32
        %gt3A_2355 = vector.broadcast %gt3A_2354 : f32 to vector<16xf32>
        %gt3A_2356 = arith.cmpf ogt, %get3A_2288, %gt3A_2355 : vector<16xf32>
        %jit3A_2357 = arith.constant 1 : i32
        %jit3A_2358 = arith.constant 0 : i32
        %broadcast_in_dim3A_2359 = vector.broadcast %jit3A_2357 : i32 to vector<16xi32>
        %broadcast_in_dim3A_2360 = vector.broadcast %jit3A_2358 : i32 to vector<16xi32>
        %select_n3A_2361 = arith.select %gt3A_2356, %broadcast_in_dim3A_2359, %broadcast_in_dim3A_2360 : vector<16xi1>, vector<16xi32>
        %add3A_2362 = arith.addi %add3A_2353, %select_n3A_2361 : vector<16xi32>
        %gt3A_2363 = arith.constant 5.000000e+01 : f32
        %gt3A_2364 = vector.broadcast %gt3A_2363 : f32 to vector<16xf32>
        %gt3A_2365 = arith.cmpf ogt, %get3A_2288, %gt3A_2364 : vector<16xf32>
        %jit3A_2366 = arith.constant 1 : i32
        %jit3A_2367 = arith.constant 0 : i32
        %broadcast_in_dim3A_2368 = vector.broadcast %jit3A_2366 : i32 to vector<16xi32>
        %broadcast_in_dim3A_2369 = vector.broadcast %jit3A_2367 : i32 to vector<16xi32>
        %select_n3A_2370 = arith.select %gt3A_2365, %broadcast_in_dim3A_2368, %broadcast_in_dim3A_2369 : vector<16xi1>, vector<16xi32>
        %add3A_2371 = arith.addi %add3A_2362, %select_n3A_2370 : vector<16xi32>
        %gt3A_2372 = arith.constant 1.000000e+02 : f32
        %gt3A_2373 = vector.broadcast %gt3A_2372 : f32 to vector<16xf32>
        %gt3A_2374 = arith.cmpf ogt, %get3A_2288, %gt3A_2373 : vector<16xf32>
        %jit3A_2375 = arith.constant 1 : i32
        %jit3A_2376 = arith.constant 0 : i32
        %broadcast_in_dim3A_2377 = vector.broadcast %jit3A_2375 : i32 to vector<16xi32>
        %broadcast_in_dim3A_2378 = vector.broadcast %jit3A_2376 : i32 to vector<16xi32>
        %select_n3A_2379 = arith.select %gt3A_2374, %broadcast_in_dim3A_2377, %broadcast_in_dim3A_2378 : vector<16xi1>, vector<16xi32>
        %add3A_2380 = arith.addi %add3A_2371, %select_n3A_2379 : vector<16xi32>
        %gt3A_2381 = arith.constant 2.000000e+02 : f32
        %gt3A_2382 = vector.broadcast %gt3A_2381 : f32 to vector<16xf32>
        %gt3A_2383 = arith.cmpf ogt, %get3A_2288, %gt3A_2382 : vector<16xf32>
        %jit3A_2384 = arith.constant 1 : i32
        %jit3A_2385 = arith.constant 0 : i32
        %broadcast_in_dim3A_2386 = vector.broadcast %jit3A_2384 : i32 to vector<16xi32>
        %broadcast_in_dim3A_2387 = vector.broadcast %jit3A_2385 : i32 to vector<16xi32>
        %select_n3A_2388 = arith.select %gt3A_2383, %broadcast_in_dim3A_2386, %broadcast_in_dim3A_2387 : vector<16xi1>, vector<16xi32>
        %add3A_2389 = arith.addi %add3A_2380, %select_n3A_2388 : vector<16xi32>
        %gt3A_2390 = arith.constant 5.000000e+02 : f32
        %gt3A_2391 = vector.broadcast %gt3A_2390 : f32 to vector<16xf32>
        %gt3A_2392 = arith.cmpf ogt, %get3A_2288, %gt3A_2391 : vector<16xf32>
        %jit3A_2393 = arith.constant 1 : i32
        %jit3A_2394 = arith.constant 0 : i32
        %broadcast_in_dim3A_2395 = vector.broadcast %jit3A_2393 : i32 to vector<16xi32>
        %broadcast_in_dim3A_2396 = vector.broadcast %jit3A_2394 : i32 to vector<16xi32>
        %select_n3A_2397 = arith.select %gt3A_2392, %broadcast_in_dim3A_2395, %broadcast_in_dim3A_2396 : vector<16xi1>, vector<16xi32>
        %add3A_2398 = arith.addi %add3A_2389, %select_n3A_2397 : vector<16xi32>
        %gt3A_2399 = arith.constant 1.000000e+03 : f32
        %gt3A_2400 = vector.broadcast %gt3A_2399 : f32 to vector<16xf32>
        %gt3A_2401 = arith.cmpf ogt, %get3A_2288, %gt3A_2400 : vector<16xf32>
        %jit3A_2402 = arith.constant 1 : i32
        %jit3A_2403 = arith.constant 0 : i32
        %broadcast_in_dim3A_2404 = vector.broadcast %jit3A_2402 : i32 to vector<16xi32>
        %broadcast_in_dim3A_2405 = vector.broadcast %jit3A_2403 : i32 to vector<16xi32>
        %select_n3A_2406 = arith.select %gt3A_2401, %broadcast_in_dim3A_2404, %broadcast_in_dim3A_2405 : vector<16xi1>, vector<16xi32>
        %add3A_2407 = arith.addi %add3A_2398, %select_n3A_2406 : vector<16xi32>
        %mul3A_2408 = arith.constant 64 : i32
        %mul3A_2409 = vector.broadcast %mul3A_2408 : i32 to vector<16xi32>
        %mul3A_2410 = arith.muli %add3A_2407, %mul3A_2409 : vector<16xi32>
        %get3A_2411 = arith.index_cast %add3A_2286 : i32 to index
        %get3A_2412 = tpu.vector_load %arg13[%get3A_2411] {strides = array<i32>} : memref<6400xi32, #tpu.memory_space<vmem>>, vector<16xi32>,
        %add3A_2413 = arith.addi %mul3A_2410, %get3A_2412 : vector<16xi32>
        %swap3A_2414 = arith.constant 1 : i32
        %swap3A_2415 = arith.index_cast %swap3A_2414 : i32 to index
        %swap3A_2416 = arith.constant 112 : index
        %swap3A_2417 = tpu.vector_load %arg14[%swap3A_2415, %swap3A_2416] {strides = array<i32>} : memref<2x128xi32, #tpu.memory_space<vmem>>, vector<16xi32>,
        tpu.vector_store %arg14[%swap3A_2415, %swap3A_2416], %add3A_2413 {strides = array<i32>} : memref<2x128xi32, #tpu.memory_space<vmem>>, vector<16xi32>,
        %dma_start3A_2418 = arith.constant 1 : i32
        %dma_start3A_2419 = arith.constant 1 : i32
        %dma_start3A_2420 = arith.constant 1 : i32
        %dma_start3A_2421 = arith.constant 0 : i32
        %dma_start3A_2422 = arith.constant 0 : i32
        %dma_start3A_2423 = tpu.memref_slice %arg15[%dma_start3A_2419, %dma_start3A_2421, %dma_start3A_2422] : memref<2x128x64xi32, #tpu.memory_space<vmem>> -> memref<1x128x64xi32, #tpu.memory_space<vmem>>
        %dma_start3A_2424 = tpu.memref_squeeze %dma_start3A_2423 : memref<1x128x64xi32, #tpu.memory_space<vmem>> -> memref<128x64xi32, #tpu.memory_space<vmem>>
        %dma_start3A_2425 = arith.constant 0 : i32
        %dma_start3A_2426 = tpu.memref_slice %arg14[%dma_start3A_2418, %dma_start3A_2425] : memref<2x128xi32, #tpu.memory_space<vmem>> -> memref<1x128xi32, #tpu.memory_space<vmem>>
        %dma_start3A_2427 = tpu.memref_squeeze %dma_start3A_2426 : memref<1x128xi32, #tpu.memory_space<vmem>> -> memref<128xi32, #tpu.memory_space<vmem>>
        %dma_start3A_2428 = arith.constant 0 : i32
        %dma_start3A_2429 = arith.constant 0 : i32
        %dma_start3A_2430 = tpu.memref_slice %arg7[%dma_start3A_2428, %dma_start3A_2429] : memref<896x64xi32, #tpu.memory_space<hbm>> -> memref<896x64xi32, #tpu.memory_space<hbm>>
        %dma_start3A_2431 = tpu.memref_slice %arg18[%dma_start3A_2420] : memref<2x!tpu.dma_semaphore, #tpu.memory_space<semaphore_mem>> -> memref<1x!tpu.dma_semaphore, #tpu.memory_space<semaphore_mem>>
        %dma_start3A_2432 = tpu.memref_squeeze %dma_start3A_2431 : memref<1x!tpu.dma_semaphore, #tpu.memory_space<semaphore_mem>> -> memref<!tpu.dma_semaphore, #tpu.memory_space<semaphore_mem>>
        tpu.enqueue_indirect_dma source(%dma_start3A_2430 : memref<896x64xi32, #tpu.memory_space<hbm>>) target(%dma_start3A_2424 : memref<128x64xi32, #tpu.memory_space<vmem>>) offsets(%dma_start3A_2427 : memref<128xi32, #tpu.memory_space<vmem>>) semaphore(%dma_start3A_2432 : memref<!tpu.dma_semaphore, #tpu.memory_space<semaphore_mem>>)
      } else {
      }
      %dma_wait3A_1173 = arith.constant 0 : i32
      %dma_wait3A_1174 = arith.constant 0 : i32
      %dma_wait3A_1175 = arith.constant 0 : i32
      %dma_wait3A_1176 = arith.constant 0 : i32
      %dma_wait3A_1177 = tpu.memref_slice %arg17[%dma_wait3A_1173, %dma_wait3A_1175, %dma_wait3A_1176] : memref<2x128x128xf32, #tpu.memory_space<vmem>> -> memref<1x128x128xf32, #tpu.memory_space<vmem>>
      %dma_wait3A_1178 = tpu.memref_squeeze %dma_wait3A_1177 : memref<1x128x128xf32, #tpu.memory_space<vmem>> -> memref<128x128xf32, #tpu.memory_space<vmem>>
      %dma_wait3A_1179 = arith.constant 0 : i32
      %dma_wait3A_1180 = tpu.memref_slice %arg10[%dma_wait3A_1179] : memref<6400xi32, #tpu.memory_space<vmem>> -> memref<128xi32, #tpu.memory_space<vmem>>
      %dma_wait3A_1181 = arith.constant 0 : i32
      %dma_wait3A_1182 = arith.constant 0 : i32
      %dma_wait3A_1183 = tpu.memref_slice %arg6[%dma_wait3A_1181, %dma_wait3A_1182] : memref<100000x128xf32, #tpu.memory_space<hbm>> -> memref<100000x128xf32, #tpu.memory_space<hbm>>
      %dma_wait3A_1184 = tpu.memref_slice %arg18[%dma_wait3A_1174] : memref<2x!tpu.dma_semaphore, #tpu.memory_space<semaphore_mem>> -> memref<1x!tpu.dma_semaphore, #tpu.memory_space<semaphore_mem>>
      %dma_wait3A_1185 = tpu.memref_squeeze %dma_wait3A_1184 : memref<1x!tpu.dma_semaphore, #tpu.memory_space<semaphore_mem>> -> memref<!tpu.dma_semaphore, #tpu.memory_space<semaphore_mem>>
      tpu.wait_indirect_dma semaphore(%dma_wait3A_1185 : memref<!tpu.dma_semaphore, #tpu.memory_space<semaphore_mem>>) src(%dma_wait3A_1183 : memref<100000x128xf32, #tpu.memory_space<hbm>>) dst(%dma_wait3A_1178 : memref<128x128xf32, #tpu.memory_space<vmem>>)
      %dma_wait3A_1186 = arith.constant 0 : i32
      %dma_wait3A_1187 = arith.constant 0 : i32
      %dma_wait3A_1188 = arith.constant 0 : i32
      %dma_wait3A_1189 = arith.constant 0 : i32
      %dma_wait3A_1190 = tpu.memref_slice %arg16[%dma_wait3A_1186, %dma_wait3A_1188, %dma_wait3A_1189] : memref<2x128x64xi32, #tpu.memory_space<vmem>> -> memref<1x128x64xi32, #tpu.memory_space<vmem>>
      %dma_wait3A_1191 = tpu.memref_squeeze %dma_wait3A_1190 : memref<1x128x64xi32, #tpu.memory_space<vmem>> -> memref<128x64xi32, #tpu.memory_space<vmem>>
      %dma_wait3A_1192 = arith.constant 0 : i32
      %dma_wait3A_1193 = tpu.memref_slice %arg12[%dma_wait3A_1192] : memref<6400xi32, #tpu.memory_space<vmem>> -> memref<128xi32, #tpu.memory_space<vmem>>
      %dma_wait3A_1194 = arith.constant 0 : i32
      %dma_wait3A_1195 = arith.constant 0 : i32
      %dma_wait3A_1196 = tpu.memref_slice %arg8[%dma_wait3A_1194, %dma_wait3A_1195] : memref<512x64xi32, #tpu.memory_space<hbm>> -> memref<512x64xi32, #tpu.memory_space<hbm>>
      %dma_wait3A_1197 = tpu.memref_slice %arg18[%dma_wait3A_1187] : memref<2x!tpu.dma_semaphore, #tpu.memory_space<semaphore_mem>> -> memref<1x!tpu.dma_semaphore, #tpu.memory_space<semaphore_mem>>
      %dma_wait3A_1198 = tpu.memref_squeeze %dma_wait3A_1197 : memref<1x!tpu.dma_semaphore, #tpu.memory_space<semaphore_mem>> -> memref<!tpu.dma_semaphore, #tpu.memory_space<semaphore_mem>>
      tpu.wait_indirect_dma semaphore(%dma_wait3A_1198 : memref<!tpu.dma_semaphore, #tpu.memory_space<semaphore_mem>>) src(%dma_wait3A_1196 : memref<512x64xi32, #tpu.memory_space<hbm>>) dst(%dma_wait3A_1191 : memref<128x64xi32, #tpu.memory_space<vmem>>)
      %dma_wait3A_1199 = arith.constant 0 : i32
      %dma_wait3A_1200 = arith.constant 0 : i32
      %dma_wait3A_1201 = arith.constant 0 : i32
      %dma_wait3A_1202 = arith.constant 0 : i32
      %dma_wait3A_1203 = arith.constant 0 : i32
      %dma_wait3A_1204 = tpu.memref_slice %arg15[%dma_wait3A_1200, %dma_wait3A_1202, %dma_wait3A_1203] : memref<2x128x64xi32, #tpu.memory_space<vmem>> -> memref<1x128x64xi32, #tpu.memory_space<vmem>>
      %dma_wait3A_1205 = tpu.memref_squeeze %dma_wait3A_1204 : memref<1x128x64xi32, #tpu.memory_space<vmem>> -> memref<128x64xi32, #tpu.memory_space<vmem>>
      %dma_wait3A_1206 = arith.constant 0 : i32
      %dma_wait3A_1207 = tpu.memref_slice %arg14[%dma_wait3A_1199, %dma_wait3A_1206] : memref<2x128xi32, #tpu.memory_space<vmem>> -> memref<1x128xi32, #tpu.memory_space<vmem>>
      %dma_wait3A_1208 = tpu.memref_squeeze %dma_wait3A_1207 : memref<1x128xi32, #tpu.memory_space<vmem>> -> memref<128xi32, #tpu.memory_space<vmem>>
      %dma_wait3A_1209 = arith.constant 0 : i32
      %dma_wait3A_1210 = arith.constant 0 : i32
      %dma_wait3A_1211 = tpu.memref_slice %arg7[%dma_wait3A_1209, %dma_wait3A_1210] : memref<896x64xi32, #tpu.memory_space<hbm>> -> memref<896x64xi32, #tpu.memory_space<hbm>>
      %dma_wait3A_1212 = tpu.memref_slice %arg18[%dma_wait3A_1201] : memref<2x!tpu.dma_semaphore, #tpu.memory_space<semaphore_mem>> -> memref<1x!tpu.dma_semaphore, #tpu.memory_space<semaphore_mem>>
      %dma_wait3A_1213 = tpu.memref_squeeze %dma_wait3A_1212 : memref<1x!tpu.dma_semaphore, #tpu.memory_space<semaphore_mem>> -> memref<!tpu.dma_semaphore, #tpu.memory_space<semaphore_mem>>
      tpu.wait_indirect_dma semaphore(%dma_wait3A_1213 : memref<!tpu.dma_semaphore, #tpu.memory_space<semaphore_mem>>) src(%dma_wait3A_1211 : memref<896x64xi32, #tpu.memory_space<hbm>>) dst(%dma_wait3A_1205 : memref<128x64xi32, #tpu.memory_space<vmem>>)
      %scan3A_1214 = arith.constant 0 : i32
      %scan3A_1215 = arith.constant 128 : i32
      %scan3A_1216 = arith.addi %scan3A_1214, %scan3A_1215 : i32
      %scan3A_1217 = arith.constant 1 : i32
      scf.for %scan3A_1322 = %scan3A_1214 to %scan3A_1216 step %scan3A_1217  : i32 {
        %mul3A_1323 = arith.constant 1 : i32
        %mul3A_1324 = arith.muli %scan3A_1322, %mul3A_1323 : i32
        %add3A_1325 = arith.constant 0 : i32
        %add3A_1326 = arith.addi %add3A_1325, %mul3A_1324 : i32
        %get3A_1327 = arith.constant 0 : i32
        %get3A_1328 = arith.index_cast %get3A_1327 : i32 to index
        %get3A_1329 = arith.index_cast %add3A_1326 : i32 to index
        %get3A_1330 = arith.constant 0 : index
        %get3A_1331 = tpu.vector_load %arg15[%get3A_1328, %get3A_1329, %get3A_1330] {strides = array<i32>} : memref<2x128x64xi32, #tpu.memory_space<vmem>>, vector<16xi32>,
        %bitcast3A = vector.bitcast %get3A_1331 : vector<16xi32> to vector<32xbf16>
        %get3A_1332 = arith.constant 0 : i32
        %get3A_1333 = arith.index_cast %get3A_1332 : i32 to index
        %get3A_1334 = arith.index_cast %add3A_1326 : i32 to index
        %get3A_1335 = arith.constant 0 : index
        %get3A_1336 = tpu.vector_load %arg16[%get3A_1333, %get3A_1334, %get3A_1335] {strides = array<i32>} : memref<2x128x64xi32, #tpu.memory_space<vmem>>, vector<16xi32>,
        %bitcast3A_1337 = vector.bitcast %get3A_1336 : vector<16xi32> to vector<32xbf16>
        %add3A_1338 = arith.addf %bitcast3A, %bitcast3A_1337 : vector<32xbf16>
        %unpack3A = tpu.unpack_subelements %add3A_1338, 0 {pack_format = #tpu.pack_format<interleaved>} : vector<32xbf16> -> vector<16xf32>
        %unpack3A_1339 = tpu.unpack_subelements %add3A_1338, 1 {pack_format = #tpu.pack_format<interleaved>} : vector<32xbf16> -> vector<16xf32>
        %get3A_1340 = arith.constant 0 : i32
        %get3A_1341 = arith.index_cast %get3A_1340 : i32 to index
        %get3A_1342 = arith.index_cast %add3A_1326 : i32 to index
        %get3A_1343 = arith.constant 0 : index
        %get3A_1344 = tpu.vector_load %arg17[%get3A_1341, %get3A_1342, %get3A_1343] {strides = array<i32>} : memref<2x128x128xf32, #tpu.memory_space<vmem>>, vector<16xf32>,
        %add3A_1345 = arith.addf %get3A_1344, %unpack3A : vector<16xf32>
        %swap3A_1346 = arith.constant 0 : i32
        %swap3A_1347 = arith.index_cast %swap3A_1346 : i32 to index
        %swap3A_1348 = arith.index_cast %add3A_1326 : i32 to index
        %swap3A_1349 = arith.constant 0 : index
        %swap3A_1350 = tpu.vector_load %arg17[%swap3A_1347, %swap3A_1348, %swap3A_1349] {strides = array<i32>} : memref<2x128x128xf32, #tpu.memory_space<vmem>>, vector<16xf32>,
        tpu.vector_store %arg17[%swap3A_1347, %swap3A_1348, %swap3A_1349], %add3A_1345 {strides = array<i32>} : memref<2x128x128xf32, #tpu.memory_space<vmem>>, vector<16xf32>,
        %get3A_1351 = arith.constant 0 : i32
        %get3A_1352 = arith.index_cast %get3A_1351 : i32 to index
        %get3A_1353 = arith.index_cast %add3A_1326 : i32 to index
        %get3A_1354 = arith.constant 64 : index
        %get3A_1355 = tpu.vector_load %arg17[%get3A_1352, %get3A_1353, %get3A_1354] {strides = array<i32>} : memref<2x128x128xf32, #tpu.memory_space<vmem>>, vector<16xf32>,
        %add3A_1356 = arith.addf %get3A_1355, %unpack3A_1339 : vector<16xf32>
        %swap3A_1357 = arith.constant 0 : i32
        %swap3A_1358 = arith.index_cast %swap3A_1357 : i32 to index
        %swap3A_1359 = arith.index_cast %add3A_1326 : i32 to index
        %swap3A_1360 = arith.constant 64 : index
        %swap3A_1361 = tpu.vector_load %arg17[%swap3A_1358, %swap3A_1359, %swap3A_1360] {strides = array<i32>} : memref<2x128x128xf32, #tpu.memory_space<vmem>>, vector<16xf32>,
        tpu.vector_store %arg17[%swap3A_1358, %swap3A_1359, %swap3A_1360], %add3A_1356 {strides = array<i32>} : memref<2x128x128xf32, #tpu.memory_space<vmem>>, vector<16xf32>,
        %get3A_1362 = arith.constant 0 : i32
        %get3A_1363 = arith.index_cast %get3A_1362 : i32 to index
        %get3A_1364 = arith.index_cast %add3A_1326 : i32 to index
        %get3A_1365 = arith.constant 16 : index
        %get3A_1366 = tpu.vector_load %arg15[%get3A_1363, %get3A_1364, %get3A_1365] {strides = array<i32>} : memref<2x128x64xi32, #tpu.memory_space<vmem>>, vector<16xi32>,
        %bitcast3A_1367 = vector.bitcast %get3A_1366 : vector<16xi32> to vector<32xbf16>
        %get3A_1368 = arith.constant 0 : i32
        %get3A_1369 = arith.index_cast %get3A_1368 : i32 to index
        %get3A_1370 = arith.index_cast %add3A_1326 : i32 to index
        %get3A_1371 = arith.constant 16 : index
        %get3A_1372 = tpu.vector_load %arg16[%get3A_1369, %get3A_1370, %get3A_1371] {strides = array<i32>} : memref<2x128x64xi32, #tpu.memory_space<vmem>>, vector<16xi32>,
        %bitcast3A_1373 = vector.bitcast %get3A_1372 : vector<16xi32> to vector<32xbf16>
        %add3A_1374 = arith.addf %bitcast3A_1367, %bitcast3A_1373 : vector<32xbf16>
        %unpack3A_1375 = tpu.unpack_subelements %add3A_1374, 0 {pack_format = #tpu.pack_format<interleaved>} : vector<32xbf16> -> vector<16xf32>
        %unpack3A_1376 = tpu.unpack_subelements %add3A_1374, 1 {pack_format = #tpu.pack_format<interleaved>} : vector<32xbf16> -> vector<16xf32>
        %get3A_1377 = arith.constant 0 : i32
        %get3A_1378 = arith.index_cast %get3A_1377 : i32 to index
        %get3A_1379 = arith.index_cast %add3A_1326 : i32 to index
        %get3A_1380 = arith.constant 16 : index
        %get3A_1381 = tpu.vector_load %arg17[%get3A_1378, %get3A_1379, %get3A_1380] {strides = array<i32>} : memref<2x128x128xf32, #tpu.memory_space<vmem>>, vector<16xf32>,
        %add3A_1382 = arith.addf %get3A_1381, %unpack3A_1375 : vector<16xf32>
        %swap3A_1383 = arith.constant 0 : i32
        %swap3A_1384 = arith.index_cast %swap3A_1383 : i32 to index
        %swap3A_1385 = arith.index_cast %add3A_1326 : i32 to index
        %swap3A_1386 = arith.constant 16 : index
        %swap3A_1387 = tpu.vector_load %arg17[%swap3A_1384, %swap3A_1385, %swap3A_1386] {strides = array<i32>} : memref<2x128x128xf32, #tpu.memory_space<vmem>>, vector<16xf32>,
        tpu.vector_store %arg17[%swap3A_1384, %swap3A_1385, %swap3A_1386], %add3A_1382 {strides = array<i32>} : memref<2x128x128xf32, #tpu.memory_space<vmem>>, vector<16xf32>,
        %get3A_1388 = arith.constant 0 : i32
        %get3A_1389 = arith.index_cast %get3A_1388 : i32 to index
        %get3A_1390 = arith.index_cast %add3A_1326 : i32 to index
        %get3A_1391 = arith.constant 80 : index
        %get3A_1392 = tpu.vector_load %arg17[%get3A_1389, %get3A_1390, %get3A_1391] {strides = array<i32>} : memref<2x128x128xf32, #tpu.memory_space<vmem>>, vector<16xf32>,
        %add3A_1393 = arith.addf %get3A_1392, %unpack3A_1376 : vector<16xf32>
        %swap3A_1394 = arith.constant 0 : i32
        %swap3A_1395 = arith.index_cast %swap3A_1394 : i32 to index
        %swap3A_1396 = arith.index_cast %add3A_1326 : i32 to index
        %swap3A_1397 = arith.constant 80 : index
        %swap3A_1398 = tpu.vector_load %arg17[%swap3A_1395, %swap3A_1396, %swap3A_1397] {strides = array<i32>} : memref<2x128x128xf32, #tpu.memory_space<vmem>>, vector<16xf32>,
        tpu.vector_store %arg17[%swap3A_1395, %swap3A_1396, %swap3A_1397], %add3A_1393 {strides = array<i32>} : memref<2x128x128xf32, #tpu.memory_space<vmem>>, vector<16xf32>,
        %get3A_1399 = arith.constant 0 : i32
        %get3A_1400 = arith.index_cast %get3A_1399 : i32 to index
        %get3A_1401 = arith.index_cast %add3A_1326 : i32 to index
        %get3A_1402 = arith.constant 32 : index
        %get3A_1403 = tpu.vector_load %arg15[%get3A_1400, %get3A_1401, %get3A_1402] {strides = array<i32>} : memref<2x128x64xi32, #tpu.memory_space<vmem>>, vector<16xi32>,
        %bitcast3A_1404 = vector.bitcast %get3A_1403 : vector<16xi32> to vector<32xbf16>
        %get3A_1405 = arith.constant 0 : i32
        %get3A_1406 = arith.index_cast %get3A_1405 : i32 to index
        %get3A_1407 = arith.index_cast %add3A_1326 : i32 to index
        %get3A_1408 = arith.constant 32 : index
        %get3A_1409 = tpu.vector_load %arg16[%get3A_1406, %get3A_1407, %get3A_1408] {strides = array<i32>} : memref<2x128x64xi32, #tpu.memory_space<vmem>>, vector<16xi32>,
        %bitcast3A_1410 = vector.bitcast %get3A_1409 : vector<16xi32> to vector<32xbf16>
        %add3A_1411 = arith.addf %bitcast3A_1404, %bitcast3A_1410 : vector<32xbf16>
        %unpack3A_1412 = tpu.unpack_subelements %add3A_1411, 0 {pack_format = #tpu.pack_format<interleaved>} : vector<32xbf16> -> vector<16xf32>
        %unpack3A_1413 = tpu.unpack_subelements %add3A_1411, 1 {pack_format = #tpu.pack_format<interleaved>} : vector<32xbf16> -> vector<16xf32>
        %get3A_1414 = arith.constant 0 : i32
        %get3A_1415 = arith.index_cast %get3A_1414 : i32 to index
        %get3A_1416 = arith.index_cast %add3A_1326 : i32 to index
        %get3A_1417 = arith.constant 32 : index
        %get3A_1418 = tpu.vector_load %arg17[%get3A_1415, %get3A_1416, %get3A_1417] {strides = array<i32>} : memref<2x128x128xf32, #tpu.memory_space<vmem>>, vector<16xf32>,
        %add3A_1419 = arith.addf %get3A_1418, %unpack3A_1412 : vector<16xf32>
        %swap3A_1420 = arith.constant 0 : i32
        %swap3A_1421 = arith.index_cast %swap3A_1420 : i32 to index
        %swap3A_1422 = arith.index_cast %add3A_1326 : i32 to index
        %swap3A_1423 = arith.constant 32 : index
        %swap3A_1424 = tpu.vector_load %arg17[%swap3A_1421, %swap3A_1422, %swap3A_1423] {strides = array<i32>} : memref<2x128x128xf32, #tpu.memory_space<vmem>>, vector<16xf32>,
        tpu.vector_store %arg17[%swap3A_1421, %swap3A_1422, %swap3A_1423], %add3A_1419 {strides = array<i32>} : memref<2x128x128xf32, #tpu.memory_space<vmem>>, vector<16xf32>,
        %get3A_1425 = arith.constant 0 : i32
        %get3A_1426 = arith.index_cast %get3A_1425 : i32 to index
        %get3A_1427 = arith.index_cast %add3A_1326 : i32 to index
        %get3A_1428 = arith.constant 96 : index
        %get3A_1429 = tpu.vector_load %arg17[%get3A_1426, %get3A_1427, %get3A_1428] {strides = array<i32>} : memref<2x128x128xf32, #tpu.memory_space<vmem>>, vector<16xf32>,
        %add3A_1430 = arith.addf %get3A_1429, %unpack3A_1413 : vector<16xf32>
        %swap3A_1431 = arith.constant 0 : i32
        %swap3A_1432 = arith.index_cast %swap3A_1431 : i32 to index
        %swap3A_1433 = arith.index_cast %add3A_1326 : i32 to index
        %swap3A_1434 = arith.constant 96 : index
        %swap3A_1435 = tpu.vector_load %arg17[%swap3A_1432, %swap3A_1433, %swap3A_1434] {strides = array<i32>} : memref<2x128x128xf32, #tpu.memory_space<vmem>>, vector<16xf32>,
        tpu.vector_store %arg17[%swap3A_1432, %swap3A_1433, %swap3A_1434], %add3A_1430 {strides = array<i32>} : memref<2x128x128xf32, #tpu.memory_space<vmem>>, vector<16xf32>,
        %get3A_1436 = arith.constant 0 : i32
        %get3A_1437 = arith.index_cast %get3A_1436 : i32 to index
        %get3A_1438 = arith.index_cast %add3A_1326 : i32 to index
        %get3A_1439 = arith.constant 48 : index
        %get3A_1440 = tpu.vector_load %arg15[%get3A_1437, %get3A_1438, %get3A_1439] {strides = array<i32>} : memref<2x128x64xi32, #tpu.memory_space<vmem>>, vector<16xi32>,
        %bitcast3A_1441 = vector.bitcast %get3A_1440 : vector<16xi32> to vector<32xbf16>
        %get3A_1442 = arith.constant 0 : i32
        %get3A_1443 = arith.index_cast %get3A_1442 : i32 to index
        %get3A_1444 = arith.index_cast %add3A_1326 : i32 to index
        %get3A_1445 = arith.constant 48 : index
        %get3A_1446 = tpu.vector_load %arg16[%get3A_1443, %get3A_1444, %get3A_1445] {strides = array<i32>} : memref<2x128x64xi32, #tpu.memory_space<vmem>>, vector<16xi32>,
        %bitcast3A_1447 = vector.bitcast %get3A_1446 : vector<16xi32> to vector<32xbf16>
        %add3A_1448 = arith.addf %bitcast3A_1441, %bitcast3A_1447 : vector<32xbf16>
        %unpack3A_1449 = tpu.unpack_subelements %add3A_1448, 0 {pack_format = #tpu.pack_format<interleaved>} : vector<32xbf16> -> vector<16xf32>
        %unpack3A_1450 = tpu.unpack_subelements %add3A_1448, 1 {pack_format = #tpu.pack_format<interleaved>} : vector<32xbf16> -> vector<16xf32>
        %get3A_1451 = arith.constant 0 : i32
        %get3A_1452 = arith.index_cast %get3A_1451 : i32 to index
        %get3A_1453 = arith.index_cast %add3A_1326 : i32 to index
        %get3A_1454 = arith.constant 48 : index
        %get3A_1455 = tpu.vector_load %arg17[%get3A_1452, %get3A_1453, %get3A_1454] {strides = array<i32>} : memref<2x128x128xf32, #tpu.memory_space<vmem>>, vector<16xf32>,
        %add3A_1456 = arith.addf %get3A_1455, %unpack3A_1449 : vector<16xf32>
        %swap3A_1457 = arith.constant 0 : i32
        %swap3A_1458 = arith.index_cast %swap3A_1457 : i32 to index
        %swap3A_1459 = arith.index_cast %add3A_1326 : i32 to index
        %swap3A_1460 = arith.constant 48 : index
        %swap3A_1461 = tpu.vector_load %arg17[%swap3A_1458, %swap3A_1459, %swap3A_1460] {strides = array<i32>} : memref<2x128x128xf32, #tpu.memory_space<vmem>>, vector<16xf32>,
        tpu.vector_store %arg17[%swap3A_1458, %swap3A_1459, %swap3A_1460], %add3A_1456 {strides = array<i32>} : memref<2x128x128xf32, #tpu.memory_space<vmem>>, vector<16xf32>,
        %get3A_1462 = arith.constant 0 : i32
        %get3A_1463 = arith.index_cast %get3A_1462 : i32 to index
        %get3A_1464 = arith.index_cast %add3A_1326 : i32 to index
        %get3A_1465 = arith.constant 112 : index
        %get3A_1466 = tpu.vector_load %arg17[%get3A_1463, %get3A_1464, %get3A_1465] {strides = array<i32>} : memref<2x128x128xf32, #tpu.memory_space<vmem>>, vector<16xf32>,
        %add3A_1467 = arith.addf %get3A_1466, %unpack3A_1450 : vector<16xf32>
        %swap3A_1468 = arith.constant 0 : i32
        %swap3A_1469 = arith.index_cast %swap3A_1468 : i32 to index
        %swap3A_1470 = arith.index_cast %add3A_1326 : i32 to index
        %swap3A_1471 = arith.constant 112 : index
        %swap3A_1472 = tpu.vector_load %arg17[%swap3A_1469, %swap3A_1470, %swap3A_1471] {strides = array<i32>} : memref<2x128x128xf32, #tpu.memory_space<vmem>>, vector<16xf32>,
        tpu.vector_store %arg17[%swap3A_1469, %swap3A_1470, %swap3A_1471], %add3A_1467 {strides = array<i32>} : memref<2x128x128xf32, #tpu.memory_space<vmem>>, vector<16xf32>,
      }
      %scan3A_1218 = arith.constant 128 : i32
      %mul3A_1219 = arith.constant 2 : i32
      %mul3A_1220 = arith.muli %mul3A_1219, %add3A_1164 : i32
      %mul3A_1221 = arith.constant 128 : i32
      %mul3A_1222 = arith.muli %mul3A_1220, %mul3A_1221 : i32
      %add3A_1223 = arith.addi %mul3A_2, %mul3A_1222 : i32
      %add3A_1224 = arith.constant 0 : i32
      %add3A_1225 = arith.addi %add3A_1223, %add3A_1224 : i32
      %dma_start3A_1226 = arith.constant 0 : i32
      %dma_start3A_1227 = arith.constant 0 : i32
      %dma_start3A_1228 = arith.constant 0 : i32
      %dma_start3A_1229 = arith.constant 0 : i32
      %dma_start3A_1230 = tpu.memref_slice %arg17[%dma_start3A_1226, %dma_start3A_1228, %dma_start3A_1229] : memref<2x128x128xf32, #tpu.memory_space<vmem>> -> memref<1x128x128xf32, #tpu.memory_space<vmem>>
      %dma_start3A_1231 = tpu.memref_squeeze %dma_start3A_1230 : memref<1x128x128xf32, #tpu.memory_space<vmem>> -> memref<128x128xf32, #tpu.memory_space<vmem>>
      %dma_start3A_1232 = arith.constant 0 : i32
      %dma_start3A_1233 = tpu.memref_slice %arg9[%add3A_1225, %dma_start3A_1232] : memref<204800x128xf32, #tpu.memory_space<hbm>> -> memref<128x128xf32, #tpu.memory_space<hbm>>
      %dma_start3A_1234 = tpu.memref_slice %arg19[%dma_start3A_1227] : memref<2x!tpu.dma_semaphore, #tpu.memory_space<semaphore_mem>> -> memref<1x!tpu.dma_semaphore, #tpu.memory_space<semaphore_mem>>
      %dma_start3A_1235 = tpu.memref_squeeze %dma_start3A_1234 : memref<1x!tpu.dma_semaphore, #tpu.memory_space<semaphore_mem>> -> memref<!tpu.dma_semaphore, #tpu.memory_space<semaphore_mem>>
      %dma_start3A_1236 = arith.constant 0 : i32
      %dma_start3A_1237 = tpu.memref_slice %arg9[%add3A_1225, %dma_start3A_1236] : memref<204800x128xf32, #tpu.memory_space<hbm>> -> memref<128x128xf32, #tpu.memory_space<hbm>>
      %dma_start3A_1238 = arith.constant 0 : i32
      %dma_start3A_1239 = arith.constant 0 : i32
      %dma_start3A_1240 = tpu.memref_slice %arg17[%dma_start3A_1226, %dma_start3A_1238, %dma_start3A_1239] : memref<2x128x128xf32, #tpu.memory_space<vmem>> -> memref<1x128x128xf32, #tpu.memory_space<vmem>>
      %dma_start3A_1241 = tpu.memref_squeeze %dma_start3A_1240 : memref<1x128x128xf32, #tpu.memory_space<vmem>> -> memref<128x128xf32, #tpu.memory_space<vmem>>
      tpu.enqueue_dma source(%dma_start3A_1241 : memref<128x128xf32, #tpu.memory_space<vmem>>) target(%dma_start3A_1237 : memref<128x128xf32, #tpu.memory_space<hbm>>) target_semaphore(%dma_start3A_1235 : memref<!tpu.dma_semaphore, #tpu.memory_space<semaphore_mem>>)
      %mul3A_1242 = arith.constant 2 : i32
      %mul3A_1243 = arith.muli %mul3A_1242, %add3A_1164 : i32
      %add3A_1244 = arith.constant 1 : i32
      %add3A_1245 = arith.addi %mul3A_1243, %add3A_1244 : i32
      %add3A_1246 = arith.constant 1 : i32
      %add3A_1247 = arith.addi %add3A_1245, %add3A_1246 : i32
      %lt3A_1248 = arith.constant 50 : i32
      %lt3A_1249 = arith.cmpi slt, %add3A_1247, %lt3A_1248 : i32
      %convert_element_type3A_1250 = arith.extui %lt3A_1249 : i1 to i32
      %cond3A_1251 = arith.constant 0 : i32
      %cond3A_1252 = arith.cmpi ne, %convert_element_type3A_1250, %cond3A_1251 : i32
      scf.if %cond3A_1252 {
        %ge3A = arith.constant 1 : i32
        %ge3A_1322 = arith.cmpi sge, %add3A_1245, %ge3A : i32
        %convert_element_type3A_1323 = arith.extui %ge3A_1322 : i1 to i32
        %cond3A_1324 = arith.constant 0 : i32
        %cond3A_1325 = arith.cmpi ne, %convert_element_type3A_1323, %cond3A_1324 : i32
        scf.if %cond3A_1325 {
          %dma_wait3A_2433 = arith.constant 0 : i32
          %dma_wait3A_2434 = arith.constant 0 : i32
          %dma_wait3A_2435 = arith.constant 0 : i32
          %dma_wait3A_2436 = arith.constant 0 : i32
          %dma_wait3A_2437 = tpu.memref_slice %arg17[%dma_wait3A_2433, %dma_wait3A_2435, %dma_wait3A_2436] : memref<2x128x128xf32, #tpu.memory_space<vmem>> -> memref<1x128x128xf32, #tpu.memory_space<vmem>>
          %dma_wait3A_2438 = tpu.memref_squeeze %dma_wait3A_2437 : memref<1x128x128xf32, #tpu.memory_space<vmem>> -> memref<128x128xf32, #tpu.memory_space<vmem>>
          %dma_wait3A_2439 = arith.constant 0 : i32
          %dma_wait3A_2440 = tpu.memref_slice %arg9[%mul3A_2, %dma_wait3A_2439] : memref<204800x128xf32, #tpu.memory_space<hbm>> -> memref<128x128xf32, #tpu.memory_space<hbm>>
          %dma_wait3A_2441 = tpu.memref_slice %arg19[%dma_wait3A_2434] : memref<2x!tpu.dma_semaphore, #tpu.memory_space<semaphore_mem>> -> memref<1x!tpu.dma_semaphore, #tpu.memory_space<semaphore_mem>>
          %dma_wait3A_2442 = tpu.memref_squeeze %dma_wait3A_2441 : memref<1x!tpu.dma_semaphore, #tpu.memory_space<semaphore_mem>> -> memref<!tpu.dma_semaphore, #tpu.memory_space<semaphore_mem>>
          %dma_wait3A_2443 = arith.constant 0 : i32
          %dma_wait3A_2444 = tpu.memref_slice %arg9[%mul3A_2, %dma_wait3A_2443] : memref<204800x128xf32, #tpu.memory_space<hbm>> -> memref<128x128xf32, #tpu.memory_space<hbm>>
          %dma_wait3A_2445 = arith.constant 0 : i32
          %dma_wait3A_2446 = arith.constant 0 : i32
          %dma_wait3A_2447 = tpu.memref_slice %arg17[%dma_wait3A_2433, %dma_wait3A_2445, %dma_wait3A_2446] : memref<2x128x128xf32, #tpu.memory_space<vmem>> -> memref<1x128x128xf32, #tpu.memory_space<vmem>>
          %dma_wait3A_2448 = tpu.memref_squeeze %dma_wait3A_2447 : memref<1x128x128xf32, #tpu.memory_space<vmem>> -> memref<128x128xf32, #tpu.memory_space<vmem>>
          tpu.wait_dma2 semaphore(%dma_wait3A_2442 : memref<!tpu.dma_semaphore, #tpu.memory_space<semaphore_mem>>) src(%dma_wait3A_2448 : memref<128x128xf32, #tpu.memory_space<vmem>>) dst(%dma_wait3A_2444 : memref<128x128xf32, #tpu.memory_space<hbm>>)
        } else {
        }
        %add3A_1326 = arith.constant 1 : i32
        %add3A_1327 = arith.addi %add3A_1245, %add3A_1326 : i32
        %mul3A_1328 = arith.constant 128 : i32
        %mul3A_1329 = arith.muli %add3A_1327, %mul3A_1328 : i32
        %dma_start3A_1330 = arith.constant 0 : i32
        %dma_start3A_1331 = arith.constant 0 : i32
        %dma_start3A_1332 = arith.constant 0 : i32
        %dma_start3A_1333 = arith.constant 0 : i32
        %dma_start3A_1334 = tpu.memref_slice %arg17[%dma_start3A_1330, %dma_start3A_1332, %dma_start3A_1333] : memref<2x128x128xf32, #tpu.memory_space<vmem>> -> memref<1x128x128xf32, #tpu.memory_space<vmem>>
        %dma_start3A_1335 = tpu.memref_squeeze %dma_start3A_1334 : memref<1x128x128xf32, #tpu.memory_space<vmem>> -> memref<128x128xf32, #tpu.memory_space<vmem>>
        %dma_start3A_1336 = tpu.memref_slice %arg10[%mul3A_1329] : memref<6400xi32, #tpu.memory_space<vmem>> -> memref<128xi32, #tpu.memory_space<vmem>>
        %dma_start3A_1337 = arith.constant 0 : i32
        %dma_start3A_1338 = arith.constant 0 : i32
        %dma_start3A_1339 = tpu.memref_slice %arg6[%dma_start3A_1337, %dma_start3A_1338] : memref<100000x128xf32, #tpu.memory_space<hbm>> -> memref<100000x128xf32, #tpu.memory_space<hbm>>
        %dma_start3A_1340 = tpu.memref_slice %arg18[%dma_start3A_1331] : memref<2x!tpu.dma_semaphore, #tpu.memory_space<semaphore_mem>> -> memref<1x!tpu.dma_semaphore, #tpu.memory_space<semaphore_mem>>
        %dma_start3A_1341 = tpu.memref_squeeze %dma_start3A_1340 : memref<1x!tpu.dma_semaphore, #tpu.memory_space<semaphore_mem>> -> memref<!tpu.dma_semaphore, #tpu.memory_space<semaphore_mem>>
        tpu.enqueue_indirect_dma source(%dma_start3A_1339 : memref<100000x128xf32, #tpu.memory_space<hbm>>) target(%dma_start3A_1335 : memref<128x128xf32, #tpu.memory_space<vmem>>) offsets(%dma_start3A_1336 : memref<128xi32, #tpu.memory_space<vmem>>) semaphore(%dma_start3A_1341 : memref<!tpu.dma_semaphore, #tpu.memory_space<semaphore_mem>>)
        %dma_start3A_1342 = arith.constant 0 : i32
        %dma_start3A_1343 = arith.constant 0 : i32
        %dma_start3A_1344 = arith.constant 0 : i32
        %dma_start3A_1345 = arith.constant 0 : i32
        %dma_start3A_1346 = tpu.memref_slice %arg16[%dma_start3A_1342, %dma_start3A_1344, %dma_start3A_1345] : memref<2x128x64xi32, #tpu.memory_space<vmem>> -> memref<1x128x64xi32, #tpu.memory_space<vmem>>
        %dma_start3A_1347 = tpu.memref_squeeze %dma_start3A_1346 : memref<1x128x64xi32, #tpu.memory_space<vmem>> -> memref<128x64xi32, #tpu.memory_space<vmem>>
        %dma_start3A_1348 = tpu.memref_slice %arg12[%mul3A_1329] : memref<6400xi32, #tpu.memory_space<vmem>> -> memref<128xi32, #tpu.memory_space<vmem>>
        %dma_start3A_1349 = arith.constant 0 : i32
        %dma_start3A_1350 = arith.constant 0 : i32
        %dma_start3A_1351 = tpu.memref_slice %arg8[%dma_start3A_1349, %dma_start3A_1350] : memref<512x64xi32, #tpu.memory_space<hbm>> -> memref<512x64xi32, #tpu.memory_space<hbm>>
        %dma_start3A_1352 = tpu.memref_slice %arg18[%dma_start3A_1343] : memref<2x!tpu.dma_semaphore, #tpu.memory_space<semaphore_mem>> -> memref<1x!tpu.dma_semaphore, #tpu.memory_space<semaphore_mem>>
        %dma_start3A_1353 = tpu.memref_squeeze %dma_start3A_1352 : memref<1x!tpu.dma_semaphore, #tpu.memory_space<semaphore_mem>> -> memref<!tpu.dma_semaphore, #tpu.memory_space<semaphore_mem>>
        tpu.enqueue_indirect_dma source(%dma_start3A_1351 : memref<512x64xi32, #tpu.memory_space<hbm>>) target(%dma_start3A_1347 : memref<128x64xi32, #tpu.memory_space<vmem>>) offsets(%dma_start3A_1348 : memref<128xi32, #tpu.memory_space<vmem>>) semaphore(%dma_start3A_1353 : memref<!tpu.dma_semaphore, #tpu.memory_space<semaphore_mem>>)
        %add3A_1354 = arith.constant 0 : i32
        %add3A_1355 = arith.addi %mul3A_1329, %add3A_1354 : i32
        %get3A_1356 = arith.index_cast %add3A_1355 : i32 to index
        %get3A_1357 = tpu.vector_load %arg11[%get3A_1356] {strides = array<i32>} : memref<6400xf32, #tpu.memory_space<vmem>>, vector<16xf32>,
        %broadcast_in_dim3A_1358 = arith.constant 0 : i32
        %broadcast_in_dim3A_1359 = vector.broadcast %broadcast_in_dim3A_1358 : i32 to vector<16xi32>
        %gt3A_1360 = arith.constant 0.000000e+00 : f32
        %gt3A_1361 = vector.broadcast %gt3A_1360 : f32 to vector<16xf32>
        %gt3A_1362 = arith.cmpf ogt, %get3A_1357, %gt3A_1361 : vector<16xf32>
        %jit3A_1363 = arith.constant 1 : i32
        %jit3A_1364 = arith.constant 0 : i32
        %broadcast_in_dim3A_1365 = vector.broadcast %jit3A_1363 : i32 to vector<16xi32>
        %broadcast_in_dim3A_1366 = vector.broadcast %jit3A_1364 : i32 to vector<16xi32>
        %select_n3A_1367 = arith.select %gt3A_1362, %broadcast_in_dim3A_1365, %broadcast_in_dim3A_1366 : vector<16xi1>, vector<16xi32>
        %add3A_1368 = arith.addi %broadcast_in_dim3A_1359, %select_n3A_1367 : vector<16xi32>
        %gt3A_1369 = arith.constant 1.000000e-01 : f32
        %gt3A_1370 = vector.broadcast %gt3A_1369 : f32 to vector<16xf32>
        %gt3A_1371 = arith.cmpf ogt, %get3A_1357, %gt3A_1370 : vector<16xf32>
        %jit3A_1372 = arith.constant 1 : i32
        %jit3A_1373 = arith.constant 0 : i32
        %broadcast_in_dim3A_1374 = vector.broadcast %jit3A_1372 : i32 to vector<16xi32>
        %broadcast_in_dim3A_1375 = vector.broadcast %jit3A_1373 : i32 to vector<16xi32>
        %select_n3A_1376 = arith.select %gt3A_1371, %broadcast_in_dim3A_1374, %broadcast_in_dim3A_1375 : vector<16xi1>, vector<16xi32>
        %add3A_1377 = arith.addi %add3A_1368, %select_n3A_1376 : vector<16xi32>
        %gt3A_1378 = arith.constant 5.000000e-01 : f32
        %gt3A_1379 = vector.broadcast %gt3A_1378 : f32 to vector<16xf32>
        %gt3A_1380 = arith.cmpf ogt, %get3A_1357, %gt3A_1379 : vector<16xf32>
        %jit3A_1381 = arith.constant 1 : i32
        %jit3A_1382 = arith.constant 0 : i32
        %broadcast_in_dim3A_1383 = vector.broadcast %jit3A_1381 : i32 to vector<16xi32>
        %broadcast_in_dim3A_1384 = vector.broadcast %jit3A_1382 : i32 to vector<16xi32>
        %select_n3A_1385 = arith.select %gt3A_1380, %broadcast_in_dim3A_1383, %broadcast_in_dim3A_1384 : vector<16xi1>, vector<16xi32>
        %add3A_1386 = arith.addi %add3A_1377, %select_n3A_1385 : vector<16xi32>
        %gt3A_1387 = arith.constant 1.000000e+00 : f32
        %gt3A_1388 = vector.broadcast %gt3A_1387 : f32 to vector<16xf32>
        %gt3A_1389 = arith.cmpf ogt, %get3A_1357, %gt3A_1388 : vector<16xf32>
        %jit3A_1390 = arith.constant 1 : i32
        %jit3A_1391 = arith.constant 0 : i32
        %broadcast_in_dim3A_1392 = vector.broadcast %jit3A_1390 : i32 to vector<16xi32>
        %broadcast_in_dim3A_1393 = vector.broadcast %jit3A_1391 : i32 to vector<16xi32>
        %select_n3A_1394 = arith.select %gt3A_1389, %broadcast_in_dim3A_1392, %broadcast_in_dim3A_1393 : vector<16xi1>, vector<16xi32>
        %add3A_1395 = arith.addi %add3A_1386, %select_n3A_1394 : vector<16xi32>
        %gt3A_1396 = arith.constant 2.000000e+00 : f32
        %gt3A_1397 = vector.broadcast %gt3A_1396 : f32 to vector<16xf32>
        %gt3A_1398 = arith.cmpf ogt, %get3A_1357, %gt3A_1397 : vector<16xf32>
        %jit3A_1399 = arith.constant 1 : i32
        %jit3A_1400 = arith.constant 0 : i32
        %broadcast_in_dim3A_1401 = vector.broadcast %jit3A_1399 : i32 to vector<16xi32>
        %broadcast_in_dim3A_1402 = vector.broadcast %jit3A_1400 : i32 to vector<16xi32>
        %select_n3A_1403 = arith.select %gt3A_1398, %broadcast_in_dim3A_1401, %broadcast_in_dim3A_1402 : vector<16xi1>, vector<16xi32>
        %add3A_1404 = arith.addi %add3A_1395, %select_n3A_1403 : vector<16xi32>
        %gt3A_1405 = arith.constant 5.000000e+00 : f32
        %gt3A_1406 = vector.broadcast %gt3A_1405 : f32 to vector<16xf32>
        %gt3A_1407 = arith.cmpf ogt, %get3A_1357, %gt3A_1406 : vector<16xf32>
        %jit3A_1408 = arith.constant 1 : i32
        %jit3A_1409 = arith.constant 0 : i32
        %broadcast_in_dim3A_1410 = vector.broadcast %jit3A_1408 : i32 to vector<16xi32>
        %broadcast_in_dim3A_1411 = vector.broadcast %jit3A_1409 : i32 to vector<16xi32>
        %select_n3A_1412 = arith.select %gt3A_1407, %broadcast_in_dim3A_1410, %broadcast_in_dim3A_1411 : vector<16xi1>, vector<16xi32>
        %add3A_1413 = arith.addi %add3A_1404, %select_n3A_1412 : vector<16xi32>
        %gt3A_1414 = arith.constant 1.000000e+01 : f32
        %gt3A_1415 = vector.broadcast %gt3A_1414 : f32 to vector<16xf32>
        %gt3A_1416 = arith.cmpf ogt, %get3A_1357, %gt3A_1415 : vector<16xf32>
        %jit3A_1417 = arith.constant 1 : i32
        %jit3A_1418 = arith.constant 0 : i32
        %broadcast_in_dim3A_1419 = vector.broadcast %jit3A_1417 : i32 to vector<16xi32>
        %broadcast_in_dim3A_1420 = vector.broadcast %jit3A_1418 : i32 to vector<16xi32>
        %select_n3A_1421 = arith.select %gt3A_1416, %broadcast_in_dim3A_1419, %broadcast_in_dim3A_1420 : vector<16xi1>, vector<16xi32>
        %add3A_1422 = arith.addi %add3A_1413, %select_n3A_1421 : vector<16xi32>
        %gt3A_1423 = arith.constant 2.000000e+01 : f32
        %gt3A_1424 = vector.broadcast %gt3A_1423 : f32 to vector<16xf32>
        %gt3A_1425 = arith.cmpf ogt, %get3A_1357, %gt3A_1424 : vector<16xf32>
        %jit3A_1426 = arith.constant 1 : i32
        %jit3A_1427 = arith.constant 0 : i32
        %broadcast_in_dim3A_1428 = vector.broadcast %jit3A_1426 : i32 to vector<16xi32>
        %broadcast_in_dim3A_1429 = vector.broadcast %jit3A_1427 : i32 to vector<16xi32>
        %select_n3A_1430 = arith.select %gt3A_1425, %broadcast_in_dim3A_1428, %broadcast_in_dim3A_1429 : vector<16xi1>, vector<16xi32>
        %add3A_1431 = arith.addi %add3A_1422, %select_n3A_1430 : vector<16xi32>
        %gt3A_1432 = arith.constant 5.000000e+01 : f32
        %gt3A_1433 = vector.broadcast %gt3A_1432 : f32 to vector<16xf32>
        %gt3A_1434 = arith.cmpf ogt, %get3A_1357, %gt3A_1433 : vector<16xf32>
        %jit3A_1435 = arith.constant 1 : i32
        %jit3A_1436 = arith.constant 0 : i32
        %broadcast_in_dim3A_1437 = vector.broadcast %jit3A_1435 : i32 to vector<16xi32>
        %broadcast_in_dim3A_1438 = vector.broadcast %jit3A_1436 : i32 to vector<16xi32>
        %select_n3A_1439 = arith.select %gt3A_1434, %broadcast_in_dim3A_1437, %broadcast_in_dim3A_1438 : vector<16xi1>, vector<16xi32>
        %add3A_1440 = arith.addi %add3A_1431, %select_n3A_1439 : vector<16xi32>
        %gt3A_1441 = arith.constant 1.000000e+02 : f32
        %gt3A_1442 = vector.broadcast %gt3A_1441 : f32 to vector<16xf32>
        %gt3A_1443 = arith.cmpf ogt, %get3A_1357, %gt3A_1442 : vector<16xf32>
        %jit3A_1444 = arith.constant 1 : i32
        %jit3A_1445 = arith.constant 0 : i32
        %broadcast_in_dim3A_1446 = vector.broadcast %jit3A_1444 : i32 to vector<16xi32>
        %broadcast_in_dim3A_1447 = vector.broadcast %jit3A_1445 : i32 to vector<16xi32>
        %select_n3A_1448 = arith.select %gt3A_1443, %broadcast_in_dim3A_1446, %broadcast_in_dim3A_1447 : vector<16xi1>, vector<16xi32>
        %add3A_1449 = arith.addi %add3A_1440, %select_n3A_1448 : vector<16xi32>
        %gt3A_1450 = arith.constant 2.000000e+02 : f32
        %gt3A_1451 = vector.broadcast %gt3A_1450 : f32 to vector<16xf32>
        %gt3A_1452 = arith.cmpf ogt, %get3A_1357, %gt3A_1451 : vector<16xf32>
        %jit3A_1453 = arith.constant 1 : i32
        %jit3A_1454 = arith.constant 0 : i32
        %broadcast_in_dim3A_1455 = vector.broadcast %jit3A_1453 : i32 to vector<16xi32>
        %broadcast_in_dim3A_1456 = vector.broadcast %jit3A_1454 : i32 to vector<16xi32>
        %select_n3A_1457 = arith.select %gt3A_1452, %broadcast_in_dim3A_1455, %broadcast_in_dim3A_1456 : vector<16xi1>, vector<16xi32>
        %add3A_1458 = arith.addi %add3A_1449, %select_n3A_1457 : vector<16xi32>
        %gt3A_1459 = arith.constant 5.000000e+02 : f32
        %gt3A_1460 = vector.broadcast %gt3A_1459 : f32 to vector<16xf32>
        %gt3A_1461 = arith.cmpf ogt, %get3A_1357, %gt3A_1460 : vector<16xf32>
        %jit3A_1462 = arith.constant 1 : i32
        %jit3A_1463 = arith.constant 0 : i32
        %broadcast_in_dim3A_1464 = vector.broadcast %jit3A_1462 : i32 to vector<16xi32>
        %broadcast_in_dim3A_1465 = vector.broadcast %jit3A_1463 : i32 to vector<16xi32>
        %select_n3A_1466 = arith.select %gt3A_1461, %broadcast_in_dim3A_1464, %broadcast_in_dim3A_1465 : vector<16xi1>, vector<16xi32>
        %add3A_1467 = arith.addi %add3A_1458, %select_n3A_1466 : vector<16xi32>
        %gt3A_1468 = arith.constant 1.000000e+03 : f32
        %gt3A_1469 = vector.broadcast %gt3A_1468 : f32 to vector<16xf32>
        %gt3A_1470 = arith.cmpf ogt, %get3A_1357, %gt3A_1469 : vector<16xf32>
        %jit3A_1471 = arith.constant 1 : i32
        %jit3A_1472 = arith.constant 0 : i32
        %broadcast_in_dim3A_1473 = vector.broadcast %jit3A_1471 : i32 to vector<16xi32>
        %broadcast_in_dim3A_1474 = vector.broadcast %jit3A_1472 : i32 to vector<16xi32>
        %select_n3A_1475 = arith.select %gt3A_1470, %broadcast_in_dim3A_1473, %broadcast_in_dim3A_1474 : vector<16xi1>, vector<16xi32>
        %add3A_1476 = arith.addi %add3A_1467, %select_n3A_1475 : vector<16xi32>
        %mul3A_1477 = arith.constant 64 : i32
        %mul3A_1478 = vector.broadcast %mul3A_1477 : i32 to vector<16xi32>
        %mul3A_1479 = arith.muli %add3A_1476, %mul3A_1478 : vector<16xi32>
        %get3A_1480 = arith.index_cast %add3A_1355 : i32 to index
        %get3A_1481 = tpu.vector_load %arg13[%get3A_1480] {strides = array<i32>} : memref<6400xi32, #tpu.memory_space<vmem>>, vector<16xi32>,
        %add3A_1482 = arith.addi %mul3A_1479, %get3A_1481 : vector<16xi32>
        %swap3A_1483 = arith.constant 0 : i32
        %swap3A_1484 = arith.index_cast %swap3A_1483 : i32 to index
        %swap3A_1485 = arith.constant 0 : index
        %swap3A_1486 = tpu.vector_load %arg14[%swap3A_1484, %swap3A_1485] {strides = array<i32>} : memref<2x128xi32, #tpu.memory_space<vmem>>, vector<16xi32>,
        tpu.vector_store %arg14[%swap3A_1484, %swap3A_1485], %add3A_1482 {strides = array<i32>} : memref<2x128xi32, #tpu.memory_space<vmem>>, vector<16xi32>,
        %add3A_1487 = arith.constant 16 : i32
        %add3A_1488 = arith.addi %mul3A_1329, %add3A_1487 : i32
        %get3A_1489 = arith.index_cast %add3A_1488 : i32 to index
        %get3A_1490 = tpu.vector_load %arg11[%get3A_1489] {strides = array<i32>} : memref<6400xf32, #tpu.memory_space<vmem>>, vector<16xf32>,
        %broadcast_in_dim3A_1491 = arith.constant 0 : i32
        %broadcast_in_dim3A_1492 = vector.broadcast %broadcast_in_dim3A_1491 : i32 to vector<16xi32>
        %gt3A_1493 = arith.constant 0.000000e+00 : f32
        %gt3A_1494 = vector.broadcast %gt3A_1493 : f32 to vector<16xf32>
        %gt3A_1495 = arith.cmpf ogt, %get3A_1490, %gt3A_1494 : vector<16xf32>
        %jit3A_1496 = arith.constant 1 : i32
        %jit3A_1497 = arith.constant 0 : i32
        %broadcast_in_dim3A_1498 = vector.broadcast %jit3A_1496 : i32 to vector<16xi32>
        %broadcast_in_dim3A_1499 = vector.broadcast %jit3A_1497 : i32 to vector<16xi32>
        %select_n3A_1500 = arith.select %gt3A_1495, %broadcast_in_dim3A_1498, %broadcast_in_dim3A_1499 : vector<16xi1>, vector<16xi32>
        %add3A_1501 = arith.addi %broadcast_in_dim3A_1492, %select_n3A_1500 : vector<16xi32>
        %gt3A_1502 = arith.constant 1.000000e-01 : f32
        %gt3A_1503 = vector.broadcast %gt3A_1502 : f32 to vector<16xf32>
        %gt3A_1504 = arith.cmpf ogt, %get3A_1490, %gt3A_1503 : vector<16xf32>
        %jit3A_1505 = arith.constant 1 : i32
        %jit3A_1506 = arith.constant 0 : i32
        %broadcast_in_dim3A_1507 = vector.broadcast %jit3A_1505 : i32 to vector<16xi32>
        %broadcast_in_dim3A_1508 = vector.broadcast %jit3A_1506 : i32 to vector<16xi32>
        %select_n3A_1509 = arith.select %gt3A_1504, %broadcast_in_dim3A_1507, %broadcast_in_dim3A_1508 : vector<16xi1>, vector<16xi32>
        %add3A_1510 = arith.addi %add3A_1501, %select_n3A_1509 : vector<16xi32>
        %gt3A_1511 = arith.constant 5.000000e-01 : f32
        %gt3A_1512 = vector.broadcast %gt3A_1511 : f32 to vector<16xf32>
        %gt3A_1513 = arith.cmpf ogt, %get3A_1490, %gt3A_1512 : vector<16xf32>
        %jit3A_1514 = arith.constant 1 : i32
        %jit3A_1515 = arith.constant 0 : i32
        %broadcast_in_dim3A_1516 = vector.broadcast %jit3A_1514 : i32 to vector<16xi32>
        %broadcast_in_dim3A_1517 = vector.broadcast %jit3A_1515 : i32 to vector<16xi32>
        %select_n3A_1518 = arith.select %gt3A_1513, %broadcast_in_dim3A_1516, %broadcast_in_dim3A_1517 : vector<16xi1>, vector<16xi32>
        %add3A_1519 = arith.addi %add3A_1510, %select_n3A_1518 : vector<16xi32>
        %gt3A_1520 = arith.constant 1.000000e+00 : f32
        %gt3A_1521 = vector.broadcast %gt3A_1520 : f32 to vector<16xf32>
        %gt3A_1522 = arith.cmpf ogt, %get3A_1490, %gt3A_1521 : vector<16xf32>
        %jit3A_1523 = arith.constant 1 : i32
        %jit3A_1524 = arith.constant 0 : i32
        %broadcast_in_dim3A_1525 = vector.broadcast %jit3A_1523 : i32 to vector<16xi32>
        %broadcast_in_dim3A_1526 = vector.broadcast %jit3A_1524 : i32 to vector<16xi32>
        %select_n3A_1527 = arith.select %gt3A_1522, %broadcast_in_dim3A_1525, %broadcast_in_dim3A_1526 : vector<16xi1>, vector<16xi32>
        %add3A_1528 = arith.addi %add3A_1519, %select_n3A_1527 : vector<16xi32>
        %gt3A_1529 = arith.constant 2.000000e+00 : f32
        %gt3A_1530 = vector.broadcast %gt3A_1529 : f32 to vector<16xf32>
        %gt3A_1531 = arith.cmpf ogt, %get3A_1490, %gt3A_1530 : vector<16xf32>
        %jit3A_1532 = arith.constant 1 : i32
        %jit3A_1533 = arith.constant 0 : i32
        %broadcast_in_dim3A_1534 = vector.broadcast %jit3A_1532 : i32 to vector<16xi32>
        %broadcast_in_dim3A_1535 = vector.broadcast %jit3A_1533 : i32 to vector<16xi32>
        %select_n3A_1536 = arith.select %gt3A_1531, %broadcast_in_dim3A_1534, %broadcast_in_dim3A_1535 : vector<16xi1>, vector<16xi32>
        %add3A_1537 = arith.addi %add3A_1528, %select_n3A_1536 : vector<16xi32>
        %gt3A_1538 = arith.constant 5.000000e+00 : f32
        %gt3A_1539 = vector.broadcast %gt3A_1538 : f32 to vector<16xf32>
        %gt3A_1540 = arith.cmpf ogt, %get3A_1490, %gt3A_1539 : vector<16xf32>
        %jit3A_1541 = arith.constant 1 : i32
        %jit3A_1542 = arith.constant 0 : i32
        %broadcast_in_dim3A_1543 = vector.broadcast %jit3A_1541 : i32 to vector<16xi32>
        %broadcast_in_dim3A_1544 = vector.broadcast %jit3A_1542 : i32 to vector<16xi32>
        %select_n3A_1545 = arith.select %gt3A_1540, %broadcast_in_dim3A_1543, %broadcast_in_dim3A_1544 : vector<16xi1>, vector<16xi32>
        %add3A_1546 = arith.addi %add3A_1537, %select_n3A_1545 : vector<16xi32>
        %gt3A_1547 = arith.constant 1.000000e+01 : f32
        %gt3A_1548 = vector.broadcast %gt3A_1547 : f32 to vector<16xf32>
        %gt3A_1549 = arith.cmpf ogt, %get3A_1490, %gt3A_1548 : vector<16xf32>
        %jit3A_1550 = arith.constant 1 : i32
        %jit3A_1551 = arith.constant 0 : i32
        %broadcast_in_dim3A_1552 = vector.broadcast %jit3A_1550 : i32 to vector<16xi32>
        %broadcast_in_dim3A_1553 = vector.broadcast %jit3A_1551 : i32 to vector<16xi32>
        %select_n3A_1554 = arith.select %gt3A_1549, %broadcast_in_dim3A_1552, %broadcast_in_dim3A_1553 : vector<16xi1>, vector<16xi32>
        %add3A_1555 = arith.addi %add3A_1546, %select_n3A_1554 : vector<16xi32>
        %gt3A_1556 = arith.constant 2.000000e+01 : f32
        %gt3A_1557 = vector.broadcast %gt3A_1556 : f32 to vector<16xf32>
        %gt3A_1558 = arith.cmpf ogt, %get3A_1490, %gt3A_1557 : vector<16xf32>
        %jit3A_1559 = arith.constant 1 : i32
        %jit3A_1560 = arith.constant 0 : i32
        %broadcast_in_dim3A_1561 = vector.broadcast %jit3A_1559 : i32 to vector<16xi32>
        %broadcast_in_dim3A_1562 = vector.broadcast %jit3A_1560 : i32 to vector<16xi32>
        %select_n3A_1563 = arith.select %gt3A_1558, %broadcast_in_dim3A_1561, %broadcast_in_dim3A_1562 : vector<16xi1>, vector<16xi32>
        %add3A_1564 = arith.addi %add3A_1555, %select_n3A_1563 : vector<16xi32>
        %gt3A_1565 = arith.constant 5.000000e+01 : f32
        %gt3A_1566 = vector.broadcast %gt3A_1565 : f32 to vector<16xf32>
        %gt3A_1567 = arith.cmpf ogt, %get3A_1490, %gt3A_1566 : vector<16xf32>
        %jit3A_1568 = arith.constant 1 : i32
        %jit3A_1569 = arith.constant 0 : i32
        %broadcast_in_dim3A_1570 = vector.broadcast %jit3A_1568 : i32 to vector<16xi32>
        %broadcast_in_dim3A_1571 = vector.broadcast %jit3A_1569 : i32 to vector<16xi32>
        %select_n3A_1572 = arith.select %gt3A_1567, %broadcast_in_dim3A_1570, %broadcast_in_dim3A_1571 : vector<16xi1>, vector<16xi32>
        %add3A_1573 = arith.addi %add3A_1564, %select_n3A_1572 : vector<16xi32>
        %gt3A_1574 = arith.constant 1.000000e+02 : f32
        %gt3A_1575 = vector.broadcast %gt3A_1574 : f32 to vector<16xf32>
        %gt3A_1576 = arith.cmpf ogt, %get3A_1490, %gt3A_1575 : vector<16xf32>
        %jit3A_1577 = arith.constant 1 : i32
        %jit3A_1578 = arith.constant 0 : i32
        %broadcast_in_dim3A_1579 = vector.broadcast %jit3A_1577 : i32 to vector<16xi32>
        %broadcast_in_dim3A_1580 = vector.broadcast %jit3A_1578 : i32 to vector<16xi32>
        %select_n3A_1581 = arith.select %gt3A_1576, %broadcast_in_dim3A_1579, %broadcast_in_dim3A_1580 : vector<16xi1>, vector<16xi32>
        %add3A_1582 = arith.addi %add3A_1573, %select_n3A_1581 : vector<16xi32>
        %gt3A_1583 = arith.constant 2.000000e+02 : f32
        %gt3A_1584 = vector.broadcast %gt3A_1583 : f32 to vector<16xf32>
        %gt3A_1585 = arith.cmpf ogt, %get3A_1490, %gt3A_1584 : vector<16xf32>
        %jit3A_1586 = arith.constant 1 : i32
        %jit3A_1587 = arith.constant 0 : i32
        %broadcast_in_dim3A_1588 = vector.broadcast %jit3A_1586 : i32 to vector<16xi32>
        %broadcast_in_dim3A_1589 = vector.broadcast %jit3A_1587 : i32 to vector<16xi32>
        %select_n3A_1590 = arith.select %gt3A_1585, %broadcast_in_dim3A_1588, %broadcast_in_dim3A_1589 : vector<16xi1>, vector<16xi32>
        %add3A_1591 = arith.addi %add3A_1582, %select_n3A_1590 : vector<16xi32>
        %gt3A_1592 = arith.constant 5.000000e+02 : f32
        %gt3A_1593 = vector.broadcast %gt3A_1592 : f32 to vector<16xf32>
        %gt3A_1594 = arith.cmpf ogt, %get3A_1490, %gt3A_1593 : vector<16xf32>
        %jit3A_1595 = arith.constant 1 : i32
        %jit3A_1596 = arith.constant 0 : i32
        %broadcast_in_dim3A_1597 = vector.broadcast %jit3A_1595 : i32 to vector<16xi32>
        %broadcast_in_dim3A_1598 = vector.broadcast %jit3A_1596 : i32 to vector<16xi32>
        %select_n3A_1599 = arith.select %gt3A_1594, %broadcast_in_dim3A_1597, %broadcast_in_dim3A_1598 : vector<16xi1>, vector<16xi32>
        %add3A_1600 = arith.addi %add3A_1591, %select_n3A_1599 : vector<16xi32>
        %gt3A_1601 = arith.constant 1.000000e+03 : f32
        %gt3A_1602 = vector.broadcast %gt3A_1601 : f32 to vector<16xf32>
        %gt3A_1603 = arith.cmpf ogt, %get3A_1490, %gt3A_1602 : vector<16xf32>
        %jit3A_1604 = arith.constant 1 : i32
        %jit3A_1605 = arith.constant 0 : i32
        %broadcast_in_dim3A_1606 = vector.broadcast %jit3A_1604 : i32 to vector<16xi32>
        %broadcast_in_dim3A_1607 = vector.broadcast %jit3A_1605 : i32 to vector<16xi32>
        %select_n3A_1608 = arith.select %gt3A_1603, %broadcast_in_dim3A_1606, %broadcast_in_dim3A_1607 : vector<16xi1>, vector<16xi32>
        %add3A_1609 = arith.addi %add3A_1600, %select_n3A_1608 : vector<16xi32>
        %mul3A_1610 = arith.constant 64 : i32
        %mul3A_1611 = vector.broadcast %mul3A_1610 : i32 to vector<16xi32>
        %mul3A_1612 = arith.muli %add3A_1609, %mul3A_1611 : vector<16xi32>
        %get3A_1613 = arith.index_cast %add3A_1488 : i32 to index
        %get3A_1614 = tpu.vector_load %arg13[%get3A_1613] {strides = array<i32>} : memref<6400xi32, #tpu.memory_space<vmem>>, vector<16xi32>,
        %add3A_1615 = arith.addi %mul3A_1612, %get3A_1614 : vector<16xi32>
        %swap3A_1616 = arith.constant 0 : i32
        %swap3A_1617 = arith.index_cast %swap3A_1616 : i32 to index
        %swap3A_1618 = arith.constant 16 : index
        %swap3A_1619 = tpu.vector_load %arg14[%swap3A_1617, %swap3A_1618] {strides = array<i32>} : memref<2x128xi32, #tpu.memory_space<vmem>>, vector<16xi32>,
        tpu.vector_store %arg14[%swap3A_1617, %swap3A_1618], %add3A_1615 {strides = array<i32>} : memref<2x128xi32, #tpu.memory_space<vmem>>, vector<16xi32>,
        %add3A_1620 = arith.constant 32 : i32
        %add3A_1621 = arith.addi %mul3A_1329, %add3A_1620 : i32
        %get3A_1622 = arith.index_cast %add3A_1621 : i32 to index
        %get3A_1623 = tpu.vector_load %arg11[%get3A_1622] {strides = array<i32>} : memref<6400xf32, #tpu.memory_space<vmem>>, vector<16xf32>,
        %broadcast_in_dim3A_1624 = arith.constant 0 : i32
        %broadcast_in_dim3A_1625 = vector.broadcast %broadcast_in_dim3A_1624 : i32 to vector<16xi32>
        %gt3A_1626 = arith.constant 0.000000e+00 : f32
        %gt3A_1627 = vector.broadcast %gt3A_1626 : f32 to vector<16xf32>
        %gt3A_1628 = arith.cmpf ogt, %get3A_1623, %gt3A_1627 : vector<16xf32>
        %jit3A_1629 = arith.constant 1 : i32
        %jit3A_1630 = arith.constant 0 : i32
        %broadcast_in_dim3A_1631 = vector.broadcast %jit3A_1629 : i32 to vector<16xi32>
        %broadcast_in_dim3A_1632 = vector.broadcast %jit3A_1630 : i32 to vector<16xi32>
        %select_n3A_1633 = arith.select %gt3A_1628, %broadcast_in_dim3A_1631, %broadcast_in_dim3A_1632 : vector<16xi1>, vector<16xi32>
        %add3A_1634 = arith.addi %broadcast_in_dim3A_1625, %select_n3A_1633 : vector<16xi32>
        %gt3A_1635 = arith.constant 1.000000e-01 : f32
        %gt3A_1636 = vector.broadcast %gt3A_1635 : f32 to vector<16xf32>
        %gt3A_1637 = arith.cmpf ogt, %get3A_1623, %gt3A_1636 : vector<16xf32>
        %jit3A_1638 = arith.constant 1 : i32
        %jit3A_1639 = arith.constant 0 : i32
        %broadcast_in_dim3A_1640 = vector.broadcast %jit3A_1638 : i32 to vector<16xi32>
        %broadcast_in_dim3A_1641 = vector.broadcast %jit3A_1639 : i32 to vector<16xi32>
        %select_n3A_1642 = arith.select %gt3A_1637, %broadcast_in_dim3A_1640, %broadcast_in_dim3A_1641 : vector<16xi1>, vector<16xi32>
        %add3A_1643 = arith.addi %add3A_1634, %select_n3A_1642 : vector<16xi32>
        %gt3A_1644 = arith.constant 5.000000e-01 : f32
        %gt3A_1645 = vector.broadcast %gt3A_1644 : f32 to vector<16xf32>
        %gt3A_1646 = arith.cmpf ogt, %get3A_1623, %gt3A_1645 : vector<16xf32>
        %jit3A_1647 = arith.constant 1 : i32
        %jit3A_1648 = arith.constant 0 : i32
        %broadcast_in_dim3A_1649 = vector.broadcast %jit3A_1647 : i32 to vector<16xi32>
        %broadcast_in_dim3A_1650 = vector.broadcast %jit3A_1648 : i32 to vector<16xi32>
        %select_n3A_1651 = arith.select %gt3A_1646, %broadcast_in_dim3A_1649, %broadcast_in_dim3A_1650 : vector<16xi1>, vector<16xi32>
        %add3A_1652 = arith.addi %add3A_1643, %select_n3A_1651 : vector<16xi32>
        %gt3A_1653 = arith.constant 1.000000e+00 : f32
        %gt3A_1654 = vector.broadcast %gt3A_1653 : f32 to vector<16xf32>
        %gt3A_1655 = arith.cmpf ogt, %get3A_1623, %gt3A_1654 : vector<16xf32>
        %jit3A_1656 = arith.constant 1 : i32
        %jit3A_1657 = arith.constant 0 : i32
        %broadcast_in_dim3A_1658 = vector.broadcast %jit3A_1656 : i32 to vector<16xi32>
        %broadcast_in_dim3A_1659 = vector.broadcast %jit3A_1657 : i32 to vector<16xi32>
        %select_n3A_1660 = arith.select %gt3A_1655, %broadcast_in_dim3A_1658, %broadcast_in_dim3A_1659 : vector<16xi1>, vector<16xi32>
        %add3A_1661 = arith.addi %add3A_1652, %select_n3A_1660 : vector<16xi32>
        %gt3A_1662 = arith.constant 2.000000e+00 : f32
        %gt3A_1663 = vector.broadcast %gt3A_1662 : f32 to vector<16xf32>
        %gt3A_1664 = arith.cmpf ogt, %get3A_1623, %gt3A_1663 : vector<16xf32>
        %jit3A_1665 = arith.constant 1 : i32
        %jit3A_1666 = arith.constant 0 : i32
        %broadcast_in_dim3A_1667 = vector.broadcast %jit3A_1665 : i32 to vector<16xi32>
        %broadcast_in_dim3A_1668 = vector.broadcast %jit3A_1666 : i32 to vector<16xi32>
        %select_n3A_1669 = arith.select %gt3A_1664, %broadcast_in_dim3A_1667, %broadcast_in_dim3A_1668 : vector<16xi1>, vector<16xi32>
        %add3A_1670 = arith.addi %add3A_1661, %select_n3A_1669 : vector<16xi32>
        %gt3A_1671 = arith.constant 5.000000e+00 : f32
        %gt3A_1672 = vector.broadcast %gt3A_1671 : f32 to vector<16xf32>
        %gt3A_1673 = arith.cmpf ogt, %get3A_1623, %gt3A_1672 : vector<16xf32>
        %jit3A_1674 = arith.constant 1 : i32
        %jit3A_1675 = arith.constant 0 : i32
        %broadcast_in_dim3A_1676 = vector.broadcast %jit3A_1674 : i32 to vector<16xi32>
        %broadcast_in_dim3A_1677 = vector.broadcast %jit3A_1675 : i32 to vector<16xi32>
        %select_n3A_1678 = arith.select %gt3A_1673, %broadcast_in_dim3A_1676, %broadcast_in_dim3A_1677 : vector<16xi1>, vector<16xi32>
        %add3A_1679 = arith.addi %add3A_1670, %select_n3A_1678 : vector<16xi32>
        %gt3A_1680 = arith.constant 1.000000e+01 : f32
        %gt3A_1681 = vector.broadcast %gt3A_1680 : f32 to vector<16xf32>
        %gt3A_1682 = arith.cmpf ogt, %get3A_1623, %gt3A_1681 : vector<16xf32>
        %jit3A_1683 = arith.constant 1 : i32
        %jit3A_1684 = arith.constant 0 : i32
        %broadcast_in_dim3A_1685 = vector.broadcast %jit3A_1683 : i32 to vector<16xi32>
        %broadcast_in_dim3A_1686 = vector.broadcast %jit3A_1684 : i32 to vector<16xi32>
        %select_n3A_1687 = arith.select %gt3A_1682, %broadcast_in_dim3A_1685, %broadcast_in_dim3A_1686 : vector<16xi1>, vector<16xi32>
        %add3A_1688 = arith.addi %add3A_1679, %select_n3A_1687 : vector<16xi32>
        %gt3A_1689 = arith.constant 2.000000e+01 : f32
        %gt3A_1690 = vector.broadcast %gt3A_1689 : f32 to vector<16xf32>
        %gt3A_1691 = arith.cmpf ogt, %get3A_1623, %gt3A_1690 : vector<16xf32>
        %jit3A_1692 = arith.constant 1 : i32
        %jit3A_1693 = arith.constant 0 : i32
        %broadcast_in_dim3A_1694 = vector.broadcast %jit3A_1692 : i32 to vector<16xi32>
        %broadcast_in_dim3A_1695 = vector.broadcast %jit3A_1693 : i32 to vector<16xi32>
        %select_n3A_1696 = arith.select %gt3A_1691, %broadcast_in_dim3A_1694, %broadcast_in_dim3A_1695 : vector<16xi1>, vector<16xi32>
        %add3A_1697 = arith.addi %add3A_1688, %select_n3A_1696 : vector<16xi32>
        %gt3A_1698 = arith.constant 5.000000e+01 : f32
        %gt3A_1699 = vector.broadcast %gt3A_1698 : f32 to vector<16xf32>
        %gt3A_1700 = arith.cmpf ogt, %get3A_1623, %gt3A_1699 : vector<16xf32>
        %jit3A_1701 = arith.constant 1 : i32
        %jit3A_1702 = arith.constant 0 : i32
        %broadcast_in_dim3A_1703 = vector.broadcast %jit3A_1701 : i32 to vector<16xi32>
        %broadcast_in_dim3A_1704 = vector.broadcast %jit3A_1702 : i32 to vector<16xi32>
        %select_n3A_1705 = arith.select %gt3A_1700, %broadcast_in_dim3A_1703, %broadcast_in_dim3A_1704 : vector<16xi1>, vector<16xi32>
        %add3A_1706 = arith.addi %add3A_1697, %select_n3A_1705 : vector<16xi32>
        %gt3A_1707 = arith.constant 1.000000e+02 : f32
        %gt3A_1708 = vector.broadcast %gt3A_1707 : f32 to vector<16xf32>
        %gt3A_1709 = arith.cmpf ogt, %get3A_1623, %gt3A_1708 : vector<16xf32>
        %jit3A_1710 = arith.constant 1 : i32
        %jit3A_1711 = arith.constant 0 : i32
        %broadcast_in_dim3A_1712 = vector.broadcast %jit3A_1710 : i32 to vector<16xi32>
        %broadcast_in_dim3A_1713 = vector.broadcast %jit3A_1711 : i32 to vector<16xi32>
        %select_n3A_1714 = arith.select %gt3A_1709, %broadcast_in_dim3A_1712, %broadcast_in_dim3A_1713 : vector<16xi1>, vector<16xi32>
        %add3A_1715 = arith.addi %add3A_1706, %select_n3A_1714 : vector<16xi32>
        %gt3A_1716 = arith.constant 2.000000e+02 : f32
        %gt3A_1717 = vector.broadcast %gt3A_1716 : f32 to vector<16xf32>
        %gt3A_1718 = arith.cmpf ogt, %get3A_1623, %gt3A_1717 : vector<16xf32>
        %jit3A_1719 = arith.constant 1 : i32
        %jit3A_1720 = arith.constant 0 : i32
        %broadcast_in_dim3A_1721 = vector.broadcast %jit3A_1719 : i32 to vector<16xi32>
        %broadcast_in_dim3A_1722 = vector.broadcast %jit3A_1720 : i32 to vector<16xi32>
        %select_n3A_1723 = arith.select %gt3A_1718, %broadcast_in_dim3A_1721, %broadcast_in_dim3A_1722 : vector<16xi1>, vector<16xi32>
        %add3A_1724 = arith.addi %add3A_1715, %select_n3A_1723 : vector<16xi32>
        %gt3A_1725 = arith.constant 5.000000e+02 : f32
        %gt3A_1726 = vector.broadcast %gt3A_1725 : f32 to vector<16xf32>
        %gt3A_1727 = arith.cmpf ogt, %get3A_1623, %gt3A_1726 : vector<16xf32>
        %jit3A_1728 = arith.constant 1 : i32
        %jit3A_1729 = arith.constant 0 : i32
        %broadcast_in_dim3A_1730 = vector.broadcast %jit3A_1728 : i32 to vector<16xi32>
        %broadcast_in_dim3A_1731 = vector.broadcast %jit3A_1729 : i32 to vector<16xi32>
        %select_n3A_1732 = arith.select %gt3A_1727, %broadcast_in_dim3A_1730, %broadcast_in_dim3A_1731 : vector<16xi1>, vector<16xi32>
        %add3A_1733 = arith.addi %add3A_1724, %select_n3A_1732 : vector<16xi32>
        %gt3A_1734 = arith.constant 1.000000e+03 : f32
        %gt3A_1735 = vector.broadcast %gt3A_1734 : f32 to vector<16xf32>
        %gt3A_1736 = arith.cmpf ogt, %get3A_1623, %gt3A_1735 : vector<16xf32>
        %jit3A_1737 = arith.constant 1 : i32
        %jit3A_1738 = arith.constant 0 : i32
        %broadcast_in_dim3A_1739 = vector.broadcast %jit3A_1737 : i32 to vector<16xi32>
        %broadcast_in_dim3A_1740 = vector.broadcast %jit3A_1738 : i32 to vector<16xi32>
        %select_n3A_1741 = arith.select %gt3A_1736, %broadcast_in_dim3A_1739, %broadcast_in_dim3A_1740 : vector<16xi1>, vector<16xi32>
        %add3A_1742 = arith.addi %add3A_1733, %select_n3A_1741 : vector<16xi32>
        %mul3A_1743 = arith.constant 64 : i32
        %mul3A_1744 = vector.broadcast %mul3A_1743 : i32 to vector<16xi32>
        %mul3A_1745 = arith.muli %add3A_1742, %mul3A_1744 : vector<16xi32>
        %get3A_1746 = arith.index_cast %add3A_1621 : i32 to index
        %get3A_1747 = tpu.vector_load %arg13[%get3A_1746] {strides = array<i32>} : memref<6400xi32, #tpu.memory_space<vmem>>, vector<16xi32>,
        %add3A_1748 = arith.addi %mul3A_1745, %get3A_1747 : vector<16xi32>
        %swap3A_1749 = arith.constant 0 : i32
        %swap3A_1750 = arith.index_cast %swap3A_1749 : i32 to index
        %swap3A_1751 = arith.constant 32 : index
        %swap3A_1752 = tpu.vector_load %arg14[%swap3A_1750, %swap3A_1751] {strides = array<i32>} : memref<2x128xi32, #tpu.memory_space<vmem>>, vector<16xi32>,
        tpu.vector_store %arg14[%swap3A_1750, %swap3A_1751], %add3A_1748 {strides = array<i32>} : memref<2x128xi32, #tpu.memory_space<vmem>>, vector<16xi32>,
        %add3A_1753 = arith.constant 48 : i32
        %add3A_1754 = arith.addi %mul3A_1329, %add3A_1753 : i32
        %get3A_1755 = arith.index_cast %add3A_1754 : i32 to index
        %get3A_1756 = tpu.vector_load %arg11[%get3A_1755] {strides = array<i32>} : memref<6400xf32, #tpu.memory_space<vmem>>, vector<16xf32>,
        %broadcast_in_dim3A_1757 = arith.constant 0 : i32
        %broadcast_in_dim3A_1758 = vector.broadcast %broadcast_in_dim3A_1757 : i32 to vector<16xi32>
        %gt3A_1759 = arith.constant 0.000000e+00 : f32
        %gt3A_1760 = vector.broadcast %gt3A_1759 : f32 to vector<16xf32>
        %gt3A_1761 = arith.cmpf ogt, %get3A_1756, %gt3A_1760 : vector<16xf32>
        %jit3A_1762 = arith.constant 1 : i32
        %jit3A_1763 = arith.constant 0 : i32
        %broadcast_in_dim3A_1764 = vector.broadcast %jit3A_1762 : i32 to vector<16xi32>
        %broadcast_in_dim3A_1765 = vector.broadcast %jit3A_1763 : i32 to vector<16xi32>
        %select_n3A_1766 = arith.select %gt3A_1761, %broadcast_in_dim3A_1764, %broadcast_in_dim3A_1765 : vector<16xi1>, vector<16xi32>
        %add3A_1767 = arith.addi %broadcast_in_dim3A_1758, %select_n3A_1766 : vector<16xi32>
        %gt3A_1768 = arith.constant 1.000000e-01 : f32
        %gt3A_1769 = vector.broadcast %gt3A_1768 : f32 to vector<16xf32>
        %gt3A_1770 = arith.cmpf ogt, %get3A_1756, %gt3A_1769 : vector<16xf32>
        %jit3A_1771 = arith.constant 1 : i32
        %jit3A_1772 = arith.constant 0 : i32
        %broadcast_in_dim3A_1773 = vector.broadcast %jit3A_1771 : i32 to vector<16xi32>
        %broadcast_in_dim3A_1774 = vector.broadcast %jit3A_1772 : i32 to vector<16xi32>
        %select_n3A_1775 = arith.select %gt3A_1770, %broadcast_in_dim3A_1773, %broadcast_in_dim3A_1774 : vector<16xi1>, vector<16xi32>
        %add3A_1776 = arith.addi %add3A_1767, %select_n3A_1775 : vector<16xi32>
        %gt3A_1777 = arith.constant 5.000000e-01 : f32
        %gt3A_1778 = vector.broadcast %gt3A_1777 : f32 to vector<16xf32>
        %gt3A_1779 = arith.cmpf ogt, %get3A_1756, %gt3A_1778 : vector<16xf32>
        %jit3A_1780 = arith.constant 1 : i32
        %jit3A_1781 = arith.constant 0 : i32
        %broadcast_in_dim3A_1782 = vector.broadcast %jit3A_1780 : i32 to vector<16xi32>
        %broadcast_in_dim3A_1783 = vector.broadcast %jit3A_1781 : i32 to vector<16xi32>
        %select_n3A_1784 = arith.select %gt3A_1779, %broadcast_in_dim3A_1782, %broadcast_in_dim3A_1783 : vector<16xi1>, vector<16xi32>
        %add3A_1785 = arith.addi %add3A_1776, %select_n3A_1784 : vector<16xi32>
        %gt3A_1786 = arith.constant 1.000000e+00 : f32
        %gt3A_1787 = vector.broadcast %gt3A_1786 : f32 to vector<16xf32>
        %gt3A_1788 = arith.cmpf ogt, %get3A_1756, %gt3A_1787 : vector<16xf32>
        %jit3A_1789 = arith.constant 1 : i32
        %jit3A_1790 = arith.constant 0 : i32
        %broadcast_in_dim3A_1791 = vector.broadcast %jit3A_1789 : i32 to vector<16xi32>
        %broadcast_in_dim3A_1792 = vector.broadcast %jit3A_1790 : i32 to vector<16xi32>
        %select_n3A_1793 = arith.select %gt3A_1788, %broadcast_in_dim3A_1791, %broadcast_in_dim3A_1792 : vector<16xi1>, vector<16xi32>
        %add3A_1794 = arith.addi %add3A_1785, %select_n3A_1793 : vector<16xi32>
        %gt3A_1795 = arith.constant 2.000000e+00 : f32
        %gt3A_1796 = vector.broadcast %gt3A_1795 : f32 to vector<16xf32>
        %gt3A_1797 = arith.cmpf ogt, %get3A_1756, %gt3A_1796 : vector<16xf32>
        %jit3A_1798 = arith.constant 1 : i32
        %jit3A_1799 = arith.constant 0 : i32
        %broadcast_in_dim3A_1800 = vector.broadcast %jit3A_1798 : i32 to vector<16xi32>
        %broadcast_in_dim3A_1801 = vector.broadcast %jit3A_1799 : i32 to vector<16xi32>
        %select_n3A_1802 = arith.select %gt3A_1797, %broadcast_in_dim3A_1800, %broadcast_in_dim3A_1801 : vector<16xi1>, vector<16xi32>
        %add3A_1803 = arith.addi %add3A_1794, %select_n3A_1802 : vector<16xi32>
        %gt3A_1804 = arith.constant 5.000000e+00 : f32
        %gt3A_1805 = vector.broadcast %gt3A_1804 : f32 to vector<16xf32>
        %gt3A_1806 = arith.cmpf ogt, %get3A_1756, %gt3A_1805 : vector<16xf32>
        %jit3A_1807 = arith.constant 1 : i32
        %jit3A_1808 = arith.constant 0 : i32
        %broadcast_in_dim3A_1809 = vector.broadcast %jit3A_1807 : i32 to vector<16xi32>
        %broadcast_in_dim3A_1810 = vector.broadcast %jit3A_1808 : i32 to vector<16xi32>
        %select_n3A_1811 = arith.select %gt3A_1806, %broadcast_in_dim3A_1809, %broadcast_in_dim3A_1810 : vector<16xi1>, vector<16xi32>
        %add3A_1812 = arith.addi %add3A_1803, %select_n3A_1811 : vector<16xi32>
        %gt3A_1813 = arith.constant 1.000000e+01 : f32
        %gt3A_1814 = vector.broadcast %gt3A_1813 : f32 to vector<16xf32>
        %gt3A_1815 = arith.cmpf ogt, %get3A_1756, %gt3A_1814 : vector<16xf32>
        %jit3A_1816 = arith.constant 1 : i32
        %jit3A_1817 = arith.constant 0 : i32
        %broadcast_in_dim3A_1818 = vector.broadcast %jit3A_1816 : i32 to vector<16xi32>
        %broadcast_in_dim3A_1819 = vector.broadcast %jit3A_1817 : i32 to vector<16xi32>
        %select_n3A_1820 = arith.select %gt3A_1815, %broadcast_in_dim3A_1818, %broadcast_in_dim3A_1819 : vector<16xi1>, vector<16xi32>
        %add3A_1821 = arith.addi %add3A_1812, %select_n3A_1820 : vector<16xi32>
        %gt3A_1822 = arith.constant 2.000000e+01 : f32
        %gt3A_1823 = vector.broadcast %gt3A_1822 : f32 to vector<16xf32>
        %gt3A_1824 = arith.cmpf ogt, %get3A_1756, %gt3A_1823 : vector<16xf32>
        %jit3A_1825 = arith.constant 1 : i32
        %jit3A_1826 = arith.constant 0 : i32
        %broadcast_in_dim3A_1827 = vector.broadcast %jit3A_1825 : i32 to vector<16xi32>
        %broadcast_in_dim3A_1828 = vector.broadcast %jit3A_1826 : i32 to vector<16xi32>
        %select_n3A_1829 = arith.select %gt3A_1824, %broadcast_in_dim3A_1827, %broadcast_in_dim3A_1828 : vector<16xi1>, vector<16xi32>
        %add3A_1830 = arith.addi %add3A_1821, %select_n3A_1829 : vector<16xi32>
        %gt3A_1831 = arith.constant 5.000000e+01 : f32
        %gt3A_1832 = vector.broadcast %gt3A_1831 : f32 to vector<16xf32>
        %gt3A_1833 = arith.cmpf ogt, %get3A_1756, %gt3A_1832 : vector<16xf32>
        %jit3A_1834 = arith.constant 1 : i32
        %jit3A_1835 = arith.constant 0 : i32
        %broadcast_in_dim3A_1836 = vector.broadcast %jit3A_1834 : i32 to vector<16xi32>
        %broadcast_in_dim3A_1837 = vector.broadcast %jit3A_1835 : i32 to vector<16xi32>
        %select_n3A_1838 = arith.select %gt3A_1833, %broadcast_in_dim3A_1836, %broadcast_in_dim3A_1837 : vector<16xi1>, vector<16xi32>
        %add3A_1839 = arith.addi %add3A_1830, %select_n3A_1838 : vector<16xi32>
        %gt3A_1840 = arith.constant 1.000000e+02 : f32
        %gt3A_1841 = vector.broadcast %gt3A_1840 : f32 to vector<16xf32>
        %gt3A_1842 = arith.cmpf ogt, %get3A_1756, %gt3A_1841 : vector<16xf32>
        %jit3A_1843 = arith.constant 1 : i32
        %jit3A_1844 = arith.constant 0 : i32
        %broadcast_in_dim3A_1845 = vector.broadcast %jit3A_1843 : i32 to vector<16xi32>
        %broadcast_in_dim3A_1846 = vector.broadcast %jit3A_1844 : i32 to vector<16xi32>
        %select_n3A_1847 = arith.select %gt3A_1842, %broadcast_in_dim3A_1845, %broadcast_in_dim3A_1846 : vector<16xi1>, vector<16xi32>
        %add3A_1848 = arith.addi %add3A_1839, %select_n3A_1847 : vector<16xi32>
        %gt3A_1849 = arith.constant 2.000000e+02 : f32
        %gt3A_1850 = vector.broadcast %gt3A_1849 : f32 to vector<16xf32>
        %gt3A_1851 = arith.cmpf ogt, %get3A_1756, %gt3A_1850 : vector<16xf32>
        %jit3A_1852 = arith.constant 1 : i32
        %jit3A_1853 = arith.constant 0 : i32
        %broadcast_in_dim3A_1854 = vector.broadcast %jit3A_1852 : i32 to vector<16xi32>
        %broadcast_in_dim3A_1855 = vector.broadcast %jit3A_1853 : i32 to vector<16xi32>
        %select_n3A_1856 = arith.select %gt3A_1851, %broadcast_in_dim3A_1854, %broadcast_in_dim3A_1855 : vector<16xi1>, vector<16xi32>
        %add3A_1857 = arith.addi %add3A_1848, %select_n3A_1856 : vector<16xi32>
        %gt3A_1858 = arith.constant 5.000000e+02 : f32
        %gt3A_1859 = vector.broadcast %gt3A_1858 : f32 to vector<16xf32>
        %gt3A_1860 = arith.cmpf ogt, %get3A_1756, %gt3A_1859 : vector<16xf32>
        %jit3A_1861 = arith.constant 1 : i32
        %jit3A_1862 = arith.constant 0 : i32
        %broadcast_in_dim3A_1863 = vector.broadcast %jit3A_1861 : i32 to vector<16xi32>
        %broadcast_in_dim3A_1864 = vector.broadcast %jit3A_1862 : i32 to vector<16xi32>
        %select_n3A_1865 = arith.select %gt3A_1860, %broadcast_in_dim3A_1863, %broadcast_in_dim3A_1864 : vector<16xi1>, vector<16xi32>
        %add3A_1866 = arith.addi %add3A_1857, %select_n3A_1865 : vector<16xi32>
        %gt3A_1867 = arith.constant 1.000000e+03 : f32
        %gt3A_1868 = vector.broadcast %gt3A_1867 : f32 to vector<16xf32>
        %gt3A_1869 = arith.cmpf ogt, %get3A_1756, %gt3A_1868 : vector<16xf32>
        %jit3A_1870 = arith.constant 1 : i32
        %jit3A_1871 = arith.constant 0 : i32
        %broadcast_in_dim3A_1872 = vector.broadcast %jit3A_1870 : i32 to vector<16xi32>
        %broadcast_in_dim3A_1873 = vector.broadcast %jit3A_1871 : i32 to vector<16xi32>
        %select_n3A_1874 = arith.select %gt3A_1869, %broadcast_in_dim3A_1872, %broadcast_in_dim3A_1873 : vector<16xi1>, vector<16xi32>
        %add3A_1875 = arith.addi %add3A_1866, %select_n3A_1874 : vector<16xi32>
        %mul3A_1876 = arith.constant 64 : i32
        %mul3A_1877 = vector.broadcast %mul3A_1876 : i32 to vector<16xi32>
        %mul3A_1878 = arith.muli %add3A_1875, %mul3A_1877 : vector<16xi32>
        %get3A_1879 = arith.index_cast %add3A_1754 : i32 to index
        %get3A_1880 = tpu.vector_load %arg13[%get3A_1879] {strides = array<i32>} : memref<6400xi32, #tpu.memory_space<vmem>>, vector<16xi32>,
        %add3A_1881 = arith.addi %mul3A_1878, %get3A_1880 : vector<16xi32>
        %swap3A_1882 = arith.constant 0 : i32
        %swap3A_1883 = arith.index_cast %swap3A_1882 : i32 to index
        %swap3A_1884 = arith.constant 48 : index
        %swap3A_1885 = tpu.vector_load %arg14[%swap3A_1883, %swap3A_1884] {strides = array<i32>} : memref<2x128xi32, #tpu.memory_space<vmem>>, vector<16xi32>,
        tpu.vector_store %arg14[%swap3A_1883, %swap3A_1884], %add3A_1881 {strides = array<i32>} : memref<2x128xi32, #tpu.memory_space<vmem>>, vector<16xi32>,
        %add3A_1886 = arith.constant 64 : i32
        %add3A_1887 = arith.addi %mul3A_1329, %add3A_1886 : i32
        %get3A_1888 = arith.index_cast %add3A_1887 : i32 to index
        %get3A_1889 = tpu.vector_load %arg11[%get3A_1888] {strides = array<i32>} : memref<6400xf32, #tpu.memory_space<vmem>>, vector<16xf32>,
        %broadcast_in_dim3A_1890 = arith.constant 0 : i32
        %broadcast_in_dim3A_1891 = vector.broadcast %broadcast_in_dim3A_1890 : i32 to vector<16xi32>
        %gt3A_1892 = arith.constant 0.000000e+00 : f32
        %gt3A_1893 = vector.broadcast %gt3A_1892 : f32 to vector<16xf32>
        %gt3A_1894 = arith.cmpf ogt, %get3A_1889, %gt3A_1893 : vector<16xf32>
        %jit3A_1895 = arith.constant 1 : i32
        %jit3A_1896 = arith.constant 0 : i32
        %broadcast_in_dim3A_1897 = vector.broadcast %jit3A_1895 : i32 to vector<16xi32>
        %broadcast_in_dim3A_1898 = vector.broadcast %jit3A_1896 : i32 to vector<16xi32>
        %select_n3A_1899 = arith.select %gt3A_1894, %broadcast_in_dim3A_1897, %broadcast_in_dim3A_1898 : vector<16xi1>, vector<16xi32>
        %add3A_1900 = arith.addi %broadcast_in_dim3A_1891, %select_n3A_1899 : vector<16xi32>
        %gt3A_1901 = arith.constant 1.000000e-01 : f32
        %gt3A_1902 = vector.broadcast %gt3A_1901 : f32 to vector<16xf32>
        %gt3A_1903 = arith.cmpf ogt, %get3A_1889, %gt3A_1902 : vector<16xf32>
        %jit3A_1904 = arith.constant 1 : i32
        %jit3A_1905 = arith.constant 0 : i32
        %broadcast_in_dim3A_1906 = vector.broadcast %jit3A_1904 : i32 to vector<16xi32>
        %broadcast_in_dim3A_1907 = vector.broadcast %jit3A_1905 : i32 to vector<16xi32>
        %select_n3A_1908 = arith.select %gt3A_1903, %broadcast_in_dim3A_1906, %broadcast_in_dim3A_1907 : vector<16xi1>, vector<16xi32>
        %add3A_1909 = arith.addi %add3A_1900, %select_n3A_1908 : vector<16xi32>
        %gt3A_1910 = arith.constant 5.000000e-01 : f32
        %gt3A_1911 = vector.broadcast %gt3A_1910 : f32 to vector<16xf32>
        %gt3A_1912 = arith.cmpf ogt, %get3A_1889, %gt3A_1911 : vector<16xf32>
        %jit3A_1913 = arith.constant 1 : i32
        %jit3A_1914 = arith.constant 0 : i32
        %broadcast_in_dim3A_1915 = vector.broadcast %jit3A_1913 : i32 to vector<16xi32>
        %broadcast_in_dim3A_1916 = vector.broadcast %jit3A_1914 : i32 to vector<16xi32>
        %select_n3A_1917 = arith.select %gt3A_1912, %broadcast_in_dim3A_1915, %broadcast_in_dim3A_1916 : vector<16xi1>, vector<16xi32>
        %add3A_1918 = arith.addi %add3A_1909, %select_n3A_1917 : vector<16xi32>
        %gt3A_1919 = arith.constant 1.000000e+00 : f32
        %gt3A_1920 = vector.broadcast %gt3A_1919 : f32 to vector<16xf32>
        %gt3A_1921 = arith.cmpf ogt, %get3A_1889, %gt3A_1920 : vector<16xf32>
        %jit3A_1922 = arith.constant 1 : i32
        %jit3A_1923 = arith.constant 0 : i32
        %broadcast_in_dim3A_1924 = vector.broadcast %jit3A_1922 : i32 to vector<16xi32>
        %broadcast_in_dim3A_1925 = vector.broadcast %jit3A_1923 : i32 to vector<16xi32>
        %select_n3A_1926 = arith.select %gt3A_1921, %broadcast_in_dim3A_1924, %broadcast_in_dim3A_1925 : vector<16xi1>, vector<16xi32>
        %add3A_1927 = arith.addi %add3A_1918, %select_n3A_1926 : vector<16xi32>
        %gt3A_1928 = arith.constant 2.000000e+00 : f32
        %gt3A_1929 = vector.broadcast %gt3A_1928 : f32 to vector<16xf32>
        %gt3A_1930 = arith.cmpf ogt, %get3A_1889, %gt3A_1929 : vector<16xf32>
        %jit3A_1931 = arith.constant 1 : i32
        %jit3A_1932 = arith.constant 0 : i32
        %broadcast_in_dim3A_1933 = vector.broadcast %jit3A_1931 : i32 to vector<16xi32>
        %broadcast_in_dim3A_1934 = vector.broadcast %jit3A_1932 : i32 to vector<16xi32>
        %select_n3A_1935 = arith.select %gt3A_1930, %broadcast_in_dim3A_1933, %broadcast_in_dim3A_1934 : vector<16xi1>, vector<16xi32>
        %add3A_1936 = arith.addi %add3A_1927, %select_n3A_1935 : vector<16xi32>
        %gt3A_1937 = arith.constant 5.000000e+00 : f32
        %gt3A_1938 = vector.broadcast %gt3A_1937 : f32 to vector<16xf32>
        %gt3A_1939 = arith.cmpf ogt, %get3A_1889, %gt3A_1938 : vector<16xf32>
        %jit3A_1940 = arith.constant 1 : i32
        %jit3A_1941 = arith.constant 0 : i32
        %broadcast_in_dim3A_1942 = vector.broadcast %jit3A_1940 : i32 to vector<16xi32>
        %broadcast_in_dim3A_1943 = vector.broadcast %jit3A_1941 : i32 to vector<16xi32>
        %select_n3A_1944 = arith.select %gt3A_1939, %broadcast_in_dim3A_1942, %broadcast_in_dim3A_1943 : vector<16xi1>, vector<16xi32>
        %add3A_1945 = arith.addi %add3A_1936, %select_n3A_1944 : vector<16xi32>
        %gt3A_1946 = arith.constant 1.000000e+01 : f32
        %gt3A_1947 = vector.broadcast %gt3A_1946 : f32 to vector<16xf32>
        %gt3A_1948 = arith.cmpf ogt, %get3A_1889, %gt3A_1947 : vector<16xf32>
        %jit3A_1949 = arith.constant 1 : i32
        %jit3A_1950 = arith.constant 0 : i32
        %broadcast_in_dim3A_1951 = vector.broadcast %jit3A_1949 : i32 to vector<16xi32>
        %broadcast_in_dim3A_1952 = vector.broadcast %jit3A_1950 : i32 to vector<16xi32>
        %select_n3A_1953 = arith.select %gt3A_1948, %broadcast_in_dim3A_1951, %broadcast_in_dim3A_1952 : vector<16xi1>, vector<16xi32>
        %add3A_1954 = arith.addi %add3A_1945, %select_n3A_1953 : vector<16xi32>
        %gt3A_1955 = arith.constant 2.000000e+01 : f32
        %gt3A_1956 = vector.broadcast %gt3A_1955 : f32 to vector<16xf32>
        %gt3A_1957 = arith.cmpf ogt, %get3A_1889, %gt3A_1956 : vector<16xf32>
        %jit3A_1958 = arith.constant 1 : i32
        %jit3A_1959 = arith.constant 0 : i32
        %broadcast_in_dim3A_1960 = vector.broadcast %jit3A_1958 : i32 to vector<16xi32>
        %broadcast_in_dim3A_1961 = vector.broadcast %jit3A_1959 : i32 to vector<16xi32>
        %select_n3A_1962 = arith.select %gt3A_1957, %broadcast_in_dim3A_1960, %broadcast_in_dim3A_1961 : vector<16xi1>, vector<16xi32>
        %add3A_1963 = arith.addi %add3A_1954, %select_n3A_1962 : vector<16xi32>
        %gt3A_1964 = arith.constant 5.000000e+01 : f32
        %gt3A_1965 = vector.broadcast %gt3A_1964 : f32 to vector<16xf32>
        %gt3A_1966 = arith.cmpf ogt, %get3A_1889, %gt3A_1965 : vector<16xf32>
        %jit3A_1967 = arith.constant 1 : i32
        %jit3A_1968 = arith.constant 0 : i32
        %broadcast_in_dim3A_1969 = vector.broadcast %jit3A_1967 : i32 to vector<16xi32>
        %broadcast_in_dim3A_1970 = vector.broadcast %jit3A_1968 : i32 to vector<16xi32>
        %select_n3A_1971 = arith.select %gt3A_1966, %broadcast_in_dim3A_1969, %broadcast_in_dim3A_1970 : vector<16xi1>, vector<16xi32>
        %add3A_1972 = arith.addi %add3A_1963, %select_n3A_1971 : vector<16xi32>
        %gt3A_1973 = arith.constant 1.000000e+02 : f32
        %gt3A_1974 = vector.broadcast %gt3A_1973 : f32 to vector<16xf32>
        %gt3A_1975 = arith.cmpf ogt, %get3A_1889, %gt3A_1974 : vector<16xf32>
        %jit3A_1976 = arith.constant 1 : i32
        %jit3A_1977 = arith.constant 0 : i32
        %broadcast_in_dim3A_1978 = vector.broadcast %jit3A_1976 : i32 to vector<16xi32>
        %broadcast_in_dim3A_1979 = vector.broadcast %jit3A_1977 : i32 to vector<16xi32>
        %select_n3A_1980 = arith.select %gt3A_1975, %broadcast_in_dim3A_1978, %broadcast_in_dim3A_1979 : vector<16xi1>, vector<16xi32>
        %add3A_1981 = arith.addi %add3A_1972, %select_n3A_1980 : vector<16xi32>
        %gt3A_1982 = arith.constant 2.000000e+02 : f32
        %gt3A_1983 = vector.broadcast %gt3A_1982 : f32 to vector<16xf32>
        %gt3A_1984 = arith.cmpf ogt, %get3A_1889, %gt3A_1983 : vector<16xf32>
        %jit3A_1985 = arith.constant 1 : i32
        %jit3A_1986 = arith.constant 0 : i32
        %broadcast_in_dim3A_1987 = vector.broadcast %jit3A_1985 : i32 to vector<16xi32>
        %broadcast_in_dim3A_1988 = vector.broadcast %jit3A_1986 : i32 to vector<16xi32>
        %select_n3A_1989 = arith.select %gt3A_1984, %broadcast_in_dim3A_1987, %broadcast_in_dim3A_1988 : vector<16xi1>, vector<16xi32>
        %add3A_1990 = arith.addi %add3A_1981, %select_n3A_1989 : vector<16xi32>
        %gt3A_1991 = arith.constant 5.000000e+02 : f32
        %gt3A_1992 = vector.broadcast %gt3A_1991 : f32 to vector<16xf32>
        %gt3A_1993 = arith.cmpf ogt, %get3A_1889, %gt3A_1992 : vector<16xf32>
        %jit3A_1994 = arith.constant 1 : i32
        %jit3A_1995 = arith.constant 0 : i32
        %broadcast_in_dim3A_1996 = vector.broadcast %jit3A_1994 : i32 to vector<16xi32>
        %broadcast_in_dim3A_1997 = vector.broadcast %jit3A_1995 : i32 to vector<16xi32>
        %select_n3A_1998 = arith.select %gt3A_1993, %broadcast_in_dim3A_1996, %broadcast_in_dim3A_1997 : vector<16xi1>, vector<16xi32>
        %add3A_1999 = arith.addi %add3A_1990, %select_n3A_1998 : vector<16xi32>
        %gt3A_2000 = arith.constant 1.000000e+03 : f32
        %gt3A_2001 = vector.broadcast %gt3A_2000 : f32 to vector<16xf32>
        %gt3A_2002 = arith.cmpf ogt, %get3A_1889, %gt3A_2001 : vector<16xf32>
        %jit3A_2003 = arith.constant 1 : i32
        %jit3A_2004 = arith.constant 0 : i32
        %broadcast_in_dim3A_2005 = vector.broadcast %jit3A_2003 : i32 to vector<16xi32>
        %broadcast_in_dim3A_2006 = vector.broadcast %jit3A_2004 : i32 to vector<16xi32>
        %select_n3A_2007 = arith.select %gt3A_2002, %broadcast_in_dim3A_2005, %broadcast_in_dim3A_2006 : vector<16xi1>, vector<16xi32>
        %add3A_2008 = arith.addi %add3A_1999, %select_n3A_2007 : vector<16xi32>
        %mul3A_2009 = arith.constant 64 : i32
        %mul3A_2010 = vector.broadcast %mul3A_2009 : i32 to vector<16xi32>
        %mul3A_2011 = arith.muli %add3A_2008, %mul3A_2010 : vector<16xi32>
        %get3A_2012 = arith.index_cast %add3A_1887 : i32 to index
        %get3A_2013 = tpu.vector_load %arg13[%get3A_2012] {strides = array<i32>} : memref<6400xi32, #tpu.memory_space<vmem>>, vector<16xi32>,
        %add3A_2014 = arith.addi %mul3A_2011, %get3A_2013 : vector<16xi32>
        %swap3A_2015 = arith.constant 0 : i32
        %swap3A_2016 = arith.index_cast %swap3A_2015 : i32 to index
        %swap3A_2017 = arith.constant 64 : index
        %swap3A_2018 = tpu.vector_load %arg14[%swap3A_2016, %swap3A_2017] {strides = array<i32>} : memref<2x128xi32, #tpu.memory_space<vmem>>, vector<16xi32>,
        tpu.vector_store %arg14[%swap3A_2016, %swap3A_2017], %add3A_2014 {strides = array<i32>} : memref<2x128xi32, #tpu.memory_space<vmem>>, vector<16xi32>,
        %add3A_2019 = arith.constant 80 : i32
        %add3A_2020 = arith.addi %mul3A_1329, %add3A_2019 : i32
        %get3A_2021 = arith.index_cast %add3A_2020 : i32 to index
        %get3A_2022 = tpu.vector_load %arg11[%get3A_2021] {strides = array<i32>} : memref<6400xf32, #tpu.memory_space<vmem>>, vector<16xf32>,
        %broadcast_in_dim3A_2023 = arith.constant 0 : i32
        %broadcast_in_dim3A_2024 = vector.broadcast %broadcast_in_dim3A_2023 : i32 to vector<16xi32>
        %gt3A_2025 = arith.constant 0.000000e+00 : f32
        %gt3A_2026 = vector.broadcast %gt3A_2025 : f32 to vector<16xf32>
        %gt3A_2027 = arith.cmpf ogt, %get3A_2022, %gt3A_2026 : vector<16xf32>
        %jit3A_2028 = arith.constant 1 : i32
        %jit3A_2029 = arith.constant 0 : i32
        %broadcast_in_dim3A_2030 = vector.broadcast %jit3A_2028 : i32 to vector<16xi32>
        %broadcast_in_dim3A_2031 = vector.broadcast %jit3A_2029 : i32 to vector<16xi32>
        %select_n3A_2032 = arith.select %gt3A_2027, %broadcast_in_dim3A_2030, %broadcast_in_dim3A_2031 : vector<16xi1>, vector<16xi32>
        %add3A_2033 = arith.addi %broadcast_in_dim3A_2024, %select_n3A_2032 : vector<16xi32>
        %gt3A_2034 = arith.constant 1.000000e-01 : f32
        %gt3A_2035 = vector.broadcast %gt3A_2034 : f32 to vector<16xf32>
        %gt3A_2036 = arith.cmpf ogt, %get3A_2022, %gt3A_2035 : vector<16xf32>
        %jit3A_2037 = arith.constant 1 : i32
        %jit3A_2038 = arith.constant 0 : i32
        %broadcast_in_dim3A_2039 = vector.broadcast %jit3A_2037 : i32 to vector<16xi32>
        %broadcast_in_dim3A_2040 = vector.broadcast %jit3A_2038 : i32 to vector<16xi32>
        %select_n3A_2041 = arith.select %gt3A_2036, %broadcast_in_dim3A_2039, %broadcast_in_dim3A_2040 : vector<16xi1>, vector<16xi32>
        %add3A_2042 = arith.addi %add3A_2033, %select_n3A_2041 : vector<16xi32>
        %gt3A_2043 = arith.constant 5.000000e-01 : f32
        %gt3A_2044 = vector.broadcast %gt3A_2043 : f32 to vector<16xf32>
        %gt3A_2045 = arith.cmpf ogt, %get3A_2022, %gt3A_2044 : vector<16xf32>
        %jit3A_2046 = arith.constant 1 : i32
        %jit3A_2047 = arith.constant 0 : i32
        %broadcast_in_dim3A_2048 = vector.broadcast %jit3A_2046 : i32 to vector<16xi32>
        %broadcast_in_dim3A_2049 = vector.broadcast %jit3A_2047 : i32 to vector<16xi32>
        %select_n3A_2050 = arith.select %gt3A_2045, %broadcast_in_dim3A_2048, %broadcast_in_dim3A_2049 : vector<16xi1>, vector<16xi32>
        %add3A_2051 = arith.addi %add3A_2042, %select_n3A_2050 : vector<16xi32>
        %gt3A_2052 = arith.constant 1.000000e+00 : f32
        %gt3A_2053 = vector.broadcast %gt3A_2052 : f32 to vector<16xf32>
        %gt3A_2054 = arith.cmpf ogt, %get3A_2022, %gt3A_2053 : vector<16xf32>
        %jit3A_2055 = arith.constant 1 : i32
        %jit3A_2056 = arith.constant 0 : i32
        %broadcast_in_dim3A_2057 = vector.broadcast %jit3A_2055 : i32 to vector<16xi32>
        %broadcast_in_dim3A_2058 = vector.broadcast %jit3A_2056 : i32 to vector<16xi32>
        %select_n3A_2059 = arith.select %gt3A_2054, %broadcast_in_dim3A_2057, %broadcast_in_dim3A_2058 : vector<16xi1>, vector<16xi32>
        %add3A_2060 = arith.addi %add3A_2051, %select_n3A_2059 : vector<16xi32>
        %gt3A_2061 = arith.constant 2.000000e+00 : f32
        %gt3A_2062 = vector.broadcast %gt3A_2061 : f32 to vector<16xf32>
        %gt3A_2063 = arith.cmpf ogt, %get3A_2022, %gt3A_2062 : vector<16xf32>
        %jit3A_2064 = arith.constant 1 : i32
        %jit3A_2065 = arith.constant 0 : i32
        %broadcast_in_dim3A_2066 = vector.broadcast %jit3A_2064 : i32 to vector<16xi32>
        %broadcast_in_dim3A_2067 = vector.broadcast %jit3A_2065 : i32 to vector<16xi32>
        %select_n3A_2068 = arith.select %gt3A_2063, %broadcast_in_dim3A_2066, %broadcast_in_dim3A_2067 : vector<16xi1>, vector<16xi32>
        %add3A_2069 = arith.addi %add3A_2060, %select_n3A_2068 : vector<16xi32>
        %gt3A_2070 = arith.constant 5.000000e+00 : f32
        %gt3A_2071 = vector.broadcast %gt3A_2070 : f32 to vector<16xf32>
        %gt3A_2072 = arith.cmpf ogt, %get3A_2022, %gt3A_2071 : vector<16xf32>
        %jit3A_2073 = arith.constant 1 : i32
        %jit3A_2074 = arith.constant 0 : i32
        %broadcast_in_dim3A_2075 = vector.broadcast %jit3A_2073 : i32 to vector<16xi32>
        %broadcast_in_dim3A_2076 = vector.broadcast %jit3A_2074 : i32 to vector<16xi32>
        %select_n3A_2077 = arith.select %gt3A_2072, %broadcast_in_dim3A_2075, %broadcast_in_dim3A_2076 : vector<16xi1>, vector<16xi32>
        %add3A_2078 = arith.addi %add3A_2069, %select_n3A_2077 : vector<16xi32>
        %gt3A_2079 = arith.constant 1.000000e+01 : f32
        %gt3A_2080 = vector.broadcast %gt3A_2079 : f32 to vector<16xf32>
        %gt3A_2081 = arith.cmpf ogt, %get3A_2022, %gt3A_2080 : vector<16xf32>
        %jit3A_2082 = arith.constant 1 : i32
        %jit3A_2083 = arith.constant 0 : i32
        %broadcast_in_dim3A_2084 = vector.broadcast %jit3A_2082 : i32 to vector<16xi32>
        %broadcast_in_dim3A_2085 = vector.broadcast %jit3A_2083 : i32 to vector<16xi32>
        %select_n3A_2086 = arith.select %gt3A_2081, %broadcast_in_dim3A_2084, %broadcast_in_dim3A_2085 : vector<16xi1>, vector<16xi32>
        %add3A_2087 = arith.addi %add3A_2078, %select_n3A_2086 : vector<16xi32>
        %gt3A_2088 = arith.constant 2.000000e+01 : f32
        %gt3A_2089 = vector.broadcast %gt3A_2088 : f32 to vector<16xf32>
        %gt3A_2090 = arith.cmpf ogt, %get3A_2022, %gt3A_2089 : vector<16xf32>
        %jit3A_2091 = arith.constant 1 : i32
        %jit3A_2092 = arith.constant 0 : i32
        %broadcast_in_dim3A_2093 = vector.broadcast %jit3A_2091 : i32 to vector<16xi32>
        %broadcast_in_dim3A_2094 = vector.broadcast %jit3A_2092 : i32 to vector<16xi32>
        %select_n3A_2095 = arith.select %gt3A_2090, %broadcast_in_dim3A_2093, %broadcast_in_dim3A_2094 : vector<16xi1>, vector<16xi32>
        %add3A_2096 = arith.addi %add3A_2087, %select_n3A_2095 : vector<16xi32>
        %gt3A_2097 = arith.constant 5.000000e+01 : f32
        %gt3A_2098 = vector.broadcast %gt3A_2097 : f32 to vector<16xf32>
        %gt3A_2099 = arith.cmpf ogt, %get3A_2022, %gt3A_2098 : vector<16xf32>
        %jit3A_2100 = arith.constant 1 : i32
        %jit3A_2101 = arith.constant 0 : i32
        %broadcast_in_dim3A_2102 = vector.broadcast %jit3A_2100 : i32 to vector<16xi32>
        %broadcast_in_dim3A_2103 = vector.broadcast %jit3A_2101 : i32 to vector<16xi32>
        %select_n3A_2104 = arith.select %gt3A_2099, %broadcast_in_dim3A_2102, %broadcast_in_dim3A_2103 : vector<16xi1>, vector<16xi32>
        %add3A_2105 = arith.addi %add3A_2096, %select_n3A_2104 : vector<16xi32>
        %gt3A_2106 = arith.constant 1.000000e+02 : f32
        %gt3A_2107 = vector.broadcast %gt3A_2106 : f32 to vector<16xf32>
        %gt3A_2108 = arith.cmpf ogt, %get3A_2022, %gt3A_2107 : vector<16xf32>
        %jit3A_2109 = arith.constant 1 : i32
        %jit3A_2110 = arith.constant 0 : i32
        %broadcast_in_dim3A_2111 = vector.broadcast %jit3A_2109 : i32 to vector<16xi32>
        %broadcast_in_dim3A_2112 = vector.broadcast %jit3A_2110 : i32 to vector<16xi32>
        %select_n3A_2113 = arith.select %gt3A_2108, %broadcast_in_dim3A_2111, %broadcast_in_dim3A_2112 : vector<16xi1>, vector<16xi32>
        %add3A_2114 = arith.addi %add3A_2105, %select_n3A_2113 : vector<16xi32>
        %gt3A_2115 = arith.constant 2.000000e+02 : f32
        %gt3A_2116 = vector.broadcast %gt3A_2115 : f32 to vector<16xf32>
        %gt3A_2117 = arith.cmpf ogt, %get3A_2022, %gt3A_2116 : vector<16xf32>
        %jit3A_2118 = arith.constant 1 : i32
        %jit3A_2119 = arith.constant 0 : i32
        %broadcast_in_dim3A_2120 = vector.broadcast %jit3A_2118 : i32 to vector<16xi32>
        %broadcast_in_dim3A_2121 = vector.broadcast %jit3A_2119 : i32 to vector<16xi32>
        %select_n3A_2122 = arith.select %gt3A_2117, %broadcast_in_dim3A_2120, %broadcast_in_dim3A_2121 : vector<16xi1>, vector<16xi32>
        %add3A_2123 = arith.addi %add3A_2114, %select_n3A_2122 : vector<16xi32>
        %gt3A_2124 = arith.constant 5.000000e+02 : f32
        %gt3A_2125 = vector.broadcast %gt3A_2124 : f32 to vector<16xf32>
        %gt3A_2126 = arith.cmpf ogt, %get3A_2022, %gt3A_2125 : vector<16xf32>
        %jit3A_2127 = arith.constant 1 : i32
        %jit3A_2128 = arith.constant 0 : i32
        %broadcast_in_dim3A_2129 = vector.broadcast %jit3A_2127 : i32 to vector<16xi32>
        %broadcast_in_dim3A_2130 = vector.broadcast %jit3A_2128 : i32 to vector<16xi32>
        %select_n3A_2131 = arith.select %gt3A_2126, %broadcast_in_dim3A_2129, %broadcast_in_dim3A_2130 : vector<16xi1>, vector<16xi32>
        %add3A_2132 = arith.addi %add3A_2123, %select_n3A_2131 : vector<16xi32>
        %gt3A_2133 = arith.constant 1.000000e+03 : f32
        %gt3A_2134 = vector.broadcast %gt3A_2133 : f32 to vector<16xf32>
        %gt3A_2135 = arith.cmpf ogt, %get3A_2022, %gt3A_2134 : vector<16xf32>
        %jit3A_2136 = arith.constant 1 : i32
        %jit3A_2137 = arith.constant 0 : i32
        %broadcast_in_dim3A_2138 = vector.broadcast %jit3A_2136 : i32 to vector<16xi32>
        %broadcast_in_dim3A_2139 = vector.broadcast %jit3A_2137 : i32 to vector<16xi32>
        %select_n3A_2140 = arith.select %gt3A_2135, %broadcast_in_dim3A_2138, %broadcast_in_dim3A_2139 : vector<16xi1>, vector<16xi32>
        %add3A_2141 = arith.addi %add3A_2132, %select_n3A_2140 : vector<16xi32>
        %mul3A_2142 = arith.constant 64 : i32
        %mul3A_2143 = vector.broadcast %mul3A_2142 : i32 to vector<16xi32>
        %mul3A_2144 = arith.muli %add3A_2141, %mul3A_2143 : vector<16xi32>
        %get3A_2145 = arith.index_cast %add3A_2020 : i32 to index
        %get3A_2146 = tpu.vector_load %arg13[%get3A_2145] {strides = array<i32>} : memref<6400xi32, #tpu.memory_space<vmem>>, vector<16xi32>,
        %add3A_2147 = arith.addi %mul3A_2144, %get3A_2146 : vector<16xi32>
        %swap3A_2148 = arith.constant 0 : i32
        %swap3A_2149 = arith.index_cast %swap3A_2148 : i32 to index
        %swap3A_2150 = arith.constant 80 : index
        %swap3A_2151 = tpu.vector_load %arg14[%swap3A_2149, %swap3A_2150] {strides = array<i32>} : memref<2x128xi32, #tpu.memory_space<vmem>>, vector<16xi32>,
        tpu.vector_store %arg14[%swap3A_2149, %swap3A_2150], %add3A_2147 {strides = array<i32>} : memref<2x128xi32, #tpu.memory_space<vmem>>, vector<16xi32>,
        %add3A_2152 = arith.constant 96 : i32
        %add3A_2153 = arith.addi %mul3A_1329, %add3A_2152 : i32
        %get3A_2154 = arith.index_cast %add3A_2153 : i32 to index
        %get3A_2155 = tpu.vector_load %arg11[%get3A_2154] {strides = array<i32>} : memref<6400xf32, #tpu.memory_space<vmem>>, vector<16xf32>,
        %broadcast_in_dim3A_2156 = arith.constant 0 : i32
        %broadcast_in_dim3A_2157 = vector.broadcast %broadcast_in_dim3A_2156 : i32 to vector<16xi32>
        %gt3A_2158 = arith.constant 0.000000e+00 : f32
        %gt3A_2159 = vector.broadcast %gt3A_2158 : f32 to vector<16xf32>
        %gt3A_2160 = arith.cmpf ogt, %get3A_2155, %gt3A_2159 : vector<16xf32>
        %jit3A_2161 = arith.constant 1 : i32
        %jit3A_2162 = arith.constant 0 : i32
        %broadcast_in_dim3A_2163 = vector.broadcast %jit3A_2161 : i32 to vector<16xi32>
        %broadcast_in_dim3A_2164 = vector.broadcast %jit3A_2162 : i32 to vector<16xi32>
        %select_n3A_2165 = arith.select %gt3A_2160, %broadcast_in_dim3A_2163, %broadcast_in_dim3A_2164 : vector<16xi1>, vector<16xi32>
        %add3A_2166 = arith.addi %broadcast_in_dim3A_2157, %select_n3A_2165 : vector<16xi32>
        %gt3A_2167 = arith.constant 1.000000e-01 : f32
        %gt3A_2168 = vector.broadcast %gt3A_2167 : f32 to vector<16xf32>
        %gt3A_2169 = arith.cmpf ogt, %get3A_2155, %gt3A_2168 : vector<16xf32>
        %jit3A_2170 = arith.constant 1 : i32
        %jit3A_2171 = arith.constant 0 : i32
        %broadcast_in_dim3A_2172 = vector.broadcast %jit3A_2170 : i32 to vector<16xi32>
        %broadcast_in_dim3A_2173 = vector.broadcast %jit3A_2171 : i32 to vector<16xi32>
        %select_n3A_2174 = arith.select %gt3A_2169, %broadcast_in_dim3A_2172, %broadcast_in_dim3A_2173 : vector<16xi1>, vector<16xi32>
        %add3A_2175 = arith.addi %add3A_2166, %select_n3A_2174 : vector<16xi32>
        %gt3A_2176 = arith.constant 5.000000e-01 : f32
        %gt3A_2177 = vector.broadcast %gt3A_2176 : f32 to vector<16xf32>
        %gt3A_2178 = arith.cmpf ogt, %get3A_2155, %gt3A_2177 : vector<16xf32>
        %jit3A_2179 = arith.constant 1 : i32
        %jit3A_2180 = arith.constant 0 : i32
        %broadcast_in_dim3A_2181 = vector.broadcast %jit3A_2179 : i32 to vector<16xi32>
        %broadcast_in_dim3A_2182 = vector.broadcast %jit3A_2180 : i32 to vector<16xi32>
        %select_n3A_2183 = arith.select %gt3A_2178, %broadcast_in_dim3A_2181, %broadcast_in_dim3A_2182 : vector<16xi1>, vector<16xi32>
        %add3A_2184 = arith.addi %add3A_2175, %select_n3A_2183 : vector<16xi32>
        %gt3A_2185 = arith.constant 1.000000e+00 : f32
        %gt3A_2186 = vector.broadcast %gt3A_2185 : f32 to vector<16xf32>
        %gt3A_2187 = arith.cmpf ogt, %get3A_2155, %gt3A_2186 : vector<16xf32>
        %jit3A_2188 = arith.constant 1 : i32
        %jit3A_2189 = arith.constant 0 : i32
        %broadcast_in_dim3A_2190 = vector.broadcast %jit3A_2188 : i32 to vector<16xi32>
        %broadcast_in_dim3A_2191 = vector.broadcast %jit3A_2189 : i32 to vector<16xi32>
        %select_n3A_2192 = arith.select %gt3A_2187, %broadcast_in_dim3A_2190, %broadcast_in_dim3A_2191 : vector<16xi1>, vector<16xi32>
        %add3A_2193 = arith.addi %add3A_2184, %select_n3A_2192 : vector<16xi32>
        %gt3A_2194 = arith.constant 2.000000e+00 : f32
        %gt3A_2195 = vector.broadcast %gt3A_2194 : f32 to vector<16xf32>
        %gt3A_2196 = arith.cmpf ogt, %get3A_2155, %gt3A_2195 : vector<16xf32>
        %jit3A_2197 = arith.constant 1 : i32
        %jit3A_2198 = arith.constant 0 : i32
        %broadcast_in_dim3A_2199 = vector.broadcast %jit3A_2197 : i32 to vector<16xi32>
        %broadcast_in_dim3A_2200 = vector.broadcast %jit3A_2198 : i32 to vector<16xi32>
        %select_n3A_2201 = arith.select %gt3A_2196, %broadcast_in_dim3A_2199, %broadcast_in_dim3A_2200 : vector<16xi1>, vector<16xi32>
        %add3A_2202 = arith.addi %add3A_2193, %select_n3A_2201 : vector<16xi32>
        %gt3A_2203 = arith.constant 5.000000e+00 : f32
        %gt3A_2204 = vector.broadcast %gt3A_2203 : f32 to vector<16xf32>
        %gt3A_2205 = arith.cmpf ogt, %get3A_2155, %gt3A_2204 : vector<16xf32>
        %jit3A_2206 = arith.constant 1 : i32
        %jit3A_2207 = arith.constant 0 : i32
        %broadcast_in_dim3A_2208 = vector.broadcast %jit3A_2206 : i32 to vector<16xi32>
        %broadcast_in_dim3A_2209 = vector.broadcast %jit3A_2207 : i32 to vector<16xi32>
        %select_n3A_2210 = arith.select %gt3A_2205, %broadcast_in_dim3A_2208, %broadcast_in_dim3A_2209 : vector<16xi1>, vector<16xi32>
        %add3A_2211 = arith.addi %add3A_2202, %select_n3A_2210 : vector<16xi32>
        %gt3A_2212 = arith.constant 1.000000e+01 : f32
        %gt3A_2213 = vector.broadcast %gt3A_2212 : f32 to vector<16xf32>
        %gt3A_2214 = arith.cmpf ogt, %get3A_2155, %gt3A_2213 : vector<16xf32>
        %jit3A_2215 = arith.constant 1 : i32
        %jit3A_2216 = arith.constant 0 : i32
        %broadcast_in_dim3A_2217 = vector.broadcast %jit3A_2215 : i32 to vector<16xi32>
        %broadcast_in_dim3A_2218 = vector.broadcast %jit3A_2216 : i32 to vector<16xi32>
        %select_n3A_2219 = arith.select %gt3A_2214, %broadcast_in_dim3A_2217, %broadcast_in_dim3A_2218 : vector<16xi1>, vector<16xi32>
        %add3A_2220 = arith.addi %add3A_2211, %select_n3A_2219 : vector<16xi32>
        %gt3A_2221 = arith.constant 2.000000e+01 : f32
        %gt3A_2222 = vector.broadcast %gt3A_2221 : f32 to vector<16xf32>
        %gt3A_2223 = arith.cmpf ogt, %get3A_2155, %gt3A_2222 : vector<16xf32>
        %jit3A_2224 = arith.constant 1 : i32
        %jit3A_2225 = arith.constant 0 : i32
        %broadcast_in_dim3A_2226 = vector.broadcast %jit3A_2224 : i32 to vector<16xi32>
        %broadcast_in_dim3A_2227 = vector.broadcast %jit3A_2225 : i32 to vector<16xi32>
        %select_n3A_2228 = arith.select %gt3A_2223, %broadcast_in_dim3A_2226, %broadcast_in_dim3A_2227 : vector<16xi1>, vector<16xi32>
        %add3A_2229 = arith.addi %add3A_2220, %select_n3A_2228 : vector<16xi32>
        %gt3A_2230 = arith.constant 5.000000e+01 : f32
        %gt3A_2231 = vector.broadcast %gt3A_2230 : f32 to vector<16xf32>
        %gt3A_2232 = arith.cmpf ogt, %get3A_2155, %gt3A_2231 : vector<16xf32>
        %jit3A_2233 = arith.constant 1 : i32
        %jit3A_2234 = arith.constant 0 : i32
        %broadcast_in_dim3A_2235 = vector.broadcast %jit3A_2233 : i32 to vector<16xi32>
        %broadcast_in_dim3A_2236 = vector.broadcast %jit3A_2234 : i32 to vector<16xi32>
        %select_n3A_2237 = arith.select %gt3A_2232, %broadcast_in_dim3A_2235, %broadcast_in_dim3A_2236 : vector<16xi1>, vector<16xi32>
        %add3A_2238 = arith.addi %add3A_2229, %select_n3A_2237 : vector<16xi32>
        %gt3A_2239 = arith.constant 1.000000e+02 : f32
        %gt3A_2240 = vector.broadcast %gt3A_2239 : f32 to vector<16xf32>
        %gt3A_2241 = arith.cmpf ogt, %get3A_2155, %gt3A_2240 : vector<16xf32>
        %jit3A_2242 = arith.constant 1 : i32
        %jit3A_2243 = arith.constant 0 : i32
        %broadcast_in_dim3A_2244 = vector.broadcast %jit3A_2242 : i32 to vector<16xi32>
        %broadcast_in_dim3A_2245 = vector.broadcast %jit3A_2243 : i32 to vector<16xi32>
        %select_n3A_2246 = arith.select %gt3A_2241, %broadcast_in_dim3A_2244, %broadcast_in_dim3A_2245 : vector<16xi1>, vector<16xi32>
        %add3A_2247 = arith.addi %add3A_2238, %select_n3A_2246 : vector<16xi32>
        %gt3A_2248 = arith.constant 2.000000e+02 : f32
        %gt3A_2249 = vector.broadcast %gt3A_2248 : f32 to vector<16xf32>
        %gt3A_2250 = arith.cmpf ogt, %get3A_2155, %gt3A_2249 : vector<16xf32>
        %jit3A_2251 = arith.constant 1 : i32
        %jit3A_2252 = arith.constant 0 : i32
        %broadcast_in_dim3A_2253 = vector.broadcast %jit3A_2251 : i32 to vector<16xi32>
        %broadcast_in_dim3A_2254 = vector.broadcast %jit3A_2252 : i32 to vector<16xi32>
        %select_n3A_2255 = arith.select %gt3A_2250, %broadcast_in_dim3A_2253, %broadcast_in_dim3A_2254 : vector<16xi1>, vector<16xi32>
        %add3A_2256 = arith.addi %add3A_2247, %select_n3A_2255 : vector<16xi32>
        %gt3A_2257 = arith.constant 5.000000e+02 : f32
        %gt3A_2258 = vector.broadcast %gt3A_2257 : f32 to vector<16xf32>
        %gt3A_2259 = arith.cmpf ogt, %get3A_2155, %gt3A_2258 : vector<16xf32>
        %jit3A_2260 = arith.constant 1 : i32
        %jit3A_2261 = arith.constant 0 : i32
        %broadcast_in_dim3A_2262 = vector.broadcast %jit3A_2260 : i32 to vector<16xi32>
        %broadcast_in_dim3A_2263 = vector.broadcast %jit3A_2261 : i32 to vector<16xi32>
        %select_n3A_2264 = arith.select %gt3A_2259, %broadcast_in_dim3A_2262, %broadcast_in_dim3A_2263 : vector<16xi1>, vector<16xi32>
        %add3A_2265 = arith.addi %add3A_2256, %select_n3A_2264 : vector<16xi32>
        %gt3A_2266 = arith.constant 1.000000e+03 : f32
        %gt3A_2267 = vector.broadcast %gt3A_2266 : f32 to vector<16xf32>
        %gt3A_2268 = arith.cmpf ogt, %get3A_2155, %gt3A_2267 : vector<16xf32>
        %jit3A_2269 = arith.constant 1 : i32
        %jit3A_2270 = arith.constant 0 : i32
        %broadcast_in_dim3A_2271 = vector.broadcast %jit3A_2269 : i32 to vector<16xi32>
        %broadcast_in_dim3A_2272 = vector.broadcast %jit3A_2270 : i32 to vector<16xi32>
        %select_n3A_2273 = arith.select %gt3A_2268, %broadcast_in_dim3A_2271, %broadcast_in_dim3A_2272 : vector<16xi1>, vector<16xi32>
        %add3A_2274 = arith.addi %add3A_2265, %select_n3A_2273 : vector<16xi32>
        %mul3A_2275 = arith.constant 64 : i32
        %mul3A_2276 = vector.broadcast %mul3A_2275 : i32 to vector<16xi32>
        %mul3A_2277 = arith.muli %add3A_2274, %mul3A_2276 : vector<16xi32>
        %get3A_2278 = arith.index_cast %add3A_2153 : i32 to index
        %get3A_2279 = tpu.vector_load %arg13[%get3A_2278] {strides = array<i32>} : memref<6400xi32, #tpu.memory_space<vmem>>, vector<16xi32>,
        %add3A_2280 = arith.addi %mul3A_2277, %get3A_2279 : vector<16xi32>
        %swap3A_2281 = arith.constant 0 : i32
        %swap3A_2282 = arith.index_cast %swap3A_2281 : i32 to index
        %swap3A_2283 = arith.constant 96 : index
        %swap3A_2284 = tpu.vector_load %arg14[%swap3A_2282, %swap3A_2283] {strides = array<i32>} : memref<2x128xi32, #tpu.memory_space<vmem>>, vector<16xi32>,
        tpu.vector_store %arg14[%swap3A_2282, %swap3A_2283], %add3A_2280 {strides = array<i32>} : memref<2x128xi32, #tpu.memory_space<vmem>>, vector<16xi32>,
        %add3A_2285 = arith.constant 112 : i32
        %add3A_2286 = arith.addi %mul3A_1329, %add3A_2285 : i32
        %get3A_2287 = arith.index_cast %add3A_2286 : i32 to index
        %get3A_2288 = tpu.vector_load %arg11[%get3A_2287] {strides = array<i32>} : memref<6400xf32, #tpu.memory_space<vmem>>, vector<16xf32>,
        %broadcast_in_dim3A_2289 = arith.constant 0 : i32
        %broadcast_in_dim3A_2290 = vector.broadcast %broadcast_in_dim3A_2289 : i32 to vector<16xi32>
        %gt3A_2291 = arith.constant 0.000000e+00 : f32
        %gt3A_2292 = vector.broadcast %gt3A_2291 : f32 to vector<16xf32>
        %gt3A_2293 = arith.cmpf ogt, %get3A_2288, %gt3A_2292 : vector<16xf32>
        %jit3A_2294 = arith.constant 1 : i32
        %jit3A_2295 = arith.constant 0 : i32
        %broadcast_in_dim3A_2296 = vector.broadcast %jit3A_2294 : i32 to vector<16xi32>
        %broadcast_in_dim3A_2297 = vector.broadcast %jit3A_2295 : i32 to vector<16xi32>
        %select_n3A_2298 = arith.select %gt3A_2293, %broadcast_in_dim3A_2296, %broadcast_in_dim3A_2297 : vector<16xi1>, vector<16xi32>
        %add3A_2299 = arith.addi %broadcast_in_dim3A_2290, %select_n3A_2298 : vector<16xi32>
        %gt3A_2300 = arith.constant 1.000000e-01 : f32
        %gt3A_2301 = vector.broadcast %gt3A_2300 : f32 to vector<16xf32>
        %gt3A_2302 = arith.cmpf ogt, %get3A_2288, %gt3A_2301 : vector<16xf32>
        %jit3A_2303 = arith.constant 1 : i32
        %jit3A_2304 = arith.constant 0 : i32
        %broadcast_in_dim3A_2305 = vector.broadcast %jit3A_2303 : i32 to vector<16xi32>
        %broadcast_in_dim3A_2306 = vector.broadcast %jit3A_2304 : i32 to vector<16xi32>
        %select_n3A_2307 = arith.select %gt3A_2302, %broadcast_in_dim3A_2305, %broadcast_in_dim3A_2306 : vector<16xi1>, vector<16xi32>
        %add3A_2308 = arith.addi %add3A_2299, %select_n3A_2307 : vector<16xi32>
        %gt3A_2309 = arith.constant 5.000000e-01 : f32
        %gt3A_2310 = vector.broadcast %gt3A_2309 : f32 to vector<16xf32>
        %gt3A_2311 = arith.cmpf ogt, %get3A_2288, %gt3A_2310 : vector<16xf32>
        %jit3A_2312 = arith.constant 1 : i32
        %jit3A_2313 = arith.constant 0 : i32
        %broadcast_in_dim3A_2314 = vector.broadcast %jit3A_2312 : i32 to vector<16xi32>
        %broadcast_in_dim3A_2315 = vector.broadcast %jit3A_2313 : i32 to vector<16xi32>
        %select_n3A_2316 = arith.select %gt3A_2311, %broadcast_in_dim3A_2314, %broadcast_in_dim3A_2315 : vector<16xi1>, vector<16xi32>
        %add3A_2317 = arith.addi %add3A_2308, %select_n3A_2316 : vector<16xi32>
        %gt3A_2318 = arith.constant 1.000000e+00 : f32
        %gt3A_2319 = vector.broadcast %gt3A_2318 : f32 to vector<16xf32>
        %gt3A_2320 = arith.cmpf ogt, %get3A_2288, %gt3A_2319 : vector<16xf32>
        %jit3A_2321 = arith.constant 1 : i32
        %jit3A_2322 = arith.constant 0 : i32
        %broadcast_in_dim3A_2323 = vector.broadcast %jit3A_2321 : i32 to vector<16xi32>
        %broadcast_in_dim3A_2324 = vector.broadcast %jit3A_2322 : i32 to vector<16xi32>
        %select_n3A_2325 = arith.select %gt3A_2320, %broadcast_in_dim3A_2323, %broadcast_in_dim3A_2324 : vector<16xi1>, vector<16xi32>
        %add3A_2326 = arith.addi %add3A_2317, %select_n3A_2325 : vector<16xi32>
        %gt3A_2327 = arith.constant 2.000000e+00 : f32
        %gt3A_2328 = vector.broadcast %gt3A_2327 : f32 to vector<16xf32>
        %gt3A_2329 = arith.cmpf ogt, %get3A_2288, %gt3A_2328 : vector<16xf32>
        %jit3A_2330 = arith.constant 1 : i32
        %jit3A_2331 = arith.constant 0 : i32
        %broadcast_in_dim3A_2332 = vector.broadcast %jit3A_2330 : i32 to vector<16xi32>
        %broadcast_in_dim3A_2333 = vector.broadcast %jit3A_2331 : i32 to vector<16xi32>
        %select_n3A_2334 = arith.select %gt3A_2329, %broadcast_in_dim3A_2332, %broadcast_in_dim3A_2333 : vector<16xi1>, vector<16xi32>
        %add3A_2335 = arith.addi %add3A_2326, %select_n3A_2334 : vector<16xi32>
        %gt3A_2336 = arith.constant 5.000000e+00 : f32
        %gt3A_2337 = vector.broadcast %gt3A_2336 : f32 to vector<16xf32>
        %gt3A_2338 = arith.cmpf ogt, %get3A_2288, %gt3A_2337 : vector<16xf32>
        %jit3A_2339 = arith.constant 1 : i32
        %jit3A_2340 = arith.constant 0 : i32
        %broadcast_in_dim3A_2341 = vector.broadcast %jit3A_2339 : i32 to vector<16xi32>
        %broadcast_in_dim3A_2342 = vector.broadcast %jit3A_2340 : i32 to vector<16xi32>
        %select_n3A_2343 = arith.select %gt3A_2338, %broadcast_in_dim3A_2341, %broadcast_in_dim3A_2342 : vector<16xi1>, vector<16xi32>
        %add3A_2344 = arith.addi %add3A_2335, %select_n3A_2343 : vector<16xi32>
        %gt3A_2345 = arith.constant 1.000000e+01 : f32
        %gt3A_2346 = vector.broadcast %gt3A_2345 : f32 to vector<16xf32>
        %gt3A_2347 = arith.cmpf ogt, %get3A_2288, %gt3A_2346 : vector<16xf32>
        %jit3A_2348 = arith.constant 1 : i32
        %jit3A_2349 = arith.constant 0 : i32
        %broadcast_in_dim3A_2350 = vector.broadcast %jit3A_2348 : i32 to vector<16xi32>
        %broadcast_in_dim3A_2351 = vector.broadcast %jit3A_2349 : i32 to vector<16xi32>
        %select_n3A_2352 = arith.select %gt3A_2347, %broadcast_in_dim3A_2350, %broadcast_in_dim3A_2351 : vector<16xi1>, vector<16xi32>
        %add3A_2353 = arith.addi %add3A_2344, %select_n3A_2352 : vector<16xi32>
        %gt3A_2354 = arith.constant 2.000000e+01 : f32
        %gt3A_2355 = vector.broadcast %gt3A_2354 : f32 to vector<16xf32>
        %gt3A_2356 = arith.cmpf ogt, %get3A_2288, %gt3A_2355 : vector<16xf32>
        %jit3A_2357 = arith.constant 1 : i32
        %jit3A_2358 = arith.constant 0 : i32
        %broadcast_in_dim3A_2359 = vector.broadcast %jit3A_2357 : i32 to vector<16xi32>
        %broadcast_in_dim3A_2360 = vector.broadcast %jit3A_2358 : i32 to vector<16xi32>
        %select_n3A_2361 = arith.select %gt3A_2356, %broadcast_in_dim3A_2359, %broadcast_in_dim3A_2360 : vector<16xi1>, vector<16xi32>
        %add3A_2362 = arith.addi %add3A_2353, %select_n3A_2361 : vector<16xi32>
        %gt3A_2363 = arith.constant 5.000000e+01 : f32
        %gt3A_2364 = vector.broadcast %gt3A_2363 : f32 to vector<16xf32>
        %gt3A_2365 = arith.cmpf ogt, %get3A_2288, %gt3A_2364 : vector<16xf32>
        %jit3A_2366 = arith.constant 1 : i32
        %jit3A_2367 = arith.constant 0 : i32
        %broadcast_in_dim3A_2368 = vector.broadcast %jit3A_2366 : i32 to vector<16xi32>
        %broadcast_in_dim3A_2369 = vector.broadcast %jit3A_2367 : i32 to vector<16xi32>
        %select_n3A_2370 = arith.select %gt3A_2365, %broadcast_in_dim3A_2368, %broadcast_in_dim3A_2369 : vector<16xi1>, vector<16xi32>
        %add3A_2371 = arith.addi %add3A_2362, %select_n3A_2370 : vector<16xi32>
        %gt3A_2372 = arith.constant 1.000000e+02 : f32
        %gt3A_2373 = vector.broadcast %gt3A_2372 : f32 to vector<16xf32>
        %gt3A_2374 = arith.cmpf ogt, %get3A_2288, %gt3A_2373 : vector<16xf32>
        %jit3A_2375 = arith.constant 1 : i32
        %jit3A_2376 = arith.constant 0 : i32
        %broadcast_in_dim3A_2377 = vector.broadcast %jit3A_2375 : i32 to vector<16xi32>
        %broadcast_in_dim3A_2378 = vector.broadcast %jit3A_2376 : i32 to vector<16xi32>
        %select_n3A_2379 = arith.select %gt3A_2374, %broadcast_in_dim3A_2377, %broadcast_in_dim3A_2378 : vector<16xi1>, vector<16xi32>
        %add3A_2380 = arith.addi %add3A_2371, %select_n3A_2379 : vector<16xi32>
        %gt3A_2381 = arith.constant 2.000000e+02 : f32
        %gt3A_2382 = vector.broadcast %gt3A_2381 : f32 to vector<16xf32>
        %gt3A_2383 = arith.cmpf ogt, %get3A_2288, %gt3A_2382 : vector<16xf32>
        %jit3A_2384 = arith.constant 1 : i32
        %jit3A_2385 = arith.constant 0 : i32
        %broadcast_in_dim3A_2386 = vector.broadcast %jit3A_2384 : i32 to vector<16xi32>
        %broadcast_in_dim3A_2387 = vector.broadcast %jit3A_2385 : i32 to vector<16xi32>
        %select_n3A_2388 = arith.select %gt3A_2383, %broadcast_in_dim3A_2386, %broadcast_in_dim3A_2387 : vector<16xi1>, vector<16xi32>
        %add3A_2389 = arith.addi %add3A_2380, %select_n3A_2388 : vector<16xi32>
        %gt3A_2390 = arith.constant 5.000000e+02 : f32
        %gt3A_2391 = vector.broadcast %gt3A_2390 : f32 to vector<16xf32>
        %gt3A_2392 = arith.cmpf ogt, %get3A_2288, %gt3A_2391 : vector<16xf32>
        %jit3A_2393 = arith.constant 1 : i32
        %jit3A_2394 = arith.constant 0 : i32
        %broadcast_in_dim3A_2395 = vector.broadcast %jit3A_2393 : i32 to vector<16xi32>
        %broadcast_in_dim3A_2396 = vector.broadcast %jit3A_2394 : i32 to vector<16xi32>
        %select_n3A_2397 = arith.select %gt3A_2392, %broadcast_in_dim3A_2395, %broadcast_in_dim3A_2396 : vector<16xi1>, vector<16xi32>
        %add3A_2398 = arith.addi %add3A_2389, %select_n3A_2397 : vector<16xi32>
        %gt3A_2399 = arith.constant 1.000000e+03 : f32
        %gt3A_2400 = vector.broadcast %gt3A_2399 : f32 to vector<16xf32>
        %gt3A_2401 = arith.cmpf ogt, %get3A_2288, %gt3A_2400 : vector<16xf32>
        %jit3A_2402 = arith.constant 1 : i32
        %jit3A_2403 = arith.constant 0 : i32
        %broadcast_in_dim3A_2404 = vector.broadcast %jit3A_2402 : i32 to vector<16xi32>
        %broadcast_in_dim3A_2405 = vector.broadcast %jit3A_2403 : i32 to vector<16xi32>
        %select_n3A_2406 = arith.select %gt3A_2401, %broadcast_in_dim3A_2404, %broadcast_in_dim3A_2405 : vector<16xi1>, vector<16xi32>
        %add3A_2407 = arith.addi %add3A_2398, %select_n3A_2406 : vector<16xi32>
        %mul3A_2408 = arith.constant 64 : i32
        %mul3A_2409 = vector.broadcast %mul3A_2408 : i32 to vector<16xi32>
        %mul3A_2410 = arith.muli %add3A_2407, %mul3A_2409 : vector<16xi32>
        %get3A_2411 = arith.index_cast %add3A_2286 : i32 to index
        %get3A_2412 = tpu.vector_load %arg13[%get3A_2411] {strides = array<i32>} : memref<6400xi32, #tpu.memory_space<vmem>>, vector<16xi32>,
        %add3A_2413 = arith.addi %mul3A_2410, %get3A_2412 : vector<16xi32>
        %swap3A_2414 = arith.constant 0 : i32
        %swap3A_2415 = arith.index_cast %swap3A_2414 : i32 to index
        %swap3A_2416 = arith.constant 112 : index
        %swap3A_2417 = tpu.vector_load %arg14[%swap3A_2415, %swap3A_2416] {strides = array<i32>} : memref<2x128xi32, #tpu.memory_space<vmem>>, vector<16xi32>,
        tpu.vector_store %arg14[%swap3A_2415, %swap3A_2416], %add3A_2413 {strides = array<i32>} : memref<2x128xi32, #tpu.memory_space<vmem>>, vector<16xi32>,
        %dma_start3A_2418 = arith.constant 0 : i32
        %dma_start3A_2419 = arith.constant 0 : i32
        %dma_start3A_2420 = arith.constant 0 : i32
        %dma_start3A_2421 = arith.constant 0 : i32
        %dma_start3A_2422 = arith.constant 0 : i32
        %dma_start3A_2423 = tpu.memref_slice %arg15[%dma_start3A_2419, %dma_start3A_2421, %dma_start3A_2422] : memref<2x128x64xi32, #tpu.memory_space<vmem>> -> memref<1x128x64xi32, #tpu.memory_space<vmem>>
        %dma_start3A_2424 = tpu.memref_squeeze %dma_start3A_2423 : memref<1x128x64xi32, #tpu.memory_space<vmem>> -> memref<128x64xi32, #tpu.memory_space<vmem>>
        %dma_start3A_2425 = arith.constant 0 : i32
        %dma_start3A_2426 = tpu.memref_slice %arg14[%dma_start3A_2418, %dma_start3A_2425] : memref<2x128xi32, #tpu.memory_space<vmem>> -> memref<1x128xi32, #tpu.memory_space<vmem>>
        %dma_start3A_2427 = tpu.memref_squeeze %dma_start3A_2426 : memref<1x128xi32, #tpu.memory_space<vmem>> -> memref<128xi32, #tpu.memory_space<vmem>>
        %dma_start3A_2428 = arith.constant 0 : i32
        %dma_start3A_2429 = arith.constant 0 : i32
        %dma_start3A_2430 = tpu.memref_slice %arg7[%dma_start3A_2428, %dma_start3A_2429] : memref<896x64xi32, #tpu.memory_space<hbm>> -> memref<896x64xi32, #tpu.memory_space<hbm>>
        %dma_start3A_2431 = tpu.memref_slice %arg18[%dma_start3A_2420] : memref<2x!tpu.dma_semaphore, #tpu.memory_space<semaphore_mem>> -> memref<1x!tpu.dma_semaphore, #tpu.memory_space<semaphore_mem>>
        %dma_start3A_2432 = tpu.memref_squeeze %dma_start3A_2431 : memref<1x!tpu.dma_semaphore, #tpu.memory_space<semaphore_mem>> -> memref<!tpu.dma_semaphore, #tpu.memory_space<semaphore_mem>>
        tpu.enqueue_indirect_dma source(%dma_start3A_2430 : memref<896x64xi32, #tpu.memory_space<hbm>>) target(%dma_start3A_2424 : memref<128x64xi32, #tpu.memory_space<vmem>>) offsets(%dma_start3A_2427 : memref<128xi32, #tpu.memory_space<vmem>>) semaphore(%dma_start3A_2432 : memref<!tpu.dma_semaphore, #tpu.memory_space<semaphore_mem>>)
      } else {
      }
      %dma_wait3A_1253 = arith.constant 1 : i32
      %dma_wait3A_1254 = arith.constant 1 : i32
      %dma_wait3A_1255 = arith.constant 0 : i32
      %dma_wait3A_1256 = arith.constant 0 : i32
      %dma_wait3A_1257 = tpu.memref_slice %arg17[%dma_wait3A_1253, %dma_wait3A_1255, %dma_wait3A_1256] : memref<2x128x128xf32, #tpu.memory_space<vmem>> -> memref<1x128x128xf32, #tpu.memory_space<vmem>>
      %dma_wait3A_1258 = tpu.memref_squeeze %dma_wait3A_1257 : memref<1x128x128xf32, #tpu.memory_space<vmem>> -> memref<128x128xf32, #tpu.memory_space<vmem>>
      %dma_wait3A_1259 = arith.constant 0 : i32
      %dma_wait3A_1260 = tpu.memref_slice %arg10[%dma_wait3A_1259] : memref<6400xi32, #tpu.memory_space<vmem>> -> memref<128xi32, #tpu.memory_space<vmem>>
      %dma_wait3A_1261 = arith.constant 0 : i32
      %dma_wait3A_1262 = arith.constant 0 : i32
      %dma_wait3A_1263 = tpu.memref_slice %arg6[%dma_wait3A_1261, %dma_wait3A_1262] : memref<100000x128xf32, #tpu.memory_space<hbm>> -> memref<100000x128xf32, #tpu.memory_space<hbm>>
      %dma_wait3A_1264 = tpu.memref_slice %arg18[%dma_wait3A_1254] : memref<2x!tpu.dma_semaphore, #tpu.memory_space<semaphore_mem>> -> memref<1x!tpu.dma_semaphore, #tpu.memory_space<semaphore_mem>>
      %dma_wait3A_1265 = tpu.memref_squeeze %dma_wait3A_1264 : memref<1x!tpu.dma_semaphore, #tpu.memory_space<semaphore_mem>> -> memref<!tpu.dma_semaphore, #tpu.memory_space<semaphore_mem>>
      tpu.wait_indirect_dma semaphore(%dma_wait3A_1265 : memref<!tpu.dma_semaphore, #tpu.memory_space<semaphore_mem>>) src(%dma_wait3A_1263 : memref<100000x128xf32, #tpu.memory_space<hbm>>) dst(%dma_wait3A_1258 : memref<128x128xf32, #tpu.memory_space<vmem>>)
      %dma_wait3A_1266 = arith.constant 1 : i32
      %dma_wait3A_1267 = arith.constant 1 : i32
      %dma_wait3A_1268 = arith.constant 0 : i32
      %dma_wait3A_1269 = arith.constant 0 : i32
      %dma_wait3A_1270 = tpu.memref_slice %arg16[%dma_wait3A_1266, %dma_wait3A_1268, %dma_wait3A_1269] : memref<2x128x64xi32, #tpu.memory_space<vmem>> -> memref<1x128x64xi32, #tpu.memory_space<vmem>>
      %dma_wait3A_1271 = tpu.memref_squeeze %dma_wait3A_1270 : memref<1x128x64xi32, #tpu.memory_space<vmem>> -> memref<128x64xi32, #tpu.memory_space<vmem>>
      %dma_wait3A_1272 = arith.constant 0 : i32
      %dma_wait3A_1273 = tpu.memref_slice %arg12[%dma_wait3A_1272] : memref<6400xi32, #tpu.memory_space<vmem>> -> memref<128xi32, #tpu.memory_space<vmem>>
      %dma_wait3A_1274 = arith.constant 0 : i32
      %dma_wait3A_1275 = arith.constant 0 : i32
      %dma_wait3A_1276 = tpu.memref_slice %arg8[%dma_wait3A_1274, %dma_wait3A_1275] : memref<512x64xi32, #tpu.memory_space<hbm>> -> memref<512x64xi32, #tpu.memory_space<hbm>>
      %dma_wait3A_1277 = tpu.memref_slice %arg18[%dma_wait3A_1267] : memref<2x!tpu.dma_semaphore, #tpu.memory_space<semaphore_mem>> -> memref<1x!tpu.dma_semaphore, #tpu.memory_space<semaphore_mem>>
      %dma_wait3A_1278 = tpu.memref_squeeze %dma_wait3A_1277 : memref<1x!tpu.dma_semaphore, #tpu.memory_space<semaphore_mem>> -> memref<!tpu.dma_semaphore, #tpu.memory_space<semaphore_mem>>
      tpu.wait_indirect_dma semaphore(%dma_wait3A_1278 : memref<!tpu.dma_semaphore, #tpu.memory_space<semaphore_mem>>) src(%dma_wait3A_1276 : memref<512x64xi32, #tpu.memory_space<hbm>>) dst(%dma_wait3A_1271 : memref<128x64xi32, #tpu.memory_space<vmem>>)
      %dma_wait3A_1279 = arith.constant 1 : i32
      %dma_wait3A_1280 = arith.constant 1 : i32
      %dma_wait3A_1281 = arith.constant 1 : i32
      %dma_wait3A_1282 = arith.constant 0 : i32
      %dma_wait3A_1283 = arith.constant 0 : i32
      %dma_wait3A_1284 = tpu.memref_slice %arg15[%dma_wait3A_1280, %dma_wait3A_1282, %dma_wait3A_1283] : memref<2x128x64xi32, #tpu.memory_space<vmem>> -> memref<1x128x64xi32, #tpu.memory_space<vmem>>
      %dma_wait3A_1285 = tpu.memref_squeeze %dma_wait3A_1284 : memref<1x128x64xi32, #tpu.memory_space<vmem>> -> memref<128x64xi32, #tpu.memory_space<vmem>>
      %dma_wait3A_1286 = arith.constant 0 : i32
      %dma_wait3A_1287 = tpu.memref_slice %arg14[%dma_wait3A_1279, %dma_wait3A_1286] : memref<2x128xi32, #tpu.memory_space<vmem>> -> memref<1x128xi32, #tpu.memory_space<vmem>>
      %dma_wait3A_1288 = tpu.memref_squeeze %dma_wait3A_1287 : memref<1x128xi32, #tpu.memory_space<vmem>> -> memref<128xi32, #tpu.memory_space<vmem>>
      %dma_wait3A_1289 = arith.constant 0 : i32
      %dma_wait3A_1290 = arith.constant 0 : i32
      %dma_wait3A_1291 = tpu.memref_slice %arg7[%dma_wait3A_1289, %dma_wait3A_1290] : memref<896x64xi32, #tpu.memory_space<hbm>> -> memref<896x64xi32, #tpu.memory_space<hbm>>
      %dma_wait3A_1292 = tpu.memref_slice %arg18[%dma_wait3A_1281] : memref<2x!tpu.dma_semaphore, #tpu.memory_space<semaphore_mem>> -> memref<1x!tpu.dma_semaphore, #tpu.memory_space<semaphore_mem>>
      %dma_wait3A_1293 = tpu.memref_squeeze %dma_wait3A_1292 : memref<1x!tpu.dma_semaphore, #tpu.memory_space<semaphore_mem>> -> memref<!tpu.dma_semaphore, #tpu.memory_space<semaphore_mem>>
      tpu.wait_indirect_dma semaphore(%dma_wait3A_1293 : memref<!tpu.dma_semaphore, #tpu.memory_space<semaphore_mem>>) src(%dma_wait3A_1291 : memref<896x64xi32, #tpu.memory_space<hbm>>) dst(%dma_wait3A_1285 : memref<128x64xi32, #tpu.memory_space<vmem>>)
      %scan3A_1294 = arith.constant 0 : i32
      %scan3A_1295 = arith.constant 128 : i32
      %scan3A_1296 = arith.addi %scan3A_1294, %scan3A_1295 : i32
      %scan3A_1297 = arith.constant 1 : i32
      scf.for %scan3A_1322 = %scan3A_1294 to %scan3A_1296 step %scan3A_1297  : i32 {
        %mul3A_1323 = arith.constant 1 : i32
        %mul3A_1324 = arith.muli %scan3A_1322, %mul3A_1323 : i32
        %add3A_1325 = arith.constant 0 : i32
        %add3A_1326 = arith.addi %add3A_1325, %mul3A_1324 : i32
        %get3A_1327 = arith.constant 1 : i32
        %get3A_1328 = arith.index_cast %get3A_1327 : i32 to index
        %get3A_1329 = arith.index_cast %add3A_1326 : i32 to index
        %get3A_1330 = arith.constant 0 : index
        %get3A_1331 = tpu.vector_load %arg15[%get3A_1328, %get3A_1329, %get3A_1330] {strides = array<i32>} : memref<2x128x64xi32, #tpu.memory_space<vmem>>, vector<16xi32>,
        %bitcast3A = vector.bitcast %get3A_1331 : vector<16xi32> to vector<32xbf16>
        %get3A_1332 = arith.constant 1 : i32
        %get3A_1333 = arith.index_cast %get3A_1332 : i32 to index
        %get3A_1334 = arith.index_cast %add3A_1326 : i32 to index
        %get3A_1335 = arith.constant 0 : index
        %get3A_1336 = tpu.vector_load %arg16[%get3A_1333, %get3A_1334, %get3A_1335] {strides = array<i32>} : memref<2x128x64xi32, #tpu.memory_space<vmem>>, vector<16xi32>,
        %bitcast3A_1337 = vector.bitcast %get3A_1336 : vector<16xi32> to vector<32xbf16>
        %add3A_1338 = arith.addf %bitcast3A, %bitcast3A_1337 : vector<32xbf16>
        %unpack3A = tpu.unpack_subelements %add3A_1338, 0 {pack_format = #tpu.pack_format<interleaved>} : vector<32xbf16> -> vector<16xf32>
        %unpack3A_1339 = tpu.unpack_subelements %add3A_1338, 1 {pack_format = #tpu.pack_format<interleaved>} : vector<32xbf16> -> vector<16xf32>
        %get3A_1340 = arith.constant 1 : i32
        %get3A_1341 = arith.index_cast %get3A_1340 : i32 to index
        %get3A_1342 = arith.index_cast %add3A_1326 : i32 to index
        %get3A_1343 = arith.constant 0 : index
        %get3A_1344 = tpu.vector_load %arg17[%get3A_1341, %get3A_1342, %get3A_1343] {strides = array<i32>} : memref<2x128x128xf32, #tpu.memory_space<vmem>>, vector<16xf32>,
        %add3A_1345 = arith.addf %get3A_1344, %unpack3A : vector<16xf32>
        %swap3A_1346 = arith.constant 1 : i32
        %swap3A_1347 = arith.index_cast %swap3A_1346 : i32 to index
        %swap3A_1348 = arith.index_cast %add3A_1326 : i32 to index
        %swap3A_1349 = arith.constant 0 : index
        %swap3A_1350 = tpu.vector_load %arg17[%swap3A_1347, %swap3A_1348, %swap3A_1349] {strides = array<i32>} : memref<2x128x128xf32, #tpu.memory_space<vmem>>, vector<16xf32>,
        tpu.vector_store %arg17[%swap3A_1347, %swap3A_1348, %swap3A_1349], %add3A_1345 {strides = array<i32>} : memref<2x128x128xf32, #tpu.memory_space<vmem>>, vector<16xf32>,
        %get3A_1351 = arith.constant 1 : i32
        %get3A_1352 = arith.index_cast %get3A_1351 : i32 to index
        %get3A_1353 = arith.index_cast %add3A_1326 : i32 to index
        %get3A_1354 = arith.constant 64 : index
        %get3A_1355 = tpu.vector_load %arg17[%get3A_1352, %get3A_1353, %get3A_1354] {strides = array<i32>} : memref<2x128x128xf32, #tpu.memory_space<vmem>>, vector<16xf32>,
        %add3A_1356 = arith.addf %get3A_1355, %unpack3A_1339 : vector<16xf32>
        %swap3A_1357 = arith.constant 1 : i32
        %swap3A_1358 = arith.index_cast %swap3A_1357 : i32 to index
        %swap3A_1359 = arith.index_cast %add3A_1326 : i32 to index
        %swap3A_1360 = arith.constant 64 : index
        %swap3A_1361 = tpu.vector_load %arg17[%swap3A_1358, %swap3A_1359, %swap3A_1360] {strides = array<i32>} : memref<2x128x128xf32, #tpu.memory_space<vmem>>, vector<16xf32>,
        tpu.vector_store %arg17[%swap3A_1358, %swap3A_1359, %swap3A_1360], %add3A_1356 {strides = array<i32>} : memref<2x128x128xf32, #tpu.memory_space<vmem>>, vector<16xf32>,
        %get3A_1362 = arith.constant 1 : i32
        %get3A_1363 = arith.index_cast %get3A_1362 : i32 to index
        %get3A_1364 = arith.index_cast %add3A_1326 : i32 to index
        %get3A_1365 = arith.constant 16 : index
        %get3A_1366 = tpu.vector_load %arg15[%get3A_1363, %get3A_1364, %get3A_1365] {strides = array<i32>} : memref<2x128x64xi32, #tpu.memory_space<vmem>>, vector<16xi32>,
        %bitcast3A_1367 = vector.bitcast %get3A_1366 : vector<16xi32> to vector<32xbf16>
        %get3A_1368 = arith.constant 1 : i32
        %get3A_1369 = arith.index_cast %get3A_1368 : i32 to index
        %get3A_1370 = arith.index_cast %add3A_1326 : i32 to index
        %get3A_1371 = arith.constant 16 : index
        %get3A_1372 = tpu.vector_load %arg16[%get3A_1369, %get3A_1370, %get3A_1371] {strides = array<i32>} : memref<2x128x64xi32, #tpu.memory_space<vmem>>, vector<16xi32>,
        %bitcast3A_1373 = vector.bitcast %get3A_1372 : vector<16xi32> to vector<32xbf16>
        %add3A_1374 = arith.addf %bitcast3A_1367, %bitcast3A_1373 : vector<32xbf16>
        %unpack3A_1375 = tpu.unpack_subelements %add3A_1374, 0 {pack_format = #tpu.pack_format<interleaved>} : vector<32xbf16> -> vector<16xf32>
        %unpack3A_1376 = tpu.unpack_subelements %add3A_1374, 1 {pack_format = #tpu.pack_format<interleaved>} : vector<32xbf16> -> vector<16xf32>
        %get3A_1377 = arith.constant 1 : i32
        %get3A_1378 = arith.index_cast %get3A_1377 : i32 to index
        %get3A_1379 = arith.index_cast %add3A_1326 : i32 to index
        %get3A_1380 = arith.constant 16 : index
        %get3A_1381 = tpu.vector_load %arg17[%get3A_1378, %get3A_1379, %get3A_1380] {strides = array<i32>} : memref<2x128x128xf32, #tpu.memory_space<vmem>>, vector<16xf32>,
        %add3A_1382 = arith.addf %get3A_1381, %unpack3A_1375 : vector<16xf32>
        %swap3A_1383 = arith.constant 1 : i32
        %swap3A_1384 = arith.index_cast %swap3A_1383 : i32 to index
        %swap3A_1385 = arith.index_cast %add3A_1326 : i32 to index
        %swap3A_1386 = arith.constant 16 : index
        %swap3A_1387 = tpu.vector_load %arg17[%swap3A_1384, %swap3A_1385, %swap3A_1386] {strides = array<i32>} : memref<2x128x128xf32, #tpu.memory_space<vmem>>, vector<16xf32>,
        tpu.vector_store %arg17[%swap3A_1384, %swap3A_1385, %swap3A_1386], %add3A_1382 {strides = array<i32>} : memref<2x128x128xf32, #tpu.memory_space<vmem>>, vector<16xf32>,
        %get3A_1388 = arith.constant 1 : i32
        %get3A_1389 = arith.index_cast %get3A_1388 : i32 to index
        %get3A_1390 = arith.index_cast %add3A_1326 : i32 to index
        %get3A_1391 = arith.constant 80 : index
        %get3A_1392 = tpu.vector_load %arg17[%get3A_1389, %get3A_1390, %get3A_1391] {strides = array<i32>} : memref<2x128x128xf32, #tpu.memory_space<vmem>>, vector<16xf32>,
        %add3A_1393 = arith.addf %get3A_1392, %unpack3A_1376 : vector<16xf32>
        %swap3A_1394 = arith.constant 1 : i32
        %swap3A_1395 = arith.index_cast %swap3A_1394 : i32 to index
        %swap3A_1396 = arith.index_cast %add3A_1326 : i32 to index
        %swap3A_1397 = arith.constant 80 : index
        %swap3A_1398 = tpu.vector_load %arg17[%swap3A_1395, %swap3A_1396, %swap3A_1397] {strides = array<i32>} : memref<2x128x128xf32, #tpu.memory_space<vmem>>, vector<16xf32>,
        tpu.vector_store %arg17[%swap3A_1395, %swap3A_1396, %swap3A_1397], %add3A_1393 {strides = array<i32>} : memref<2x128x128xf32, #tpu.memory_space<vmem>>, vector<16xf32>,
        %get3A_1399 = arith.constant 1 : i32
        %get3A_1400 = arith.index_cast %get3A_1399 : i32 to index
        %get3A_1401 = arith.index_cast %add3A_1326 : i32 to index
        %get3A_1402 = arith.constant 32 : index
        %get3A_1403 = tpu.vector_load %arg15[%get3A_1400, %get3A_1401, %get3A_1402] {strides = array<i32>} : memref<2x128x64xi32, #tpu.memory_space<vmem>>, vector<16xi32>,
        %bitcast3A_1404 = vector.bitcast %get3A_1403 : vector<16xi32> to vector<32xbf16>
        %get3A_1405 = arith.constant 1 : i32
        %get3A_1406 = arith.index_cast %get3A_1405 : i32 to index
        %get3A_1407 = arith.index_cast %add3A_1326 : i32 to index
        %get3A_1408 = arith.constant 32 : index
        %get3A_1409 = tpu.vector_load %arg16[%get3A_1406, %get3A_1407, %get3A_1408] {strides = array<i32>} : memref<2x128x64xi32, #tpu.memory_space<vmem>>, vector<16xi32>,
        %bitcast3A_1410 = vector.bitcast %get3A_1409 : vector<16xi32> to vector<32xbf16>
        %add3A_1411 = arith.addf %bitcast3A_1404, %bitcast3A_1410 : vector<32xbf16>
        %unpack3A_1412 = tpu.unpack_subelements %add3A_1411, 0 {pack_format = #tpu.pack_format<interleaved>} : vector<32xbf16> -> vector<16xf32>
        %unpack3A_1413 = tpu.unpack_subelements %add3A_1411, 1 {pack_format = #tpu.pack_format<interleaved>} : vector<32xbf16> -> vector<16xf32>
        %get3A_1414 = arith.constant 1 : i32
        %get3A_1415 = arith.index_cast %get3A_1414 : i32 to index
        %get3A_1416 = arith.index_cast %add3A_1326 : i32 to index
        %get3A_1417 = arith.constant 32 : index
        %get3A_1418 = tpu.vector_load %arg17[%get3A_1415, %get3A_1416, %get3A_1417] {strides = array<i32>} : memref<2x128x128xf32, #tpu.memory_space<vmem>>, vector<16xf32>,
        %add3A_1419 = arith.addf %get3A_1418, %unpack3A_1412 : vector<16xf32>
        %swap3A_1420 = arith.constant 1 : i32
        %swap3A_1421 = arith.index_cast %swap3A_1420 : i32 to index
        %swap3A_1422 = arith.index_cast %add3A_1326 : i32 to index
        %swap3A_1423 = arith.constant 32 : index
        %swap3A_1424 = tpu.vector_load %arg17[%swap3A_1421, %swap3A_1422, %swap3A_1423] {strides = array<i32>} : memref<2x128x128xf32, #tpu.memory_space<vmem>>, vector<16xf32>,
        tpu.vector_store %arg17[%swap3A_1421, %swap3A_1422, %swap3A_1423], %add3A_1419 {strides = array<i32>} : memref<2x128x128xf32, #tpu.memory_space<vmem>>, vector<16xf32>,
        %get3A_1425 = arith.constant 1 : i32
        %get3A_1426 = arith.index_cast %get3A_1425 : i32 to index
        %get3A_1427 = arith.index_cast %add3A_1326 : i32 to index
        %get3A_1428 = arith.constant 96 : index
        %get3A_1429 = tpu.vector_load %arg17[%get3A_1426, %get3A_1427, %get3A_1428] {strides = array<i32>} : memref<2x128x128xf32, #tpu.memory_space<vmem>>, vector<16xf32>,
        %add3A_1430 = arith.addf %get3A_1429, %unpack3A_1413 : vector<16xf32>
        %swap3A_1431 = arith.constant 1 : i32
        %swap3A_1432 = arith.index_cast %swap3A_1431 : i32 to index
        %swap3A_1433 = arith.index_cast %add3A_1326 : i32 to index
        %swap3A_1434 = arith.constant 96 : index
        %swap3A_1435 = tpu.vector_load %arg17[%swap3A_1432, %swap3A_1433, %swap3A_1434] {strides = array<i32>} : memref<2x128x128xf32, #tpu.memory_space<vmem>>, vector<16xf32>,
        tpu.vector_store %arg17[%swap3A_1432, %swap3A_1433, %swap3A_1434], %add3A_1430 {strides = array<i32>} : memref<2x128x128xf32, #tpu.memory_space<vmem>>, vector<16xf32>,
        %get3A_1436 = arith.constant 1 : i32
        %get3A_1437 = arith.index_cast %get3A_1436 : i32 to index
        %get3A_1438 = arith.index_cast %add3A_1326 : i32 to index
        %get3A_1439 = arith.constant 48 : index
        %get3A_1440 = tpu.vector_load %arg15[%get3A_1437, %get3A_1438, %get3A_1439] {strides = array<i32>} : memref<2x128x64xi32, #tpu.memory_space<vmem>>, vector<16xi32>,
        %bitcast3A_1441 = vector.bitcast %get3A_1440 : vector<16xi32> to vector<32xbf16>
        %get3A_1442 = arith.constant 1 : i32
        %get3A_1443 = arith.index_cast %get3A_1442 : i32 to index
        %get3A_1444 = arith.index_cast %add3A_1326 : i32 to index
        %get3A_1445 = arith.constant 48 : index
        %get3A_1446 = tpu.vector_load %arg16[%get3A_1443, %get3A_1444, %get3A_1445] {strides = array<i32>} : memref<2x128x64xi32, #tpu.memory_space<vmem>>, vector<16xi32>,
        %bitcast3A_1447 = vector.bitcast %get3A_1446 : vector<16xi32> to vector<32xbf16>
        %add3A_1448 = arith.addf %bitcast3A_1441, %bitcast3A_1447 : vector<32xbf16>
        %unpack3A_1449 = tpu.unpack_subelements %add3A_1448, 0 {pack_format = #tpu.pack_format<interleaved>} : vector<32xbf16> -> vector<16xf32>
        %unpack3A_1450 = tpu.unpack_subelements %add3A_1448, 1 {pack_format = #tpu.pack_format<interleaved>} : vector<32xbf16> -> vector<16xf32>
        %get3A_1451 = arith.constant 1 : i32
        %get3A_1452 = arith.index_cast %get3A_1451 : i32 to index
        %get3A_1453 = arith.index_cast %add3A_1326 : i32 to index
        %get3A_1454 = arith.constant 48 : index
        %get3A_1455 = tpu.vector_load %arg17[%get3A_1452, %get3A_1453, %get3A_1454] {strides = array<i32>} : memref<2x128x128xf32, #tpu.memory_space<vmem>>, vector<16xf32>,
        %add3A_1456 = arith.addf %get3A_1455, %unpack3A_1449 : vector<16xf32>
        %swap3A_1457 = arith.constant 1 : i32
        %swap3A_1458 = arith.index_cast %swap3A_1457 : i32 to index
        %swap3A_1459 = arith.index_cast %add3A_1326 : i32 to index
        %swap3A_1460 = arith.constant 48 : index
        %swap3A_1461 = tpu.vector_load %arg17[%swap3A_1458, %swap3A_1459, %swap3A_1460] {strides = array<i32>} : memref<2x128x128xf32, #tpu.memory_space<vmem>>, vector<16xf32>,
        tpu.vector_store %arg17[%swap3A_1458, %swap3A_1459, %swap3A_1460], %add3A_1456 {strides = array<i32>} : memref<2x128x128xf32, #tpu.memory_space<vmem>>, vector<16xf32>,
        %get3A_1462 = arith.constant 1 : i32
        %get3A_1463 = arith.index_cast %get3A_1462 : i32 to index
        %get3A_1464 = arith.index_cast %add3A_1326 : i32 to index
        %get3A_1465 = arith.constant 112 : index
        %get3A_1466 = tpu.vector_load %arg17[%get3A_1463, %get3A_1464, %get3A_1465] {strides = array<i32>} : memref<2x128x128xf32, #tpu.memory_space<vmem>>, vector<16xf32>,
        %add3A_1467 = arith.addf %get3A_1466, %unpack3A_1450 : vector<16xf32>
        %swap3A_1468 = arith.constant 1 : i32
        %swap3A_1469 = arith.index_cast %swap3A_1468 : i32 to index
        %swap3A_1470 = arith.index_cast %add3A_1326 : i32 to index
        %swap3A_1471 = arith.constant 112 : index
        %swap3A_1472 = tpu.vector_load %arg17[%swap3A_1469, %swap3A_1470, %swap3A_1471] {strides = array<i32>} : memref<2x128x128xf32, #tpu.memory_space<vmem>>, vector<16xf32>,
        tpu.vector_store %arg17[%swap3A_1469, %swap3A_1470, %swap3A_1471], %add3A_1467 {strides = array<i32>} : memref<2x128x128xf32, #tpu.memory_space<vmem>>, vector<16xf32>,
      }
      %scan3A_1298 = arith.constant 128 : i32
      %mul3A_1299 = arith.constant 2 : i32
      %mul3A_1300 = arith.muli %mul3A_1299, %add3A_1164 : i32
      %mul3A_1301 = arith.constant 128 : i32
      %mul3A_1302 = arith.muli %mul3A_1300, %mul3A_1301 : i32
      %add3A_1303 = arith.addi %mul3A_2, %mul3A_1302 : i32
      %add3A_1304 = arith.constant 128 : i32
      %add3A_1305 = arith.addi %add3A_1303, %add3A_1304 : i32
      %dma_start3A_1306 = arith.constant 1 : i32
      %dma_start3A_1307 = arith.constant 1 : i32
      %dma_start3A_1308 = arith.constant 0 : i32
      %dma_start3A_1309 = arith.constant 0 : i32
      %dma_start3A_1310 = tpu.memref_slice %arg17[%dma_start3A_1306, %dma_start3A_1308, %dma_start3A_1309] : memref<2x128x128xf32, #tpu.memory_space<vmem>> -> memref<1x128x128xf32, #tpu.memory_space<vmem>>
      %dma_start3A_1311 = tpu.memref_squeeze %dma_start3A_1310 : memref<1x128x128xf32, #tpu.memory_space<vmem>> -> memref<128x128xf32, #tpu.memory_space<vmem>>
      %dma_start3A_1312 = arith.constant 0 : i32
      %dma_start3A_1313 = tpu.memref_slice %arg9[%add3A_1305, %dma_start3A_1312] : memref<204800x128xf32, #tpu.memory_space<hbm>> -> memref<128x128xf32, #tpu.memory_space<hbm>>
      %dma_start3A_1314 = tpu.memref_slice %arg19[%dma_start3A_1307] : memref<2x!tpu.dma_semaphore, #tpu.memory_space<semaphore_mem>> -> memref<1x!tpu.dma_semaphore, #tpu.memory_space<semaphore_mem>>
      %dma_start3A_1315 = tpu.memref_squeeze %dma_start3A_1314 : memref<1x!tpu.dma_semaphore, #tpu.memory_space<semaphore_mem>> -> memref<!tpu.dma_semaphore, #tpu.memory_space<semaphore_mem>>
      %dma_start3A_1316 = arith.constant 0 : i32
      %dma_start3A_1317 = tpu.memref_slice %arg9[%add3A_1305, %dma_start3A_1316] : memref<204800x128xf32, #tpu.memory_space<hbm>> -> memref<128x128xf32, #tpu.memory_space<hbm>>
      %dma_start3A_1318 = arith.constant 0 : i32
      %dma_start3A_1319 = arith.constant 0 : i32
      %dma_start3A_1320 = tpu.memref_slice %arg17[%dma_start3A_1306, %dma_start3A_1318, %dma_start3A_1319] : memref<2x128x128xf32, #tpu.memory_space<vmem>> -> memref<1x128x128xf32, #tpu.memory_space<vmem>>
      %dma_start3A_1321 = tpu.memref_squeeze %dma_start3A_1320 : memref<1x128x128xf32, #tpu.memory_space<vmem>> -> memref<128x128xf32, #tpu.memory_space<vmem>>
      tpu.enqueue_dma source(%dma_start3A_1321 : memref<128x128xf32, #tpu.memory_space<vmem>>) target(%dma_start3A_1317 : memref<128x128xf32, #tpu.memory_space<hbm>>) target_semaphore(%dma_start3A_1315 : memref<!tpu.dma_semaphore, #tpu.memory_space<semaphore_mem>>)
    }
    %scan3A_1127 = arith.constant 25 : i32
    %dma_wait3A_1128 = arith.constant 0 : i32
    %dma_wait3A_1129 = arith.constant 0 : i32
    %dma_wait3A_1130 = arith.constant 0 : i32
    %dma_wait3A_1131 = arith.constant 0 : i32
    %dma_wait3A_1132 = tpu.memref_slice %arg17[%dma_wait3A_1128, %dma_wait3A_1130, %dma_wait3A_1131] : memref<2x128x128xf32, #tpu.memory_space<vmem>> -> memref<1x128x128xf32, #tpu.memory_space<vmem>>
    %dma_wait3A_1133 = tpu.memref_squeeze %dma_wait3A_1132 : memref<1x128x128xf32, #tpu.memory_space<vmem>> -> memref<128x128xf32, #tpu.memory_space<vmem>>
    %dma_wait3A_1134 = arith.constant 0 : i32
    %dma_wait3A_1135 = tpu.memref_slice %arg9[%mul3A_2, %dma_wait3A_1134] : memref<204800x128xf32, #tpu.memory_space<hbm>> -> memref<128x128xf32, #tpu.memory_space<hbm>>
    %dma_wait3A_1136 = tpu.memref_slice %arg19[%dma_wait3A_1129] : memref<2x!tpu.dma_semaphore, #tpu.memory_space<semaphore_mem>> -> memref<1x!tpu.dma_semaphore, #tpu.memory_space<semaphore_mem>>
    %dma_wait3A_1137 = tpu.memref_squeeze %dma_wait3A_1136 : memref<1x!tpu.dma_semaphore, #tpu.memory_space<semaphore_mem>> -> memref<!tpu.dma_semaphore, #tpu.memory_space<semaphore_mem>>
    %dma_wait3A_1138 = arith.constant 0 : i32
    %dma_wait3A_1139 = tpu.memref_slice %arg9[%mul3A_2, %dma_wait3A_1138] : memref<204800x128xf32, #tpu.memory_space<hbm>> -> memref<128x128xf32, #tpu.memory_space<hbm>>
    %dma_wait3A_1140 = arith.constant 0 : i32
    %dma_wait3A_1141 = arith.constant 0 : i32
    %dma_wait3A_1142 = tpu.memref_slice %arg17[%dma_wait3A_1128, %dma_wait3A_1140, %dma_wait3A_1141] : memref<2x128x128xf32, #tpu.memory_space<vmem>> -> memref<1x128x128xf32, #tpu.memory_space<vmem>>
    %dma_wait3A_1143 = tpu.memref_squeeze %dma_wait3A_1142 : memref<1x128x128xf32, #tpu.memory_space<vmem>> -> memref<128x128xf32, #tpu.memory_space<vmem>>
    tpu.wait_dma2 semaphore(%dma_wait3A_1137 : memref<!tpu.dma_semaphore, #tpu.memory_space<semaphore_mem>>) src(%dma_wait3A_1143 : memref<128x128xf32, #tpu.memory_space<vmem>>) dst(%dma_wait3A_1139 : memref<128x128xf32, #tpu.memory_space<hbm>>)
    %dma_wait3A_1144 = arith.constant 1 : i32
    %dma_wait3A_1145 = arith.constant 1 : i32
    %dma_wait3A_1146 = arith.constant 0 : i32
    %dma_wait3A_1147 = arith.constant 0 : i32
    %dma_wait3A_1148 = tpu.memref_slice %arg17[%dma_wait3A_1144, %dma_wait3A_1146, %dma_wait3A_1147] : memref<2x128x128xf32, #tpu.memory_space<vmem>> -> memref<1x128x128xf32, #tpu.memory_space<vmem>>
    %dma_wait3A_1149 = tpu.memref_squeeze %dma_wait3A_1148 : memref<1x128x128xf32, #tpu.memory_space<vmem>> -> memref<128x128xf32, #tpu.memory_space<vmem>>
    %dma_wait3A_1150 = arith.constant 0 : i32
    %dma_wait3A_1151 = tpu.memref_slice %arg9[%mul3A_2, %dma_wait3A_1150] : memref<204800x128xf32, #tpu.memory_space<hbm>> -> memref<128x128xf32, #tpu.memory_space<hbm>>
    %dma_wait3A_1152 = tpu.memref_slice %arg19[%dma_wait3A_1145] : memref<2x!tpu.dma_semaphore, #tpu.memory_space<semaphore_mem>> -> memref<1x!tpu.dma_semaphore, #tpu.memory_space<semaphore_mem>>
    %dma_wait3A_1153 = tpu.memref_squeeze %dma_wait3A_1152 : memref<1x!tpu.dma_semaphore, #tpu.memory_space<semaphore_mem>> -> memref<!tpu.dma_semaphore, #tpu.memory_space<semaphore_mem>>
    %dma_wait3A_1154 = arith.constant 0 : i32
    %dma_wait3A_1155 = tpu.memref_slice %arg9[%mul3A_2, %dma_wait3A_1154] : memref<204800x128xf32, #tpu.memory_space<hbm>> -> memref<128x128xf32, #tpu.memory_space<hbm>>
    %dma_wait3A_1156 = arith.constant 0 : i32
    %dma_wait3A_1157 = arith.constant 0 : i32
    %dma_wait3A_1158 = tpu.memref_slice %arg17[%dma_wait3A_1144, %dma_wait3A_1156, %dma_wait3A_1157] : memref<2x128x128xf32, #tpu.memory_space<vmem>> -> memref<1x128x128xf32, #tpu.memory_space<vmem>>
    %dma_wait3A_1159 = tpu.memref_squeeze %dma_wait3A_1158 : memref<1x128x128xf32, #tpu.memory_space<vmem>> -> memref<128x128xf32, #tpu.memory_space<vmem>>
    tpu.wait_dma2 semaphore(%dma_wait3A_1153 : memref<!tpu.dma_semaphore, #tpu.memory_space<semaphore_mem>>) src(%dma_wait3A_1159 : memref<128x128xf32, #tpu.memory_space<vmem>>) dst(%dma_wait3A_1155 : memref<128x128xf32, #tpu.memory_space<hbm>>)
    return
  }
}

module attributes {stable_mosaic.version = 14 : i64} {
  func.func @body(%arg0: memref<14x128xf32, #tpu.memory_space<vmem>>, %arg1: memref<64x128xf32, #tpu.memory_space<vmem>>, %arg2: memref<14x64x128xbf16, #tpu.memory_space<vmem>>) attributes {dimension_semantics = [], scalar_prefetch = 0 : i64, scratch_operands = 0 : i64, tpu.core_type = #tpu.core_type<tc>} {
    %get3A = arith.constant 0 : index
    %get3A_0 = arith.constant 0 : index
    %get3A_1 = vector.load %arg0[%get3A, %get3A_0] : memref<14x128xf32, #tpu.memory_space<vmem>>, vector<14x128xf32>
    %broadcast_in_dim3A = vector.shape_cast %get3A_1 : vector<14x128xf32> to vector<14x1x128xf32>
    %get3A_2 = arith.constant 0 : index
    %get3A_3 = arith.constant 0 : index
    %get3A_4 = vector.load %arg1[%get3A_2, %get3A_3] : memref<64x128xf32, #tpu.memory_space<vmem>>, vector<64x128xf32>
    %broadcast_in_dim3A_5 = vector.shape_cast %get3A_4 : vector<64x128xf32> to vector<1x64x128xf32>
    %add3A = vector.broadcast %broadcast_in_dim3A : vector<14x1x128xf32> to vector<14x64x128xf32>
    %add3A_6 = vector.broadcast %broadcast_in_dim3A_5 : vector<1x64x128xf32> to vector<14x64x128xf32>
    %add3A_7 = arith.addf %add3A, %add3A_6 : vector<14x64x128xf32>
    %convert_element_type3A = arith.truncf %add3A_7 : vector<14x64x128xf32> to vector<14x64x128xbf16>
    %swap3A = arith.constant 0 : index
    %swap3A_8 = arith.constant 0 : index
    %swap3A_9 = arith.constant 0 : index
    %swap3A_10 = vector.load %arg2[%swap3A, %swap3A_8, %swap3A_9] : memref<14x64x128xbf16, #tpu.memory_space<vmem>>, vector<14x64x128xbf16>
    tpu.vector_store %arg2[%swap3A, %swap3A_8, %swap3A_9], %convert_element_type3A {strides = array<i32>} : memref<14x64x128xbf16, #tpu.memory_space<vmem>>, vector<14x64x128xbf16>,
    return
  }
}

</mosaic_0001>

<sc_bundles>
// kernel: kernel.4.cloned.1.call-start
scs
__scs_entry_jumppad:
0x0: {  	(pc) =	sbr.rel $0x88, $3  }
0x1: {  	(tag) =	ssettag $0x0;
	lr =	simm.s32 $0x1  }
0x2: {  	[smem:$0x3F99] =	sst lr;
	_ =	strace $0xD0000000  }
0x3: {  	_ = 	snop  }
0x4: {  	_ = 	snop  }
0x5: {  	_ = 	snop  }
0x6: {  	_ = 	snop  }
0x7: {  	_ = 	snop  }
__scs_overlays_trampoline_lowered:
0x8: {  	[smem:$0x3FA8] =	sst s0  }
0x9: {  	[smem:$0x3FA9] =	sst s1  }
0xa: {  	[smem:$0x3FAA] =	sst s2  }
0xb: {  	[smem:$0x3FAB] =	sst s3  }
0xc: {  	[smem:$0x3FAC] =	sst s4  }
0xd: {  	[smem:$0x3FAD] =	sst s5  }
0xe: {  	[smem:$0x3FAE] =	sst s6  }
0xf: {  	[smem:$0x3FAF] =	sst s7  }
0x10: {  	[smem:$0x3FB0] =	sst s8  }
0x11: {  	[smem:$0x3FB1] =	sst s9;
	s0 =	simm.s32 @!p0 $0x0  }
0x12: {  	s1 =	sld [smem:$0x3F97];
	s0 =	simm.s32 @p0 $0x1  }
0x13: {  	[smem:$0x3FB2] =	sst s0;
	s0 =	simm.s32 @!p1 $0x0  }
0x14: {  	s2 =	sld [smem:$0x3F96];
	s0 =	simm.s32 @p1 $0x1  }
0x15: {  	[smem:$0x3FB3] =	sst s0;
	s0 =	simm.s32 @!p2 $0x0  }
0x16: {  	s3 =	sld [smem:$0x3FDB];
	s0 =	simm.s32 @p2 $0x1  }
0x17: {  	s4 =	simm.s32 $0x1BF5;
	[smem:$0x3FB5] =	sst s0  }
0x18: {  	s0 =	sld [smem:$0x3F98];
	_ =	swait.ge [sflag:s4], $0x0  }
0x19: {  	s7 =	sld [smem:$0x3F99]  }
0x1a: {  	s8 =	sadd.s32 $0xFFFFE003, lr  }
0x1b: {  	s9 =	sadd.s32 $0xFFFFFEF7, lr;
	s5 =	simm.s32 $0xFFFFFFFF;
	p2 =	slt.u32 s8, $0xFFFFF086  }
0x1c: {  	p1 =	slt.u32 s9, $0xF7A;
	s5 =	simm.s32 @!p2 $0x0  }
0x1d: {  	s5 =	simm.s32 @p1 $0x1;
	p0 =	seq.s32 s7, s2  }
0x1e: {  	s7 =	smul.u32 @!p0 $0xF7A, s2;
	p2 =	seq.s32 @!p0 s5, $0x0  }
0x1f: {  	s9 =	smul.u32 $0xF7A, s1;
	s8 =	simm.s32 @!p0 $0x1BF5;
	p2 =	por !p2, p0  }
0x20: {  	[sflag:s8] =	ssyncset.s32 @!p0 $0xFFFFF086;
	s6 =	sadd.s32 @!p0 s3, s7;
	s7 =	simm.s32 @!p0 $0x108  }
0x21: {  	s3 =	sadd.s32 s3, s9;
	s6 =	sadd.s32 @!p0 $0x88, s6;
	s7 =	simm.s32 @p2 $0x1082  }
0x22: {  	[simem:s7], [sflag:s8] =	dma.local @!p0 [hbm:s6], $0xF7A  }
0x23: {  	s9 =	sor.u32 $0xD0000000, s2;
	s6 =	simm.s32 $0x108;
	_ =	swait.ge @!p0 [sflag:s8], $0x0  }
0x24: {  	s3 =	sadd.s32 $0x88, s3;
	s6 =	simm.s32 @!p1 $0x1082;
	[sflag:s4] =	ssyncset.s32 $0xFFFFF086  }
0x25: {  	[simem:s6], [sflag:s4] =	dma.local [hbm:s3], $0xF7A  }
0x26: {  	[smem:$0x3F99] =	sst s1;
	(tag) =	ssettag s2;
	_ =	strace s9  }
0x27: {  	s1 =	sld [smem:$0x3FA9]  }
0x28: {  	s2 =	sld [smem:$0x3FAA]  }
0x29: {  	s4 =	sld [smem:$0x3FAC]  }
0x2a: {  	p0 =	seq.s32 s5, $0x0;
	s5 =	sld [smem:$0x3FAD]  }
0x2b: {  	s6 =	sld [smem:$0x3FAE]  }
0x2c: {  	s7 =	sld [smem:$0x3FAF]  }
0x2d: {  	s3 =	simm.s32 $0x108;
	s8 =	sld [smem:$0x3FB0]  }
0x2e: {  	s3 =	simm.s32 @!p0 $0x1082;
	s9 =	sld [smem:$0x3FB1]  }
0x2f: {  	lr =	sadd.s32 s0, s3;
	s0 =	sld [smem:$0x3FA8]  }
0x30: {  	s3 =	sld [smem:$0x3FAB]  }
0x31: {  	[smem:$0x3FB4] =	sst s10  }
0x32: {  	s10 =	sld [smem:$0x3FB2];
	_ =	sdelay $0x3  }
0x33: {  	p0 =	seq.s32 s10, $0x1;
	s10 =	sld [smem:$0x3FB4];
	_ =	sdelay $0x3  }
0x34: {  	[smem:$0x3FB4] =	sst s10  }
0x35: {  	s10 =	sld [smem:$0x3FB3];
	_ =	sdelay $0x3  }
0x36: {  	p1 =	seq.s32 s10, $0x1;
	s10 =	sld [smem:$0x3FB4];
	_ =	sdelay $0x3  }
0x37: {  	[smem:$0x3FB4] =	sst s10  }
0x38: {  	s10 =	sld [smem:$0x3FB5]  }
0x39: {  	_ = 	snop;
	(pc) =	sbr.ind lr, $3  }
0x3a: {  	_ = 	snop  }
0x3b: {  	_ = 	snop  }
0x3c: {  	p2 =	seq.s32 s10, $0x1;
	s10 =	sld [smem:$0x3FB4]  }
0x3d: {  	_ =	shalt  }
0x3e: {  	_ =	shalt  }
0x3f: {  	_ =	shalt  }
0x40: {  	_ =	shalt  }
0x41: {  	_ =	shalt  }
0x42: {  	_ =	shalt  }
0x43: {  	_ =	shalt  }
0x44: {  	_ =	shalt  }
0x45: {  	_ =	shalt  }
0x46: {  	_ =	shalt  }
0x47: {  	_ =	shalt  }
0x48: {  	_ =	shalt  }
0x49: {  	_ =	shalt  }
0x4a: {  	_ =	shalt  }
0x4b: {  	_ =	shalt  }
0x4c: {  	_ =	shalt  }
0x4d: {  	_ =	shalt  }
0x4e: {  	_ =	shalt  }
0x4f: {  	_ =	shalt  }
0x50: {  	_ =	shalt  }
0x51: {  	_ =	shalt  }
0x52: {  	_ =	shalt  }
0x53: {  	_ =	shalt  }
0x54: {  	_ =	shalt  }
0x55: {  	_ =	shalt  }
0x56: {  	_ =	shalt  }
0x57: {  	_ =	shalt  }
0x58: {  	_ =	shalt  }
0x59: {  	_ =	shalt  }
0x5a: {  	_ =	shalt  }
0x5b: {  	_ =	shalt  }
0x5c: {  	_ =	shalt  }
0x5d: {  	_ =	shalt  }
0x5e: {  	_ =	shalt  }
0x5f: {  	_ =	shalt  }
0x60: {  	_ =	shalt  }
0x61: {  	_ =	shalt  }
0x62: {  	_ =	shalt  }
0x63: {  	_ =	shalt  }
0x64: {  	_ =	shalt  }
0x65: {  	_ =	shalt  }
0x66: {  	_ =	shalt  }
0x67: {  	_ =	shalt  }
0x68: {  	_ =	shalt  }
0x69: {  	_ =	shalt  }
0x6a: {  	_ =	shalt  }
0x6b: {  	_ =	shalt  }
0x6c: {  	_ =	shalt  }
0x6d: {  	_ =	shalt  }
0x6e: {  	_ =	shalt  }
0x6f: {  	_ =	shalt  }
0x70: {  	_ =	shalt  }
0x71: {  	_ =	shalt  }
0x72: {  	_ =	shalt  }
0x73: {  	_ =	shalt  }
0x74: {  	_ =	shalt  }
0x75: {  	_ =	shalt  }
0x76: {  	_ =	shalt  }
0x77: {  	_ =	shalt  }
0x78: {  	_ =	shalt  }
0x79: {  	_ =	shalt  }
0x7a: {  	_ =	shalt  }
0x7b: {  	_ =	shalt  }
0x7c: {  	_ =	shalt  }
0x7d: {  	_ =	shalt  }
0x7e: {  	_ =	shalt  }
0x7f: {  	_ =	shalt  }
0x80: {  	_ =	shalt  }
0x81: {  	_ =	shalt  }
0x82: {  	_ =	shalt  }
0x83: {  	_ =	shalt  }
0x84: {  	_ =	shalt  }
0x85: {  	_ =	shalt  }
0x86: {  	_ =	shalt  }
0x87: {  	_ =	shalt  }
.Lfunc_end0:
.L_simem_size_0:
called_computation.1_lowered:
.L_overlay_start_0:
0x88: {  	s2 =	sld [smem:$0x3FD9]  }
0x89: {  	s3 =	sld [smem:$0x3FFE];
	_ =	sdelay $0x1  }
0x8a: {  	s1 =	srdreg.scid  }
0x8b: {  	s0 =	sand.u32 $0x1, s1  }
0x8c: {  	s17 =	sshll.u32 s0, $0xA;
	s2 =	sadd.s32 s3, s2  }
0x8d: {  	s2 =	sadd.s32 s2, s17  }
0x8e: {  	[smem:$0x3FC0] =	sst s2  }
0x8f: {  	_ = 	snop  }
0x90: {  	s2 =	sld [smem:$0x3FC5]  }
0x91: {  	s18 =	sld [smem:$0x3FD0];
	(tm) =	ssettm $0x1  }
0x92: {  	s4 =	sld [smem:$0x3FFB];
	_ =	sdelay $0x3  }
0x93: {  	_ =	strace s4  }
0x94: {  	s4 =	sld [smem:$0x3FFC];
	_ =	sdelay $0x3  }
0x95: {  	_ =	strace s4  }
0x96: {  	s4 =	sld [smem:$0x3FFD];
	_ =	sdelay $0x3  }
0x97: {  	_ =	strace s4  }
0x98: {  	_ =	strace $0x8FFFFFFF  }
0x99: {  	s19 =	sld [smem:$0x3FDB];
	_ =	sdelay $0x1  }
0x9a: {  	s5 =	simm.s32 $_scs_section_size  }
0x9b: {  	s6 =	simm.s32 $_size__tile_overlayer_lowered;
	s7 =	simm.s32 $_tile_overlayer_lowered  }
0x9c: {  	s22 =	simm.s32 $0x1BFF;
	s21 =	sshll.u32 s7, $0x1;
	s4 =	sadd.s32 s5, s19  }
0x9d: {  	s8 =	simm.s32 $0x0;
	s20 =	sshll.u32 s6, $0x1;
	s6 =	sadd.s32 s21, s4  }
0x9e: {  	[timem:s8], [sflag:s22] =	dma.local [hbm:s6], s20  }
0x9f: {  	_ =	swait.ge [sflag:s22], s20  }
0xa0: {  	s5 =	ssub.s32 $0x0, s20;
	[sflag:s22] =	ssyncset.done $0x0  }
0xa1: {  	[sflag:s22] =	ssyncadd.s32 s5;
	_ =	sdelay $0x1  }
0xa2: {  	s23 =	simm.s32 $0x1B8B  }
0xa3: {  	_ =	swait.ge [sflag:s23], $0x1  }
0xa4: {  	[sflag:s23] =	ssyncset.done $0x0  }
0xa5: {  	s25 =	simm.s32 $0x1B8E;
	s24 =	sld [smem:$0x3FFE];
	[sflag:s23] =	ssyncadd.s32 $0xFFFFFFFF  }
0xa6: {  	s26 =	simm.s32 $execute0_lowered;
	[smem:$0x3FD2] =	sst s25  }
0xa7: {  	s6 =	sshll.u32 s26, $0x1;
	_ =	strace $0x80000046;
	[dreg:$0x1] =	wrdreg $0xFFFFFFFF  }
0xa8: {  	s28 =	simm.s32 $_size_execute0_lowered;
	s4 =	sadd.s32 s4, s6;
	[dreg:$0x0] =	wrdreg $0x0  }
0xa9: {  	s6 =	sshll.u32 s28, $0x1;
	[dreg:$0x2] =	wrdreg s4  }
0xaa: {  	[dreg:$0x3] =	wrdreg s6  }
0xab: {  	[dreg:$0x4] =	wrdreg $0xC0  }
0xac: {  	_ =	task [dreg:s8], $0x5FFFF  }
0xad: {  	[dreg:$0x1] =	wrdreg $0xFFFFFFFF  }
0xae: {  	[dreg:$0x0] =	wrdreg $0x60  }
0xaf: {  	[dreg:$0x2] =	wrdreg s24  }
0xb0: {  	[dreg:$0x3] =	wrdreg s2  }
0xb1: {  	[dreg:$0x4] =	wrdreg s18  }
0xb2: {  	[dreg:$0x5] =	wrdreg $0x9  }
0xb3: {  	_ =	task.clear_ibuf [dreg:s8], $0x6FFFF;
	_ =	strace $0x90000046  }
0xb4: {  	s29 =	simm.s32 $0x9;
	_ =	strace $0x80000048  }
0xb5: {  	_ =	swait.ge [sflag:s29], $0x1  }
0xb6: {  	[sflag:s29] =	ssyncadd.s32 $0xFFFFFFFF  }
0xb7: {  	_ =	strace $0x90000048  }
0xb8: {  	_ =	sfence  }
0xb9: {  	s30 =	sld [smem:$0x0];
	_ =	sdelay $0x2  }
0xba: {  	s31 =	sshll.u32 s1, $0xD;
	s1 =	sshrl.u32 s1, $0x2  }
0xbb: {  	s3 =	sand.u32 $0x4000, s31;
	s1 =	sadd.s32 s1, s30  }
0xbc: {  	s0 =	sor.u32 s3, s0;
	s1 =	sshll.u32 s1, $0x11  }
0xbd: {  	s0 =	sor.u32 s1, s0  }
0xbe: {  	s0 =	sadd.s32 $0x8F2B, s0  }
0xbf: {  	[sflag:s0] =	ssyncadd.remote.s32 $0x1  }
0xc0: {  	_ =	sfence.sel $0xFFFF  }
0xc1: {  	[dreg:$0x0] =	wrdreg $0xFFFFFFFF;
	(pc) =	sbr.abs _section_cstart, $3  }
0xc2: {  	[dreg:$0x1] =	wrdreg $0xFFFFFFFF  }
0xc3: {  	_ =	task.clear_ibuf [dreg:s8], $0x2FFFF;
	_ =	strace $0x9FFFFFFF  }
0xc4: {  	(tm) =	ssettm $0x7FFFFFFF  }
0xc5: {  	_ =	shalt  }
tec
execute0_lowered:
.L_overlay_start_1:
0x0: {  	(tag) =	ssettag $0x1  }
0x1: {  	s0 =	srdreg.scid;
	s2 =	stileid.u32  }
0x2: {  	s1 =	rddreg [dreg:$0x0];
	s5 =	simm.s32 $0x0;
	s17 =	simm.s32 $0x3  }
0x3: {  	s18 =	simm.s32 $0x80;
	s19 =	simm.s32 $0xE500;
	s20 =	simm.s32 $0xA500  }
0x4: {  	s21 =	simm.s32 $0x6400;
	s22 =	simm.s32 $0x6500;
	s23 =	simm.s32 $0x12500  }
0x5: {  	s28 =	simm.s32 $0x1;
	s29 =	simm.s32 $0x2;
	s30 =	simm.s32 $0x4  }
0x6: {  	s0 =	sand.u32 $0x1, s0;
	s3 =	sshll.u32 s2, $0x1;
	s2 =	rddreg [dreg:$0x1]  }
0x7: {  	s31 =	simm.s32 $0x0;
	[smem:$0x7FF] =	sst s5;
	s4 =	sor.u32 s0, s3  }
0x8: {  	s7 =	sadd.s32 $0x600, s1;
	s0 =	ssub.s32 $0x2, s0;
	s4 =	smul.u32 $0x1900, s4  }
0x9: {  	s3 =	rddreg [dreg:$0x2];
	_ =	strace $0x80000047;
	s24 =	sshrl.u32 s0, $0x1  }
0xa: {  	s12 =	sadd.s32 $0x800, s3;
	s0 =	ssub.s32 s0, s24;
	s6 =	sshrl.u32 s4, $0x3  }
0xb: {  	s24 =	simm.s32 $0xC500;
	s13 =	smax.u32 s0, $0x1;
	s8 =	sadd.s32 s6, s1  }
0xc: {  	s6 =	sadd.s32 $0x1600, s1;
	s25 =	sadd.s32 $0x3200, s8;
	s26 =	sadd.s32 $0x9600, s8  }
0xd: {  	s10 =	sadd.s32 $0xFA00, s8;
	s11 =	sadd.s32 $0x15E00, s8;
	[dreg:$0x4] =	wrdreg s25  }
0xe: {  	v0 =	vimm.s32 $0x0;
	[dreg:$0x5] =	wrdreg s26;
	s25 =	simm.s32 $0x6480;
	s26 =	simm.s32 $0x8500  }
.LBB2_1:
0xf: {  	s0 =	rddreg [dreg:$0x4]  }
0x10: {  	[tilespmem:s5], [sflag:$0x3] =	stream.linear.gather [hbm4b:s0+s5], $0x1900, $0x38;
	[tilespmem:$0x16500] =	vst v63  }
0x11: {  	s14 =	rddreg [dreg:$0x5];
	s1 =	simm.s32 $0x1900  }
0x12: {  	[tilespmem:s1], [sflag:$0x3] =	stream.linear.gather [hbm4b:s14+s5], $0x1900, $0x38;
	[tilespmem:$0x16500] =	vst v63  }
0x13: {  	s15 =	simm.s32 $0x3200  }
0x14: {  	[tilespmem:s15], [sflag:$0x3] =	stream.linear.gather [hbm4b:s10+s5], $0x1900, $0x38;
	[tilespmem:$0x16500] =	vst v63  }
0x15: {  	s16 =	simm.s32 $0x4B00  }
0x16: {  	[tilespmem:s16], [sflag:$0x3] =	stream.linear.gather [hbm4b:s11+s5], $0x1900, $0x38;
	[tilespmem:$0x16500] =	vst v63  }
0x17: {  	_ =	swait.ge [sflag:s17], $0x1900  }
0x18: {  	[sflag:s17] =	ssyncset.done $0x0  }
0x19: {  	[sflag:s17] =	ssyncadd.s32 $0xFFFFE700  }
0x1a: {  	_ =	swait.ge [sflag:s17], $0x1900  }
0x1b: {  	[sflag:s17] =	ssyncset.done $0x0  }
0x1c: {  	[sflag:s17] =	ssyncadd.s32 $0xFFFFE700  }
0x1d: {  	_ =	swait.ge [sflag:s17], $0x1900  }
0x1e: {  	[sflag:s17] =	ssyncset.done $0x0  }
0x1f: {  	[sflag:s17] =	ssyncadd.s32 $0xFFFFE700  }
0x20: {  	_ =	swait.ge [sflag:s17], $0x1900  }
0x21: {  	[sflag:s17] =	ssyncset.done $0x0  }
0x22: {  	[sflag:s17] =	ssyncadd.s32 $0xFFFFE700  }
0x23: {  	[tilespmem:s19], [sflag:$0x1] =	stream.indirect.gather [hbm4b:s2+s18], $0x80, s5, s18, $0xb8;
	[tilespmem:$0x16500] =	vst v63  }
0x24: {  	_ = 	snop  }
0x25: {  	[tilespmem:s20], [sflag:$0x1] =	stream.indirect.gather [hbm4b:s7+s18], $0x40, s15, s18, $0xb8;
	[tilespmem:$0x16500] =	vst v63  }
0x26: {  	v1 =	vld [tilespmem:$0x1900];
	_ =	sdelay $0x4  }
0x27: {  	vm0 =	vgt.f32 v1, $0.0e+00;
	vm1 =	vgt.f32 v1, $1.000000010e-01  }
0x28: {  	v4 =	vld [tilespmem:$0x1910];
	vm10 =	vgt.f32 v1, $5.000000000e-01;
	vm11 =	vgt.f32 v1, $1.000000000e+00;
	vm12 =	vgt.f32 v1, $2.000000000e+00  }
0x29: {  	vm13 =	vgt.f32 v1, $5.000000000e+00;
	vm14 =	vgt.f32 v1, $1.000000000e+01;
	vm15 =	vgt.f32 v1, $2.000000000e+01  }
0x2a: {  	vm4 =	vgt.f32 v1, $5.000000000e+01;
	vm5 =	vgt.f32 v1, $1.000000000e+02;
	vm6 =	vgt.f32 v1, $2.000000000e+02  }
0x2b: {  	v6 =	vld [tilespmem:$0x1920];
	vm7 =	vgt.f32 v1, $5.000000000e+02;
	v2 =	vsel vm0, $0x1, v0;
	v3 =	vsel vm1, $0x1, v0  }
0x2c: {  	v7 =	vld [tilespmem:$0x1930];
	vm8 =	vgt.f32 v1, $1.000000000e+03;
	v2 =	vadd.s32 v3, v2;
	v3 =	vsel vm10, $0x1, v0  }
0x2d: {  	vm9 =	vgt.f32 v4, $0.0e+00;
	v2 =	vadd.s32 v3, v2;
	v3 =	vsel vm11, $0x1, v0  }
0x2e: {  	vm10 =	vgt.f32 v4, $1.000000010e-01;
	vm11 =	vgt.f32 v4, $5.000000000e-01;
	v2 =	vadd.s32 v3, v2  }
0x2f: {  	v3 =	vsel vm12, $0x1, v0;
	v28 =	vsel vm11, $0x1, v0;
	vm12 =	vgt.f32 v4, $1.000000000e+00  }
0x30: {  	vm11 =	vgt.f32 v6, $1.000000010e-01;
	v2 =	vadd.s32 v3, v2;
	v3 =	vsel vm13, $0x1, v0  }
0x31: {  	v54 =	vld [tilespmem:$0x1940];
	vm13 =	vgt.f32 v4, $2.000000000e+00;
	v33 =	vsel vm11, $0x1, v0;
	vm11 =	vgt.f32 v7, $0.0e+00  }
0x32: {  	v2 =	vadd.s32 v3, v2;
	v3 =	vsel vm14, $0x1, v0;
	v29 =	vsel vm13, $0x1, v0  }
0x33: {  	vm14 =	vgt.f32 v4, $5.000000000e+00;
	vm13 =	vgt.f32 v6, $1.000000000e+00;
	v46 =	vsel vm11, $0x1, v0  }
0x34: {  	v9 =	vld [tilespmem:$0x1950];
	vm11 =	vgt.f32 v7, $1.000000000e+03;
	v2 =	vadd.s32 v3, v2;
	v3 =	vsel vm15, $0x1, v0  }
0x35: {  	vm15 =	vgt.f32 v4, $1.000000000e+01;
	v35 =	vsel vm13, $0x1, v0;
	vm13 =	vgt.f32 v7, $5.000000000e-01  }
0x36: {  	v60 =	vsel vm11, $0x1, v0;
	vm11 =	vgt.f32 v54, $5.000000000e+02;
	v2 =	vadd.s32 v3, v2  }
0x37: {  	v3 =	vsel vm4, $0x1, v0;
	v30 =	vsel vm15, $0x1, v0;
	vm4 =	vgt.f32 v4, $2.000000000e+01  }
0x38: {  	vm15 =	vgt.f32 v6, $5.000000000e+00;
	v48 =	vsel vm13, $0x1, v0;
	vm13 =	vgt.f32 v54, $1.000000010e-01  }
0x39: {  	v20 =	vsel vm11, $0x1, v0;
	vm11 =	vgt.f32 v9, $2.000000000e+02;
	v2 =	vadd.s32 v3, v2  }
0x3a: {  	v3 =	vsel vm5, $0x1, v0;
	vm5 =	vgt.f32 v4, $5.000000000e+01;
	v37 =	vsel vm15, $0x1, v0  }
0x3b: {  	vm15 =	vgt.f32 v7, $2.000000000e+00;
	v62 =	vsel vm13, $0x1, v0;
	vm13 =	vgt.f32 v9, $0.0e+00  }
0x3c: {  	v2 =	vadd.s32 v3, v2;
	v3 =	vsel vm6, $0x1, v0;
	v31 =	vsel vm5, $0x1, v0  }
0x3d: {  	vm6 =	vgt.f32 v4, $1.000000000e+02;
	vm5 =	vgt.f32 v6, $2.000000000e+01;
	v50 =	vsel vm15, $0x1, v0  }
0x3e: {  	vm15 =	vgt.f32 v54, $1.000000000e+00;
	v23 =	vsel vm13, $0x1, v0;
	vm13 =	vgt.f32 v9, $1.000000000e+03  }
0x3f: {  	v11 =	vld [tilespmem:$0x1960];
	v2 =	vadd.s32 v3, v2;
	v3 =	vsel vm7, $0x1, v0;
	vm7 =	vgt.f32 v4, $2.000000000e+02  }
0x40: {  	v40 =	vsel vm5, $0x1, v0;
	vm5 =	vgt.f32 v7, $1.000000000e+01;
	v12 =	vsel vm15, $0x1, v0  }
0x41: {  	vm15 =	vgt.f32 v9, $5.000000000e-01;
	v1 =	vadd.s32 v3, v2;
	v2 =	vsel vm8, $0x1, v0  }
0x42: {  	v3 =	vsel vm10, $0x1, v0;
	v32 =	vsel vm7, $0x1, v0;
	vm8 =	vgt.f32 v4, $5.000000000e+02  }
0x43: {  	vm10 =	vgt.f32 v6, $0.0e+00;
	vm7 =	vgt.f32 v6, $1.000000000e+02;
	v52 =	vsel vm5, $0x1, v0  }
0x44: {  	vm5 =	vgt.f32 v54, $5.000000000e+00;
	v10 =	vsel vm15, $0x1, v0;
	vm15 =	vgt.f32 v11, $1.000000010e-01  }
0x45: {  	v5 =	vld [tilespmem:$0x4B00];
	v1 =	vadd.s32 v2, v1;
	v2 =	vsel vm9, $0x1, v0;
	vm9 =	vgt.f32 v4, $1.000000000e+03  }
0x46: {  	v42 =	vsel vm7, $0x1, v0;
	vm7 =	vgt.f32 v7, $5.000000000e+01;
	v14 =	vsel vm5, $0x1, v0  }
0x47: {  	vm5 =	vgt.f32 v9, $2.000000000e+00;
	v1 =	vshll.u32 v1, $0x6;
	v2 =	vadd.s32 v3, v2  }
0x48: {  	v3 =	vsel vm12, $0x1, v0;
	v4 =	vsel vm9, $0x1, v0;
	vm12 =	vgt.f32 v6, $5.000000000e-01  }
0x49: {  	vm9 =	vgt.f32 v6, $5.000000000e+02;
	v55 =	vsel vm7, $0x1, v0;
	vm7 =	vgt.f32 v54, $2.000000000e+01  }
0x4a: {  	v26 =	vsel vm5, $0x1, v0;
	vm5 =	vgt.f32 v11, $1.000000000e+00;
	v1 =	vadd.s32 v5, v1  }
0x4b: {  	v2 =	vadd.s32 v28, v2;
	v34 =	vsel vm12, $0x1, v0;
	v44 =	vsel vm9, $0x1, v0  }
0x4c: {  	vm12 =	vgt.f32 v7, $1.000000010e-01;
	vm9 =	vgt.f32 v7, $2.000000000e+02;
	v16 =	vsel vm7, $0x1, v0  }
0x4d: {  	vm7 =	vgt.f32 v9, $1.000000000e+01;
	v2 =	vadd.s32 v3, v2;
	v3 =	vsel vm14, $0x1, v0  }
0x4e: {  	vm14 =	vgt.f32 v6, $2.000000000e+00;
	v47 =	vsel vm12, $0x1, v0;
	v57 =	vsel vm9, $0x1, v0  }
0x4f: {  	vm12 =	vgt.f32 v54, $0.0e+00;
	vm9 =	vgt.f32 v54, $1.000000000e+02;
	v28 =	vsel vm7, $0x1, v0  }
0x50: {  	vm7 =	vgt.f32 v11, $5.000000000e+00;
	v2 =	vadd.s32 v29, v2;
	v36 =	vsel vm14, $0x1, v0  }
0x51: {  	vm14 =	vgt.f32 v7, $1.000000000e+00;
	v61 =	vsel vm12, $0x1, v0;
	v18 =	vsel vm9, $0x1, v0  }
0x52: {  	vm12 =	vgt.f32 v54, $1.000000000e+03;
	vm9 =	vgt.f32 v9, $5.000000000e+01;
	v2 =	vadd.s32 v3, v2  }
0x53: {  	v3 =	vsel vm4, $0x1, v0;
	vm4 =	vgt.f32 v6, $1.000000000e+01;
	v49 =	vsel vm14, $0x1, v0  }
0x54: {  	vm14 =	vgt.f32 v54, $5.000000000e-01;
	v5 =	vadd.s32 v62, v61;
	v22 =	vsel vm12, $0x1, v0  }
0x55: {  	vm12 =	vgt.f32 v9, $5.000000000e+02;
	v2 =	vadd.s32 v30, v2;
	v38 =	vsel vm4, $0x1, v0  }
0x56: {  	vm4 =	vgt.f32 v7, $5.000000000e+00;
	v63 =	vsel vm14, $0x1, v0;
	vm14 =	vgt.f32 v9, $1.000000010e-01  }
0x57: {  	v30 =	vsel vm9, $0x1, v0;
	vm9 =	vgt.f32 v11, $2.000000000e+01;
	v2 =	vadd.s32 v3, v2  }
0x58: {  	v3 =	vsel vm6, $0x1, v0;
	vm6 =	vgt.f32 v6, $5.000000000e+01;
	v51 =	vsel vm4, $0x1, v0  }
0x59: {  	vm4 =	vgt.f32 v54, $2.000000000e+00;
	v5 =	vadd.s32 v63, v5;
	v24 =	vsel vm14, $0x1, v0  }
0x5a: {  	vm14 =	vgt.f32 v11, $0.0e+00;
	v2 =	vadd.s32 v31, v2;
	v41 =	vsel vm6, $0x1, v0  }
0x5b: {  	vm6 =	vgt.f32 v7, $2.000000000e+01;
	v13 =	vsel vm4, $0x1, v0;
	v5 =	vadd.s32 v12, v5  }
0x5c: {  	vm4 =	vgt.f32 v9, $1.000000000e+00;
	v2 =	vadd.s32 v3, v2;
	v3 =	vsel vm8, $0x1, v0  }
0x5d: {  	vm8 =	vgt.f32 v6, $2.000000000e+02;
	v53 =	vsel vm6, $0x1, v0;
	vm6 =	vgt.f32 v54, $1.000000000e+01  }
0x5e: {  	v5 =	vadd.s32 v13, v5;
	v25 =	vsel vm4, $0x1, v0;
	vm4 =	vgt.f32 v11, $5.000000000e-01  }
0x5f: {  	v2 =	vadd.s32 v32, v2;
	v43 =	vsel vm8, $0x1, v0;
	vm8 =	vgt.f32 v7, $1.000000000e+02  }
0x60: {  	v15 =	vsel vm6, $0x1, v0;
	v5 =	vadd.s32 v14, v5;
	vm6 =	vgt.f32 v9, $5.000000000e+00  }
0x61: {  	v32 =	vsel vm11, $0x1, v0;
	vm11 =	vgt.f32 v11, $1.000000000e+02;
	v2 =	vadd.s32 v3, v2  }
0x62: {  	v3 =	vsel vm10, $0x1, v0;
	vm10 =	vgt.f32 v6, $1.000000000e+03;
	v56 =	vsel vm8, $0x1, v0  }
0x63: {  	vm8 =	vgt.f32 v54, $5.000000000e+01;
	v5 =	vadd.s32 v15, v5;
	v27 =	vsel vm6, $0x1, v0  }
0x64: {  	vm6 =	vgt.f32 v11, $2.000000000e+00;
	v2 =	vadd.s32 v4, v2;
	v3 =	vadd.s32 v33, v3  }
0x65: {  	v45 =	vsel vm10, $0x1, v0;
	v4 =	vadd.s32 v47, v46;
	vm10 =	vgt.f32 v7, $5.000000000e+02  }
0x66: {  	v17 =	vsel vm8, $0x1, v0;
	v5 =	vadd.s32 v16, v5;
	v7 =	vadd.s32 v24, v23  }
0x67: {  	v39 =	vld [tilespmem:$0x4B10];
	vm8 =	vgt.f32 v9, $2.000000000e+01;
	v33 =	vsel vm12, $0x1, v0;
	vm12 =	vgt.f32 v11, $2.000000000e+02  }
0x68: {  	v3 =	vadd.s32 v34, v3;
	v2 =	vshll.u32 v2, $0x6;
	v4 =	vadd.s32 v48, v4  }
0x69: {  	v59 =	vsel vm10, $0x1, v0;
	vm10 =	vgt.f32 v54, $2.000000000e+02;
	v5 =	vadd.s32 v17, v5  }
0x6a: {  	v7 =	vadd.s32 v10, v7;
	v29 =	vsel vm8, $0x1, v0;
	v34 =	vsel vm13, $0x1, v0  }
0x6b: {  	vm8 =	vgt.f32 v11, $1.000000000e+01;
	v46 =	vsel vm12, $0x1, v0;
	vm13 =	vgt.f32 v11, $5.000000000e+02  }
0x6c: {  	v3 =	vadd.s32 v35, v3;
	v2 =	vadd.s32 v39, v2;
	v4 =	vadd.s32 v49, v4  }
0x6d: {  	v19 =	vsel vm10, $0x1, v0;
	v5 =	vadd.s32 v18, v5;
	v6 =	vadd.s32 v25, v7  }
0x6e: {  	vm10 =	vgt.f32 v9, $1.000000000e+02;
	v35 =	vsel vm14, $0x1, v0;
	v39 =	vsel vm6, $0x1, v0  }
0x6f: {  	v47 =	vsel vm13, $0x1, v0;
	vm14 =	vgt.f32 v11, $1.000000000e+03;
	v3 =	vadd.s32 v36, v3  }
0x70: {  	v4 =	vadd.s32 v50, v4;
	v5 =	vadd.s32 v19, v5;
	v6 =	vadd.s32 v26, v6  }
0x71: {  	v31 =	vsel vm10, $0x1, v0;
	v36 =	vsel vm15, $0x1, v0;
	vm10 =	vgt.f32 v11, $5.000000000e+01  }
0x72: {  	v48 =	vsel vm14, $0x1, v0;
	v3 =	vadd.s32 v37, v3;
	v4 =	vadd.s32 v51, v4  }
0x73: {  	v21 =	vld [tilespmem:$0x4B40];
	v5 =	vadd.s32 v20, v5;
	v6 =	vadd.s32 v27, v6;
	v37 =	vsel vm4, $0x1, v0  }
0x74: {  	v3 =	vadd.s32 v38, v3;
	v4 =	vadd.s32 v52, v4;
	v5 =	vadd.s32 v22, v5  }
0x75: {  	v6 =	vadd.s32 v28, v6;
	v38 =	vsel vm5, $0x1, v0;
	v3 =	vadd.s32 v40, v3  }
0x76: {  	v4 =	vadd.s32 v53, v4;
	v5 =	vshll.u32 v5, $0x6;
	v6 =	vadd.s32 v29, v6  }
0x77: {  	v40 =	vsel vm7, $0x1, v0;
	v3 =	vadd.s32 v41, v3;
	v4 =	vadd.s32 v55, v4  }
0x78: {  	v5 =	vadd.s32 v21, v5;
	v6 =	vadd.s32 v30, v6;
	v41 =	vsel vm8, $0x1, v0  }
0x79: {  	v8 =	vld [tilespmem:$0x4B20];
	v3 =	vadd.s32 v42, v3;
	v4 =	vadd.s32 v56, v4;
	v6 =	vadd.s32 v31, v6  }
0x7a: {  	v58 =	vld [tilespmem:$0x4B30];
	v42 =	vsel vm9, $0x1, v0;
	v3 =	vadd.s32 v43, v3;
	v4 =	vadd.s32 v57, v4  }
0x7b: {  	v6 =	vadd.s32 v32, v6;
	v43 =	vld [tilespmem:$0x1970];
	v3 =	vadd.s32 v44, v3;
	v4 =	vadd.s32 v59, v4  }
0x7c: {  	v6 =	vadd.s32 v33, v6;
	v44 =	vsel vm10, $0x1, v0;
	v3 =	vadd.s32 v45, v3  }
0x7d: {  	v4 =	vadd.s32 v60, v4;
	v6 =	vadd.s32 v34, v6;
	v3 =	vshll.u32 v3, $0x6  }
0x7e: {  	v4 =	vshll.u32 v4, $0x6;
	v3 =	vadd.s32 v8, v3;
	v8 =	vadd.s32 v36, v35  }
0x7f: {  	v45 =	vsel vm11, $0x1, v0;
	v4 =	vadd.s32 v58, v4;
	v7 =	vadd.s32 v37, v8  }
0x80: {  	vm15 =	vgt.f32 v43, $0.0e+00;
	vm4 =	vgt.f32 v43, $1.000000010e-01;
	vm5 =	vgt.f32 v43, $5.000000000e-01  }
0x81: {  	vm6 =	vgt.f32 v43, $1.000000000e+00;
	vm7 =	vgt.f32 v43, $2.000000000e+00;
	vm8 =	vgt.f32 v43, $5.000000000e+00  }
0x82: {  	vm9 =	vgt.f32 v43, $1.000000000e+01;
	vm10 =	vgt.f32 v43, $2.000000000e+01;
	vm11 =	vgt.f32 v43, $5.000000000e+01  }
0x83: {  	vm12 =	vgt.f32 v43, $1.000000000e+02;
	vm13 =	vgt.f32 v43, $2.000000000e+02;
	vm14 =	vgt.f32 v43, $5.000000000e+02  }
0x84: {  	v7 =	vadd.s32 v38, v7;
	v49 =	vsel vm15, $0x1, v0;
	v50 =	vsel vm4, $0x1, v0  }
0x85: {  	v51 =	vsel vm5, $0x1, v0;
	v52 =	vsel vm6, $0x1, v0;
	v8 =	vadd.s32 v50, v49  }
0x86: {  	v53 =	vsel vm7, $0x1, v0;
	v7 =	vadd.s32 v39, v7;
	v8 =	vadd.s32 v51, v8  }
0x87: {  	v54 =	vsel vm8, $0x1, v0;
	v7 =	vadd.s32 v40, v7;
	v8 =	vadd.s32 v52, v8  }
0x88: {  	v55 =	vsel vm9, $0x1, v0;
	v7 =	vadd.s32 v41, v7;
	v8 =	vadd.s32 v53, v8  }
0x89: {  	v56 =	vsel vm10, $0x1, v0;
	v7 =	vadd.s32 v42, v7;
	v8 =	vadd.s32 v54, v8  }
0x8a: {  	v58 =	vsel vm11, $0x1, v0;
	v7 =	vadd.s32 v44, v7;
	v8 =	vadd.s32 v55, v8  }
0x8b: {  	[tilespmem:$0x6400] =	vst v1;
	v1 =	vld [tilespmem:$0x4B60];
	v59 =	vsel vm12, $0x1, v0;
	v7 =	vadd.s32 v45, v7;
	v8 =	vadd.s32 v56, v8  }
0x8c: {  	[tilespmem:$0x6410] =	vst v2;
	v57 =	vld [tilespmem:$0x4B50];
	v60 =	vsel vm13, $0x1, v0;
	v7 =	vadd.s32 v46, v7;
	v8 =	vadd.s32 v58, v8  }
0x8d: {  	v61 =	vld [tilespmem:$0x4B70];
	[tilespmem:$0x6420] =	vst v3;
	v3 =	vsel vm14, $0x1, v0;
	v7 =	vadd.s32 v47, v7;
	v2 =	vadd.s32 v59, v8  }
0x8e: {  	vm15 =	vgt.f32 v43, $1.000000000e+03;
	v7 =	vadd.s32 v48, v7;
	v2 =	vadd.s32 v60, v2  }
0x8f: {  	[tilespmem:$0x6440] =	vst v5;
	v62 =	vsel vm15, $0x1, v0;
	v63 =	vshll.u32 v7, $0x6;
	v2 =	vadd.s32 v3, v2  }
0x90: {  	[tilespmem:$0x6430] =	vst v4;
	v3 =	vshll.u32 v6, $0x6;
	v1 =	vadd.s32 v1, v63;
	v2 =	vadd.s32 v62, v2  }
0x91: {  	v3 =	vadd.s32 v57, v3;
	[tilespmem:$0x6460] =	vst v1;
	v2 =	vshll.u32 v2, $0x6  }
0x92: {  	[tilespmem:$0x6450] =	vst v3;
	v1 =	vadd.s32 v61, v2  }
0x93: {  	s1 =	simm.s32 $0x0;
	[tilespmem:$0x6470] =	vst v1  }
0x94: {  	[tilespmem:s22], [sflag:$0x1] =	stream.indirect.gather [hbm4b:s6+s18], $0x40, s21, s18, $0xb8;
	[tilespmem:$0x16500] =	vst v63  }
.LBB2_2:
0x95: {  	p0 =	seq.s32 s1, $0x0  }
0x96: {  	s8 =	simm.s32 @!p0 $0x4  }
0x97: {  	_ =	swait.ge @!p0 [sflag:s8], $0x4000  }
0x98: {  	s0 =	sshll.u32 s1, $0x8;
	[sflag:s8] =	ssyncset.done @!p0 $0x0  }
0x99: {  	s9 =	sor.u32 $0x80, s0;
	[sflag:s8] =	ssyncadd.s32 @!p0 $0xFFFFC000  }
0x9a: {  	[tilespmem:s23], [sflag:$0x2] =	stream.indirect.gather [hbm4b:s2+s18], $0x80, s9, s18, $0xb8;
	[tilespmem:$0x16500] =	vst v63  }
0x9b: {  	s14 =	sadd.s32 $0x3280, s0  }
0x9c: {  	[tilespmem:s24], [sflag:$0x2] =	stream.indirect.gather [hbm4b:s7+s18], $0x40, s14, s18, $0xb8;
	[tilespmem:$0x16500] =	vst v63  }
0x9d: {  	v1 =	vld [tilespmem:s0+$0x1980];
	_ =	sdelay $0x4  }
0x9e: {  	vm0 =	vgt.f32 v1, $0.0e+00;
	vm1 =	vgt.f32 v1, $1.000000010e-01  }
0x9f: {  	vm10 =	vgt.f32 v1, $5.000000000e-01;
	v2 =	vsel vm0, $0x1, v0;
	v3 =	vsel vm1, $0x1, v0  }
0xa0: {  	vm11 =	vgt.f32 v1, $1.000000000e+00;
	v2 =	vadd.s32 v3, v2;
	v3 =	vsel vm10, $0x1, v0  }
0xa1: {  	vm12 =	vgt.f32 v1, $2.000000000e+00;
	v2 =	vadd.s32 v3, v2;
	v3 =	vsel vm11, $0x1, v0  }
0xa2: {  	vm13 =	vgt.f32 v1, $5.000000000e+00;
	v2 =	vadd.s32 v3, v2;
	v3 =	vsel vm12, $0x1, v0  }
0xa3: {  	vm14 =	vgt.f32 v1, $1.000000000e+01;
	v2 =	vadd.s32 v3, v2;
	v3 =	vsel vm13, $0x1, v0  }
0xa4: {  	vm15 =	vgt.f32 v1, $2.000000000e+01;
	v2 =	vadd.s32 v3, v2;
	v3 =	vsel vm14, $0x1, v0  }
0xa5: {  	vm4 =	vgt.f32 v1, $5.000000000e+01;
	v2 =	vadd.s32 v3, v2;
	v3 =	vsel vm15, $0x1, v0  }
0xa6: {  	vm5 =	vgt.f32 v1, $1.000000000e+02;
	v2 =	vadd.s32 v3, v2;
	v3 =	vsel vm4, $0x1, v0  }
0xa7: {  	vm6 =	vgt.f32 v1, $2.000000000e+02;
	v2 =	vadd.s32 v3, v2;
	v3 =	vsel vm5, $0x1, v0  }
0xa8: {  	v4 =	vld [tilespmem:s0+$0x4B80];
	vm7 =	vgt.f32 v1, $5.000000000e+02;
	v2 =	vadd.s32 v3, v2;
	v3 =	vsel vm6, $0x1, v0  }
0xa9: {  	vm8 =	vgt.f32 v1, $1.000000000e+03;
	v2 =	vadd.s32 v3, v2;
	v3 =	vsel vm7, $0x1, v0  }
0xaa: {  	v1 =	vadd.s32 v3, v2;
	v2 =	vsel vm8, $0x1, v0  }
0xab: {  	v1 =	vadd.s32 v2, v1  }
0xac: {  	v1 =	vshll.u32 v1, $0x6  }
0xad: {  	v1 =	vadd.s32 v4, v1  }
0xae: {  	[tilespmem:$0x6480] =	vst v1  }
0xaf: {  	v1 =	vld [tilespmem:s0+$0x1990];
	_ =	sdelay $0x4  }
0xb0: {  	vm9 =	vgt.f32 v1, $0.0e+00;
	vm10 =	vgt.f32 v1, $1.000000010e-01  }
0xb1: {  	vm11 =	vgt.f32 v1, $5.000000000e-01;
	v2 =	vsel vm9, $0x1, v0;
	v3 =	vsel vm10, $0x1, v0  }
0xb2: {  	vm12 =	vgt.f32 v1, $1.000000000e+00;
	v2 =	vadd.s32 v3, v2;
	v3 =	vsel vm11, $0x1, v0  }
0xb3: {  	vm13 =	vgt.f32 v1, $2.000000000e+00;
	v2 =	vadd.s32 v3, v2;
	v3 =	vsel vm12, $0x1, v0  }
0xb4: {  	vm14 =	vgt.f32 v1, $5.000000000e+00;
	v2 =	vadd.s32 v3, v2;
	v3 =	vsel vm13, $0x1, v0  }
0xb5: {  	vm15 =	vgt.f32 v1, $1.000000000e+01;
	v2 =	vadd.s32 v3, v2;
	v3 =	vsel vm14, $0x1, v0  }
0xb6: {  	vm4 =	vgt.f32 v1, $2.000000000e+01;
	v2 =	vadd.s32 v3, v2;
	v3 =	vsel vm15, $0x1, v0  }
0xb7: {  	vm5 =	vgt.f32 v1, $5.000000000e+01;
	v2 =	vadd.s32 v3, v2;
	v3 =	vsel vm4, $0x1, v0  }
0xb8: {  	vm6 =	vgt.f32 v1, $1.000000000e+02;
	v2 =	vadd.s32 v3, v2;
	v3 =	vsel vm5, $0x1, v0  }
0xb9: {  	vm7 =	vgt.f32 v1, $2.000000000e+02;
	v2 =	vadd.s32 v3, v2;
	v3 =	vsel vm6, $0x1, v0  }
0xba: {  	v4 =	vld [tilespmem:s0+$0x4B90];
	vm8 =	vgt.f32 v1, $5.000000000e+02;
	v2 =	vadd.s32 v3, v2;
	v3 =	vsel vm7, $0x1, v0  }
0xbb: {  	vm9 =	vgt.f32 v1, $1.000000000e+03;
	v2 =	vadd.s32 v3, v2;
	v3 =	vsel vm8, $0x1, v0  }
0xbc: {  	v1 =	vadd.s32 v3, v2;
	v2 =	vsel vm9, $0x1, v0  }
0xbd: {  	v1 =	vadd.s32 v2, v1  }
0xbe: {  	v1 =	vshll.u32 v1, $0x6  }
0xbf: {  	v1 =	vadd.s32 v4, v1  }
0xc0: {  	[tilespmem:$0x6490] =	vst v1  }
0xc1: {  	v1 =	vld [tilespmem:s0+$0x19A0];
	_ =	sdelay $0x4  }
0xc2: {  	vm10 =	vgt.f32 v1, $0.0e+00;
	vm11 =	vgt.f32 v1, $1.000000010e-01  }
0xc3: {  	vm12 =	vgt.f32 v1, $5.000000000e-01;
	v2 =	vsel vm10, $0x1, v0;
	v3 =	vsel vm11, $0x1, v0  }
0xc4: {  	vm13 =	vgt.f32 v1, $1.000000000e+00;
	v2 =	vadd.s32 v3, v2;
	v3 =	vsel vm12, $0x1, v0  }
0xc5: {  	vm14 =	vgt.f32 v1, $2.000000000e+00;
	v2 =	vadd.s32 v3, v2;
	v3 =	vsel vm13, $0x1, v0  }
0xc6: {  	vm15 =	vgt.f32 v1, $5.000000000e+00;
	v2 =	vadd.s32 v3, v2;
	v3 =	vsel vm14, $0x1, v0  }
0xc7: {  	vm4 =	vgt.f32 v1, $1.000000000e+01;
	v2 =	vadd.s32 v3, v2;
	v3 =	vsel vm15, $0x1, v0  }
0xc8: {  	vm5 =	vgt.f32 v1, $2.000000000e+01;
	v2 =	vadd.s32 v3, v2;
	v3 =	vsel vm4, $0x1, v0  }
0xc9: {  	vm6 =	vgt.f32 v1, $5.000000000e+01;
	v2 =	vadd.s32 v3, v2;
	v3 =	vsel vm5, $0x1, v0  }
0xca: {  	vm7 =	vgt.f32 v1, $1.000000000e+02;
	v2 =	vadd.s32 v3, v2;
	v3 =	vsel vm6, $0x1, v0  }
0xcb: {  	vm8 =	vgt.f32 v1, $2.000000000e+02;
	v2 =	vadd.s32 v3, v2;
	v3 =	vsel vm7, $0x1, v0  }
0xcc: {  	v4 =	vld [tilespmem:s0+$0x4BA0];
	vm9 =	vgt.f32 v1, $5.000000000e+02;
	v2 =	vadd.s32 v3, v2;
	v3 =	vsel vm8, $0x1, v0  }
0xcd: {  	vm10 =	vgt.f32 v1, $1.000000000e+03;
	v2 =	vadd.s32 v3, v2;
	v3 =	vsel vm9, $0x1, v0  }
0xce: {  	v1 =	vadd.s32 v3, v2;
	v2 =	vsel vm10, $0x1, v0  }
0xcf: {  	v1 =	vadd.s32 v2, v1  }
0xd0: {  	v1 =	vshll.u32 v1, $0x6  }
0xd1: {  	v1 =	vadd.s32 v4, v1  }
0xd2: {  	[tilespmem:$0x64A0] =	vst v1  }
0xd3: {  	v1 =	vld [tilespmem:s0+$0x19B0];
	_ =	sdelay $0x4  }
0xd4: {  	vm11 =	vgt.f32 v1, $0.0e+00;
	vm12 =	vgt.f32 v1, $1.000000010e-01  }
0xd5: {  	vm13 =	vgt.f32 v1, $5.000000000e-01;
	v2 =	vsel vm11, $0x1, v0;
	v3 =	vsel vm12, $0x1, v0  }
0xd6: {  	vm14 =	vgt.f32 v1, $1.000000000e+00;
	v2 =	vadd.s32 v3, v2;
	v3 =	vsel vm13, $0x1, v0  }
0xd7: {  	vm15 =	vgt.f32 v1, $2.000000000e+00;
	v2 =	vadd.s32 v3, v2;
	v3 =	vsel vm14, $0x1, v0  }
0xd8: {  	vm4 =	vgt.f32 v1, $5.000000000e+00;
	v2 =	vadd.s32 v3, v2;
	v3 =	vsel vm15, $0x1, v0  }
0xd9: {  	vm5 =	vgt.f32 v1, $1.000000000e+01;
	v2 =	vadd.s32 v3, v2;
	v3 =	vsel vm4, $0x1, v0  }
0xda: {  	vm6 =	vgt.f32 v1, $2.000000000e+01;
	v2 =	vadd.s32 v3, v2;
	v3 =	vsel vm5, $0x1, v0  }
0xdb: {  	vm7 =	vgt.f32 v1, $5.000000000e+01;
	v2 =	vadd.s32 v3, v2;
	v3 =	vsel vm6, $0x1, v0  }
0xdc: {  	vm8 =	vgt.f32 v1, $1.000000000e+02;
	v2 =	vadd.s32 v3, v2;
	v3 =	vsel vm7, $0x1, v0  }
0xdd: {  	vm9 =	vgt.f32 v1, $2.000000000e+02;
	v2 =	vadd.s32 v3, v2;
	v3 =	vsel vm8, $0x1, v0  }
0xde: {  	v4 =	vld [tilespmem:s0+$0x4BB0];
	vm10 =	vgt.f32 v1, $5.000000000e+02;
	v2 =	vadd.s32 v3, v2;
	v3 =	vsel vm9, $0x1, v0  }
0xdf: {  	vm11 =	vgt.f32 v1, $1.000000000e+03;
	v2 =	vadd.s32 v3, v2;
	v3 =	vsel vm10, $0x1, v0  }
0xe0: {  	v1 =	vadd.s32 v3, v2;
	v2 =	vsel vm11, $0x1, v0  }
0xe1: {  	v1 =	vadd.s32 v2, v1  }
0xe2: {  	v1 =	vshll.u32 v1, $0x6  }
0xe3: {  	v1 =	vadd.s32 v4, v1  }
0xe4: {  	[tilespmem:$0x64B0] =	vst v1  }
0xe5: {  	v1 =	vld [tilespmem:s0+$0x19C0];
	_ =	sdelay $0x4  }
0xe6: {  	vm12 =	vgt.f32 v1, $0.0e+00;
	vm13 =	vgt.f32 v1, $1.000000010e-01  }
0xe7: {  	vm14 =	vgt.f32 v1, $5.000000000e-01;
	v2 =	vsel vm12, $0x1, v0;
	v3 =	vsel vm13, $0x1, v0  }
0xe8: {  	vm15 =	vgt.f32 v1, $1.000000000e+00;
	v2 =	vadd.s32 v3, v2;
	v3 =	vsel vm14, $0x1, v0  }
0xe9: {  	vm4 =	vgt.f32 v1, $2.000000000e+00;
	v2 =	vadd.s32 v3, v2;
	v3 =	vsel vm15, $0x1, v0  }
0xea: {  	vm5 =	vgt.f32 v1, $5.000000000e+00;
	v2 =	vadd.s32 v3, v2;
	v3 =	vsel vm4, $0x1, v0  }
0xeb: {  	vm6 =	vgt.f32 v1, $1.000000000e+01;
	v2 =	vadd.s32 v3, v2;
	v3 =	vsel vm5, $0x1, v0  }
0xec: {  	vm7 =	vgt.f32 v1, $2.000000000e+01;
	v2 =	vadd.s32 v3, v2;
	v3 =	vsel vm6, $0x1, v0  }
0xed: {  	vm8 =	vgt.f32 v1, $5.000000000e+01;
	v2 =	vadd.s32 v3, v2;
	v3 =	vsel vm7, $0x1, v0  }
0xee: {  	vm9 =	vgt.f32 v1, $1.000000000e+02;
	v2 =	vadd.s32 v3, v2;
	v3 =	vsel vm8, $0x1, v0  }
0xef: {  	vm10 =	vgt.f32 v1, $2.000000000e+02;
	v2 =	vadd.s32 v3, v2;
	v3 =	vsel vm9, $0x1, v0  }
0xf0: {  	v4 =	vld [tilespmem:s0+$0x4BC0];
	vm11 =	vgt.f32 v1, $5.000000000e+02;
	v2 =	vadd.s32 v3, v2;
	v3 =	vsel vm10, $0x1, v0  }
0xf1: {  	vm12 =	vgt.f32 v1, $1.000000000e+03;
	v2 =	vadd.s32 v3, v2;
	v3 =	vsel vm11, $0x1, v0  }
0xf2: {  	v1 =	vadd.s32 v3, v2;
	v2 =	vsel vm12, $0x1, v0  }
0xf3: {  	v1 =	vadd.s32 v2, v1  }
0xf4: {  	v1 =	vshll.u32 v1, $0x6  }
0xf5: {  	v1 =	vadd.s32 v4, v1  }
0xf6: {  	[tilespmem:$0x64C0] =	vst v1  }
0xf7: {  	v1 =	vld [tilespmem:s0+$0x19D0];
	_ =	sdelay $0x4  }
0xf8: {  	vm13 =	vgt.f32 v1, $0.0e+00;
	vm14 =	vgt.f32 v1, $1.000000010e-01  }
0xf9: {  	vm15 =	vgt.f32 v1, $5.000000000e-01;
	v2 =	vsel vm13, $0x1, v0;
	v3 =	vsel vm14, $0x1, v0  }
0xfa: {  	vm4 =	vgt.f32 v1, $1.000000000e+00;
	v2 =	vadd.s32 v3, v2;
	v3 =	vsel vm15, $0x1, v0  }
0xfb: {  	vm5 =	vgt.f32 v1, $2.000000000e+00;
	v2 =	vadd.s32 v3, v2;
	v3 =	vsel vm4, $0x1, v0  }
0xfc: {  	vm6 =	vgt.f32 v1, $5.000000000e+00;
	v2 =	vadd.s32 v3, v2;
	v3 =	vsel vm5, $0x1, v0  }
0xfd: {  	vm7 =	vgt.f32 v1, $1.000000000e+01;
	v2 =	vadd.s32 v3, v2;
	v3 =	vsel vm6, $0x1, v0  }
0xfe: {  	vm8 =	vgt.f32 v1, $2.000000000e+01;
	v2 =	vadd.s32 v3, v2;
	v3 =	vsel vm7, $0x1, v0  }
0xff: {  	vm9 =	vgt.f32 v1, $5.000000000e+01;
	v2 =	vadd.s32 v3, v2;
	v3 =	vsel vm8, $0x1, v0  }
0x100: {  	vm10 =	vgt.f32 v1, $1.000000000e+02;
	v2 =	vadd.s32 v3, v2;
	v3 =	vsel vm9, $0x1, v0  }
0x101: {  	vm11 =	vgt.f32 v1, $2.000000000e+02;
	v2 =	vadd.s32 v3, v2;
	v3 =	vsel vm10, $0x1, v0  }
0x102: {  	v4 =	vld [tilespmem:s0+$0x4BD0];
	vm12 =	vgt.f32 v1, $5.000000000e+02;
	v2 =	vadd.s32 v3, v2;
	v3 =	vsel vm11, $0x1, v0  }
0x103: {  	vm13 =	vgt.f32 v1, $1.000000000e+03;
	v2 =	vadd.s32 v3, v2;
	v3 =	vsel vm12, $0x1, v0  }
0x104: {  	v1 =	vadd.s32 v3, v2;
	v2 =	vsel vm13, $0x1, v0  }
0x105: {  	v1 =	vadd.s32 v2, v1  }
0x106: {  	v1 =	vshll.u32 v1, $0x6  }
0x107: {  	v1 =	vadd.s32 v4, v1  }
0x108: {  	[tilespmem:$0x64D0] =	vst v1  }
0x109: {  	v1 =	vld [tilespmem:s0+$0x19E0];
	_ =	sdelay $0x4  }
0x10a: {  	vm14 =	vgt.f32 v1, $0.0e+00;
	vm15 =	vgt.f32 v1, $1.000000010e-01  }
0x10b: {  	vm4 =	vgt.f32 v1, $5.000000000e-01;
	v2 =	vsel vm14, $0x1, v0;
	v3 =	vsel vm15, $0x1, v0  }
0x10c: {  	vm5 =	vgt.f32 v1, $1.000000000e+00;
	v2 =	vadd.s32 v3, v2;
	v3 =	vsel vm4, $0x1, v0  }
0x10d: {  	vm6 =	vgt.f32 v1, $2.000000000e+00;
	v2 =	vadd.s32 v3, v2;
	v3 =	vsel vm5, $0x1, v0  }
0x10e: {  	vm7 =	vgt.f32 v1, $5.000000000e+00;
	v2 =	vadd.s32 v3, v2;
	v3 =	vsel vm6, $0x1, v0  }
0x10f: {  	vm8 =	vgt.f32 v1, $1.000000000e+01;
	v2 =	vadd.s32 v3, v2;
	v3 =	vsel vm7, $0x1, v0  }
0x110: {  	vm9 =	vgt.f32 v1, $2.000000000e+01;
	v2 =	vadd.s32 v3, v2;
	v3 =	vsel vm8, $0x1, v0  }
0x111: {  	vm10 =	vgt.f32 v1, $5.000000000e+01;
	v2 =	vadd.s32 v3, v2;
	v3 =	vsel vm9, $0x1, v0  }
0x112: {  	vm11 =	vgt.f32 v1, $1.000000000e+02;
	v2 =	vadd.s32 v3, v2;
	v3 =	vsel vm10, $0x1, v0  }
0x113: {  	vm12 =	vgt.f32 v1, $2.000000000e+02;
	v2 =	vadd.s32 v3, v2;
	v3 =	vsel vm11, $0x1, v0  }
0x114: {  	v4 =	vld [tilespmem:s0+$0x4BE0];
	vm13 =	vgt.f32 v1, $5.000000000e+02;
	v2 =	vadd.s32 v3, v2;
	v3 =	vsel vm12, $0x1, v0  }
0x115: {  	vm14 =	vgt.f32 v1, $1.000000000e+03;
	v2 =	vadd.s32 v3, v2;
	v3 =	vsel vm13, $0x1, v0  }
0x116: {  	v1 =	vadd.s32 v3, v2;
	v2 =	vsel vm14, $0x1, v0  }
0x117: {  	v1 =	vadd.s32 v2, v1  }
0x118: {  	v1 =	vshll.u32 v1, $0x6  }
0x119: {  	v1 =	vadd.s32 v4, v1  }
0x11a: {  	[tilespmem:$0x64E0] =	vst v1  }
0x11b: {  	v1 =	vld [tilespmem:s0+$0x19F0];
	_ =	sdelay $0x4  }
0x11c: {  	vm15 =	vgt.f32 v1, $0.0e+00;
	vm4 =	vgt.f32 v1, $1.000000010e-01  }
0x11d: {  	vm5 =	vgt.f32 v1, $5.000000000e-01;
	v2 =	vsel vm15, $0x1, v0;
	v3 =	vsel vm4, $0x1, v0  }
0x11e: {  	vm6 =	vgt.f32 v1, $1.000000000e+00;
	v2 =	vadd.s32 v3, v2;
	v3 =	vsel vm5, $0x1, v0  }
0x11f: {  	vm7 =	vgt.f32 v1, $2.000000000e+00;
	v2 =	vadd.s32 v3, v2;
	v3 =	vsel vm6, $0x1, v0  }
0x120: {  	vm8 =	vgt.f32 v1, $5.000000000e+00;
	v2 =	vadd.s32 v3, v2;
	v3 =	vsel vm7, $0x1, v0  }
0x121: {  	vm9 =	vgt.f32 v1, $1.000000000e+01;
	v2 =	vadd.s32 v3, v2;
	v3 =	vsel vm8, $0x1, v0  }
0x122: {  	vm10 =	vgt.f32 v1, $2.000000000e+01;
	v2 =	vadd.s32 v3, v2;
	v3 =	vsel vm9, $0x1, v0  }
0x123: {  	vm11 =	vgt.f32 v1, $5.000000000e+01;
	v2 =	vadd.s32 v3, v2;
	v3 =	vsel vm10, $0x1, v0  }
0x124: {  	vm12 =	vgt.f32 v1, $1.000000000e+02;
	v2 =	vadd.s32 v3, v2;
	v3 =	vsel vm11, $0x1, v0  }
0x125: {  	vm13 =	vgt.f32 v1, $2.000000000e+02;
	v2 =	vadd.s32 v3, v2;
	v3 =	vsel vm12, $0x1, v0  }
0x126: {  	v4 =	vld [tilespmem:s0+$0x4BF0];
	vm14 =	vgt.f32 v1, $5.000000000e+02;
	v2 =	vadd.s32 v3, v2;
	v3 =	vsel vm13, $0x1, v0  }
0x127: {  	vm15 =	vgt.f32 v1, $1.000000000e+03;
	v2 =	vadd.s32 v3, v2;
	v3 =	vsel vm14, $0x1, v0  }
0x128: {  	v1 =	vadd.s32 v3, v2;
	v2 =	vsel vm15, $0x1, v0  }
0x129: {  	v1 =	vadd.s32 v2, v1  }
0x12a: {  	v1 =	vshll.u32 v1, $0x6  }
0x12b: {  	v1 =	vadd.s32 v4, v1  }
0x12c: {  	[tilespmem:$0x64F0] =	vst v1  }
0x12d: {  	[tilespmem:s26], [sflag:$0x2] =	stream.indirect.gather [hbm4b:s6+s18], $0x40, s25, s18, $0xb8;
	[tilespmem:$0x16500] =	vst v63  }
0x12e: {  	_ =	swait.ge [sflag:s28], $0x4000  }
0x12f: {  	[sflag:s28] =	ssyncset.done $0x0  }
0x130: {  	[sflag:s28] =	ssyncadd.s32 $0xFFFFC000  }
0x131: {  	_ =	swait.ge [sflag:s28], $0x2000  }
0x132: {  	[sflag:s28] =	ssyncset.done $0x0  }
0x133: {  	[sflag:s28] =	ssyncadd.s32 $0xFFFFE000  }
0x134: {  	_ =	swait.ge [sflag:s28], $0x2000  }
0x135: {  	[sflag:s28] =	ssyncset.done $0x0  }
0x136: {  	s15 =	simm.s32 $0x0;
	[sflag:s28] =	ssyncadd.s32 $0xFFFFE000  }
0x137: {  	v1 =	vld [tilespmem:s15+$0x6500]  }
0x138: {  	v2 =	vld [tilespmem:s15+$0xA500];
	_ =	sdelay $0x1  }
0x139: {  	s14 =	simm.s32 $0xE540  }
0x13a: {  	v3 =	vld [tilespmem:s14+$0xFFFFFFC0]  }
0x13b: {  	v4 =	vld [tilespmem:s14+$0x0]  }
0x13c: {  	v1 =	vadd.bf16 v2, v1;
	_ =	sdelay $0x1  }
0x13d: {  	v2 =	vunpack.i.l.bf16.f32 v1  }
0x13e: {  	v1 =	vunpack.i.u.bf16.f32 v1;
	v2 =	vadd.f32 v3, v2  }
0x13f: {  	v3 =	vadd.f32 v4, v1  }
0x140: {  	[tilespmem:s14+$0xFFFFFFC0] =	vst v2  }
0x141: {  	[tilespmem:s14+$0x0] =	vst v3  }
0x142: {  	v2 =	vld [tilespmem:s15+$0x6510]  }
0x143: {  	v3 =	vld [tilespmem:s15+$0xA510];
	_ =	sdelay $0x2  }
0x144: {  	v4 =	vld [tilespmem:s14+$0xFFFFFFD0]  }
0x145: {  	v5 =	vld [tilespmem:s14+$0x10]  }
0x146: {  	v2 =	vadd.bf16 v3, v2;
	_ =	sdelay $0x1  }
0x147: {  	v3 =	vunpack.i.l.bf16.f32 v2  }
0x148: {  	v2 =	vunpack.i.u.bf16.f32 v2;
	v3 =	vadd.f32 v4, v3  }
0x149: {  	v2 =	vadd.f32 v5, v2  }
0x14a: {  	[tilespmem:s14+$0xFFFFFFD0] =	vst v3  }
0x14b: {  	[tilespmem:s14+$0x10] =	vst v2  }
0x14c: {  	v2 =	vld [tilespmem:s15+$0x6520]  }
0x14d: {  	v3 =	vld [tilespmem:s15+$0xA520];
	_ =	sdelay $0x2  }
0x14e: {  	v4 =	vld [tilespmem:s14+$0xFFFFFFE0]  }
0x14f: {  	v5 =	vld [tilespmem:s14+$0x20]  }
0x150: {  	v2 =	vadd.bf16 v3, v2;
	_ =	sdelay $0x1  }
0x151: {  	v3 =	vunpack.i.l.bf16.f32 v2  }
0x152: {  	v2 =	vunpack.i.u.bf16.f32 v2;
	v3 =	vadd.f32 v4, v3  }
0x153: {  	v4 =	vadd.f32 v5, v2  }
0x154: {  	v1 =	vld [tilespmem:s14+$0x30];
	[tilespmem:s14+$0xFFFFFFE0] =	vst v3  }
0x155: {  	v2 =	vld [tilespmem:s14+$0xFFFFFFF0];
	[tilespmem:s14+$0x20] =	vst v4  }
0x156: {  	v3 =	vld [tilespmem:s15+$0x6530]  }
0x157: {  	s16 =	simm.s32 $0x100;
	v4 =	vld [tilespmem:s15+$0xA530];
	s15 =	simm.s32 $0xE540  }
.LBB2_3:
0x158: {  	_ = 	snop  }
0x159: {  	p0 =	sne.s32 s16, $0x7F00  }
0x15a: {  	s14 =	sadd.s32 $0x80, s14;
	s8 =	smov.u32 s16;
	s16 =	sadd.s32 $0x100, s16  }
0x15b: {  	_ = 	snop  }
0x15c: {  	v3 =	vadd.bf16 v4, v3;
	_ =	sdelay $0x1  }
0x15d: {  	v4 =	vunpack.i.u.bf16.f32 v3;
	v3 =	vunpack.i.l.bf16.f32 v3  }
0x15e: {  	v2 =	vadd.f32 v2, v3;
	v1 =	vadd.f32 v1, v4;
	_ =	sdelay $0x1  }
0x15f: {  	[tilespmem:s15+$0xFFFFFFF0] =	vst v2  }
0x160: {  	s8 =	sshra.s32 s8, $0x2;
	[tilespmem:s15+$0x30] =	vst v1;
	s15 =	smov.u32 s14  }
0x161: {  	v2 =	vld [tilespmem:s8+$0x6500]  }
0x162: {  	v3 =	vld [tilespmem:s8+$0xA500]  }
0x163: {  	v1 =	vld [tilespmem:s14+$0x30]  }
0x164: {  	v4 =	vld [tilespmem:s14+$0x0]  }
0x165: {  	v5 =	vld [tilespmem:s14+$0xFFFFFFC0];
	_ =	sdelay $0x1  }
0x166: {  	v2 =	vadd.bf16 v3, v2;
	_ =	sdelay $0x1  }
0x167: {  	v3 =	vunpack.i.u.bf16.f32 v2;
	v2 =	vunpack.i.l.bf16.f32 v2  }
0x168: {  	v2 =	vadd.f32 v5, v2;
	v3 =	vadd.f32 v4, v3;
	_ =	sdelay $0x1  }
0x169: {  	[tilespmem:s14+$0xFFFFFFC0] =	vst v2  }
0x16a: {  	[tilespmem:s14+$0x0] =	vst v3  }
0x16b: {  	v2 =	vld [tilespmem:s8+$0x6510]  }
0x16c: {  	v3 =	vld [tilespmem:s8+$0xA510];
	_ =	sdelay $0x1  }
0x16d: {  	v4 =	vld [tilespmem:s14+$0x10]  }
0x16e: {  	v5 =	vld [tilespmem:s14+$0xFFFFFFD0];
	_ =	sdelay $0x1  }
0x16f: {  	v2 =	vadd.bf16 v3, v2;
	_ =	sdelay $0x1  }
0x170: {  	v3 =	vunpack.i.u.bf16.f32 v2;
	v2 =	vunpack.i.l.bf16.f32 v2  }
0x171: {  	v2 =	vadd.f32 v5, v2;
	v3 =	vadd.f32 v4, v3;
	_ =	sdelay $0x1  }
0x172: {  	[tilespmem:s14+$0xFFFFFFD0] =	vst v2  }
0x173: {  	[tilespmem:s14+$0x10] =	vst v3  }
0x174: {  	v2 =	vld [tilespmem:s8+$0x6520]  }
0x175: {  	v3 =	vld [tilespmem:s8+$0xA520];
	_ =	sdelay $0x1  }
0x176: {  	v4 =	vld [tilespmem:s14+$0x20]  }
0x177: {  	v5 =	vld [tilespmem:s14+$0xFFFFFFE0];
	_ =	sdelay $0x1  }
0x178: {  	v2 =	vadd.bf16 v3, v2;
	_ =	sdelay $0x1  }
0x179: {  	v3 =	vunpack.i.u.bf16.f32 v2;
	v2 =	vunpack.i.l.bf16.f32 v2  }
0x17a: {  	v5 =	vadd.f32 v5, v2;
	v3 =	vadd.f32 v4, v3  }
.Ltmp0:
0x17b: {  	v2 =	vld [tilespmem:s14+$0xFFFFFFF0];
	(pc) =	sbr.rel @p0 .LBB2_3-.Ltmp0, $4  }
0x17c: {  	[tilespmem:s14+$0xFFFFFFE0] =	vst v5  }
0x17d: {  	[tilespmem:s14+$0x20] =	vst v3  }
0x17e: {  	v3 =	vld [tilespmem:s8+$0x6530]  }
0x17f: {  	v4 =	vld [tilespmem:s8+$0xA530]  }
0x180: {  	_ =	sdelay $0x3  }
0x181: {  	v3 =	vadd.bf16 v4, v3;
	_ =	sdelay $0x1  }
0x182: {  	p0 =	seq.s32 s1, $0x18;
	v4 =	vunpack.i.l.bf16.f32 v3  }
.Ltmp1:
0x183: {  	v3 =	vunpack.i.u.bf16.f32 v3;
	v2 =	vadd.f32 v2, v4;
	(pc) =	sbr.rel @p0 .LBB2_6-.Ltmp1, $4  }
0x184: {  	s8 =	sadd.s32 s4, s0;
	v1 =	vadd.f32 v1, v3  }
0x185: {  	s14 =	sshll.u32 s8, $0x4;
	[tilespmem:s15+$0xFFFFFFF0] =	vst v2  }
0x186: {  	s8 =	sadd.s32 s3, s14;
	[tilespmem:s15+$0x30] =	vst v1  }
0x187: {  	[hbm4b:s8+s5] =	stream.linear.scatter [tilespmem:s19], [sflag:$0x3], $0x4000, $0x38;
	[tilespmem:$0x16500] =	vst v63  }
0x188: {  	_ =	swait.ge [sflag:s17], $0x4000  }
0x189: {  	[sflag:s17] =	ssyncset.done $0x0  }
0x18a: {  	s8 =	sadd.s32 $0x100, s0;
	[sflag:s17] =	ssyncadd.s32 $0xFFFFC000  }
0x18b: {  	[tilespmem:s19], [sflag:$0x1] =	stream.indirect.gather [hbm4b:s2+s18], $0x80, s8, s18, $0xb8;
	[tilespmem:$0x16500] =	vst v63  }
0x18c: {  	s16 =	sadd.s32 $0x3300, s0  }
0x18d: {  	[tilespmem:s20], [sflag:$0x1] =	stream.indirect.gather [hbm4b:s7+s18], $0x40, s16, s18, $0xb8;
	[tilespmem:$0x16500] =	vst v63  }
0x18e: {  	v1 =	vld [tilespmem:s0+$0x1A00];
	_ =	sdelay $0x4  }
0x18f: {  	vm0 =	vgt.f32 v1, $0.0e+00;
	vm1 =	vgt.f32 v1, $1.000000010e-01  }
0x190: {  	vm10 =	vgt.f32 v1, $5.000000000e-01;
	v2 =	vsel vm0, $0x1, v0;
	v3 =	vsel vm1, $0x1, v0  }
0x191: {  	vm11 =	vgt.f32 v1, $1.000000000e+00;
	v2 =	vadd.s32 v3, v2;
	v3 =	vsel vm10, $0x1, v0  }
0x192: {  	vm12 =	vgt.f32 v1, $2.000000000e+00;
	v2 =	vadd.s32 v3, v2;
	v3 =	vsel vm11, $0x1, v0  }
0x193: {  	vm13 =	vgt.f32 v1, $5.000000000e+00;
	v2 =	vadd.s32 v3, v2;
	v3 =	vsel vm12, $0x1, v0  }
0x194: {  	vm14 =	vgt.f32 v1, $1.000000000e+01;
	v2 =	vadd.s32 v3, v2;
	v3 =	vsel vm13, $0x1, v0  }
0x195: {  	vm15 =	vgt.f32 v1, $2.000000000e+01;
	v2 =	vadd.s32 v3, v2;
	v3 =	vsel vm14, $0x1, v0  }
0x196: {  	vm4 =	vgt.f32 v1, $5.000000000e+01;
	v2 =	vadd.s32 v3, v2;
	v3 =	vsel vm15, $0x1, v0  }
0x197: {  	vm5 =	vgt.f32 v1, $1.000000000e+02;
	v2 =	vadd.s32 v3, v2;
	v3 =	vsel vm4, $0x1, v0  }
0x198: {  	vm6 =	vgt.f32 v1, $2.000000000e+02;
	v2 =	vadd.s32 v3, v2;
	v3 =	vsel vm5, $0x1, v0  }
0x199: {  	v4 =	vld [tilespmem:s0+$0x4C00];
	vm7 =	vgt.f32 v1, $5.000000000e+02;
	v2 =	vadd.s32 v3, v2;
	v3 =	vsel vm6, $0x1, v0  }
0x19a: {  	vm8 =	vgt.f32 v1, $1.000000000e+03;
	v2 =	vadd.s32 v3, v2;
	v3 =	vsel vm7, $0x1, v0  }
0x19b: {  	v1 =	vadd.s32 v3, v2;
	v2 =	vsel vm8, $0x1, v0  }
0x19c: {  	v1 =	vadd.s32 v2, v1  }
0x19d: {  	v1 =	vshll.u32 v1, $0x6  }
0x19e: {  	v1 =	vadd.s32 v4, v1  }
0x19f: {  	[tilespmem:$0x6400] =	vst v1  }
0x1a0: {  	v1 =	vld [tilespmem:s0+$0x1A10];
	_ =	sdelay $0x4  }
0x1a1: {  	vm9 =	vgt.f32 v1, $0.0e+00;
	vm10 =	vgt.f32 v1, $1.000000010e-01  }
0x1a2: {  	vm11 =	vgt.f32 v1, $5.000000000e-01;
	v2 =	vsel vm9, $0x1, v0;
	v3 =	vsel vm10, $0x1, v0  }
0x1a3: {  	vm12 =	vgt.f32 v1, $1.000000000e+00;
	v2 =	vadd.s32 v3, v2;
	v3 =	vsel vm11, $0x1, v0  }
0x1a4: {  	vm13 =	vgt.f32 v1, $2.000000000e+00;
	v2 =	vadd.s32 v3, v2;
	v3 =	vsel vm12, $0x1, v0  }
0x1a5: {  	vm14 =	vgt.f32 v1, $5.000000000e+00;
	v2 =	vadd.s32 v3, v2;
	v3 =	vsel vm13, $0x1, v0  }
0x1a6: {  	vm15 =	vgt.f32 v1, $1.000000000e+01;
	v2 =	vadd.s32 v3, v2;
	v3 =	vsel vm14, $0x1, v0  }
0x1a7: {  	vm4 =	vgt.f32 v1, $2.000000000e+01;
	v2 =	vadd.s32 v3, v2;
	v3 =	vsel vm15, $0x1, v0  }
0x1a8: {  	vm5 =	vgt.f32 v1, $5.000000000e+01;
	v2 =	vadd.s32 v3, v2;
	v3 =	vsel vm4, $0x1, v0  }
0x1a9: {  	vm6 =	vgt.f32 v1, $1.000000000e+02;
	v2 =	vadd.s32 v3, v2;
	v3 =	vsel vm5, $0x1, v0  }
0x1aa: {  	vm7 =	vgt.f32 v1, $2.000000000e+02;
	v2 =	vadd.s32 v3, v2;
	v3 =	vsel vm6, $0x1, v0  }
0x1ab: {  	v57 =	vld [tilespmem:s0+$0x4C10];
	vm8 =	vgt.f32 v1, $5.000000000e+02;
	v2 =	vadd.s32 v3, v2;
	v3 =	vsel vm7, $0x1, v0  }
0x1ac: {  	vm9 =	vgt.f32 v1, $1.000000000e+03;
	v2 =	vadd.s32 v3, v2;
	v3 =	vsel vm8, $0x1, v0  }
0x1ad: {  	v1 =	vadd.s32 v3, v2;
	v2 =	vsel vm9, $0x1, v0  }
0x1ae: {  	v1 =	vadd.s32 v2, v1  }
0x1af: {  	v1 =	vshll.u32 v1, $0x6  }
0x1b0: {  	v1 =	vadd.s32 v57, v1  }
0x1b1: {  	[tilespmem:$0x6410] =	vst v1  }
0x1b2: {  	v1 =	vld [tilespmem:s0+$0x1A20];
	_ =	sdelay $0x4  }
0x1b3: {  	vm10 =	vgt.f32 v1, $0.0e+00;
	vm11 =	vgt.f32 v1, $1.000000010e-01  }
0x1b4: {  	vm12 =	vgt.f32 v1, $5.000000000e-01;
	v2 =	vsel vm10, $0x1, v0;
	v3 =	vsel vm11, $0x1, v0  }
0x1b5: {  	vm13 =	vgt.f32 v1, $1.000000000e+00;
	v2 =	vadd.s32 v3, v2;
	v3 =	vsel vm12, $0x1, v0  }
0x1b6: {  	vm14 =	vgt.f32 v1, $2.000000000e+00;
	v2 =	vadd.s32 v3, v2;
	v3 =	vsel vm13, $0x1, v0  }
0x1b7: {  	vm15 =	vgt.f32 v1, $5.000000000e+00;
	v2 =	vadd.s32 v3, v2;
	v3 =	vsel vm14, $0x1, v0  }
0x1b8: {  	vm4 =	vgt.f32 v1, $1.000000000e+01;
	v2 =	vadd.s32 v3, v2;
	v3 =	vsel vm15, $0x1, v0  }
0x1b9: {  	vm5 =	vgt.f32 v1, $2.000000000e+01;
	v2 =	vadd.s32 v3, v2;
	v3 =	vsel vm4, $0x1, v0  }
0x1ba: {  	vm6 =	vgt.f32 v1, $5.000000000e+01;
	v2 =	vadd.s32 v3, v2;
	v3 =	vsel vm5, $0x1, v0  }
0x1bb: {  	vm7 =	vgt.f32 v1, $1.000000000e+02;
	v2 =	vadd.s32 v3, v2;
	v3 =	vsel vm6, $0x1, v0  }
0x1bc: {  	vm8 =	vgt.f32 v1, $2.000000000e+02;
	v2 =	vadd.s32 v3, v2;
	v3 =	vsel vm7, $0x1, v0  }
0x1bd: {  	v58 =	vld [tilespmem:s0+$0x4C20];
	vm9 =	vgt.f32 v1, $5.000000000e+02;
	v2 =	vadd.s32 v3, v2;
	v3 =	vsel vm8, $0x1, v0  }
0x1be: {  	vm10 =	vgt.f32 v1, $1.000000000e+03;
	v2 =	vadd.s32 v3, v2;
	v3 =	vsel vm9, $0x1, v0  }
0x1bf: {  	v1 =	vadd.s32 v3, v2;
	v2 =	vsel vm10, $0x1, v0  }
0x1c0: {  	v1 =	vadd.s32 v2, v1  }
0x1c1: {  	v1 =	vshll.u32 v1, $0x6  }
0x1c2: {  	v1 =	vadd.s32 v58, v1  }
0x1c3: {  	[tilespmem:$0x6420] =	vst v1  }
0x1c4: {  	v1 =	vld [tilespmem:s0+$0x1A30];
	_ =	sdelay $0x4  }
0x1c5: {  	vm11 =	vgt.f32 v1, $0.0e+00;
	vm12 =	vgt.f32 v1, $1.000000010e-01  }
0x1c6: {  	vm13 =	vgt.f32 v1, $5.000000000e-01;
	v2 =	vsel vm11, $0x1, v0;
	v3 =	vsel vm12, $0x1, v0  }
0x1c7: {  	vm14 =	vgt.f32 v1, $1.000000000e+00;
	v2 =	vadd.s32 v3, v2;
	v3 =	vsel vm13, $0x1, v0  }
0x1c8: {  	vm15 =	vgt.f32 v1, $2.000000000e+00;
	v2 =	vadd.s32 v3, v2;
	v3 =	vsel vm14, $0x1, v0  }
0x1c9: {  	vm4 =	vgt.f32 v1, $5.000000000e+00;
	v2 =	vadd.s32 v3, v2;
	v3 =	vsel vm15, $0x1, v0  }
0x1ca: {  	vm5 =	vgt.f32 v1, $1.000000000e+01;
	v2 =	vadd.s32 v3, v2;
	v3 =	vsel vm4, $0x1, v0  }
0x1cb: {  	vm6 =	vgt.f32 v1, $2.000000000e+01;
	v2 =	vadd.s32 v3, v2;
	v3 =	vsel vm5, $0x1, v0  }
0x1cc: {  	vm7 =	vgt.f32 v1, $5.000000000e+01;
	v2 =	vadd.s32 v3, v2;
	v3 =	vsel vm6, $0x1, v0  }
0x1cd: {  	vm8 =	vgt.f32 v1, $1.000000000e+02;
	v2 =	vadd.s32 v3, v2;
	v3 =	vsel vm7, $0x1, v0  }
0x1ce: {  	vm9 =	vgt.f32 v1, $2.000000000e+02;
	v2 =	vadd.s32 v3, v2;
	v3 =	vsel vm8, $0x1, v0  }
0x1cf: {  	v59 =	vld [tilespmem:s0+$0x4C30];
	vm10 =	vgt.f32 v1, $5.000000000e+02;
	v2 =	vadd.s32 v3, v2;
	v3 =	vsel vm9, $0x1, v0  }
0x1d0: {  	vm11 =	vgt.f32 v1, $1.000000000e+03;
	v2 =	vadd.s32 v3, v2;
	v3 =	vsel vm10, $0x1, v0  }
0x1d1: {  	v1 =	vadd.s32 v3, v2;
	v2 =	vsel vm11, $0x1, v0  }
0x1d2: {  	v1 =	vadd.s32 v2, v1  }
0x1d3: {  	v1 =	vshll.u32 v1, $0x6  }
0x1d4: {  	v1 =	vadd.s32 v59, v1  }
0x1d5: {  	[tilespmem:$0x6430] =	vst v1  }
0x1d6: {  	v1 =	vld [tilespmem:s0+$0x1A40];
	_ =	sdelay $0x4  }
0x1d7: {  	vm12 =	vgt.f32 v1, $0.0e+00;
	vm13 =	vgt.f32 v1, $1.000000010e-01  }
0x1d8: {  	vm14 =	vgt.f32 v1, $5.000000000e-01;
	v2 =	vsel vm12, $0x1, v0;
	v3 =	vsel vm13, $0x1, v0  }
0x1d9: {  	vm15 =	vgt.f32 v1, $1.000000000e+00;
	v2 =	vadd.s32 v3, v2;
	v3 =	vsel vm14, $0x1, v0  }
0x1da: {  	vm4 =	vgt.f32 v1, $2.000000000e+00;
	v2 =	vadd.s32 v3, v2;
	v3 =	vsel vm15, $0x1, v0  }
0x1db: {  	vm5 =	vgt.f32 v1, $5.000000000e+00;
	v2 =	vadd.s32 v3, v2;
	v3 =	vsel vm4, $0x1, v0  }
0x1dc: {  	vm6 =	vgt.f32 v1, $1.000000000e+01;
	v2 =	vadd.s32 v3, v2;
	v3 =	vsel vm5, $0x1, v0  }
0x1dd: {  	vm7 =	vgt.f32 v1, $2.000000000e+01;
	v2 =	vadd.s32 v3, v2;
	v3 =	vsel vm6, $0x1, v0  }
0x1de: {  	vm8 =	vgt.f32 v1, $5.000000000e+01;
	v2 =	vadd.s32 v3, v2;
	v3 =	vsel vm7, $0x1, v0  }
0x1df: {  	vm9 =	vgt.f32 v1, $1.000000000e+02;
	v2 =	vadd.s32 v3, v2;
	v3 =	vsel vm8, $0x1, v0  }
0x1e0: {  	vm10 =	vgt.f32 v1, $2.000000000e+02;
	v2 =	vadd.s32 v3, v2;
	v3 =	vsel vm9, $0x1, v0  }
0x1e1: {  	v60 =	vld [tilespmem:s0+$0x4C40];
	vm11 =	vgt.f32 v1, $5.000000000e+02;
	v2 =	vadd.s32 v3, v2;
	v3 =	vsel vm10, $0x1, v0  }
0x1e2: {  	vm12 =	vgt.f32 v1, $1.000000000e+03;
	v2 =	vadd.s32 v3, v2;
	v3 =	vsel vm11, $0x1, v0  }
0x1e3: {  	v1 =	vadd.s32 v3, v2;
	v2 =	vsel vm12, $0x1, v0  }
0x1e4: {  	v1 =	vadd.s32 v2, v1  }
0x1e5: {  	v1 =	vshll.u32 v1, $0x6  }
0x1e6: {  	v1 =	vadd.s32 v60, v1  }
0x1e7: {  	[tilespmem:$0x6440] =	vst v1  }
0x1e8: {  	v1 =	vld [tilespmem:s0+$0x1A50];
	_ =	sdelay $0x4  }
0x1e9: {  	vm13 =	vgt.f32 v1, $0.0e+00;
	vm14 =	vgt.f32 v1, $1.000000010e-01  }
0x1ea: {  	vm15 =	vgt.f32 v1, $5.000000000e-01;
	v2 =	vsel vm13, $0x1, v0;
	v3 =	vsel vm14, $0x1, v0  }
0x1eb: {  	vm4 =	vgt.f32 v1, $1.000000000e+00;
	v2 =	vadd.s32 v3, v2;
	v3 =	vsel vm15, $0x1, v0  }
0x1ec: {  	vm5 =	vgt.f32 v1, $2.000000000e+00;
	v2 =	vadd.s32 v3, v2;
	v3 =	vsel vm4, $0x1, v0  }
0x1ed: {  	vm6 =	vgt.f32 v1, $5.000000000e+00;
	v2 =	vadd.s32 v3, v2;
	v3 =	vsel vm5, $0x1, v0  }
0x1ee: {  	vm7 =	vgt.f32 v1, $1.000000000e+01;
	v2 =	vadd.s32 v3, v2;
	v3 =	vsel vm6, $0x1, v0  }
0x1ef: {  	vm8 =	vgt.f32 v1, $2.000000000e+01;
	v2 =	vadd.s32 v3, v2;
	v3 =	vsel vm7, $0x1, v0  }
0x1f0: {  	vm9 =	vgt.f32 v1, $5.000000000e+01;
	v2 =	vadd.s32 v3, v2;
	v3 =	vsel vm8, $0x1, v0  }
0x1f1: {  	vm10 =	vgt.f32 v1, $1.000000000e+02;
	v2 =	vadd.s32 v3, v2;
	v3 =	vsel vm9, $0x1, v0  }
0x1f2: {  	vm11 =	vgt.f32 v1, $2.000000000e+02;
	v2 =	vadd.s32 v3, v2;
	v3 =	vsel vm10, $0x1, v0  }
0x1f3: {  	v61 =	vld [tilespmem:s0+$0x4C50];
	vm12 =	vgt.f32 v1, $5.000000000e+02;
	v2 =	vadd.s32 v3, v2;
	v3 =	vsel vm11, $0x1, v0  }
0x1f4: {  	vm13 =	vgt.f32 v1, $1.000000000e+03;
	v2 =	vadd.s32 v3, v2;
	v3 =	vsel vm12, $0x1, v0  }
0x1f5: {  	v1 =	vadd.s32 v3, v2;
	v2 =	vsel vm13, $0x1, v0  }
0x1f6: {  	v1 =	vadd.s32 v2, v1  }
0x1f7: {  	v1 =	vshll.u32 v1, $0x6  }
0x1f8: {  	v1 =	vadd.s32 v61, v1  }
0x1f9: {  	[tilespmem:$0x6450] =	vst v1  }
0x1fa: {  	v1 =	vld [tilespmem:s0+$0x1A60];
	_ =	sdelay $0x4  }
0x1fb: {  	vm14 =	vgt.f32 v1, $0.0e+00;
	vm15 =	vgt.f32 v1, $1.000000010e-01  }
0x1fc: {  	vm4 =	vgt.f32 v1, $5.000000000e-01;
	v2 =	vsel vm14, $0x1, v0;
	v3 =	vsel vm15, $0x1, v0  }
0x1fd: {  	vm5 =	vgt.f32 v1, $1.000000000e+00;
	v2 =	vadd.s32 v3, v2;
	v3 =	vsel vm4, $0x1, v0  }
0x1fe: {  	vm6 =	vgt.f32 v1, $2.000000000e+00;
	v2 =	vadd.s32 v3, v2;
	v3 =	vsel vm5, $0x1, v0  }
0x1ff: {  	vm7 =	vgt.f32 v1, $5.000000000e+00;
	v2 =	vadd.s32 v3, v2;
	v3 =	vsel vm6, $0x1, v0  }
0x200: {  	vm8 =	vgt.f32 v1, $1.000000000e+01;
	v2 =	vadd.s32 v3, v2;
	v3 =	vsel vm7, $0x1, v0  }
0x201: {  	vm9 =	vgt.f32 v1, $2.000000000e+01;
	v2 =	vadd.s32 v3, v2;
	v3 =	vsel vm8, $0x1, v0  }
0x202: {  	vm10 =	vgt.f32 v1, $5.000000000e+01;
	v2 =	vadd.s32 v3, v2;
	v3 =	vsel vm9, $0x1, v0  }
0x203: {  	vm11 =	vgt.f32 v1, $1.000000000e+02;
	v2 =	vadd.s32 v3, v2;
	v3 =	vsel vm10, $0x1, v0  }
0x204: {  	vm12 =	vgt.f32 v1, $2.000000000e+02;
	v2 =	vadd.s32 v3, v2;
	v3 =	vsel vm11, $0x1, v0  }
0x205: {  	v62 =	vld [tilespmem:s0+$0x4C60];
	vm13 =	vgt.f32 v1, $5.000000000e+02;
	v2 =	vadd.s32 v3, v2;
	v3 =	vsel vm12, $0x1, v0  }
0x206: {  	vm14 =	vgt.f32 v1, $1.000000000e+03;
	v2 =	vadd.s32 v3, v2;
	v3 =	vsel vm13, $0x1, v0  }
0x207: {  	v1 =	vadd.s32 v3, v2;
	v2 =	vsel vm14, $0x1, v0  }
0x208: {  	v1 =	vadd.s32 v2, v1  }
0x209: {  	v1 =	vshll.u32 v1, $0x6  }
0x20a: {  	v1 =	vadd.s32 v62, v1  }
0x20b: {  	[tilespmem:$0x6460] =	vst v1  }
0x20c: {  	v1 =	vld [tilespmem:s0+$0x1A70];
	_ =	sdelay $0x4  }
0x20d: {  	vm15 =	vgt.f32 v1, $0.0e+00;
	vm4 =	vgt.f32 v1, $1.000000010e-01  }
0x20e: {  	vm5 =	vgt.f32 v1, $5.000000000e-01;
	v2 =	vsel vm15, $0x1, v0;
	v3 =	vsel vm4, $0x1, v0  }
0x20f: {  	vm6 =	vgt.f32 v1, $1.000000000e+00;
	v2 =	vadd.s32 v3, v2;
	v3 =	vsel vm5, $0x1, v0  }
0x210: {  	vm7 =	vgt.f32 v1, $2.000000000e+00;
	v2 =	vadd.s32 v3, v2;
	v3 =	vsel vm6, $0x1, v0  }
0x211: {  	vm8 =	vgt.f32 v1, $5.000000000e+00;
	v2 =	vadd.s32 v3, v2;
	v3 =	vsel vm7, $0x1, v0  }
0x212: {  	vm9 =	vgt.f32 v1, $1.000000000e+01;
	v2 =	vadd.s32 v3, v2;
	v3 =	vsel vm8, $0x1, v0  }
0x213: {  	vm10 =	vgt.f32 v1, $2.000000000e+01;
	v2 =	vadd.s32 v3, v2;
	v3 =	vsel vm9, $0x1, v0  }
0x214: {  	vm11 =	vgt.f32 v1, $5.000000000e+01;
	v2 =	vadd.s32 v3, v2;
	v3 =	vsel vm10, $0x1, v0  }
0x215: {  	vm12 =	vgt.f32 v1, $1.000000000e+02;
	v2 =	vadd.s32 v3, v2;
	v3 =	vsel vm11, $0x1, v0  }
0x216: {  	vm13 =	vgt.f32 v1, $2.000000000e+02;
	v2 =	vadd.s32 v3, v2;
	v3 =	vsel vm12, $0x1, v0  }
0x217: {  	v63 =	vld [tilespmem:s0+$0x4C70];
	vm14 =	vgt.f32 v1, $5.000000000e+02;
	v2 =	vadd.s32 v3, v2;
	v3 =	vsel vm13, $0x1, v0  }
0x218: {  	vm15 =	vgt.f32 v1, $1.000000000e+03;
	v2 =	vadd.s32 v3, v2;
	v3 =	vsel vm14, $0x1, v0  }
0x219: {  	v1 =	vadd.s32 v3, v2;
	v2 =	vsel vm15, $0x1, v0  }
0x21a: {  	v1 =	vadd.s32 v2, v1  }
0x21b: {  	v1 =	vshll.u32 v1, $0x6  }
0x21c: {  	v1 =	vadd.s32 v63, v1  }
0x21d: {  	[tilespmem:$0x6470] =	vst v1  }
0x21e: {  	[tilespmem:s22], [sflag:$0x1] =	stream.indirect.gather [hbm4b:s6+s18], $0x40, s21, s18, $0xb8;
	[tilespmem:$0x16500] =	vst v63  }
.LBB2_6:
0x21f: {  	_ =	swait.ge [sflag:s29], $0x4000  }
0x220: {  	[sflag:s29] =	ssyncset.done $0x0  }
0x221: {  	[sflag:s29] =	ssyncadd.s32 $0xFFFFC000  }
0x222: {  	_ =	swait.ge [sflag:s29], $0x2000  }
0x223: {  	[sflag:s29] =	ssyncset.done $0x0  }
0x224: {  	[sflag:s29] =	ssyncadd.s32 $0xFFFFE000  }
0x225: {  	_ =	swait.ge [sflag:s29], $0x2000  }
0x226: {  	[sflag:s29] =	ssyncset.done $0x0  }
0x227: {  	s0 =	simm.s32 $0xC530;
	[sflag:s29] =	ssyncadd.s32 $0xFFFFE000  }
0x228: {  	s16 =	simm.s32 $0x8530;
	v1 =	vld [tilespmem:s0+$0xFFFFFFD0]  }
0x229: {  	v2 =	vld [tilespmem:s16+$0xFFFFFFD0];
	_ =	sdelay $0x1  }
0x22a: {  	s15 =	simm.s32 $0x0  }
0x22b: {  	v3 =	vld [tilespmem:s15+$0x12500]  }
0x22c: {  	v4 =	vld [tilespmem:s15+$0x12540]  }
0x22d: {  	v2 =	vadd.bf16 v1, v2;
	_ =	sdelay $0x1  }
0x22e: {  	v5 =	vunpack.i.l.bf16.f32 v2  }
0x22f: {  	v6 =	vunpack.i.u.bf16.f32 v2;
	v3 =	vadd.f32 v3, v5  }
0x230: {  	v4 =	vadd.f32 v4, v6  }
0x231: {  	[tilespmem:s15+$0x12500] =	vst v3  }
0x232: {  	[tilespmem:s15+$0x12540] =	vst v4  }
0x233: {  	v3 =	vld [tilespmem:s16+$0xFFFFFFE0]  }
0x234: {  	v4 =	vld [tilespmem:s0+$0xFFFFFFE0];
	_ =	sdelay $0x2  }
0x235: {  	v5 =	vld [tilespmem:s15+$0x12510]  }
0x236: {  	v6 =	vld [tilespmem:s15+$0x12550]  }
0x237: {  	v3 =	vadd.bf16 v4, v3;
	_ =	sdelay $0x1  }
0x238: {  	v4 =	vunpack.i.l.bf16.f32 v3  }
0x239: {  	v3 =	vunpack.i.u.bf16.f32 v3;
	v4 =	vadd.f32 v5, v4  }
0x23a: {  	v3 =	vadd.f32 v6, v3  }
0x23b: {  	[tilespmem:s15+$0x12510] =	vst v4  }
0x23c: {  	[tilespmem:s15+$0x12550] =	vst v3  }
0x23d: {  	v3 =	vld [tilespmem:s16+$0xFFFFFFF0]  }
0x23e: {  	v4 =	vld [tilespmem:s0+$0xFFFFFFF0];
	_ =	sdelay $0x2  }
0x23f: {  	v5 =	vld [tilespmem:s15+$0x12520]  }
0x240: {  	v6 =	vld [tilespmem:s15+$0x12560]  }
0x241: {  	v3 =	vadd.bf16 v4, v3;
	_ =	sdelay $0x1  }
0x242: {  	v4 =	vunpack.i.l.bf16.f32 v3  }
0x243: {  	v3 =	vunpack.i.u.bf16.f32 v3;
	v4 =	vadd.f32 v5, v4  }
0x244: {  	v3 =	vadd.f32 v6, v3  }
0x245: {  	v1 =	vld [tilespmem:s15+$0x12530];
	[tilespmem:s15+$0x12520] =	vst v4  }
0x246: {  	v2 =	vld [tilespmem:s15+$0x12570];
	[tilespmem:s15+$0x12560] =	vst v3  }
0x247: {  	v3 =	vld [tilespmem:s16+$0x0]  }
0x248: {  	s8 =	simm.s32 $0x200;
	v4 =	vld [tilespmem:s0+$0x0]  }
.LBB2_7:
0x249: {  	_ =	sdelay $0x1  }
0x24a: {  	p0 =	sne.s32 s8, $0xFE00;
	s16 =	sadd.s32 $0x40, s16;
	s0 =	sadd.s32 $0x40, s0  }
0x24b: {  	s9 =	smov.u32 s8;
	s8 =	sadd.s32 $0x200, s8  }
0x24c: {  	v3 =	vadd.bf16 v4, v3;
	_ =	sdelay $0x1  }
0x24d: {  	v4 =	vunpack.i.u.bf16.f32 v3;
	v3 =	vunpack.i.l.bf16.f32 v3  }
0x24e: {  	v1 =	vadd.f32 v1, v3;
	v2 =	vadd.f32 v2, v4;
	_ =	sdelay $0x1  }
0x24f: {  	[tilespmem:s15+$0x12530] =	vst v1  }
0x250: {  	[tilespmem:s15+$0x12570] =	vst v2  }
0x251: {  	v2 =	vld [tilespmem:s0+$0xFFFFFFD0]  }
0x252: {  	v3 =	vld [tilespmem:s16+$0xFFFFFFD0]  }
0x253: {  	s15 =	sshra.s32 s9, $0x2  }
0x254: {  	v4 =	vld [tilespmem:s15+$0x12500]  }
0x255: {  	v5 =	vld [tilespmem:s15+$0x12540]  }
0x256: {  	v1 =	vld [tilespmem:s15+$0x12530]  }
0x257: {  	v3 =	vadd.bf16 v2, v3;
	v2 =	vld [tilespmem:s15+$0x12570];
	_ =	sdelay $0x1  }
0x258: {  	v6 =	vunpack.i.u.bf16.f32 v3;
	v3 =	vunpack.i.l.bf16.f32 v3  }
0x259: {  	v3 =	vadd.f32 v4, v3;
	v4 =	vadd.f32 v5, v6;
	_ =	sdelay $0x1  }
0x25a: {  	[tilespmem:s15+$0x12500] =	vst v3  }
0x25b: {  	[tilespmem:s15+$0x12540] =	vst v4  }
0x25c: {  	v3 =	vld [tilespmem:s16+$0xFFFFFFE0]  }
0x25d: {  	v4 =	vld [tilespmem:s0+$0xFFFFFFE0];
	_ =	sdelay $0x1  }
0x25e: {  	v5 =	vld [tilespmem:s15+$0x12550]  }
0x25f: {  	v6 =	vld [tilespmem:s15+$0x12510];
	_ =	sdelay $0x1  }
0x260: {  	v3 =	vadd.bf16 v4, v3;
	_ =	sdelay $0x1  }
0x261: {  	v4 =	vunpack.i.u.bf16.f32 v3;
	v3 =	vunpack.i.l.bf16.f32 v3  }
0x262: {  	v3 =	vadd.f32 v6, v3;
	v4 =	vadd.f32 v5, v4;
	_ =	sdelay $0x1  }
0x263: {  	[tilespmem:s15+$0x12510] =	vst v3  }
0x264: {  	[tilespmem:s15+$0x12550] =	vst v4  }
0x265: {  	v3 =	vld [tilespmem:s16+$0xFFFFFFF0]  }
0x266: {  	v4 =	vld [tilespmem:s0+$0xFFFFFFF0];
	_ =	sdelay $0x1  }
0x267: {  	v5 =	vld [tilespmem:s15+$0x12560]  }
0x268: {  	v6 =	vld [tilespmem:s15+$0x12520];
	_ =	sdelay $0x1  }
0x269: {  	v3 =	vadd.bf16 v4, v3;
	_ =	sdelay $0x1  }
0x26a: {  	v4 =	vunpack.i.u.bf16.f32 v3;
	v3 =	vunpack.i.l.bf16.f32 v3  }
0x26b: {  	v3 =	vadd.f32 v6, v3;
	v4 =	vadd.f32 v5, v4  }
.Ltmp2:
0x26c: {  	(pc) =	sbr.rel @p0 .LBB2_7-.Ltmp2, $4  }
0x26d: {  	[tilespmem:s15+$0x12520] =	vst v3  }
0x26e: {  	[tilespmem:s15+$0x12560] =	vst v4  }
0x26f: {  	v3 =	vld [tilespmem:s16+$0x0]  }
0x270: {  	v4 =	vld [tilespmem:s0+$0x0]  }
0x271: {  	_ =	sdelay $0x3  }
0x272: {  	v3 =	vadd.bf16 v4, v3  }
0x273: {  	s1 =	sadd.s32 $0x1, s1  }
0x274: {  	p0 =	sne.s32 s1, $0x19;
	v4 =	vunpack.i.l.bf16.f32 v3  }
.Ltmp3:
0x275: {  	v3 =	vunpack.i.u.bf16.f32 v3;
	v1 =	vadd.f32 v1, v4;
	(pc) =	sbr.rel @p0 .LBB2_2-.Ltmp3, $4  }
0x276: {  	v2 =	vadd.f32 v2, v3  }
0x277: {  	[tilespmem:s15+$0x12530] =	vst v1  }
0x278: {  	s0 =	sadd.s32 s14, s12;
	[tilespmem:s15+$0x12570] =	vst v2  }
0x279: {  	[hbm4b:s0+s5] =	stream.linear.scatter [tilespmem:s23], [sflag:$0x4], $0x4000, $0x38;
	[tilespmem:$0x16500] =	vst v63  }
0x27a: {  	s31 =	sadd.s32 $0x1, s31  }
0x27b: {  	_ =	swait.ge [sflag:s17], $0x4000;
	p0 =	sne.s32 s31, s13  }
.Ltmp4:
0x27c: {  	[sflag:s17] =	ssyncset.done $0x0;
	(pc) =	sbr.rel @p0 .LBB2_1-.Ltmp4, $4  }
0x27d: {  	[sflag:s17] =	ssyncadd.s32 $0xFFFFC000  }
0x27e: {  	_ =	swait.ge [sflag:s30], $0x4000  }
0x27f: {  	[sflag:s30] =	ssyncset.done $0x0  }
0x280: {  	[sflag:s30] =	ssyncadd.s32 $0xFFFFC000  }
0x281: {  	_ =	sfence.sel $0x180000  }
0x282: {  	[bflag:$0x0] =	sbarrier.arrive $0xFFFF  }
0x283: {  	_ =	strace $0x90000047  }
0x284: {  	s0 =	stileid.u32;
	[bflag:$0x2] =	sbarrier.arrive $0xFFFF  }
0x285: {  	p0 =	sne.s32 s0, $0x0;
	s0 =	rddreg [dreg:$0x3]  }
0x286: {  	s0 =	sadd.s32 @!p0 $0x100000, s0  }
0x287: {  	[sflag:s0] =	ssyncadd.tile.s32 @!p0 $0x1;
	_ =	shalt  }
.Lfunc_end2:
_tile_overlayer_lowered:
.L_overlay_start_2:
0x288: {  	(tag) =	ssettag $0x2  }
0x289: {  	s0 =	rddreg [dreg:$0x0];
	s2 =	stileid.u32  }
0x28a: {  	s1 =	rddreg [dreg:$0x1];
	p0 =	sne.s32 s2, $0x0  }
0x28b: {  	s3 =	rddreg [dreg:$0x2];
	[bflag:$0x3] =	sbarrier.arrive $0xFFFF;
	s2 =	simm.s32 @!p0 $0x1C05  }
0x28c: {  	[timem:s3], [sflag:s2] =	dma.local @!p0 [hbm:s0], s1  }
0x28d: {  	s0 =	simm.s32 @!p0 $0x5  }
0x28e: {  	_ =	swait.ge @!p0 [sflag:s0], s1  }
0x28f: {  	s1 =	ssub.s32 @!p0 $0x0, s1;
	[sflag:s0] =	ssyncset.done @!p0 $0x0  }
0x290: {  	[sflag:s0] =	ssyncadd.s32 @!p0 s1  }
0x291: {  	[bflag:$0x3] =	sbarrier.arrive $0xFFFF  }
0x292: {  	_ =	shalt  }

// kernel: sparse-core-data-format-call.cloned.1.call-start
scs
called_computation_lowered:
.L_overlay_start_0:
0x0: {  	s2 =	sld [smem:$0x3FD9]  }
0x1: {  	s3 =	sld [smem:$0x3FFE];
	_ =	sdelay $0x1  }
0x2: {  	s1 =	srdreg.scid  }
0x3: {  	s0 =	sand.u32 $0x1, s1  }
0x4: {  	s18 =	sshll.u32 s0, $0xA;
	s2 =	sadd.s32 s3, s2  }
0x5: {  	s2 =	sadd.s32 s2, s18  }
0x6: {  	[smem:$0x3FC0] =	sst s2  }
0x7: {  	_ = 	snop  }
0x8: {  	s2 =	sld [smem:$0x3FD0];
	(tm) =	ssettm $0x1  }
0x9: {  	s19 =	sld [smem:$0x3FFB];
	_ =	sdelay $0x3  }
0xa: {  	_ =	strace s19  }
0xb: {  	s3 =	sld [smem:$0x3FFC];
	_ =	sdelay $0x3  }
0xc: {  	_ =	strace s3  }
0xd: {  	s3 =	sld [smem:$0x3FFD];
	_ =	sdelay $0x3  }
0xe: {  	_ =	strace s3  }
0xf: {  	_ =	strace $0x8FFFFFFF  }
0x10: {  	s20 =	sld [smem:$0x3FDB];
	_ =	sdelay $0x1  }
0x11: {  	s4 =	simm.s32 $_scs_section_size  }
0x12: {  	s5 =	simm.s32 $_size__tile_overlayer_lowered;
	s6 =	simm.s32 $_tile_overlayer_lowered  }
0x13: {  	s23 =	simm.s32 $0x1BFF;
	s22 =	sshll.u32 s6, $0x1;
	s3 =	sadd.s32 s4, s20  }
0x14: {  	s7 =	simm.s32 $0x0;
	s21 =	sshll.u32 s5, $0x1;
	s5 =	sadd.s32 s22, s3  }
0x15: {  	[timem:s7], [sflag:s23] =	dma.local [hbm:s5], s21  }
0x16: {  	_ =	swait.ge [sflag:s23], s21  }
0x17: {  	s4 =	ssub.s32 $0x0, s21;
	[sflag:s23] =	ssyncset.done $0x0  }
0x18: {  	[sflag:s23] =	ssyncadd.s32 s4;
	_ =	sdelay $0x1  }
0x19: {  	s24 =	simm.s32 $0x1B8B  }
0x1a: {  	_ =	swait.ge [sflag:s24], $0x1  }
0x1b: {  	[sflag:s24] =	ssyncset.done $0x0  }
0x1c: {  	s26 =	simm.s32 $0x1B8E;
	s25 =	sld [smem:$0x3FFE];
	[sflag:s24] =	ssyncadd.s32 $0xFFFFFFFF  }
0x1d: {  	s27 =	simm.s32 $execute0_lowered;
	[smem:$0x3FD2] =	sst s26  }
0x1e: {  	s5 =	sshll.u32 s27, $0x1;
	_ =	strace $0x80000049;
	[dreg:$0x1] =	wrdreg $0xFFFFFFFF  }
0x1f: {  	s28 =	simm.s32 $_size_execute0_lowered;
	s3 =	sadd.s32 s3, s5;
	[dreg:$0x0] =	wrdreg $0x0  }
0x20: {  	s5 =	sshll.u32 s28, $0x1;
	[dreg:$0x2] =	wrdreg s3  }
0x21: {  	[dreg:$0x3] =	wrdreg s5  }
0x22: {  	[dreg:$0x4] =	wrdreg $0xC0  }
0x23: {  	_ =	task [dreg:s7], $0x5FFFF  }
0x24: {  	[dreg:$0x1] =	wrdreg $0xFFFFFFFF  }
0x25: {  	[dreg:$0x0] =	wrdreg $0x60  }
0x26: {  	[dreg:$0x2] =	wrdreg s25  }
0x27: {  	[dreg:$0x3] =	wrdreg s2  }
0x28: {  	[dreg:$0x4] =	wrdreg $0x9  }
0x29: {  	_ =	task.clear_ibuf [dreg:s7], $0x5FFFF;
	_ =	strace $0x90000049  }
0x2a: {  	s29 =	simm.s32 $0x9;
	_ =	strace $0x8000004B  }
0x2b: {  	_ =	swait.ge [sflag:s29], $0x1  }
0x2c: {  	[sflag:s29] =	ssyncadd.s32 $0xFFFFFFFF  }
0x2d: {  	_ =	strace $0x9000004B  }
0x2e: {  	_ =	sfence  }
0x2f: {  	s30 =	sld [smem:$0x0];
	_ =	sdelay $0x2  }
0x30: {  	s31 =	sshll.u32 s1, $0xD;
	s1 =	sshrl.u32 s1, $0x2  }
0x31: {  	s3 =	sand.u32 $0x4000, s31;
	s1 =	sadd.s32 s1, s30  }
0x32: {  	s0 =	sor.u32 s3, s0;
	s1 =	sshll.u32 s1, $0x11  }
0x33: {  	s0 =	sor.u32 s1, s0  }
0x34: {  	s0 =	sadd.s32 $0x8F2B, s0  }
0x35: {  	[sflag:s0] =	ssyncadd.remote.s32 $0x1  }
0x36: {  	_ =	sfence.sel $0xFFFF  }
0x37: {  	[dreg:$0x0] =	wrdreg $0xFFFFFFFF;
	(pc) =	sbr.abs _section_cstart, $3  }
0x38: {  	[dreg:$0x1] =	wrdreg $0xFFFFFFFF  }
0x39: {  	_ =	task.clear_ibuf [dreg:s7], $0x2FFFF;
	_ =	strace $0x9FFFFFFF  }
0x3a: {  	(tm) =	ssettm $0x7FFFFFFF  }
0x3b: {  	_ =	shalt  }
tec
execute0_lowered:
.L_overlay_start_1:
0x0: {  	(tag) =	ssettag $0x1  }
0x1: {  	s0 =	srdreg.scid  }
0x2: {  	s1 =	sshll.u32 s0, $0x4  }
0x3: {  	s0 =	stileid.u32;
	s1 =	sand.u32 $0x10, s1  }
0x4: {  	s1 =	sor.u32 s0, s1  }
0x5: {  	s6 =	rddreg [dreg:$0x0];
	s4 =	simm.s32 $0x1;
	s2 =	sshll.u32 s1, $0x6  }
0x6: {  	s7 =	simm.s32 $0x2;
	s13 =	simm.s32 $0x0;
	s1 =	ssub.s32 $0x1000, s2  }
0x7: {  	s8 =	simm.s32 $0x2000;
	s9 =	simm.s32 $0x80000;
	s3 =	sand.u32 $0x7C0, s1  }
0x8: {  	s14 =	simm.s32 $0x0;
	s5 =	sshrl.u32 s1, $0xB;
	p0 =	sne.s32 s3, $0x0  }
.Ltmp0:
0x9: {  	s1 =	rddreg [dreg:$0x2];
	s4 =	simm.s32 @!p0 $0x0;
	(pc) =	sbr.rel .LBB1_1-.Ltmp0, $4  }
0xa: {  	s10 =	simm.s32 $0x0;
	s3 =	rddreg [dreg:$0x1];
	s5 =	sadd.s32 s4, s5  }
0xb: {  	_ =	strace $0x8000004A;
	s4 =	simm.s32 $0x1;
	s5 =	smul.u32 $0x19, s5  }
0xc: {  	s12 =	simm.s32 $0x0;
	s6 =	sadd.s32 $0x600, s6;
	[sflag:s4] =	ssyncpa.u1 $0x0  }
0xd: {  	s11 =	smov.u32 s2;
	[sflag:s7] =	ssyncpa.u1 $0x0;
	s7 =	sadd.s32 $0x1, s5  }
.LBB1_7:
0xe: {  	s15 =	sadd.s32 $0x2, s10  }
0xf: {  	s13 =	sadd.s32 $0x800, s11;
	s17 =	smov.u32 s11;
	p1 =	sgt.s32 s15, $0x31  }
0x10: {  	s17 =	smov.u32 @p1 s13  }
0x11: {  	s15 =	simm.s32 @p1 $0x0;
	p1 =	sgt.s32 s17, $0xFFF  }
0x12: {  	s17 =	smov.u32 @p1 s2;
	p1 =	sne.s32 s12, s7  }
.Ltmp1:
0x13: {  	p0 =	slt.u32 s12, $0x2;
	(pc) =	sbr.rel @!p1 .LBB1_8-.Ltmp1, $4  }
0x14: {  	s16 =	simm.s32 @!p0 $0x2  }
0x15: {  	s14 =	smov.u32 s11;
	_ =	swait.ge @!p0 [sflag:s16], $0x4000  }
0x16: {  	s13 =	smov.u32 s10;
	[sflag:s16] =	ssyncset.done @!p0 $0x0;
	s10 =	smov.u32 s15  }
0x17: {  	s12 =	sadd.s32 $0x1, s12;
	[sflag:s16] =	ssyncadd.s32 @!p0 $0xFFFFC000;
	s11 =	smov.u32 s17  }
.LBB1_1:
0x18: {  	p0 =	sge.u32 s12, s5  }
0x19: {  	s15 =	sand.u32 @!p0 $0x1FFFFFF, s10  }
0x1a: {  	s16 =	smulhi.u32 @!p0 $0x4924925, s15;
	_ =	sdelay $0x1  }
0x1b: {  	s16 =	smul.u32 @!p0 $0x38, s16  }
0x1c: {  	s17 =	sxor.u32 @!p0 $0xFFFFFFFF, s12;
	s18 =	smul.u32 @!p0 $0x380, s11  }
0x1d: {  	s31 =	sadd.s32 $0xFFFFFFFF, s12;
	s17 =	sshll.u32 @!p0 s17, $0xE;
	s15 =	ssub.s32 @!p0 s15, s16  }
0x1e: {  	s16 =	sand.u32 @!p0 $0x4000, s17;
	s17 =	sadd.s32 @!p0 s6, s18;
	s15 =	sshll.u32 @!p0 s15, $0x4  }
0x1f: {  	s18 =	simm.s32 @!p0 $0x1C00;
	s15 =	sadd.s32 @!p0 s15, s17;
	s17 =	simm.s32 @!p0 $0x100  }
0x20: {  	[tilespmem:s16], [sflag:$0x1] =	stream.strided.gather @!p0 [hbm4b:s15+s17], $0x4000, s18, s17, $0x38;
	[tilespmem:$0x10000] =	vst v63  }
0x21: {  	p0 =	sge.u32 s31, s5  }
.Ltmp2:
0x22: {  	_ = 	snop;
	(pc) =	sbr.rel @p0 .LBB1_7-.Ltmp2, $1  }
0x23: {  	_ =	sdelay $0x3  }
0x24: {  	_ =	swait.ge [sflag:s4], $0x4000;
	s15 =	sshll.u32 s12, $0xE  }
0x25: {  	[sflag:s4] =	ssyncset.done $0x0;
	s16 =	sand.u32 $0x4000, s15  }
0x26: {  	s17 =	simm.s32 $0x0;
	[sflag:s4] =	ssyncadd.s32 $0xFFFFC000;
	s15 =	sor.u32 $0x8000, s16  }
.LBB1_3:
0x27: {  	s18 =	sshll.u32 s17, $0x8  }
0x28: {  	s18 =	sand.u32 $0x3FFFFF00, s18  }
0x29: {  	s19 =	sshll.u32 s17, $0x7;
	s18 =	sadd.s32 s18, s16  }
0x2a: {  	s19 =	sand.u32 $0x3FFFFF80, s19;
	v0 =	vmov s18  }
0x2b: {  	s19 =	sadd.s32 s19, s15  }
0x2c: {  	p0 =	por $0x1, $0x1;
	v1 =	vmov s19;
	s18 =	simm.s32 $0x0  }
.LBB1_4:
0x2d: {  	s19 =	sshll.u32 s18, $0x7  }
0x2e: {  	s19 =	sand.u32 $0x3FFFFF80, s19  }
0x2f: {  	v2 =	vld.idx.msk [tilespmem:v0+s19+$0x0 ss:$0x1], $0xffff  }
0x30: {  	v3 =	vld.idx.msk [tilespmem:v0+s19+$0x10 ss:$0x1], $0xffff  }
0x31: {  	v4 =	vld.idx.msk [tilespmem:v0+s19+$0x20 ss:$0x1], $0xffff  }
0x32: {  	s31 =	sshll.u32 s18, $0xD;
	v5 =	vld.idx.msk [tilespmem:v0+s19+$0x30 ss:$0x1], $0xffff  }
0x33: {  	s18 =	sand.u32 $0x3FFFE000, s31;
	v6 =	vld.idx.msk [tilespmem:v0+s19+$0x40 ss:$0x1], $0xffff  }
0x34: {  	v63 =	vld.idx.msk [tilespmem:v0+s19+$0x70 ss:$0x1], $0xffff;
	[tilespmem:v1+s18+$0x0 ss:$0x1] =	vst.idx.msk $0xffff, v2  }
0x35: {  	v2 =	vld.idx.msk [tilespmem:v0+s19+$0x50 ss:$0x1], $0xffff;
	[tilespmem:v1+s18+$0x10 ss:$0x1] =	vst.idx.msk $0xffff, v3  }
0x36: {  	p1 =	por p0, p0;
	v3 =	vld.idx.msk [tilespmem:v0+s19+$0x60 ss:$0x1], $0xffff;
	[tilespmem:v1+s18+$0x20 ss:$0x1] =	vst.idx.msk $0xffff, v4  }
.Ltmp3:
0x37: {  	[tilespmem:v1+s18+$0x30 ss:$0x1] =	vst.idx.msk $0xffff, v5;
	(pc) =	sbr.rel @p1 .LBB1_4-.Ltmp3, $4  }
0x38: {  	[tilespmem:v1+s18+$0x40 ss:$0x1] =	vst.idx.msk $0xffff, v6  }
0x39: {  	[tilespmem:v1+s18+$0x70 ss:$0x1] =	vst.idx.msk $0xffff, v63  }
0x3a: {  	[tilespmem:v1+s18+$0x50 ss:$0x1] =	vst.idx.msk $0xffff, v2  }
0x3b: {  	p0 =	por $0x0, $0x0;
	[tilespmem:v1+s18+$0x60 ss:$0x1] =	vst.idx.msk $0xffff, v3;
	s18 =	simm.s32 $0x1  }
0x3c: {  	s17 =	sadd.s32 $0x1, s17  }
0x3d: {  	p0 =	sne.s32 s17, $0x40  }
.Ltmp4:
0x3e: {  	_ = 	snop;
	(pc) =	sbr.rel @p0 .LBB1_3-.Ltmp4, $1  }
0x3f: {  	_ =	sdelay $0x3  }
.Ltmp5:
0x40: {  	s14 =	sshll.u32 s14, $0x4;
	(pc) =	sbr.rel .LBB1_7-.Ltmp5, $4  }
0x41: {  	s14 =	sand.u32 $0xFFF0, s14  }
0x42: {  	s13 =	sshll.u32 s13, $0x10;
	s14 =	sadd.s32 s3, s14  }
0x43: {  	s13 =	sadd.s32 s13, s14  }
0x44: {  	[hbm4b:s13+s8] =	stream.strided.scatter [tilespmem:s15], [sflag:$0x2], $0x4000, s9, s8, $0x38;
	[tilespmem:$0x10000] =	vst v63  }
.LBB1_8:
0x45: {  	_ =	sfence.sel $0x180000  }
0x46: {  	s2 =	simm.s32 $0x1;
	[bflag:$0x0] =	sbarrier.arrive $0xFFFF  }
0x47: {  	s31 =	simm.s32 $0x2;
	[sflag:s2] =	ssyncpa.u1 $0x1  }
0x48: {  	[sflag:s31] =	ssyncpa.u1 $0x1  }
0x49: {  	p0 =	sne.s32 s0, $0x0;
	_ =	strace $0x9000004A  }
0x4a: {  	s0 =	sadd.s32 @!p0 $0x100000, s1;
	[bflag:$0x2] =	sbarrier.arrive $0xFFFF  }
0x4b: {  	[sflag:s0] =	ssyncadd.tile.s32 @!p0 $0x1;
	_ =	shalt  }
.Lfunc_end1:
_tile_overlayer_lowered:
.L_overlay_start_2:
0x4c: {  	(tag) =	ssettag $0x2  }
0x4d: {  	s0 =	rddreg [dreg:$0x0];
	s2 =	stileid.u32  }
0x4e: {  	s1 =	rddreg [dreg:$0x1];
	p0 =	sne.s32 s2, $0x0  }
0x4f: {  	s3 =	rddreg [dreg:$0x2];
	[bflag:$0x3] =	sbarrier.arrive $0xFFFF;
	s2 =	simm.s32 @!p0 $0x1C01  }
0x50: {  	[timem:s3], [sflag:s2] =	dma.local @!p0 [hbm:s0], s1  }
0x51: {  	s0 =	simm.s32 @!p0 $0x1  }
0x52: {  	_ =	swait.ge @!p0 [sflag:s0], s1  }
0x53: {  	s1 =	ssub.s32 @!p0 $0x0, s1;
	[sflag:s0] =	ssyncset.done @!p0 $0x0  }
0x54: {  	[sflag:s0] =	ssyncadd.s32 @!p0 s1  }
0x55: {  	[bflag:$0x3] =	sbarrier.arrive $0xFFFF  }
0x56: {  	_ =	shalt  }

</sc_bundles>
